<compile_context>
chip_gen: v7x
topology: tpu7x:2x2x1
jax: 0.10.2.dev20260603
libtpu: 0.0.44.dev20260713+nightly
codegen_flags: <defaults>
</compile_context>

<pallas_src>
import jax
import jax.numpy as jnp
from jax import lax
from jax.experimental import pallas as pl
from jax.experimental.pallas import tpu as pltpu
from jax.experimental.pallas import tpu_sc as plsc

B = 4
H = 128
W = 128
C = 192
HS = 96
NC = 2
NS = 16
NW = NC * NS
L = 16
SC_ROWS = H - HS
ROWS_PER_W = (B * SC_ROWS) // NW
RPC = 2
CHUNKS = ROWS_PER_W // RPC
UNROLL = 16


def _sc_kernel(sim_hbm, out_hbm, buf0, buf1, outb, sem0, sem1):
    cid = lax.axis_index("c")
    sid = lax.axis_index("s")
    wid = sid * NC + cid
    img = wid // (NW // B)
    row0 = HS + (wid % (NW // B)) * ROWS_PER_W

    def src(k):
        return sim_hbm.at[img, :, pl.ds(row0 + k * RPC, RPC), :]

    def compute(buf, k):
        for r in range(RPC):
            def group_body(j, _, r=r):
                base = j * (2 * L)
                neg = jnp.full((L,), -jnp.inf, jnp.float32)

                def step(i, carry):
                    a1, a2, b1, b2 = carry
                    for u in range(UNROLL):
                        c = i * UNROLL + u
                        va = buf[c, r, pl.ds(base, L)]
                        vb = buf[c, r, pl.ds(base + L, L)]
                        na1 = jnp.maximum(a1, va)
                        a2 = jnp.maximum(a2, jnp.minimum(a1, va))
                        a1 = na1
                        nb1 = jnp.maximum(b1, vb)
                        b2 = jnp.maximum(b2, jnp.minimum(b1, vb))
                        b1 = nb1
                    return a1, a2, b1, b2

                a1, a2, b1, b2 = lax.fori_loop(
                    0, C // UNROLL, step, (neg, neg, neg, neg))
                row = k * RPC + r
                outb[row, pl.ds(base, L)] = jnp.exp(1.0 - jnp.exp(a1 - a2))
                outb[row, pl.ds(base + L, L)] = jnp.exp(1.0 - jnp.exp(b1 - b2))
                return 0

            lax.fori_loop(0, W // (2 * L), group_body, 0)

    bufs = (buf0, buf1)
    sems = (sem0, sem1)
    for k in range(min(2, CHUNKS)):
        pltpu.async_copy(src(k), bufs[k], sems[k])
    for k in range(CHUNKS):
        bb = k % 2
        pltpu.make_async_copy(src(k), bufs[bb], sems[bb]).wait()
        compute(bufs[bb], k)
        if k + 2 < CHUNKS:
            pltpu.async_copy(src(k + 2), bufs[bb], sems[bb])
    pltpu.sync_copy(outb, out_hbm.at[img, pl.ds(row0 - HS, ROWS_PER_W), :])


TC_ROWS = 16
TC_UNROLL = 8
TC_CHAINS = 2
TC_NBUF = 4
TC_BLOCKS = [(i, j) for i in range(B) for j in range(HS // TC_ROWS)]


def _tc_kernel(sim_hbm, out_hbm, b0, b1, b2, b3, outv, s0, s1, s2, s3, osem):
    bufs = (b0, b1, b2, b3)
    sems = (s0, s1, s2, s3)

    def src(t):
        img, band = TC_BLOCKS[t]
        return sim_hbm.at[img, :, pl.ds(band * TC_ROWS, TC_ROWS), :]

    def compute(buf, img, band):
        neg = jnp.full((TC_ROWS, W), -jnp.inf, jnp.float32)

        def step(i, carry):
            ms = list(carry)
            for u in range(TC_UNROLL):
                c = i * TC_UNROLL + u
                ch = u % TC_CHAINS
                m1, m2 = ms[2 * ch], ms[2 * ch + 1]
                v = buf[c]
                nm1 = jnp.maximum(m1, v)
                m2 = jnp.maximum(m2, jnp.minimum(m1, v))
                ms[2 * ch], ms[2 * ch + 1] = nm1, m2
            return tuple(ms)

        ms = lax.fori_loop(0, C // TC_UNROLL, step, (neg,) * (2 * TC_CHAINS))
        m1, m2 = ms[0], ms[1]
        for ch in range(1, TC_CHAINS):
            c1, c2 = ms[2 * ch], ms[2 * ch + 1]
            nm1 = jnp.maximum(m1, c1)
            m2 = jnp.maximum(jnp.minimum(m1, c1), jnp.maximum(m2, c2))
            m1 = nm1
        outv[img, pl.ds(band * TC_ROWS, TC_ROWS), :] = (
            jnp.exp(1.0 - jnp.exp(m1 - m2)))

    for t in range(TC_NBUF):
        pltpu.make_async_copy(src(t), bufs[t], sems[t]).start()
    for t, (img, band) in enumerate(TC_BLOCKS):
        bb = t % TC_NBUF
        pltpu.make_async_copy(src(t), bufs[bb], sems[bb]).wait()
        compute(bufs[bb], img, band)
        nxt = t + TC_NBUF
        if nxt < len(TC_BLOCKS):
            pltpu.make_async_copy(src(nxt), bufs[bb], sems[bb]).start()
    cp = pltpu.make_async_copy(outv, out_hbm, osem)
    cp.start()
    cp.wait()


@jax.jit
def _run(sim_mat):
    mesh = plsc.VectorSubcoreMesh(core_axis_name="c", subcore_axis_name="s")
    sc_fn = pl.kernel(
        _sc_kernel,
        out_type=jax.ShapeDtypeStruct((B, SC_ROWS, W), jnp.float32),
        mesh=mesh,
        scratch_types=[
            pltpu.VMEM((C, RPC, W), jnp.float32),
            pltpu.VMEM((C, RPC, W), jnp.float32),
            pltpu.VMEM((ROWS_PER_W, W), jnp.float32),
            pltpu.SemaphoreType.DMA,
            pltpu.SemaphoreType.DMA,
        ],
    )
    sc_out = sc_fn(sim_mat)

    tc_fn = pl.pallas_call(
        _tc_kernel,
        in_specs=[pl.BlockSpec(memory_space=pl.ANY)],
        out_specs=pl.BlockSpec(memory_space=pl.ANY),
        out_shape=jax.ShapeDtypeStruct((B, HS, W), jnp.float32),
        scratch_shapes=(
            [pltpu.VMEM((C, TC_ROWS, W), jnp.float32)] * TC_NBUF
            + [pltpu.VMEM((B, HS, W), jnp.float32)]
            + [pltpu.SemaphoreType.DMA] * (TC_NBUF + 1)
        ),
    )
    tc_out = tc_fn(sim_mat)

    return jnp.concatenate([tc_out, sc_out], axis=1)


def kernel(sim_mat, x):
    del x
    return (_run(sim_mat),)

# --- scband reference (transcript-rebuilt; emitter-appended) ---
"""Pipeline reference for scband-local-refinement-module-1236950581867 (READ-ONLY COPY).

The authoritative reference and input builder live on the scoring server;
editing this copy changes nothing except your own understanding.
"""

import jax, jax.numpy as jnp
import numpy as np


def setup_inputs(seed: int = 0) -> dict:
    key = jax.random.key(seed)
    k1, k2 = jax.random.split(key)
    sim_mat = jax.random.normal(k1, (4, 192, 128, 128), dtype=jnp.float32)
    x = jax.random.normal(k2, (4, 256, 128, 128), dtype=jnp.float32)
    return {"sim_mat": sim_mat, "x": x}


def reference(sim_mat, x):
    # Faithful translation of LocalRefinementModule.forward:
    # pred_uncertainty = calc_pred_uncertainty(sim_mat); return (pred_uncertainty,)
    # softmax over channel dim (dim=1), then top-2 over channel dim.
    sm = jax.nn.softmax(sim_mat, axis=1)
    sm_t = jnp.moveaxis(sm, 1, -1)  # [b, h, w, c] so top_k works on last axis
    vals, _ = jax.lax.top_k(sm_t, 2)  # [b, h, w, 2]
    ratio = vals[..., 0] / (vals[..., 1] + 1e-08)
    pred_uncertainty = jnp.exp(1.0 - ratio)  # [b, h, w]
    return (pred_uncertainty,)

if __name__ == "__main__":
    import jax
    _d = setup_inputs()
    print(jax.jit(kernel)(*tuple(_d.values())))

</pallas_src>

<mosaic_0001>
#map = affine_map<(d0, d1) -> (0, 0, 0, 0)>
#map1 = affine_map<(d0, d1) -> (0, 0, 0)>
module attributes {stable_mosaic.version = 14 : i64} {
  func.func @_sc_kernel(%arg0: i32, %arg1: i32, %arg2: memref<4x192x128x128xf32, #tpu.memory_space<hbm>>, %arg3: memref<4x32x128xf32, #tpu.memory_space<hbm>>, %arg4: memref<192x2x128xf32, #tpu.memory_space<vmem>>, %arg5: memref<192x2x128xf32, #tpu.memory_space<vmem>>, %arg6: memref<4x128xf32, #tpu.memory_space<vmem>>, %arg7: memref<!tpu.dma_semaphore, #tpu.memory_space<semaphore_mem>>, %arg8: memref<!tpu.dma_semaphore, #tpu.memory_space<semaphore_mem>>) attributes {dimension_semantics = [#tpu.dimension_semantics<core_parallel>, #tpu.dimension_semantics<subcore_parallel>], iteration_bounds = array<i64: 2, 16>, scalar_prefetch = 0 : i64, scratch_operands = 5 : i64, tpu.core_type = #tpu.core_type<sc_vector_subcore>, window_params = [{transform_indices = #map}, {transform_indices = #map1}]} {
    %mul3A = arith.constant 2 : i32
    %mul3A_0 = arith.muli %arg1, %mul3A : i32
    %add3A = arith.addi %mul3A_0, %arg0 : i32
    %jit3A = arith.constant 8 : i32
    %div3A = arith.divsi %add3A, %jit3A : i32
    %sign3A = arith.constant 0 : i32
    %sign3A_1 = arith.cmpi sgt, %add3A, %sign3A : i32
    %sign3A_2 = arith.extui %sign3A_1 : i1 to i32
    %sign3A_3 = arith.constant 0 : i32
    %sign3A_4 = arith.cmpi slt, %add3A, %sign3A_3 : i32
    %sign3A_5 = arith.extui %sign3A_4 : i1 to i32
    %sign3A_6 = arith.subi %sign3A_2, %sign3A_5 : i32
    %sign3A_7 = arith.constant 0 : i32
    %sign3A_8 = arith.cmpi sgt, %jit3A, %sign3A_7 : i32
    %sign3A_9 = arith.extui %sign3A_8 : i1 to i32
    %sign3A_10 = arith.constant 0 : i32
    %sign3A_11 = arith.cmpi slt, %jit3A, %sign3A_10 : i32
    %sign3A_12 = arith.extui %sign3A_11 : i1 to i32
    %sign3A_13 = arith.subi %sign3A_9, %sign3A_12 : i32
    %ne3A = arith.cmpi ne, %sign3A_6, %sign3A_13 : i32
    %rem3A = arith.remsi %add3A, %jit3A : i32
    %ne3A_14 = arith.constant 0 : i32
    %ne3A_15 = arith.cmpi ne, %rem3A, %ne3A_14 : i32
    %and3A = arith.andi %ne3A, %ne3A_15 : i1
    %sub3A = arith.constant 1 : i32
    %sub3A_16 = arith.subi %div3A, %sub3A : i32
    %select_n3A = arith.select %and3A, %sub3A_16, %div3A : i32
    %jit3A_17 = arith.constant 8 : i32
    %eq3A = arith.constant 0 : i32
    %eq3A_18 = arith.cmpi eq, %jit3A_17, %eq3A : i32
    %jit3A_19 = arith.constant 1 : i32
    %select_n3A_20 = arith.select %eq3A_18, %jit3A_19, %jit3A_17 : i32
    %rem3A_21 = arith.remsi %add3A, %select_n3A_20 : i32
    %ne3A_22 = arith.constant 0 : i32
    %ne3A_23 = arith.cmpi ne, %rem3A_21, %ne3A_22 : i32
    %lt3A = arith.constant 0 : i32
    %lt3A_24 = arith.cmpi slt, %rem3A_21, %lt3A : i32
    %lt3A_25 = arith.constant 0 : i32
    %lt3A_26 = arith.cmpi slt, %select_n3A_20, %lt3A_25 : i32
    %ne3A_27 = arith.xori %lt3A_24, %lt3A_26 : i1
    %and3A_28 = arith.andi %ne3A_27, %ne3A_23 : i1
    %add3A_29 = arith.addi %rem3A_21, %select_n3A_20 : i32
    %select_n3A_30 = arith.select %and3A_28, %add3A_29, %rem3A_21 : i32
    %mul3A_31 = arith.constant 4 : i32
    %mul3A_32 = arith.muli %select_n3A_30, %mul3A_31 : i32
    %add3A_33 = arith.constant 96 : i32
    %add3A_34 = arith.addi %add3A_33, %mul3A_32 : i32
    %add3A_35 = arith.constant 0 : i32
    %add3A_36 = arith.addi %add3A_34, %add3A_35 : i32
    %dma_start3A = arith.constant 0 : i32
    %dma_start3A_37 = arith.constant 0 : i32
    %dma_start3A_38 = tpu.memref_slice %arg2[%select_n3A, %dma_start3A, %add3A_36, %dma_start3A_37] : memref<4x192x128x128xf32, #tpu.memory_space<hbm>> -> memref<1x192x2x128xf32, #tpu.memory_space<hbm>>
    %dma_start3A_39 = tpu.memref_squeeze %dma_start3A_38 : memref<1x192x2x128xf32, #tpu.memory_space<hbm>> -> memref<192x2x128xf32, #tpu.memory_space<hbm>>
    %dma_start3A_40 = arith.constant 0 : i32
    %dma_start3A_41 = arith.constant 0 : i32
    %dma_start3A_42 = tpu.memref_slice %arg2[%select_n3A, %dma_start3A_40, %add3A_36, %dma_start3A_41] : memref<4x192x128x128xf32, #tpu.memory_space<hbm>> -> memref<1x192x2x128xf32, #tpu.memory_space<hbm>>
    %dma_start3A_43 = tpu.memref_squeeze %dma_start3A_42 : memref<1x192x2x128xf32, #tpu.memory_space<hbm>> -> memref<192x2x128xf32, #tpu.memory_space<hbm>>
    tpu.enqueue_dma source(%dma_start3A_43 : memref<192x2x128xf32, #tpu.memory_space<hbm>>) target(%arg4 : memref<192x2x128xf32, #tpu.memory_space<vmem>>) target_semaphore(%arg7 : memref<!tpu.dma_semaphore, #tpu.memory_space<semaphore_mem>>)
    %add3A_44 = arith.constant 2 : i32
    %add3A_45 = arith.addi %add3A_34, %add3A_44 : i32
    %dma_start3A_46 = arith.constant 0 : i32
    %dma_start3A_47 = arith.constant 0 : i32
    %dma_start3A_48 = tpu.memref_slice %arg2[%select_n3A, %dma_start3A_46, %add3A_45, %dma_start3A_47] : memref<4x192x128x128xf32, #tpu.memory_space<hbm>> -> memref<1x192x2x128xf32, #tpu.memory_space<hbm>>
    %dma_start3A_49 = tpu.memref_squeeze %dma_start3A_48 : memref<1x192x2x128xf32, #tpu.memory_space<hbm>> -> memref<192x2x128xf32, #tpu.memory_space<hbm>>
    %dma_start3A_50 = arith.constant 0 : i32
    %dma_start3A_51 = arith.constant 0 : i32
    %dma_start3A_52 = tpu.memref_slice %arg2[%select_n3A, %dma_start3A_50, %add3A_45, %dma_start3A_51] : memref<4x192x128x128xf32, #tpu.memory_space<hbm>> -> memref<1x192x2x128xf32, #tpu.memory_space<hbm>>
    %dma_start3A_53 = tpu.memref_squeeze %dma_start3A_52 : memref<1x192x2x128xf32, #tpu.memory_space<hbm>> -> memref<192x2x128xf32, #tpu.memory_space<hbm>>
    tpu.enqueue_dma source(%dma_start3A_53 : memref<192x2x128xf32, #tpu.memory_space<hbm>>) target(%arg5 : memref<192x2x128xf32, #tpu.memory_space<vmem>>) target_semaphore(%arg8 : memref<!tpu.dma_semaphore, #tpu.memory_space<semaphore_mem>>)
    %add3A_54 = arith.constant 0 : i32
    %add3A_55 = arith.addi %add3A_34, %add3A_54 : i32
    %dma_wait3A = arith.constant 0 : i32
    %dma_wait3A_56 = arith.constant 0 : i32
    %dma_wait3A_57 = tpu.memref_slice %arg2[%select_n3A, %dma_wait3A, %add3A_55, %dma_wait3A_56] : memref<4x192x128x128xf32, #tpu.memory_space<hbm>> -> memref<1x192x2x128xf32, #tpu.memory_space<hbm>>
    %dma_wait3A_58 = tpu.memref_squeeze %dma_wait3A_57 : memref<1x192x2x128xf32, #tpu.memory_space<hbm>> -> memref<192x2x128xf32, #tpu.memory_space<hbm>>
    %dma_wait3A_59 = arith.constant 0 : i32
    %dma_wait3A_60 = arith.constant 0 : i32
    %dma_wait3A_61 = tpu.memref_slice %arg2[%select_n3A, %dma_wait3A_59, %add3A_55, %dma_wait3A_60] : memref<4x192x128x128xf32, #tpu.memory_space<hbm>> -> memref<1x192x2x128xf32, #tpu.memory_space<hbm>>
    %dma_wait3A_62 = tpu.memref_squeeze %dma_wait3A_61 : memref<1x192x2x128xf32, #tpu.memory_space<hbm>> -> memref<192x2x128xf32, #tpu.memory_space<hbm>>
    tpu.wait_dma2 semaphore(%arg7 : memref<!tpu.dma_semaphore, #tpu.memory_space<semaphore_mem>>) src(%dma_wait3A_62 : memref<192x2x128xf32, #tpu.memory_space<hbm>>) dst(%arg4 : memref<192x2x128xf32, #tpu.memory_space<vmem>>)
    %scan3A = arith.constant 0 : i32
    %scan3A_63 = arith.constant 0 : i32
    %scan3A_64 = arith.constant 4 : i32
    %scan3A_65 = arith.addi %scan3A_63, %scan3A_64 : i32
    %scan3A_66 = arith.constant 1 : i32
    %scan3A_67 = scf.for %scan3A_102 = %scan3A_63 to %scan3A_65 step %scan3A_66 iter_args(%scan3A_103 = %scan3A) -> (i32)  : i32 {
      %mul3A_104 = arith.constant 32 : i32
      %mul3A_105 = arith.muli %scan3A_102, %mul3A_104 : i32
      %broadcast_in_dim3A = arith.constant 0xFF800000 : f32
      %broadcast_in_dim3A_106 = vector.broadcast %broadcast_in_dim3A : f32 to vector<16xf32>
      %scan3A_107 = arith.constant 0 : i32
      %scan3A_108 = arith.constant 12 : i32
      %scan3A_109 = arith.addi %scan3A_107, %scan3A_108 : i32
      %scan3A_110 = arith.constant 1 : i32
      %scan3A_111:4 = scf.for %scan3A_138 = %scan3A_107 to %scan3A_109 step %scan3A_110 iter_args(%scan3A_139 = %broadcast_in_dim3A_106, %scan3A_140 = %broadcast_in_dim3A_106, %scan3A_141 = %broadcast_in_dim3A_106, %scan3A_142 = %broadcast_in_dim3A_106) -> (vector<16xf32>, vector<16xf32>, vector<16xf32>, vector<16xf32>)  : i32 {
        %mul3A_143 = arith.constant 16 : i32
        %mul3A_144 = arith.muli %scan3A_138, %mul3A_143 : i32
        %add3A_145 = arith.constant 0 : i32
        %add3A_146 = arith.addi %mul3A_144, %add3A_145 : i32
        %get3A = arith.constant 0 : i32
        %get3A_147 = arith.index_cast %add3A_146 : i32 to index
        %get3A_148 = arith.index_cast %get3A : i32 to index
        %get3A_149 = arith.index_cast %mul3A_105 : i32 to index
        %get3A_150 = tpu.vector_load %arg4[%get3A_147, %get3A_148, %get3A_149] {strides = array<i32>} : memref<192x2x128xf32, #tpu.memory_space<vmem>>, vector<1x1x16xf32>,
        %get3A_151 = vector.shape_cast %get3A_150 : vector<1x1x16xf32> to vector<16xf32>
        %add3A_152 = arith.constant 16 : i32
        %add3A_153 = arith.addi %mul3A_105, %add3A_152 : i32
        %get3A_154 = arith.constant 0 : i32
        %get3A_155 = arith.index_cast %add3A_146 : i32 to index
        %get3A_156 = arith.index_cast %get3A_154 : i32 to index
        %get3A_157 = arith.index_cast %add3A_153 : i32 to index
        %get3A_158 = tpu.vector_load %arg4[%get3A_155, %get3A_156, %get3A_157] {strides = array<i32>} : memref<192x2x128xf32, #tpu.memory_space<vmem>>, vector<1x1x16xf32>,
        %get3A_159 = vector.shape_cast %get3A_158 : vector<1x1x16xf32> to vector<16xf32>
        %max3A = arith.maximumf %scan3A_139, %get3A_151 : vector<16xf32>
        %min3A = arith.minimumf %scan3A_139, %get3A_151 : vector<16xf32>
        %max3A_160 = arith.maximumf %scan3A_140, %min3A : vector<16xf32>
        %max3A_161 = arith.maximumf %scan3A_141, %get3A_159 : vector<16xf32>
        %min3A_162 = arith.minimumf %scan3A_141, %get3A_159 : vector<16xf32>
        %max3A_163 = arith.maximumf %scan3A_142, %min3A_162 : vector<16xf32>
        %mul3A_164 = arith.constant 16 : i32
        %mul3A_165 = arith.muli %scan3A_138, %mul3A_164 : i32
        %add3A_166 = arith.constant 1 : i32
        %add3A_167 = arith.addi %mul3A_165, %add3A_166 : i32
        %get3A_168 = arith.constant 0 : i32
        %get3A_169 = arith.index_cast %add3A_167 : i32 to index
        %get3A_170 = arith.index_cast %get3A_168 : i32 to index
        %get3A_171 = arith.index_cast %mul3A_105 : i32 to index
        %get3A_172 = tpu.vector_load %arg4[%get3A_169, %get3A_170, %get3A_171] {strides = array<i32>} : memref<192x2x128xf32, #tpu.memory_space<vmem>>, vector<1x1x16xf32>,
        %get3A_173 = vector.shape_cast %get3A_172 : vector<1x1x16xf32> to vector<16xf32>
        %add3A_174 = arith.constant 16 : i32
        %add3A_175 = arith.addi %mul3A_105, %add3A_174 : i32
        %get3A_176 = arith.constant 0 : i32
        %get3A_177 = arith.index_cast %add3A_167 : i32 to index
        %get3A_178 = arith.index_cast %get3A_176 : i32 to index
        %get3A_179 = arith.index_cast %add3A_175 : i32 to index
        %get3A_180 = tpu.vector_load %arg4[%get3A_177, %get3A_178, %get3A_179] {strides = array<i32>} : memref<192x2x128xf32, #tpu.memory_space<vmem>>, vector<1x1x16xf32>,
        %get3A_181 = vector.shape_cast %get3A_180 : vector<1x1x16xf32> to vector<16xf32>
        %max3A_182 = arith.maximumf %max3A, %get3A_173 : vector<16xf32>
        %min3A_183 = arith.minimumf %max3A, %get3A_173 : vector<16xf32>
        %max3A_184 = arith.maximumf %max3A_160, %min3A_183 : vector<16xf32>
        %max3A_185 = arith.maximumf %max3A_161, %get3A_181 : vector<16xf32>
        %min3A_186 = arith.minimumf %max3A_161, %get3A_181 : vector<16xf32>
        %max3A_187 = arith.maximumf %max3A_163, %min3A_186 : vector<16xf32>
        %mul3A_188 = arith.constant 16 : i32
        %mul3A_189 = arith.muli %scan3A_138, %mul3A_188 : i32
        %add3A_190 = arith.constant 2 : i32
        %add3A_191 = arith.addi %mul3A_189, %add3A_190 : i32
        %get3A_192 = arith.constant 0 : i32
        %get3A_193 = arith.index_cast %add3A_191 : i32 to index
        %get3A_194 = arith.index_cast %get3A_192 : i32 to index
        %get3A_195 = arith.index_cast %mul3A_105 : i32 to index
        %get3A_196 = tpu.vector_load %arg4[%get3A_193, %get3A_194, %get3A_195] {strides = array<i32>} : memref<192x2x128xf32, #tpu.memory_space<vmem>>, vector<1x1x16xf32>,
        %get3A_197 = vector.shape_cast %get3A_196 : vector<1x1x16xf32> to vector<16xf32>
        %add3A_198 = arith.constant 16 : i32
        %add3A_199 = arith.addi %mul3A_105, %add3A_198 : i32
        %get3A_200 = arith.constant 0 : i32
        %get3A_201 = arith.index_cast %add3A_191 : i32 to index
        %get3A_202 = arith.index_cast %get3A_200 : i32 to index
        %get3A_203 = arith.index_cast %add3A_199 : i32 to index
        %get3A_204 = tpu.vector_load %arg4[%get3A_201, %get3A_202, %get3A_203] {strides = array<i32>} : memref<192x2x128xf32, #tpu.memory_space<vmem>>, vector<1x1x16xf32>,
        %get3A_205 = vector.shape_cast %get3A_204 : vector<1x1x16xf32> to vector<16xf32>
        %max3A_206 = arith.maximumf %max3A_182, %get3A_197 : vector<16xf32>
        %min3A_207 = arith.minimumf %max3A_182, %get3A_197 : vector<16xf32>
        %max3A_208 = arith.maximumf %max3A_184, %min3A_207 : vector<16xf32>
        %max3A_209 = arith.maximumf %max3A_185, %get3A_205 : vector<16xf32>
        %min3A_210 = arith.minimumf %max3A_185, %get3A_205 : vector<16xf32>
        %max3A_211 = arith.maximumf %max3A_187, %min3A_210 : vector<16xf32>
        %mul3A_212 = arith.constant 16 : i32
        %mul3A_213 = arith.muli %scan3A_138, %mul3A_212 : i32
        %add3A_214 = arith.constant 3 : i32
        %add3A_215 = arith.addi %mul3A_213, %add3A_214 : i32
        %get3A_216 = arith.constant 0 : i32
        %get3A_217 = arith.index_cast %add3A_215 : i32 to index
        %get3A_218 = arith.index_cast %get3A_216 : i32 to index
        %get3A_219 = arith.index_cast %mul3A_105 : i32 to index
        %get3A_220 = tpu.vector_load %arg4[%get3A_217, %get3A_218, %get3A_219] {strides = array<i32>} : memref<192x2x128xf32, #tpu.memory_space<vmem>>, vector<1x1x16xf32>,
        %get3A_221 = vector.shape_cast %get3A_220 : vector<1x1x16xf32> to vector<16xf32>
        %add3A_222 = arith.constant 16 : i32
        %add3A_223 = arith.addi %mul3A_105, %add3A_222 : i32
        %get3A_224 = arith.constant 0 : i32
        %get3A_225 = arith.index_cast %add3A_215 : i32 to index
        %get3A_226 = arith.index_cast %get3A_224 : i32 to index
        %get3A_227 = arith.index_cast %add3A_223 : i32 to index
        %get3A_228 = tpu.vector_load %arg4[%get3A_225, %get3A_226, %get3A_227] {strides = array<i32>} : memref<192x2x128xf32, #tpu.memory_space<vmem>>, vector<1x1x16xf32>,
        %get3A_229 = vector.shape_cast %get3A_228 : vector<1x1x16xf32> to vector<16xf32>
        %max3A_230 = arith.maximumf %max3A_206, %get3A_221 : vector<16xf32>
        %min3A_231 = arith.minimumf %max3A_206, %get3A_221 : vector<16xf32>
        %max3A_232 = arith.maximumf %max3A_208, %min3A_231 : vector<16xf32>
        %max3A_233 = arith.maximumf %max3A_209, %get3A_229 : vector<16xf32>
        %min3A_234 = arith.minimumf %max3A_209, %get3A_229 : vector<16xf32>
        %max3A_235 = arith.maximumf %max3A_211, %min3A_234 : vector<16xf32>
        %mul3A_236 = arith.constant 16 : i32
        %mul3A_237 = arith.muli %scan3A_138, %mul3A_236 : i32
        %add3A_238 = arith.constant 4 : i32
        %add3A_239 = arith.addi %mul3A_237, %add3A_238 : i32
        %get3A_240 = arith.constant 0 : i32
        %get3A_241 = arith.index_cast %add3A_239 : i32 to index
        %get3A_242 = arith.index_cast %get3A_240 : i32 to index
        %get3A_243 = arith.index_cast %mul3A_105 : i32 to index
        %get3A_244 = tpu.vector_load %arg4[%get3A_241, %get3A_242, %get3A_243] {strides = array<i32>} : memref<192x2x128xf32, #tpu.memory_space<vmem>>, vector<1x1x16xf32>,
        %get3A_245 = vector.shape_cast %get3A_244 : vector<1x1x16xf32> to vector<16xf32>
        %add3A_246 = arith.constant 16 : i32
        %add3A_247 = arith.addi %mul3A_105, %add3A_246 : i32
        %get3A_248 = arith.constant 0 : i32
        %get3A_249 = arith.index_cast %add3A_239 : i32 to index
        %get3A_250 = arith.index_cast %get3A_248 : i32 to index
        %get3A_251 = arith.index_cast %add3A_247 : i32 to index
        %get3A_252 = tpu.vector_load %arg4[%get3A_249, %get3A_250, %get3A_251] {strides = array<i32>} : memref<192x2x128xf32, #tpu.memory_space<vmem>>, vector<1x1x16xf32>,
        %get3A_253 = vector.shape_cast %get3A_252 : vector<1x1x16xf32> to vector<16xf32>
        %max3A_254 = arith.maximumf %max3A_230, %get3A_245 : vector<16xf32>
        %min3A_255 = arith.minimumf %max3A_230, %get3A_245 : vector<16xf32>
        %max3A_256 = arith.maximumf %max3A_232, %min3A_255 : vector<16xf32>
        %max3A_257 = arith.maximumf %max3A_233, %get3A_253 : vector<16xf32>
        %min3A_258 = arith.minimumf %max3A_233, %get3A_253 : vector<16xf32>
        %max3A_259 = arith.maximumf %max3A_235, %min3A_258 : vector<16xf32>
        %mul3A_260 = arith.constant 16 : i32
        %mul3A_261 = arith.muli %scan3A_138, %mul3A_260 : i32
        %add3A_262 = arith.constant 5 : i32
        %add3A_263 = arith.addi %mul3A_261, %add3A_262 : i32
        %get3A_264 = arith.constant 0 : i32
        %get3A_265 = arith.index_cast %add3A_263 : i32 to index
        %get3A_266 = arith.index_cast %get3A_264 : i32 to index
        %get3A_267 = arith.index_cast %mul3A_105 : i32 to index
        %get3A_268 = tpu.vector_load %arg4[%get3A_265, %get3A_266, %get3A_267] {strides = array<i32>} : memref<192x2x128xf32, #tpu.memory_space<vmem>>, vector<1x1x16xf32>,
        %get3A_269 = vector.shape_cast %get3A_268 : vector<1x1x16xf32> to vector<16xf32>
        %add3A_270 = arith.constant 16 : i32
        %add3A_271 = arith.addi %mul3A_105, %add3A_270 : i32
        %get3A_272 = arith.constant 0 : i32
        %get3A_273 = arith.index_cast %add3A_263 : i32 to index
        %get3A_274 = arith.index_cast %get3A_272 : i32 to index
        %get3A_275 = arith.index_cast %add3A_271 : i32 to index
        %get3A_276 = tpu.vector_load %arg4[%get3A_273, %get3A_274, %get3A_275] {strides = array<i32>} : memref<192x2x128xf32, #tpu.memory_space<vmem>>, vector<1x1x16xf32>,
        %get3A_277 = vector.shape_cast %get3A_276 : vector<1x1x16xf32> to vector<16xf32>
        %max3A_278 = arith.maximumf %max3A_254, %get3A_269 : vector<16xf32>
        %min3A_279 = arith.minimumf %max3A_254, %get3A_269 : vector<16xf32>
        %max3A_280 = arith.maximumf %max3A_256, %min3A_279 : vector<16xf32>
        %max3A_281 = arith.maximumf %max3A_257, %get3A_277 : vector<16xf32>
        %min3A_282 = arith.minimumf %max3A_257, %get3A_277 : vector<16xf32>
        %max3A_283 = arith.maximumf %max3A_259, %min3A_282 : vector<16xf32>
        %mul3A_284 = arith.constant 16 : i32
        %mul3A_285 = arith.muli %scan3A_138, %mul3A_284 : i32
        %add3A_286 = arith.constant 6 : i32
        %add3A_287 = arith.addi %mul3A_285, %add3A_286 : i32
        %get3A_288 = arith.constant 0 : i32
        %get3A_289 = arith.index_cast %add3A_287 : i32 to index
        %get3A_290 = arith.index_cast %get3A_288 : i32 to index
        %get3A_291 = arith.index_cast %mul3A_105 : i32 to index
        %get3A_292 = tpu.vector_load %arg4[%get3A_289, %get3A_290, %get3A_291] {strides = array<i32>} : memref<192x2x128xf32, #tpu.memory_space<vmem>>, vector<1x1x16xf32>,
        %get3A_293 = vector.shape_cast %get3A_292 : vector<1x1x16xf32> to vector<16xf32>
        %add3A_294 = arith.constant 16 : i32
        %add3A_295 = arith.addi %mul3A_105, %add3A_294 : i32
        %get3A_296 = arith.constant 0 : i32
        %get3A_297 = arith.index_cast %add3A_287 : i32 to index
        %get3A_298 = arith.index_cast %get3A_296 : i32 to index
        %get3A_299 = arith.index_cast %add3A_295 : i32 to index
        %get3A_300 = tpu.vector_load %arg4[%get3A_297, %get3A_298, %get3A_299] {strides = array<i32>} : memref<192x2x128xf32, #tpu.memory_space<vmem>>, vector<1x1x16xf32>,
        %get3A_301 = vector.shape_cast %get3A_300 : vector<1x1x16xf32> to vector<16xf32>
        %max3A_302 = arith.maximumf %max3A_278, %get3A_293 : vector<16xf32>
        %min3A_303 = arith.minimumf %max3A_278, %get3A_293 : vector<16xf32>
        %max3A_304 = arith.maximumf %max3A_280, %min3A_303 : vector<16xf32>
        %max3A_305 = arith.maximumf %max3A_281, %get3A_301 : vector<16xf32>
        %min3A_306 = arith.minimumf %max3A_281, %get3A_301 : vector<16xf32>
        %max3A_307 = arith.maximumf %max3A_283, %min3A_306 : vector<16xf32>
        %mul3A_308 = arith.constant 16 : i32
        %mul3A_309 = arith.muli %scan3A_138, %mul3A_308 : i32
        %add3A_310 = arith.constant 7 : i32
        %add3A_311 = arith.addi %mul3A_309, %add3A_310 : i32
        %get3A_312 = arith.constant 0 : i32
        %get3A_313 = arith.index_cast %add3A_311 : i32 to index
        %get3A_314 = arith.index_cast %get3A_312 : i32 to index
        %get3A_315 = arith.index_cast %mul3A_105 : i32 to index
        %get3A_316 = tpu.vector_load %arg4[%get3A_313, %get3A_314, %get3A_315] {strides = array<i32>} : memref<192x2x128xf32, #tpu.memory_space<vmem>>, vector<1x1x16xf32>,
        %get3A_317 = vector.shape_cast %get3A_316 : vector<1x1x16xf32> to vector<16xf32>
        %add3A_318 = arith.constant 16 : i32
        %add3A_319 = arith.addi %mul3A_105, %add3A_318 : i32
        %get3A_320 = arith.constant 0 : i32
        %get3A_321 = arith.index_cast %add3A_311 : i32 to index
        %get3A_322 = arith.index_cast %get3A_320 : i32 to index
        %get3A_323 = arith.index_cast %add3A_319 : i32 to index
        %get3A_324 = tpu.vector_load %arg4[%get3A_321, %get3A_322, %get3A_323] {strides = array<i32>} : memref<192x2x128xf32, #tpu.memory_space<vmem>>, vector<1x1x16xf32>,
        %get3A_325 = vector.shape_cast %get3A_324 : vector<1x1x16xf32> to vector<16xf32>
        %max3A_326 = arith.maximumf %max3A_302, %get3A_317 : vector<16xf32>
        %min3A_327 = arith.minimumf %max3A_302, %get3A_317 : vector<16xf32>
        %max3A_328 = arith.maximumf %max3A_304, %min3A_327 : vector<16xf32>
        %max3A_329 = arith.maximumf %max3A_305, %get3A_325 : vector<16xf32>
        %min3A_330 = arith.minimumf %max3A_305, %get3A_325 : vector<16xf32>
        %max3A_331 = arith.maximumf %max3A_307, %min3A_330 : vector<16xf32>
        %mul3A_332 = arith.constant 16 : i32
        %mul3A_333 = arith.muli %scan3A_138, %mul3A_332 : i32
        %add3A_334 = arith.constant 8 : i32
        %add3A_335 = arith.addi %mul3A_333, %add3A_334 : i32
        %get3A_336 = arith.constant 0 : i32
        %get3A_337 = arith.index_cast %add3A_335 : i32 to index
        %get3A_338 = arith.index_cast %get3A_336 : i32 to index
        %get3A_339 = arith.index_cast %mul3A_105 : i32 to index
        %get3A_340 = tpu.vector_load %arg4[%get3A_337, %get3A_338, %get3A_339] {strides = array<i32>} : memref<192x2x128xf32, #tpu.memory_space<vmem>>, vector<1x1x16xf32>,
        %get3A_341 = vector.shape_cast %get3A_340 : vector<1x1x16xf32> to vector<16xf32>
        %add3A_342 = arith.constant 16 : i32
        %add3A_343 = arith.addi %mul3A_105, %add3A_342 : i32
        %get3A_344 = arith.constant 0 : i32
        %get3A_345 = arith.index_cast %add3A_335 : i32 to index
        %get3A_346 = arith.index_cast %get3A_344 : i32 to index
        %get3A_347 = arith.index_cast %add3A_343 : i32 to index
        %get3A_348 = tpu.vector_load %arg4[%get3A_345, %get3A_346, %get3A_347] {strides = array<i32>} : memref<192x2x128xf32, #tpu.memory_space<vmem>>, vector<1x1x16xf32>,
        %get3A_349 = vector.shape_cast %get3A_348 : vector<1x1x16xf32> to vector<16xf32>
        %max3A_350 = arith.maximumf %max3A_326, %get3A_341 : vector<16xf32>
        %min3A_351 = arith.minimumf %max3A_326, %get3A_341 : vector<16xf32>
        %max3A_352 = arith.maximumf %max3A_328, %min3A_351 : vector<16xf32>
        %max3A_353 = arith.maximumf %max3A_329, %get3A_349 : vector<16xf32>
        %min3A_354 = arith.minimumf %max3A_329, %get3A_349 : vector<16xf32>
        %max3A_355 = arith.maximumf %max3A_331, %min3A_354 : vector<16xf32>
        %mul3A_356 = arith.constant 16 : i32
        %mul3A_357 = arith.muli %scan3A_138, %mul3A_356 : i32
        %add3A_358 = arith.constant 9 : i32
        %add3A_359 = arith.addi %mul3A_357, %add3A_358 : i32
        %get3A_360 = arith.constant 0 : i32
        %get3A_361 = arith.index_cast %add3A_359 : i32 to index
        %get3A_362 = arith.index_cast %get3A_360 : i32 to index
        %get3A_363 = arith.index_cast %mul3A_105 : i32 to index
        %get3A_364 = tpu.vector_load %arg4[%get3A_361, %get3A_362, %get3A_363] {strides = array<i32>} : memref<192x2x128xf32, #tpu.memory_space<vmem>>, vector<1x1x16xf32>,
        %get3A_365 = vector.shape_cast %get3A_364 : vector<1x1x16xf32> to vector<16xf32>
        %add3A_366 = arith.constant 16 : i32
        %add3A_367 = arith.addi %mul3A_105, %add3A_366 : i32
        %get3A_368 = arith.constant 0 : i32
        %get3A_369 = arith.index_cast %add3A_359 : i32 to index
        %get3A_370 = arith.index_cast %get3A_368 : i32 to index
        %get3A_371 = arith.index_cast %add3A_367 : i32 to index
        %get3A_372 = tpu.vector_load %arg4[%get3A_369, %get3A_370, %get3A_371] {strides = array<i32>} : memref<192x2x128xf32, #tpu.memory_space<vmem>>, vector<1x1x16xf32>,
        %get3A_373 = vector.shape_cast %get3A_372 : vector<1x1x16xf32> to vector<16xf32>
        %max3A_374 = arith.maximumf %max3A_350, %get3A_365 : vector<16xf32>
        %min3A_375 = arith.minimumf %max3A_350, %get3A_365 : vector<16xf32>
        %max3A_376 = arith.maximumf %max3A_352, %min3A_375 : vector<16xf32>
        %max3A_377 = arith.maximumf %max3A_353, %get3A_373 : vector<16xf32>
        %min3A_378 = arith.minimumf %max3A_353, %get3A_373 : vector<16xf32>
        %max3A_379 = arith.maximumf %max3A_355, %min3A_378 : vector<16xf32>
        %mul3A_380 = arith.constant 16 : i32
        %mul3A_381 = arith.muli %scan3A_138, %mul3A_380 : i32
        %add3A_382 = arith.constant 10 : i32
        %add3A_383 = arith.addi %mul3A_381, %add3A_382 : i32
        %get3A_384 = arith.constant 0 : i32
        %get3A_385 = arith.index_cast %add3A_383 : i32 to index
        %get3A_386 = arith.index_cast %get3A_384 : i32 to index
        %get3A_387 = arith.index_cast %mul3A_105 : i32 to index
        %get3A_388 = tpu.vector_load %arg4[%get3A_385, %get3A_386, %get3A_387] {strides = array<i32>} : memref<192x2x128xf32, #tpu.memory_space<vmem>>, vector<1x1x16xf32>,
        %get3A_389 = vector.shape_cast %get3A_388 : vector<1x1x16xf32> to vector<16xf32>
        %add3A_390 = arith.constant 16 : i32
        %add3A_391 = arith.addi %mul3A_105, %add3A_390 : i32
        %get3A_392 = arith.constant 0 : i32
        %get3A_393 = arith.index_cast %add3A_383 : i32 to index
        %get3A_394 = arith.index_cast %get3A_392 : i32 to index
        %get3A_395 = arith.index_cast %add3A_391 : i32 to index
        %get3A_396 = tpu.vector_load %arg4[%get3A_393, %get3A_394, %get3A_395] {strides = array<i32>} : memref<192x2x128xf32, #tpu.memory_space<vmem>>, vector<1x1x16xf32>,
        %get3A_397 = vector.shape_cast %get3A_396 : vector<1x1x16xf32> to vector<16xf32>
        %max3A_398 = arith.maximumf %max3A_374, %get3A_389 : vector<16xf32>
        %min3A_399 = arith.minimumf %max3A_374, %get3A_389 : vector<16xf32>
        %max3A_400 = arith.maximumf %max3A_376, %min3A_399 : vector<16xf32>
        %max3A_401 = arith.maximumf %max3A_377, %get3A_397 : vector<16xf32>
        %min3A_402 = arith.minimumf %max3A_377, %get3A_397 : vector<16xf32>
        %max3A_403 = arith.maximumf %max3A_379, %min3A_402 : vector<16xf32>
        %mul3A_404 = arith.constant 16 : i32
        %mul3A_405 = arith.muli %scan3A_138, %mul3A_404 : i32
        %add3A_406 = arith.constant 11 : i32
        %add3A_407 = arith.addi %mul3A_405, %add3A_406 : i32
        %get3A_408 = arith.constant 0 : i32
        %get3A_409 = arith.index_cast %add3A_407 : i32 to index
        %get3A_410 = arith.index_cast %get3A_408 : i32 to index
        %get3A_411 = arith.index_cast %mul3A_105 : i32 to index
        %get3A_412 = tpu.vector_load %arg4[%get3A_409, %get3A_410, %get3A_411] {strides = array<i32>} : memref<192x2x128xf32, #tpu.memory_space<vmem>>, vector<1x1x16xf32>,
        %get3A_413 = vector.shape_cast %get3A_412 : vector<1x1x16xf32> to vector<16xf32>
        %add3A_414 = arith.constant 16 : i32
        %add3A_415 = arith.addi %mul3A_105, %add3A_414 : i32
        %get3A_416 = arith.constant 0 : i32
        %get3A_417 = arith.index_cast %add3A_407 : i32 to index
        %get3A_418 = arith.index_cast %get3A_416 : i32 to index
        %get3A_419 = arith.index_cast %add3A_415 : i32 to index
        %get3A_420 = tpu.vector_load %arg4[%get3A_417, %get3A_418, %get3A_419] {strides = array<i32>} : memref<192x2x128xf32, #tpu.memory_space<vmem>>, vector<1x1x16xf32>,
        %get3A_421 = vector.shape_cast %get3A_420 : vector<1x1x16xf32> to vector<16xf32>
        %max3A_422 = arith.maximumf %max3A_398, %get3A_413 : vector<16xf32>
        %min3A_423 = arith.minimumf %max3A_398, %get3A_413 : vector<16xf32>
        %max3A_424 = arith.maximumf %max3A_400, %min3A_423 : vector<16xf32>
        %max3A_425 = arith.maximumf %max3A_401, %get3A_421 : vector<16xf32>
        %min3A_426 = arith.minimumf %max3A_401, %get3A_421 : vector<16xf32>
        %max3A_427 = arith.maximumf %max3A_403, %min3A_426 : vector<16xf32>
        %mul3A_428 = arith.constant 16 : i32
        %mul3A_429 = arith.muli %scan3A_138, %mul3A_428 : i32
        %add3A_430 = arith.constant 12 : i32
        %add3A_431 = arith.addi %mul3A_429, %add3A_430 : i32
        %get3A_432 = arith.constant 0 : i32
        %get3A_433 = arith.index_cast %add3A_431 : i32 to index
        %get3A_434 = arith.index_cast %get3A_432 : i32 to index
        %get3A_435 = arith.index_cast %mul3A_105 : i32 to index
        %get3A_436 = tpu.vector_load %arg4[%get3A_433, %get3A_434, %get3A_435] {strides = array<i32>} : memref<192x2x128xf32, #tpu.memory_space<vmem>>, vector<1x1x16xf32>,
        %get3A_437 = vector.shape_cast %get3A_436 : vector<1x1x16xf32> to vector<16xf32>
        %add3A_438 = arith.constant 16 : i32
        %add3A_439 = arith.addi %mul3A_105, %add3A_438 : i32
        %get3A_440 = arith.constant 0 : i32
        %get3A_441 = arith.index_cast %add3A_431 : i32 to index
        %get3A_442 = arith.index_cast %get3A_440 : i32 to index
        %get3A_443 = arith.index_cast %add3A_439 : i32 to index
        %get3A_444 = tpu.vector_load %arg4[%get3A_441, %get3A_442, %get3A_443] {strides = array<i32>} : memref<192x2x128xf32, #tpu.memory_space<vmem>>, vector<1x1x16xf32>,
        %get3A_445 = vector.shape_cast %get3A_444 : vector<1x1x16xf32> to vector<16xf32>
        %max3A_446 = arith.maximumf %max3A_422, %get3A_437 : vector<16xf32>
        %min3A_447 = arith.minimumf %max3A_422, %get3A_437 : vector<16xf32>
        %max3A_448 = arith.maximumf %max3A_424, %min3A_447 : vector<16xf32>
        %max3A_449 = arith.maximumf %max3A_425, %get3A_445 : vector<16xf32>
        %min3A_450 = arith.minimumf %max3A_425, %get3A_445 : vector<16xf32>
        %max3A_451 = arith.maximumf %max3A_427, %min3A_450 : vector<16xf32>
        %mul3A_452 = arith.constant 16 : i32
        %mul3A_453 = arith.muli %scan3A_138, %mul3A_452 : i32
        %add3A_454 = arith.constant 13 : i32
        %add3A_455 = arith.addi %mul3A_453, %add3A_454 : i32
        %get3A_456 = arith.constant 0 : i32
        %get3A_457 = arith.index_cast %add3A_455 : i32 to index
        %get3A_458 = arith.index_cast %get3A_456 : i32 to index
        %get3A_459 = arith.index_cast %mul3A_105 : i32 to index
        %get3A_460 = tpu.vector_load %arg4[%get3A_457, %get3A_458, %get3A_459] {strides = array<i32>} : memref<192x2x128xf32, #tpu.memory_space<vmem>>, vector<1x1x16xf32>,
        %get3A_461 = vector.shape_cast %get3A_460 : vector<1x1x16xf32> to vector<16xf32>
        %add3A_462 = arith.constant 16 : i32
        %add3A_463 = arith.addi %mul3A_105, %add3A_462 : i32
        %get3A_464 = arith.constant 0 : i32
        %get3A_465 = arith.index_cast %add3A_455 : i32 to index
        %get3A_466 = arith.index_cast %get3A_464 : i32 to index
        %get3A_467 = arith.index_cast %add3A_463 : i32 to index
        %get3A_468 = tpu.vector_load %arg4[%get3A_465, %get3A_466, %get3A_467] {strides = array<i32>} : memref<192x2x128xf32, #tpu.memory_space<vmem>>, vector<1x1x16xf32>,
        %get3A_469 = vector.shape_cast %get3A_468 : vector<1x1x16xf32> to vector<16xf32>
        %max3A_470 = arith.maximumf %max3A_446, %get3A_461 : vector<16xf32>
        %min3A_471 = arith.minimumf %max3A_446, %get3A_461 : vector<16xf32>
        %max3A_472 = arith.maximumf %max3A_448, %min3A_471 : vector<16xf32>
        %max3A_473 = arith.maximumf %max3A_449, %get3A_469 : vector<16xf32>
        %min3A_474 = arith.minimumf %max3A_449, %get3A_469 : vector<16xf32>
        %max3A_475 = arith.maximumf %max3A_451, %min3A_474 : vector<16xf32>
        %mul3A_476 = arith.constant 16 : i32
        %mul3A_477 = arith.muli %scan3A_138, %mul3A_476 : i32
        %add3A_478 = arith.constant 14 : i32
        %add3A_479 = arith.addi %mul3A_477, %add3A_478 : i32
        %get3A_480 = arith.constant 0 : i32
        %get3A_481 = arith.index_cast %add3A_479 : i32 to index
        %get3A_482 = arith.index_cast %get3A_480 : i32 to index
        %get3A_483 = arith.index_cast %mul3A_105 : i32 to index
        %get3A_484 = tpu.vector_load %arg4[%get3A_481, %get3A_482, %get3A_483] {strides = array<i32>} : memref<192x2x128xf32, #tpu.memory_space<vmem>>, vector<1x1x16xf32>,
        %get3A_485 = vector.shape_cast %get3A_484 : vector<1x1x16xf32> to vector<16xf32>
        %add3A_486 = arith.constant 16 : i32
        %add3A_487 = arith.addi %mul3A_105, %add3A_486 : i32
        %get3A_488 = arith.constant 0 : i32
        %get3A_489 = arith.index_cast %add3A_479 : i32 to index
        %get3A_490 = arith.index_cast %get3A_488 : i32 to index
        %get3A_491 = arith.index_cast %add3A_487 : i32 to index
        %get3A_492 = tpu.vector_load %arg4[%get3A_489, %get3A_490, %get3A_491] {strides = array<i32>} : memref<192x2x128xf32, #tpu.memory_space<vmem>>, vector<1x1x16xf32>,
        %get3A_493 = vector.shape_cast %get3A_492 : vector<1x1x16xf32> to vector<16xf32>
        %max3A_494 = arith.maximumf %max3A_470, %get3A_485 : vector<16xf32>
        %min3A_495 = arith.minimumf %max3A_470, %get3A_485 : vector<16xf32>
        %max3A_496 = arith.maximumf %max3A_472, %min3A_495 : vector<16xf32>
        %max3A_497 = arith.maximumf %max3A_473, %get3A_493 : vector<16xf32>
        %min3A_498 = arith.minimumf %max3A_473, %get3A_493 : vector<16xf32>
        %max3A_499 = arith.maximumf %max3A_475, %min3A_498 : vector<16xf32>
        %mul3A_500 = arith.constant 16 : i32
        %mul3A_501 = arith.muli %scan3A_138, %mul3A_500 : i32
        %add3A_502 = arith.constant 15 : i32
        %add3A_503 = arith.addi %mul3A_501, %add3A_502 : i32
        %get3A_504 = arith.constant 0 : i32
        %get3A_505 = arith.index_cast %add3A_503 : i32 to index
        %get3A_506 = arith.index_cast %get3A_504 : i32 to index
        %get3A_507 = arith.index_cast %mul3A_105 : i32 to index
        %get3A_508 = tpu.vector_load %arg4[%get3A_505, %get3A_506, %get3A_507] {strides = array<i32>} : memref<192x2x128xf32, #tpu.memory_space<vmem>>, vector<1x1x16xf32>,
        %get3A_509 = vector.shape_cast %get3A_508 : vector<1x1x16xf32> to vector<16xf32>
        %add3A_510 = arith.constant 16 : i32
        %add3A_511 = arith.addi %mul3A_105, %add3A_510 : i32
        %get3A_512 = arith.constant 0 : i32
        %get3A_513 = arith.index_cast %add3A_503 : i32 to index
        %get3A_514 = arith.index_cast %get3A_512 : i32 to index
        %get3A_515 = arith.index_cast %add3A_511 : i32 to index
        %get3A_516 = tpu.vector_load %arg4[%get3A_513, %get3A_514, %get3A_515] {strides = array<i32>} : memref<192x2x128xf32, #tpu.memory_space<vmem>>, vector<1x1x16xf32>,
        %get3A_517 = vector.shape_cast %get3A_516 : vector<1x1x16xf32> to vector<16xf32>
        %max3A_518 = arith.maximumf %max3A_494, %get3A_509 : vector<16xf32>
        %min3A_519 = arith.minimumf %max3A_494, %get3A_509 : vector<16xf32>
        %max3A_520 = arith.maximumf %max3A_496, %min3A_519 : vector<16xf32>
        %max3A_521 = arith.maximumf %max3A_497, %get3A_517 : vector<16xf32>
        %min3A_522 = arith.minimumf %max3A_497, %get3A_517 : vector<16xf32>
        %max3A_523 = arith.maximumf %max3A_499, %min3A_522 : vector<16xf32>
        scf.yield %max3A_518, %max3A_520, %max3A_521, %max3A_523 : vector<16xf32>, vector<16xf32>, vector<16xf32>, vector<16xf32>
      }
      %scan3A_112 = arith.constant 12 : i32
      %sub3A_113 = arith.subf %scan3A_111#0, %scan3A_111#1 : vector<16xf32>
      %exp3A = math.exp %sub3A_113 : vector<16xf32>
      %sub3A_114 = arith.constant 1.000000e+00 : f32
      %sub3A_115 = vector.broadcast %sub3A_114 : f32 to vector<16xf32>
      %sub3A_116 = arith.subf %sub3A_115, %exp3A : vector<16xf32>
      %exp3A_117 = math.exp %sub3A_116 : vector<16xf32>
      %swap3A = arith.constant 0 : i32
      %swap3A_118 = arith.index_cast %swap3A : i32 to index
      %swap3A_119 = arith.index_cast %mul3A_105 : i32 to index
      %swap3A_120 = tpu.vector_load %arg6[%swap3A_118, %swap3A_119] {strides = array<i32>} : memref<4x128xf32, #tpu.memory_space<vmem>>, vector<1x16xf32>,
      %swap3A_121 = vector.shape_cast %swap3A_120 : vector<1x16xf32> to vector<16xf32>
      %swap3A_122 = vector.shape_cast %exp3A_117 : vector<16xf32> to vector<1x16xf32>
      tpu.vector_store %arg6[%swap3A_118, %swap3A_119], %swap3A_122 {strides = array<i32>} : memref<4x128xf32, #tpu.memory_space<vmem>>, vector<1x16xf32>,
      %sub3A_123 = arith.subf %scan3A_111#2, %scan3A_111#3 : vector<16xf32>
      %exp3A_124 = math.exp %sub3A_123 : vector<16xf32>
      %sub3A_125 = arith.constant 1.000000e+00 : f32
      %sub3A_126 = vector.broadcast %sub3A_125 : f32 to vector<16xf32>
      %sub3A_127 = arith.subf %sub3A_126, %exp3A_124 : vector<16xf32>
      %exp3A_128 = math.exp %sub3A_127 : vector<16xf32>
      %add3A_129 = arith.constant 16 : i32
      %add3A_130 = arith.addi %mul3A_105, %add3A_129 : i32
      %swap3A_131 = arith.constant 0 : i32
      %swap3A_132 = arith.index_cast %swap3A_131 : i32 to index
      %swap3A_133 = arith.index_cast %add3A_130 : i32 to index
      %swap3A_134 = tpu.vector_load %arg6[%swap3A_132, %swap3A_133] {strides = array<i32>} : memref<4x128xf32, #tpu.memory_space<vmem>>, vector<1x16xf32>,
      %swap3A_135 = vector.shape_cast %swap3A_134 : vector<1x16xf32> to vector<16xf32>
      %swap3A_136 = vector.shape_cast %exp3A_128 : vector<16xf32> to vector<1x16xf32>
      tpu.vector_store %arg6[%swap3A_132, %swap3A_133], %swap3A_136 {strides = array<i32>} : memref<4x128xf32, #tpu.memory_space<vmem>>, vector<1x16xf32>,
      %scan3A_137 = arith.constant 0 : i32
      scf.yield %scan3A_137 : i32
    }
    %scan3A_68 = arith.constant 4 : i32
    %scan3A_69 = arith.constant 0 : i32
    %scan3A_70 = arith.constant 0 : i32
    %scan3A_71 = arith.constant 4 : i32
    %scan3A_72 = arith.addi %scan3A_70, %scan3A_71 : i32
    %scan3A_73 = arith.constant 1 : i32
    %scan3A_74 = scf.for %scan3A_102 = %scan3A_70 to %scan3A_72 step %scan3A_73 iter_args(%scan3A_103 = %scan3A_69) -> (i32)  : i32 {
      %mul3A_104 = arith.constant 32 : i32
      %mul3A_105 = arith.muli %scan3A_102, %mul3A_104 : i32
      %broadcast_in_dim3A = arith.constant 0xFF800000 : f32
      %broadcast_in_dim3A_106 = vector.broadcast %broadcast_in_dim3A : f32 to vector<16xf32>
      %scan3A_107 = arith.constant 0 : i32
      %scan3A_108 = arith.constant 12 : i32
      %scan3A_109 = arith.addi %scan3A_107, %scan3A_108 : i32
      %scan3A_110 = arith.constant 1 : i32
      %scan3A_111:4 = scf.for %scan3A_138 = %scan3A_107 to %scan3A_109 step %scan3A_110 iter_args(%scan3A_139 = %broadcast_in_dim3A_106, %scan3A_140 = %broadcast_in_dim3A_106, %scan3A_141 = %broadcast_in_dim3A_106, %scan3A_142 = %broadcast_in_dim3A_106) -> (vector<16xf32>, vector<16xf32>, vector<16xf32>, vector<16xf32>)  : i32 {
        %mul3A_143 = arith.constant 16 : i32
        %mul3A_144 = arith.muli %scan3A_138, %mul3A_143 : i32
        %add3A_145 = arith.constant 0 : i32
        %add3A_146 = arith.addi %mul3A_144, %add3A_145 : i32
        %get3A = arith.constant 1 : i32
        %get3A_147 = arith.index_cast %add3A_146 : i32 to index
        %get3A_148 = arith.index_cast %get3A : i32 to index
        %get3A_149 = arith.index_cast %mul3A_105 : i32 to index
        %get3A_150 = tpu.vector_load %arg4[%get3A_147, %get3A_148, %get3A_149] {strides = array<i32>} : memref<192x2x128xf32, #tpu.memory_space<vmem>>, vector<1x1x16xf32>,
        %get3A_151 = vector.shape_cast %get3A_150 : vector<1x1x16xf32> to vector<16xf32>
        %add3A_152 = arith.constant 16 : i32
        %add3A_153 = arith.addi %mul3A_105, %add3A_152 : i32
        %get3A_154 = arith.constant 1 : i32
        %get3A_155 = arith.index_cast %add3A_146 : i32 to index
        %get3A_156 = arith.index_cast %get3A_154 : i32 to index
        %get3A_157 = arith.index_cast %add3A_153 : i32 to index
        %get3A_158 = tpu.vector_load %arg4[%get3A_155, %get3A_156, %get3A_157] {strides = array<i32>} : memref<192x2x128xf32, #tpu.memory_space<vmem>>, vector<1x1x16xf32>,
        %get3A_159 = vector.shape_cast %get3A_158 : vector<1x1x16xf32> to vector<16xf32>
        %max3A = arith.maximumf %scan3A_139, %get3A_151 : vector<16xf32>
        %min3A = arith.minimumf %scan3A_139, %get3A_151 : vector<16xf32>
        %max3A_160 = arith.maximumf %scan3A_140, %min3A : vector<16xf32>
        %max3A_161 = arith.maximumf %scan3A_141, %get3A_159 : vector<16xf32>
        %min3A_162 = arith.minimumf %scan3A_141, %get3A_159 : vector<16xf32>
        %max3A_163 = arith.maximumf %scan3A_142, %min3A_162 : vector<16xf32>
        %mul3A_164 = arith.constant 16 : i32
        %mul3A_165 = arith.muli %scan3A_138, %mul3A_164 : i32
        %add3A_166 = arith.constant 1 : i32
        %add3A_167 = arith.addi %mul3A_165, %add3A_166 : i32
        %get3A_168 = arith.constant 1 : i32
        %get3A_169 = arith.index_cast %add3A_167 : i32 to index
        %get3A_170 = arith.index_cast %get3A_168 : i32 to index
        %get3A_171 = arith.index_cast %mul3A_105 : i32 to index
        %get3A_172 = tpu.vector_load %arg4[%get3A_169, %get3A_170, %get3A_171] {strides = array<i32>} : memref<192x2x128xf32, #tpu.memory_space<vmem>>, vector<1x1x16xf32>,
        %get3A_173 = vector.shape_cast %get3A_172 : vector<1x1x16xf32> to vector<16xf32>
        %add3A_174 = arith.constant 16 : i32
        %add3A_175 = arith.addi %mul3A_105, %add3A_174 : i32
        %get3A_176 = arith.constant 1 : i32
        %get3A_177 = arith.index_cast %add3A_167 : i32 to index
        %get3A_178 = arith.index_cast %get3A_176 : i32 to index
        %get3A_179 = arith.index_cast %add3A_175 : i32 to index
        %get3A_180 = tpu.vector_load %arg4[%get3A_177, %get3A_178, %get3A_179] {strides = array<i32>} : memref<192x2x128xf32, #tpu.memory_space<vmem>>, vector<1x1x16xf32>,
        %get3A_181 = vector.shape_cast %get3A_180 : vector<1x1x16xf32> to vector<16xf32>
        %max3A_182 = arith.maximumf %max3A, %get3A_173 : vector<16xf32>
        %min3A_183 = arith.minimumf %max3A, %get3A_173 : vector<16xf32>
        %max3A_184 = arith.maximumf %max3A_160, %min3A_183 : vector<16xf32>
        %max3A_185 = arith.maximumf %max3A_161, %get3A_181 : vector<16xf32>
        %min3A_186 = arith.minimumf %max3A_161, %get3A_181 : vector<16xf32>
        %max3A_187 = arith.maximumf %max3A_163, %min3A_186 : vector<16xf32>
        %mul3A_188 = arith.constant 16 : i32
        %mul3A_189 = arith.muli %scan3A_138, %mul3A_188 : i32
        %add3A_190 = arith.constant 2 : i32
        %add3A_191 = arith.addi %mul3A_189, %add3A_190 : i32
        %get3A_192 = arith.constant 1 : i32
        %get3A_193 = arith.index_cast %add3A_191 : i32 to index
        %get3A_194 = arith.index_cast %get3A_192 : i32 to index
        %get3A_195 = arith.index_cast %mul3A_105 : i32 to index
        %get3A_196 = tpu.vector_load %arg4[%get3A_193, %get3A_194, %get3A_195] {strides = array<i32>} : memref<192x2x128xf32, #tpu.memory_space<vmem>>, vector<1x1x16xf32>,
        %get3A_197 = vector.shape_cast %get3A_196 : vector<1x1x16xf32> to vector<16xf32>
        %add3A_198 = arith.constant 16 : i32
        %add3A_199 = arith.addi %mul3A_105, %add3A_198 : i32
        %get3A_200 = arith.constant 1 : i32
        %get3A_201 = arith.index_cast %add3A_191 : i32 to index
        %get3A_202 = arith.index_cast %get3A_200 : i32 to index
        %get3A_203 = arith.index_cast %add3A_199 : i32 to index
        %get3A_204 = tpu.vector_load %arg4[%get3A_201, %get3A_202, %get3A_203] {strides = array<i32>} : memref<192x2x128xf32, #tpu.memory_space<vmem>>, vector<1x1x16xf32>,
        %get3A_205 = vector.shape_cast %get3A_204 : vector<1x1x16xf32> to vector<16xf32>
        %max3A_206 = arith.maximumf %max3A_182, %get3A_197 : vector<16xf32>
        %min3A_207 = arith.minimumf %max3A_182, %get3A_197 : vector<16xf32>
        %max3A_208 = arith.maximumf %max3A_184, %min3A_207 : vector<16xf32>
        %max3A_209 = arith.maximumf %max3A_185, %get3A_205 : vector<16xf32>
        %min3A_210 = arith.minimumf %max3A_185, %get3A_205 : vector<16xf32>
        %max3A_211 = arith.maximumf %max3A_187, %min3A_210 : vector<16xf32>
        %mul3A_212 = arith.constant 16 : i32
        %mul3A_213 = arith.muli %scan3A_138, %mul3A_212 : i32
        %add3A_214 = arith.constant 3 : i32
        %add3A_215 = arith.addi %mul3A_213, %add3A_214 : i32
        %get3A_216 = arith.constant 1 : i32
        %get3A_217 = arith.index_cast %add3A_215 : i32 to index
        %get3A_218 = arith.index_cast %get3A_216 : i32 to index
        %get3A_219 = arith.index_cast %mul3A_105 : i32 to index
        %get3A_220 = tpu.vector_load %arg4[%get3A_217, %get3A_218, %get3A_219] {strides = array<i32>} : memref<192x2x128xf32, #tpu.memory_space<vmem>>, vector<1x1x16xf32>,
        %get3A_221 = vector.shape_cast %get3A_220 : vector<1x1x16xf32> to vector<16xf32>
        %add3A_222 = arith.constant 16 : i32
        %add3A_223 = arith.addi %mul3A_105, %add3A_222 : i32
        %get3A_224 = arith.constant 1 : i32
        %get3A_225 = arith.index_cast %add3A_215 : i32 to index
        %get3A_226 = arith.index_cast %get3A_224 : i32 to index
        %get3A_227 = arith.index_cast %add3A_223 : i32 to index
        %get3A_228 = tpu.vector_load %arg4[%get3A_225, %get3A_226, %get3A_227] {strides = array<i32>} : memref<192x2x128xf32, #tpu.memory_space<vmem>>, vector<1x1x16xf32>,
        %get3A_229 = vector.shape_cast %get3A_228 : vector<1x1x16xf32> to vector<16xf32>
        %max3A_230 = arith.maximumf %max3A_206, %get3A_221 : vector<16xf32>
        %min3A_231 = arith.minimumf %max3A_206, %get3A_221 : vector<16xf32>
        %max3A_232 = arith.maximumf %max3A_208, %min3A_231 : vector<16xf32>
        %max3A_233 = arith.maximumf %max3A_209, %get3A_229 : vector<16xf32>
        %min3A_234 = arith.minimumf %max3A_209, %get3A_229 : vector<16xf32>
        %max3A_235 = arith.maximumf %max3A_211, %min3A_234 : vector<16xf32>
        %mul3A_236 = arith.constant 16 : i32
        %mul3A_237 = arith.muli %scan3A_138, %mul3A_236 : i32
        %add3A_238 = arith.constant 4 : i32
        %add3A_239 = arith.addi %mul3A_237, %add3A_238 : i32
        %get3A_240 = arith.constant 1 : i32
        %get3A_241 = arith.index_cast %add3A_239 : i32 to index
        %get3A_242 = arith.index_cast %get3A_240 : i32 to index
        %get3A_243 = arith.index_cast %mul3A_105 : i32 to index
        %get3A_244 = tpu.vector_load %arg4[%get3A_241, %get3A_242, %get3A_243] {strides = array<i32>} : memref<192x2x128xf32, #tpu.memory_space<vmem>>, vector<1x1x16xf32>,
        %get3A_245 = vector.shape_cast %get3A_244 : vector<1x1x16xf32> to vector<16xf32>
        %add3A_246 = arith.constant 16 : i32
        %add3A_247 = arith.addi %mul3A_105, %add3A_246 : i32
        %get3A_248 = arith.constant 1 : i32
        %get3A_249 = arith.index_cast %add3A_239 : i32 to index
        %get3A_250 = arith.index_cast %get3A_248 : i32 to index
        %get3A_251 = arith.index_cast %add3A_247 : i32 to index
        %get3A_252 = tpu.vector_load %arg4[%get3A_249, %get3A_250, %get3A_251] {strides = array<i32>} : memref<192x2x128xf32, #tpu.memory_space<vmem>>, vector<1x1x16xf32>,
        %get3A_253 = vector.shape_cast %get3A_252 : vector<1x1x16xf32> to vector<16xf32>
        %max3A_254 = arith.maximumf %max3A_230, %get3A_245 : vector<16xf32>
        %min3A_255 = arith.minimumf %max3A_230, %get3A_245 : vector<16xf32>
        %max3A_256 = arith.maximumf %max3A_232, %min3A_255 : vector<16xf32>
        %max3A_257 = arith.maximumf %max3A_233, %get3A_253 : vector<16xf32>
        %min3A_258 = arith.minimumf %max3A_233, %get3A_253 : vector<16xf32>
        %max3A_259 = arith.maximumf %max3A_235, %min3A_258 : vector<16xf32>
        %mul3A_260 = arith.constant 16 : i32
        %mul3A_261 = arith.muli %scan3A_138, %mul3A_260 : i32
        %add3A_262 = arith.constant 5 : i32
        %add3A_263 = arith.addi %mul3A_261, %add3A_262 : i32
        %get3A_264 = arith.constant 1 : i32
        %get3A_265 = arith.index_cast %add3A_263 : i32 to index
        %get3A_266 = arith.index_cast %get3A_264 : i32 to index
        %get3A_267 = arith.index_cast %mul3A_105 : i32 to index
        %get3A_268 = tpu.vector_load %arg4[%get3A_265, %get3A_266, %get3A_267] {strides = array<i32>} : memref<192x2x128xf32, #tpu.memory_space<vmem>>, vector<1x1x16xf32>,
        %get3A_269 = vector.shape_cast %get3A_268 : vector<1x1x16xf32> to vector<16xf32>
        %add3A_270 = arith.constant 16 : i32
        %add3A_271 = arith.addi %mul3A_105, %add3A_270 : i32
        %get3A_272 = arith.constant 1 : i32
        %get3A_273 = arith.index_cast %add3A_263 : i32 to index
        %get3A_274 = arith.index_cast %get3A_272 : i32 to index
        %get3A_275 = arith.index_cast %add3A_271 : i32 to index
        %get3A_276 = tpu.vector_load %arg4[%get3A_273, %get3A_274, %get3A_275] {strides = array<i32>} : memref<192x2x128xf32, #tpu.memory_space<vmem>>, vector<1x1x16xf32>,
        %get3A_277 = vector.shape_cast %get3A_276 : vector<1x1x16xf32> to vector<16xf32>
        %max3A_278 = arith.maximumf %max3A_254, %get3A_269 : vector<16xf32>
        %min3A_279 = arith.minimumf %max3A_254, %get3A_269 : vector<16xf32>
        %max3A_280 = arith.maximumf %max3A_256, %min3A_279 : vector<16xf32>
        %max3A_281 = arith.maximumf %max3A_257, %get3A_277 : vector<16xf32>
        %min3A_282 = arith.minimumf %max3A_257, %get3A_277 : vector<16xf32>
        %max3A_283 = arith.maximumf %max3A_259, %min3A_282 : vector<16xf32>
        %mul3A_284 = arith.constant 16 : i32
        %mul3A_285 = arith.muli %scan3A_138, %mul3A_284 : i32
        %add3A_286 = arith.constant 6 : i32
        %add3A_287 = arith.addi %mul3A_285, %add3A_286 : i32
        %get3A_288 = arith.constant 1 : i32
        %get3A_289 = arith.index_cast %add3A_287 : i32 to index
        %get3A_290 = arith.index_cast %get3A_288 : i32 to index
        %get3A_291 = arith.index_cast %mul3A_105 : i32 to index
        %get3A_292 = tpu.vector_load %arg4[%get3A_289, %get3A_290, %get3A_291] {strides = array<i32>} : memref<192x2x128xf32, #tpu.memory_space<vmem>>, vector<1x1x16xf32>,
        %get3A_293 = vector.shape_cast %get3A_292 : vector<1x1x16xf32> to vector<16xf32>
        %add3A_294 = arith.constant 16 : i32
        %add3A_295 = arith.addi %mul3A_105, %add3A_294 : i32
        %get3A_296 = arith.constant 1 : i32
        %get3A_297 = arith.index_cast %add3A_287 : i32 to index
        %get3A_298 = arith.index_cast %get3A_296 : i32 to index
        %get3A_299 = arith.index_cast %add3A_295 : i32 to index
        %get3A_300 = tpu.vector_load %arg4[%get3A_297, %get3A_298, %get3A_299] {strides = array<i32>} : memref<192x2x128xf32, #tpu.memory_space<vmem>>, vector<1x1x16xf32>,
        %get3A_301 = vector.shape_cast %get3A_300 : vector<1x1x16xf32> to vector<16xf32>
        %max3A_302 = arith.maximumf %max3A_278, %get3A_293 : vector<16xf32>
        %min3A_303 = arith.minimumf %max3A_278, %get3A_293 : vector<16xf32>
        %max3A_304 = arith.maximumf %max3A_280, %min3A_303 : vector<16xf32>
        %max3A_305 = arith.maximumf %max3A_281, %get3A_301 : vector<16xf32>
        %min3A_306 = arith.minimumf %max3A_281, %get3A_301 : vector<16xf32>
        %max3A_307 = arith.maximumf %max3A_283, %min3A_306 : vector<16xf32>
        %mul3A_308 = arith.constant 16 : i32
        %mul3A_309 = arith.muli %scan3A_138, %mul3A_308 : i32
        %add3A_310 = arith.constant 7 : i32
        %add3A_311 = arith.addi %mul3A_309, %add3A_310 : i32
        %get3A_312 = arith.constant 1 : i32
        %get3A_313 = arith.index_cast %add3A_311 : i32 to index
        %get3A_314 = arith.index_cast %get3A_312 : i32 to index
        %get3A_315 = arith.index_cast %mul3A_105 : i32 to index
        %get3A_316 = tpu.vector_load %arg4[%get3A_313, %get3A_314, %get3A_315] {strides = array<i32>} : memref<192x2x128xf32, #tpu.memory_space<vmem>>, vector<1x1x16xf32>,
        %get3A_317 = vector.shape_cast %get3A_316 : vector<1x1x16xf32> to vector<16xf32>
        %add3A_318 = arith.constant 16 : i32
        %add3A_319 = arith.addi %mul3A_105, %add3A_318 : i32
        %get3A_320 = arith.constant 1 : i32
        %get3A_321 = arith.index_cast %add3A_311 : i32 to index
        %get3A_322 = arith.index_cast %get3A_320 : i32 to index
        %get3A_323 = arith.index_cast %add3A_319 : i32 to index
        %get3A_324 = tpu.vector_load %arg4[%get3A_321, %get3A_322, %get3A_323] {strides = array<i32>} : memref<192x2x128xf32, #tpu.memory_space<vmem>>, vector<1x1x16xf32>,
        %get3A_325 = vector.shape_cast %get3A_324 : vector<1x1x16xf32> to vector<16xf32>
        %max3A_326 = arith.maximumf %max3A_302, %get3A_317 : vector<16xf32>
        %min3A_327 = arith.minimumf %max3A_302, %get3A_317 : vector<16xf32>
        %max3A_328 = arith.maximumf %max3A_304, %min3A_327 : vector<16xf32>
        %max3A_329 = arith.maximumf %max3A_305, %get3A_325 : vector<16xf32>
        %min3A_330 = arith.minimumf %max3A_305, %get3A_325 : vector<16xf32>
        %max3A_331 = arith.maximumf %max3A_307, %min3A_330 : vector<16xf32>
        %mul3A_332 = arith.constant 16 : i32
        %mul3A_333 = arith.muli %scan3A_138, %mul3A_332 : i32
        %add3A_334 = arith.constant 8 : i32
        %add3A_335 = arith.addi %mul3A_333, %add3A_334 : i32
        %get3A_336 = arith.constant 1 : i32
        %get3A_337 = arith.index_cast %add3A_335 : i32 to index
        %get3A_338 = arith.index_cast %get3A_336 : i32 to index
        %get3A_339 = arith.index_cast %mul3A_105 : i32 to index
        %get3A_340 = tpu.vector_load %arg4[%get3A_337, %get3A_338, %get3A_339] {strides = array<i32>} : memref<192x2x128xf32, #tpu.memory_space<vmem>>, vector<1x1x16xf32>,
        %get3A_341 = vector.shape_cast %get3A_340 : vector<1x1x16xf32> to vector<16xf32>
        %add3A_342 = arith.constant 16 : i32
        %add3A_343 = arith.addi %mul3A_105, %add3A_342 : i32
        %get3A_344 = arith.constant 1 : i32
        %get3A_345 = arith.index_cast %add3A_335 : i32 to index
        %get3A_346 = arith.index_cast %get3A_344 : i32 to index
        %get3A_347 = arith.index_cast %add3A_343 : i32 to index
        %get3A_348 = tpu.vector_load %arg4[%get3A_345, %get3A_346, %get3A_347] {strides = array<i32>} : memref<192x2x128xf32, #tpu.memory_space<vmem>>, vector<1x1x16xf32>,
        %get3A_349 = vector.shape_cast %get3A_348 : vector<1x1x16xf32> to vector<16xf32>
        %max3A_350 = arith.maximumf %max3A_326, %get3A_341 : vector<16xf32>
        %min3A_351 = arith.minimumf %max3A_326, %get3A_341 : vector<16xf32>
        %max3A_352 = arith.maximumf %max3A_328, %min3A_351 : vector<16xf32>
        %max3A_353 = arith.maximumf %max3A_329, %get3A_349 : vector<16xf32>
        %min3A_354 = arith.minimumf %max3A_329, %get3A_349 : vector<16xf32>
        %max3A_355 = arith.maximumf %max3A_331, %min3A_354 : vector<16xf32>
        %mul3A_356 = arith.constant 16 : i32
        %mul3A_357 = arith.muli %scan3A_138, %mul3A_356 : i32
        %add3A_358 = arith.constant 9 : i32
        %add3A_359 = arith.addi %mul3A_357, %add3A_358 : i32
        %get3A_360 = arith.constant 1 : i32
        %get3A_361 = arith.index_cast %add3A_359 : i32 to index
        %get3A_362 = arith.index_cast %get3A_360 : i32 to index
        %get3A_363 = arith.index_cast %mul3A_105 : i32 to index
        %get3A_364 = tpu.vector_load %arg4[%get3A_361, %get3A_362, %get3A_363] {strides = array<i32>} : memref<192x2x128xf32, #tpu.memory_space<vmem>>, vector<1x1x16xf32>,
        %get3A_365 = vector.shape_cast %get3A_364 : vector<1x1x16xf32> to vector<16xf32>
        %add3A_366 = arith.constant 16 : i32
        %add3A_367 = arith.addi %mul3A_105, %add3A_366 : i32
        %get3A_368 = arith.constant 1 : i32
        %get3A_369 = arith.index_cast %add3A_359 : i32 to index
        %get3A_370 = arith.index_cast %get3A_368 : i32 to index
        %get3A_371 = arith.index_cast %add3A_367 : i32 to index
        %get3A_372 = tpu.vector_load %arg4[%get3A_369, %get3A_370, %get3A_371] {strides = array<i32>} : memref<192x2x128xf32, #tpu.memory_space<vmem>>, vector<1x1x16xf32>,
        %get3A_373 = vector.shape_cast %get3A_372 : vector<1x1x16xf32> to vector<16xf32>
        %max3A_374 = arith.maximumf %max3A_350, %get3A_365 : vector<16xf32>
        %min3A_375 = arith.minimumf %max3A_350, %get3A_365 : vector<16xf32>
        %max3A_376 = arith.maximumf %max3A_352, %min3A_375 : vector<16xf32>
        %max3A_377 = arith.maximumf %max3A_353, %get3A_373 : vector<16xf32>
        %min3A_378 = arith.minimumf %max3A_353, %get3A_373 : vector<16xf32>
        %max3A_379 = arith.maximumf %max3A_355, %min3A_378 : vector<16xf32>
        %mul3A_380 = arith.constant 16 : i32
        %mul3A_381 = arith.muli %scan3A_138, %mul3A_380 : i32
        %add3A_382 = arith.constant 10 : i32
        %add3A_383 = arith.addi %mul3A_381, %add3A_382 : i32
        %get3A_384 = arith.constant 1 : i32
        %get3A_385 = arith.index_cast %add3A_383 : i32 to index
        %get3A_386 = arith.index_cast %get3A_384 : i32 to index
        %get3A_387 = arith.index_cast %mul3A_105 : i32 to index
        %get3A_388 = tpu.vector_load %arg4[%get3A_385, %get3A_386, %get3A_387] {strides = array<i32>} : memref<192x2x128xf32, #tpu.memory_space<vmem>>, vector<1x1x16xf32>,
        %get3A_389 = vector.shape_cast %get3A_388 : vector<1x1x16xf32> to vector<16xf32>
        %add3A_390 = arith.constant 16 : i32
        %add3A_391 = arith.addi %mul3A_105, %add3A_390 : i32
        %get3A_392 = arith.constant 1 : i32
        %get3A_393 = arith.index_cast %add3A_383 : i32 to index
        %get3A_394 = arith.index_cast %get3A_392 : i32 to index
        %get3A_395 = arith.index_cast %add3A_391 : i32 to index
        %get3A_396 = tpu.vector_load %arg4[%get3A_393, %get3A_394, %get3A_395] {strides = array<i32>} : memref<192x2x128xf32, #tpu.memory_space<vmem>>, vector<1x1x16xf32>,
        %get3A_397 = vector.shape_cast %get3A_396 : vector<1x1x16xf32> to vector<16xf32>
        %max3A_398 = arith.maximumf %max3A_374, %get3A_389 : vector<16xf32>
        %min3A_399 = arith.minimumf %max3A_374, %get3A_389 : vector<16xf32>
        %max3A_400 = arith.maximumf %max3A_376, %min3A_399 : vector<16xf32>
        %max3A_401 = arith.maximumf %max3A_377, %get3A_397 : vector<16xf32>
        %min3A_402 = arith.minimumf %max3A_377, %get3A_397 : vector<16xf32>
        %max3A_403 = arith.maximumf %max3A_379, %min3A_402 : vector<16xf32>
        %mul3A_404 = arith.constant 16 : i32
        %mul3A_405 = arith.muli %scan3A_138, %mul3A_404 : i32
        %add3A_406 = arith.constant 11 : i32
        %add3A_407 = arith.addi %mul3A_405, %add3A_406 : i32
        %get3A_408 = arith.constant 1 : i32
        %get3A_409 = arith.index_cast %add3A_407 : i32 to index
        %get3A_410 = arith.index_cast %get3A_408 : i32 to index
        %get3A_411 = arith.index_cast %mul3A_105 : i32 to index
        %get3A_412 = tpu.vector_load %arg4[%get3A_409, %get3A_410, %get3A_411] {strides = array<i32>} : memref<192x2x128xf32, #tpu.memory_space<vmem>>, vector<1x1x16xf32>,
        %get3A_413 = vector.shape_cast %get3A_412 : vector<1x1x16xf32> to vector<16xf32>
        %add3A_414 = arith.constant 16 : i32
        %add3A_415 = arith.addi %mul3A_105, %add3A_414 : i32
        %get3A_416 = arith.constant 1 : i32
        %get3A_417 = arith.index_cast %add3A_407 : i32 to index
        %get3A_418 = arith.index_cast %get3A_416 : i32 to index
        %get3A_419 = arith.index_cast %add3A_415 : i32 to index
        %get3A_420 = tpu.vector_load %arg4[%get3A_417, %get3A_418, %get3A_419] {strides = array<i32>} : memref<192x2x128xf32, #tpu.memory_space<vmem>>, vector<1x1x16xf32>,
        %get3A_421 = vector.shape_cast %get3A_420 : vector<1x1x16xf32> to vector<16xf32>
        %max3A_422 = arith.maximumf %max3A_398, %get3A_413 : vector<16xf32>
        %min3A_423 = arith.minimumf %max3A_398, %get3A_413 : vector<16xf32>
        %max3A_424 = arith.maximumf %max3A_400, %min3A_423 : vector<16xf32>
        %max3A_425 = arith.maximumf %max3A_401, %get3A_421 : vector<16xf32>
        %min3A_426 = arith.minimumf %max3A_401, %get3A_421 : vector<16xf32>
        %max3A_427 = arith.maximumf %max3A_403, %min3A_426 : vector<16xf32>
        %mul3A_428 = arith.constant 16 : i32
        %mul3A_429 = arith.muli %scan3A_138, %mul3A_428 : i32
        %add3A_430 = arith.constant 12 : i32
        %add3A_431 = arith.addi %mul3A_429, %add3A_430 : i32
        %get3A_432 = arith.constant 1 : i32
        %get3A_433 = arith.index_cast %add3A_431 : i32 to index
        %get3A_434 = arith.index_cast %get3A_432 : i32 to index
        %get3A_435 = arith.index_cast %mul3A_105 : i32 to index
        %get3A_436 = tpu.vector_load %arg4[%get3A_433, %get3A_434, %get3A_435] {strides = array<i32>} : memref<192x2x128xf32, #tpu.memory_space<vmem>>, vector<1x1x16xf32>,
        %get3A_437 = vector.shape_cast %get3A_436 : vector<1x1x16xf32> to vector<16xf32>
        %add3A_438 = arith.constant 16 : i32
        %add3A_439 = arith.addi %mul3A_105, %add3A_438 : i32
        %get3A_440 = arith.constant 1 : i32
        %get3A_441 = arith.index_cast %add3A_431 : i32 to index
        %get3A_442 = arith.index_cast %get3A_440 : i32 to index
        %get3A_443 = arith.index_cast %add3A_439 : i32 to index
        %get3A_444 = tpu.vector_load %arg4[%get3A_441, %get3A_442, %get3A_443] {strides = array<i32>} : memref<192x2x128xf32, #tpu.memory_space<vmem>>, vector<1x1x16xf32>,
        %get3A_445 = vector.shape_cast %get3A_444 : vector<1x1x16xf32> to vector<16xf32>
        %max3A_446 = arith.maximumf %max3A_422, %get3A_437 : vector<16xf32>
        %min3A_447 = arith.minimumf %max3A_422, %get3A_437 : vector<16xf32>
        %max3A_448 = arith.maximumf %max3A_424, %min3A_447 : vector<16xf32>
        %max3A_449 = arith.maximumf %max3A_425, %get3A_445 : vector<16xf32>
        %min3A_450 = arith.minimumf %max3A_425, %get3A_445 : vector<16xf32>
        %max3A_451 = arith.maximumf %max3A_427, %min3A_450 : vector<16xf32>
        %mul3A_452 = arith.constant 16 : i32
        %mul3A_453 = arith.muli %scan3A_138, %mul3A_452 : i32
        %add3A_454 = arith.constant 13 : i32
        %add3A_455 = arith.addi %mul3A_453, %add3A_454 : i32
        %get3A_456 = arith.constant 1 : i32
        %get3A_457 = arith.index_cast %add3A_455 : i32 to index
        %get3A_458 = arith.index_cast %get3A_456 : i32 to index
        %get3A_459 = arith.index_cast %mul3A_105 : i32 to index
        %get3A_460 = tpu.vector_load %arg4[%get3A_457, %get3A_458, %get3A_459] {strides = array<i32>} : memref<192x2x128xf32, #tpu.memory_space<vmem>>, vector<1x1x16xf32>,
        %get3A_461 = vector.shape_cast %get3A_460 : vector<1x1x16xf32> to vector<16xf32>
        %add3A_462 = arith.constant 16 : i32
        %add3A_463 = arith.addi %mul3A_105, %add3A_462 : i32
        %get3A_464 = arith.constant 1 : i32
        %get3A_465 = arith.index_cast %add3A_455 : i32 to index
        %get3A_466 = arith.index_cast %get3A_464 : i32 to index
        %get3A_467 = arith.index_cast %add3A_463 : i32 to index
        %get3A_468 = tpu.vector_load %arg4[%get3A_465, %get3A_466, %get3A_467] {strides = array<i32>} : memref<192x2x128xf32, #tpu.memory_space<vmem>>, vector<1x1x16xf32>,
        %get3A_469 = vector.shape_cast %get3A_468 : vector<1x1x16xf32> to vector<16xf32>
        %max3A_470 = arith.maximumf %max3A_446, %get3A_461 : vector<16xf32>
        %min3A_471 = arith.minimumf %max3A_446, %get3A_461 : vector<16xf32>
        %max3A_472 = arith.maximumf %max3A_448, %min3A_471 : vector<16xf32>
        %max3A_473 = arith.maximumf %max3A_449, %get3A_469 : vector<16xf32>
        %min3A_474 = arith.minimumf %max3A_449, %get3A_469 : vector<16xf32>
        %max3A_475 = arith.maximumf %max3A_451, %min3A_474 : vector<16xf32>
        %mul3A_476 = arith.constant 16 : i32
        %mul3A_477 = arith.muli %scan3A_138, %mul3A_476 : i32
        %add3A_478 = arith.constant 14 : i32
        %add3A_479 = arith.addi %mul3A_477, %add3A_478 : i32
        %get3A_480 = arith.constant 1 : i32
        %get3A_481 = arith.index_cast %add3A_479 : i32 to index
        %get3A_482 = arith.index_cast %get3A_480 : i32 to index
        %get3A_483 = arith.index_cast %mul3A_105 : i32 to index
        %get3A_484 = tpu.vector_load %arg4[%get3A_481, %get3A_482, %get3A_483] {strides = array<i32>} : memref<192x2x128xf32, #tpu.memory_space<vmem>>, vector<1x1x16xf32>,
        %get3A_485 = vector.shape_cast %get3A_484 : vector<1x1x16xf32> to vector<16xf32>
        %add3A_486 = arith.constant 16 : i32
        %add3A_487 = arith.addi %mul3A_105, %add3A_486 : i32
        %get3A_488 = arith.constant 1 : i32
        %get3A_489 = arith.index_cast %add3A_479 : i32 to index
        %get3A_490 = arith.index_cast %get3A_488 : i32 to index
        %get3A_491 = arith.index_cast %add3A_487 : i32 to index
        %get3A_492 = tpu.vector_load %arg4[%get3A_489, %get3A_490, %get3A_491] {strides = array<i32>} : memref<192x2x128xf32, #tpu.memory_space<vmem>>, vector<1x1x16xf32>,
        %get3A_493 = vector.shape_cast %get3A_492 : vector<1x1x16xf32> to vector<16xf32>
        %max3A_494 = arith.maximumf %max3A_470, %get3A_485 : vector<16xf32>
        %min3A_495 = arith.minimumf %max3A_470, %get3A_485 : vector<16xf32>
        %max3A_496 = arith.maximumf %max3A_472, %min3A_495 : vector<16xf32>
        %max3A_497 = arith.maximumf %max3A_473, %get3A_493 : vector<16xf32>
        %min3A_498 = arith.minimumf %max3A_473, %get3A_493 : vector<16xf32>
        %max3A_499 = arith.maximumf %max3A_475, %min3A_498 : vector<16xf32>
        %mul3A_500 = arith.constant 16 : i32
        %mul3A_501 = arith.muli %scan3A_138, %mul3A_500 : i32
        %add3A_502 = arith.constant 15 : i32
        %add3A_503 = arith.addi %mul3A_501, %add3A_502 : i32
        %get3A_504 = arith.constant 1 : i32
        %get3A_505 = arith.index_cast %add3A_503 : i32 to index
        %get3A_506 = arith.index_cast %get3A_504 : i32 to index
        %get3A_507 = arith.index_cast %mul3A_105 : i32 to index
        %get3A_508 = tpu.vector_load %arg4[%get3A_505, %get3A_506, %get3A_507] {strides = array<i32>} : memref<192x2x128xf32, #tpu.memory_space<vmem>>, vector<1x1x16xf32>,
        %get3A_509 = vector.shape_cast %get3A_508 : vector<1x1x16xf32> to vector<16xf32>
        %add3A_510 = arith.constant 16 : i32
        %add3A_511 = arith.addi %mul3A_105, %add3A_510 : i32
        %get3A_512 = arith.constant 1 : i32
        %get3A_513 = arith.index_cast %add3A_503 : i32 to index
        %get3A_514 = arith.index_cast %get3A_512 : i32 to index
        %get3A_515 = arith.index_cast %add3A_511 : i32 to index
        %get3A_516 = tpu.vector_load %arg4[%get3A_513, %get3A_514, %get3A_515] {strides = array<i32>} : memref<192x2x128xf32, #tpu.memory_space<vmem>>, vector<1x1x16xf32>,
        %get3A_517 = vector.shape_cast %get3A_516 : vector<1x1x16xf32> to vector<16xf32>
        %max3A_518 = arith.maximumf %max3A_494, %get3A_509 : vector<16xf32>
        %min3A_519 = arith.minimumf %max3A_494, %get3A_509 : vector<16xf32>
        %max3A_520 = arith.maximumf %max3A_496, %min3A_519 : vector<16xf32>
        %max3A_521 = arith.maximumf %max3A_497, %get3A_517 : vector<16xf32>
        %min3A_522 = arith.minimumf %max3A_497, %get3A_517 : vector<16xf32>
        %max3A_523 = arith.maximumf %max3A_499, %min3A_522 : vector<16xf32>
        scf.yield %max3A_518, %max3A_520, %max3A_521, %max3A_523 : vector<16xf32>, vector<16xf32>, vector<16xf32>, vector<16xf32>
      }
      %scan3A_112 = arith.constant 12 : i32
      %sub3A_113 = arith.subf %scan3A_111#0, %scan3A_111#1 : vector<16xf32>
      %exp3A = math.exp %sub3A_113 : vector<16xf32>
      %sub3A_114 = arith.constant 1.000000e+00 : f32
      %sub3A_115 = vector.broadcast %sub3A_114 : f32 to vector<16xf32>
      %sub3A_116 = arith.subf %sub3A_115, %exp3A : vector<16xf32>
      %exp3A_117 = math.exp %sub3A_116 : vector<16xf32>
      %swap3A = arith.constant 1 : i32
      %swap3A_118 = arith.index_cast %swap3A : i32 to index
      %swap3A_119 = arith.index_cast %mul3A_105 : i32 to index
      %swap3A_120 = tpu.vector_load %arg6[%swap3A_118, %swap3A_119] {strides = array<i32>} : memref<4x128xf32, #tpu.memory_space<vmem>>, vector<1x16xf32>,
      %swap3A_121 = vector.shape_cast %swap3A_120 : vector<1x16xf32> to vector<16xf32>
      %swap3A_122 = vector.shape_cast %exp3A_117 : vector<16xf32> to vector<1x16xf32>
      tpu.vector_store %arg6[%swap3A_118, %swap3A_119], %swap3A_122 {strides = array<i32>} : memref<4x128xf32, #tpu.memory_space<vmem>>, vector<1x16xf32>,
      %sub3A_123 = arith.subf %scan3A_111#2, %scan3A_111#3 : vector<16xf32>
      %exp3A_124 = math.exp %sub3A_123 : vector<16xf32>
      %sub3A_125 = arith.constant 1.000000e+00 : f32
      %sub3A_126 = vector.broadcast %sub3A_125 : f32 to vector<16xf32>
      %sub3A_127 = arith.subf %sub3A_126, %exp3A_124 : vector<16xf32>
      %exp3A_128 = math.exp %sub3A_127 : vector<16xf32>
      %add3A_129 = arith.constant 16 : i32
      %add3A_130 = arith.addi %mul3A_105, %add3A_129 : i32
      %swap3A_131 = arith.constant 1 : i32
      %swap3A_132 = arith.index_cast %swap3A_131 : i32 to index
      %swap3A_133 = arith.index_cast %add3A_130 : i32 to index
      %swap3A_134 = tpu.vector_load %arg6[%swap3A_132, %swap3A_133] {strides = array<i32>} : memref<4x128xf32, #tpu.memory_space<vmem>>, vector<1x16xf32>,
      %swap3A_135 = vector.shape_cast %swap3A_134 : vector<1x16xf32> to vector<16xf32>
      %swap3A_136 = vector.shape_cast %exp3A_128 : vector<16xf32> to vector<1x16xf32>
      tpu.vector_store %arg6[%swap3A_132, %swap3A_133], %swap3A_136 {strides = array<i32>} : memref<4x128xf32, #tpu.memory_space<vmem>>, vector<1x16xf32>,
      %scan3A_137 = arith.constant 0 : i32
      scf.yield %scan3A_137 : i32
    }
    %scan3A_75 = arith.constant 4 : i32
    %add3A_76 = arith.constant 2 : i32
    %add3A_77 = arith.addi %add3A_34, %add3A_76 : i32
    %dma_wait3A_78 = arith.constant 0 : i32
    %dma_wait3A_79 = arith.constant 0 : i32
    %dma_wait3A_80 = tpu.memref_slice %arg2[%select_n3A, %dma_wait3A_78, %add3A_77, %dma_wait3A_79] : memref<4x192x128x128xf32, #tpu.memory_space<hbm>> -> memref<1x192x2x128xf32, #tpu.memory_space<hbm>>
    %dma_wait3A_81 = tpu.memref_squeeze %dma_wait3A_80 : memref<1x192x2x128xf32, #tpu.memory_space<hbm>> -> memref<192x2x128xf32, #tpu.memory_space<hbm>>
    %dma_wait3A_82 = arith.constant 0 : i32
    %dma_wait3A_83 = arith.constant 0 : i32
    %dma_wait3A_84 = tpu.memref_slice %arg2[%select_n3A, %dma_wait3A_82, %add3A_77, %dma_wait3A_83] : memref<4x192x128x128xf32, #tpu.memory_space<hbm>> -> memref<1x192x2x128xf32, #tpu.memory_space<hbm>>
    %dma_wait3A_85 = tpu.memref_squeeze %dma_wait3A_84 : memref<1x192x2x128xf32, #tpu.memory_space<hbm>> -> memref<192x2x128xf32, #tpu.memory_space<hbm>>
    tpu.wait_dma2 semaphore(%arg8 : memref<!tpu.dma_semaphore, #tpu.memory_space<semaphore_mem>>) src(%dma_wait3A_85 : memref<192x2x128xf32, #tpu.memory_space<hbm>>) dst(%arg5 : memref<192x2x128xf32, #tpu.memory_space<vmem>>)
    %scan3A_86 = arith.constant 0 : i32
    %scan3A_87 = arith.constant 0 : i32
    %scan3A_88 = arith.constant 4 : i32
    %scan3A_89 = arith.addi %scan3A_87, %scan3A_88 : i32
    %scan3A_90 = arith.constant 1 : i32
    %scan3A_91 = scf.for %scan3A_102 = %scan3A_87 to %scan3A_89 step %scan3A_90 iter_args(%scan3A_103 = %scan3A_86) -> (i32)  : i32 {
      %mul3A_104 = arith.constant 32 : i32
      %mul3A_105 = arith.muli %scan3A_102, %mul3A_104 : i32
      %broadcast_in_dim3A = arith.constant 0xFF800000 : f32
      %broadcast_in_dim3A_106 = vector.broadcast %broadcast_in_dim3A : f32 to vector<16xf32>
      %scan3A_107 = arith.constant 0 : i32
      %scan3A_108 = arith.constant 12 : i32
      %scan3A_109 = arith.addi %scan3A_107, %scan3A_108 : i32
      %scan3A_110 = arith.constant 1 : i32
      %scan3A_111:4 = scf.for %scan3A_138 = %scan3A_107 to %scan3A_109 step %scan3A_110 iter_args(%scan3A_139 = %broadcast_in_dim3A_106, %scan3A_140 = %broadcast_in_dim3A_106, %scan3A_141 = %broadcast_in_dim3A_106, %scan3A_142 = %broadcast_in_dim3A_106) -> (vector<16xf32>, vector<16xf32>, vector<16xf32>, vector<16xf32>)  : i32 {
        %mul3A_143 = arith.constant 16 : i32
        %mul3A_144 = arith.muli %scan3A_138, %mul3A_143 : i32
        %add3A_145 = arith.constant 0 : i32
        %add3A_146 = arith.addi %mul3A_144, %add3A_145 : i32
        %get3A = arith.constant 0 : i32
        %get3A_147 = arith.index_cast %add3A_146 : i32 to index
        %get3A_148 = arith.index_cast %get3A : i32 to index
        %get3A_149 = arith.index_cast %mul3A_105 : i32 to index
        %get3A_150 = tpu.vector_load %arg5[%get3A_147, %get3A_148, %get3A_149] {strides = array<i32>} : memref<192x2x128xf32, #tpu.memory_space<vmem>>, vector<1x1x16xf32>,
        %get3A_151 = vector.shape_cast %get3A_150 : vector<1x1x16xf32> to vector<16xf32>
        %add3A_152 = arith.constant 16 : i32
        %add3A_153 = arith.addi %mul3A_105, %add3A_152 : i32
        %get3A_154 = arith.constant 0 : i32
        %get3A_155 = arith.index_cast %add3A_146 : i32 to index
        %get3A_156 = arith.index_cast %get3A_154 : i32 to index
        %get3A_157 = arith.index_cast %add3A_153 : i32 to index
        %get3A_158 = tpu.vector_load %arg5[%get3A_155, %get3A_156, %get3A_157] {strides = array<i32>} : memref<192x2x128xf32, #tpu.memory_space<vmem>>, vector<1x1x16xf32>,
        %get3A_159 = vector.shape_cast %get3A_158 : vector<1x1x16xf32> to vector<16xf32>
        %max3A = arith.maximumf %scan3A_139, %get3A_151 : vector<16xf32>
        %min3A = arith.minimumf %scan3A_139, %get3A_151 : vector<16xf32>
        %max3A_160 = arith.maximumf %scan3A_140, %min3A : vector<16xf32>
        %max3A_161 = arith.maximumf %scan3A_141, %get3A_159 : vector<16xf32>
        %min3A_162 = arith.minimumf %scan3A_141, %get3A_159 : vector<16xf32>
        %max3A_163 = arith.maximumf %scan3A_142, %min3A_162 : vector<16xf32>
        %mul3A_164 = arith.constant 16 : i32
        %mul3A_165 = arith.muli %scan3A_138, %mul3A_164 : i32
        %add3A_166 = arith.constant 1 : i32
        %add3A_167 = arith.addi %mul3A_165, %add3A_166 : i32
        %get3A_168 = arith.constant 0 : i32
        %get3A_169 = arith.index_cast %add3A_167 : i32 to index
        %get3A_170 = arith.index_cast %get3A_168 : i32 to index
        %get3A_171 = arith.index_cast %mul3A_105 : i32 to index
        %get3A_172 = tpu.vector_load %arg5[%get3A_169, %get3A_170, %get3A_171] {strides = array<i32>} : memref<192x2x128xf32, #tpu.memory_space<vmem>>, vector<1x1x16xf32>,
        %get3A_173 = vector.shape_cast %get3A_172 : vector<1x1x16xf32> to vector<16xf32>
        %add3A_174 = arith.constant 16 : i32
        %add3A_175 = arith.addi %mul3A_105, %add3A_174 : i32
        %get3A_176 = arith.constant 0 : i32
        %get3A_177 = arith.index_cast %add3A_167 : i32 to index
        %get3A_178 = arith.index_cast %get3A_176 : i32 to index
        %get3A_179 = arith.index_cast %add3A_175 : i32 to index
        %get3A_180 = tpu.vector_load %arg5[%get3A_177, %get3A_178, %get3A_179] {strides = array<i32>} : memref<192x2x128xf32, #tpu.memory_space<vmem>>, vector<1x1x16xf32>,
        %get3A_181 = vector.shape_cast %get3A_180 : vector<1x1x16xf32> to vector<16xf32>
        %max3A_182 = arith.maximumf %max3A, %get3A_173 : vector<16xf32>
        %min3A_183 = arith.minimumf %max3A, %get3A_173 : vector<16xf32>
        %max3A_184 = arith.maximumf %max3A_160, %min3A_183 : vector<16xf32>
        %max3A_185 = arith.maximumf %max3A_161, %get3A_181 : vector<16xf32>
        %min3A_186 = arith.minimumf %max3A_161, %get3A_181 : vector<16xf32>
        %max3A_187 = arith.maximumf %max3A_163, %min3A_186 : vector<16xf32>
        %mul3A_188 = arith.constant 16 : i32
        %mul3A_189 = arith.muli %scan3A_138, %mul3A_188 : i32
        %add3A_190 = arith.constant 2 : i32
        %add3A_191 = arith.addi %mul3A_189, %add3A_190 : i32
        %get3A_192 = arith.constant 0 : i32
        %get3A_193 = arith.index_cast %add3A_191 : i32 to index
        %get3A_194 = arith.index_cast %get3A_192 : i32 to index
        %get3A_195 = arith.index_cast %mul3A_105 : i32 to index
        %get3A_196 = tpu.vector_load %arg5[%get3A_193, %get3A_194, %get3A_195] {strides = array<i32>} : memref<192x2x128xf32, #tpu.memory_space<vmem>>, vector<1x1x16xf32>,
        %get3A_197 = vector.shape_cast %get3A_196 : vector<1x1x16xf32> to vector<16xf32>
        %add3A_198 = arith.constant 16 : i32
        %add3A_199 = arith.addi %mul3A_105, %add3A_198 : i32
        %get3A_200 = arith.constant 0 : i32
        %get3A_201 = arith.index_cast %add3A_191 : i32 to index
        %get3A_202 = arith.index_cast %get3A_200 : i32 to index
        %get3A_203 = arith.index_cast %add3A_199 : i32 to index
        %get3A_204 = tpu.vector_load %arg5[%get3A_201, %get3A_202, %get3A_203] {strides = array<i32>} : memref<192x2x128xf32, #tpu.memory_space<vmem>>, vector<1x1x16xf32>,
        %get3A_205 = vector.shape_cast %get3A_204 : vector<1x1x16xf32> to vector<16xf32>
        %max3A_206 = arith.maximumf %max3A_182, %get3A_197 : vector<16xf32>
        %min3A_207 = arith.minimumf %max3A_182, %get3A_197 : vector<16xf32>
        %max3A_208 = arith.maximumf %max3A_184, %min3A_207 : vector<16xf32>
        %max3A_209 = arith.maximumf %max3A_185, %get3A_205 : vector<16xf32>
        %min3A_210 = arith.minimumf %max3A_185, %get3A_205 : vector<16xf32>
        %max3A_211 = arith.maximumf %max3A_187, %min3A_210 : vector<16xf32>
        %mul3A_212 = arith.constant 16 : i32
        %mul3A_213 = arith.muli %scan3A_138, %mul3A_212 : i32
        %add3A_214 = arith.constant 3 : i32
        %add3A_215 = arith.addi %mul3A_213, %add3A_214 : i32
        %get3A_216 = arith.constant 0 : i32
        %get3A_217 = arith.index_cast %add3A_215 : i32 to index
        %get3A_218 = arith.index_cast %get3A_216 : i32 to index
        %get3A_219 = arith.index_cast %mul3A_105 : i32 to index
        %get3A_220 = tpu.vector_load %arg5[%get3A_217, %get3A_218, %get3A_219] {strides = array<i32>} : memref<192x2x128xf32, #tpu.memory_space<vmem>>, vector<1x1x16xf32>,
        %get3A_221 = vector.shape_cast %get3A_220 : vector<1x1x16xf32> to vector<16xf32>
        %add3A_222 = arith.constant 16 : i32
        %add3A_223 = arith.addi %mul3A_105, %add3A_222 : i32
        %get3A_224 = arith.constant 0 : i32
        %get3A_225 = arith.index_cast %add3A_215 : i32 to index
        %get3A_226 = arith.index_cast %get3A_224 : i32 to index
        %get3A_227 = arith.index_cast %add3A_223 : i32 to index
        %get3A_228 = tpu.vector_load %arg5[%get3A_225, %get3A_226, %get3A_227] {strides = array<i32>} : memref<192x2x128xf32, #tpu.memory_space<vmem>>, vector<1x1x16xf32>,
        %get3A_229 = vector.shape_cast %get3A_228 : vector<1x1x16xf32> to vector<16xf32>
        %max3A_230 = arith.maximumf %max3A_206, %get3A_221 : vector<16xf32>
        %min3A_231 = arith.minimumf %max3A_206, %get3A_221 : vector<16xf32>
        %max3A_232 = arith.maximumf %max3A_208, %min3A_231 : vector<16xf32>
        %max3A_233 = arith.maximumf %max3A_209, %get3A_229 : vector<16xf32>
        %min3A_234 = arith.minimumf %max3A_209, %get3A_229 : vector<16xf32>
        %max3A_235 = arith.maximumf %max3A_211, %min3A_234 : vector<16xf32>
        %mul3A_236 = arith.constant 16 : i32
        %mul3A_237 = arith.muli %scan3A_138, %mul3A_236 : i32
        %add3A_238 = arith.constant 4 : i32
        %add3A_239 = arith.addi %mul3A_237, %add3A_238 : i32
        %get3A_240 = arith.constant 0 : i32
        %get3A_241 = arith.index_cast %add3A_239 : i32 to index
        %get3A_242 = arith.index_cast %get3A_240 : i32 to index
        %get3A_243 = arith.index_cast %mul3A_105 : i32 to index
        %get3A_244 = tpu.vector_load %arg5[%get3A_241, %get3A_242, %get3A_243] {strides = array<i32>} : memref<192x2x128xf32, #tpu.memory_space<vmem>>, vector<1x1x16xf32>,
        %get3A_245 = vector.shape_cast %get3A_244 : vector<1x1x16xf32> to vector<16xf32>
        %add3A_246 = arith.constant 16 : i32
        %add3A_247 = arith.addi %mul3A_105, %add3A_246 : i32
        %get3A_248 = arith.constant 0 : i32
        %get3A_249 = arith.index_cast %add3A_239 : i32 to index
        %get3A_250 = arith.index_cast %get3A_248 : i32 to index
        %get3A_251 = arith.index_cast %add3A_247 : i32 to index
        %get3A_252 = tpu.vector_load %arg5[%get3A_249, %get3A_250, %get3A_251] {strides = array<i32>} : memref<192x2x128xf32, #tpu.memory_space<vmem>>, vector<1x1x16xf32>,
        %get3A_253 = vector.shape_cast %get3A_252 : vector<1x1x16xf32> to vector<16xf32>
        %max3A_254 = arith.maximumf %max3A_230, %get3A_245 : vector<16xf32>
        %min3A_255 = arith.minimumf %max3A_230, %get3A_245 : vector<16xf32>
        %max3A_256 = arith.maximumf %max3A_232, %min3A_255 : vector<16xf32>
        %max3A_257 = arith.maximumf %max3A_233, %get3A_253 : vector<16xf32>
        %min3A_258 = arith.minimumf %max3A_233, %get3A_253 : vector<16xf32>
        %max3A_259 = arith.maximumf %max3A_235, %min3A_258 : vector<16xf32>
        %mul3A_260 = arith.constant 16 : i32
        %mul3A_261 = arith.muli %scan3A_138, %mul3A_260 : i32
        %add3A_262 = arith.constant 5 : i32
        %add3A_263 = arith.addi %mul3A_261, %add3A_262 : i32
        %get3A_264 = arith.constant 0 : i32
        %get3A_265 = arith.index_cast %add3A_263 : i32 to index
        %get3A_266 = arith.index_cast %get3A_264 : i32 to index
        %get3A_267 = arith.index_cast %mul3A_105 : i32 to index
        %get3A_268 = tpu.vector_load %arg5[%get3A_265, %get3A_266, %get3A_267] {strides = array<i32>} : memref<192x2x128xf32, #tpu.memory_space<vmem>>, vector<1x1x16xf32>,
        %get3A_269 = vector.shape_cast %get3A_268 : vector<1x1x16xf32> to vector<16xf32>
        %add3A_270 = arith.constant 16 : i32
        %add3A_271 = arith.addi %mul3A_105, %add3A_270 : i32
        %get3A_272 = arith.constant 0 : i32
        %get3A_273 = arith.index_cast %add3A_263 : i32 to index
        %get3A_274 = arith.index_cast %get3A_272 : i32 to index
        %get3A_275 = arith.index_cast %add3A_271 : i32 to index
        %get3A_276 = tpu.vector_load %arg5[%get3A_273, %get3A_274, %get3A_275] {strides = array<i32>} : memref<192x2x128xf32, #tpu.memory_space<vmem>>, vector<1x1x16xf32>,
        %get3A_277 = vector.shape_cast %get3A_276 : vector<1x1x16xf32> to vector<16xf32>
        %max3A_278 = arith.maximumf %max3A_254, %get3A_269 : vector<16xf32>
        %min3A_279 = arith.minimumf %max3A_254, %get3A_269 : vector<16xf32>
        %max3A_280 = arith.maximumf %max3A_256, %min3A_279 : vector<16xf32>
        %max3A_281 = arith.maximumf %max3A_257, %get3A_277 : vector<16xf32>
        %min3A_282 = arith.minimumf %max3A_257, %get3A_277 : vector<16xf32>
        %max3A_283 = arith.maximumf %max3A_259, %min3A_282 : vector<16xf32>
        %mul3A_284 = arith.constant 16 : i32
        %mul3A_285 = arith.muli %scan3A_138, %mul3A_284 : i32
        %add3A_286 = arith.constant 6 : i32
        %add3A_287 = arith.addi %mul3A_285, %add3A_286 : i32
        %get3A_288 = arith.constant 0 : i32
        %get3A_289 = arith.index_cast %add3A_287 : i32 to index
        %get3A_290 = arith.index_cast %get3A_288 : i32 to index
        %get3A_291 = arith.index_cast %mul3A_105 : i32 to index
        %get3A_292 = tpu.vector_load %arg5[%get3A_289, %get3A_290, %get3A_291] {strides = array<i32>} : memref<192x2x128xf32, #tpu.memory_space<vmem>>, vector<1x1x16xf32>,
        %get3A_293 = vector.shape_cast %get3A_292 : vector<1x1x16xf32> to vector<16xf32>
        %add3A_294 = arith.constant 16 : i32
        %add3A_295 = arith.addi %mul3A_105, %add3A_294 : i32
        %get3A_296 = arith.constant 0 : i32
        %get3A_297 = arith.index_cast %add3A_287 : i32 to index
        %get3A_298 = arith.index_cast %get3A_296 : i32 to index
        %get3A_299 = arith.index_cast %add3A_295 : i32 to index
        %get3A_300 = tpu.vector_load %arg5[%get3A_297, %get3A_298, %get3A_299] {strides = array<i32>} : memref<192x2x128xf32, #tpu.memory_space<vmem>>, vector<1x1x16xf32>,
        %get3A_301 = vector.shape_cast %get3A_300 : vector<1x1x16xf32> to vector<16xf32>
        %max3A_302 = arith.maximumf %max3A_278, %get3A_293 : vector<16xf32>
        %min3A_303 = arith.minimumf %max3A_278, %get3A_293 : vector<16xf32>
        %max3A_304 = arith.maximumf %max3A_280, %min3A_303 : vector<16xf32>
        %max3A_305 = arith.maximumf %max3A_281, %get3A_301 : vector<16xf32>
        %min3A_306 = arith.minimumf %max3A_281, %get3A_301 : vector<16xf32>
        %max3A_307 = arith.maximumf %max3A_283, %min3A_306 : vector<16xf32>
        %mul3A_308 = arith.constant 16 : i32
        %mul3A_309 = arith.muli %scan3A_138, %mul3A_308 : i32
        %add3A_310 = arith.constant 7 : i32
        %add3A_311 = arith.addi %mul3A_309, %add3A_310 : i32
        %get3A_312 = arith.constant 0 : i32
        %get3A_313 = arith.index_cast %add3A_311 : i32 to index
        %get3A_314 = arith.index_cast %get3A_312 : i32 to index
        %get3A_315 = arith.index_cast %mul3A_105 : i32 to index
        %get3A_316 = tpu.vector_load %arg5[%get3A_313, %get3A_314, %get3A_315] {strides = array<i32>} : memref<192x2x128xf32, #tpu.memory_space<vmem>>, vector<1x1x16xf32>,
        %get3A_317 = vector.shape_cast %get3A_316 : vector<1x1x16xf32> to vector<16xf32>
        %add3A_318 = arith.constant 16 : i32
        %add3A_319 = arith.addi %mul3A_105, %add3A_318 : i32
        %get3A_320 = arith.constant 0 : i32
        %get3A_321 = arith.index_cast %add3A_311 : i32 to index
        %get3A_322 = arith.index_cast %get3A_320 : i32 to index
        %get3A_323 = arith.index_cast %add3A_319 : i32 to index
        %get3A_324 = tpu.vector_load %arg5[%get3A_321, %get3A_322, %get3A_323] {strides = array<i32>} : memref<192x2x128xf32, #tpu.memory_space<vmem>>, vector<1x1x16xf32>,
        %get3A_325 = vector.shape_cast %get3A_324 : vector<1x1x16xf32> to vector<16xf32>
        %max3A_326 = arith.maximumf %max3A_302, %get3A_317 : vector<16xf32>
        %min3A_327 = arith.minimumf %max3A_302, %get3A_317 : vector<16xf32>
        %max3A_328 = arith.maximumf %max3A_304, %min3A_327 : vector<16xf32>
        %max3A_329 = arith.maximumf %max3A_305, %get3A_325 : vector<16xf32>
        %min3A_330 = arith.minimumf %max3A_305, %get3A_325 : vector<16xf32>
        %max3A_331 = arith.maximumf %max3A_307, %min3A_330 : vector<16xf32>
        %mul3A_332 = arith.constant 16 : i32
        %mul3A_333 = arith.muli %scan3A_138, %mul3A_332 : i32
        %add3A_334 = arith.constant 8 : i32
        %add3A_335 = arith.addi %mul3A_333, %add3A_334 : i32
        %get3A_336 = arith.constant 0 : i32
        %get3A_337 = arith.index_cast %add3A_335 : i32 to index
        %get3A_338 = arith.index_cast %get3A_336 : i32 to index
        %get3A_339 = arith.index_cast %mul3A_105 : i32 to index
        %get3A_340 = tpu.vector_load %arg5[%get3A_337, %get3A_338, %get3A_339] {strides = array<i32>} : memref<192x2x128xf32, #tpu.memory_space<vmem>>, vector<1x1x16xf32>,
        %get3A_341 = vector.shape_cast %get3A_340 : vector<1x1x16xf32> to vector<16xf32>
        %add3A_342 = arith.constant 16 : i32
        %add3A_343 = arith.addi %mul3A_105, %add3A_342 : i32
        %get3A_344 = arith.constant 0 : i32
        %get3A_345 = arith.index_cast %add3A_335 : i32 to index
        %get3A_346 = arith.index_cast %get3A_344 : i32 to index
        %get3A_347 = arith.index_cast %add3A_343 : i32 to index
        %get3A_348 = tpu.vector_load %arg5[%get3A_345, %get3A_346, %get3A_347] {strides = array<i32>} : memref<192x2x128xf32, #tpu.memory_space<vmem>>, vector<1x1x16xf32>,
        %get3A_349 = vector.shape_cast %get3A_348 : vector<1x1x16xf32> to vector<16xf32>
        %max3A_350 = arith.maximumf %max3A_326, %get3A_341 : vector<16xf32>
        %min3A_351 = arith.minimumf %max3A_326, %get3A_341 : vector<16xf32>
        %max3A_352 = arith.maximumf %max3A_328, %min3A_351 : vector<16xf32>
        %max3A_353 = arith.maximumf %max3A_329, %get3A_349 : vector<16xf32>
        %min3A_354 = arith.minimumf %max3A_329, %get3A_349 : vector<16xf32>
        %max3A_355 = arith.maximumf %max3A_331, %min3A_354 : vector<16xf32>
        %mul3A_356 = arith.constant 16 : i32
        %mul3A_357 = arith.muli %scan3A_138, %mul3A_356 : i32
        %add3A_358 = arith.constant 9 : i32
        %add3A_359 = arith.addi %mul3A_357, %add3A_358 : i32
        %get3A_360 = arith.constant 0 : i32
        %get3A_361 = arith.index_cast %add3A_359 : i32 to index
        %get3A_362 = arith.index_cast %get3A_360 : i32 to index
        %get3A_363 = arith.index_cast %mul3A_105 : i32 to index
        %get3A_364 = tpu.vector_load %arg5[%get3A_361, %get3A_362, %get3A_363] {strides = array<i32>} : memref<192x2x128xf32, #tpu.memory_space<vmem>>, vector<1x1x16xf32>,
        %get3A_365 = vector.shape_cast %get3A_364 : vector<1x1x16xf32> to vector<16xf32>
        %add3A_366 = arith.constant 16 : i32
        %add3A_367 = arith.addi %mul3A_105, %add3A_366 : i32
        %get3A_368 = arith.constant 0 : i32
        %get3A_369 = arith.index_cast %add3A_359 : i32 to index
        %get3A_370 = arith.index_cast %get3A_368 : i32 to index
        %get3A_371 = arith.index_cast %add3A_367 : i32 to index
        %get3A_372 = tpu.vector_load %arg5[%get3A_369, %get3A_370, %get3A_371] {strides = array<i32>} : memref<192x2x128xf32, #tpu.memory_space<vmem>>, vector<1x1x16xf32>,
        %get3A_373 = vector.shape_cast %get3A_372 : vector<1x1x16xf32> to vector<16xf32>
        %max3A_374 = arith.maximumf %max3A_350, %get3A_365 : vector<16xf32>
        %min3A_375 = arith.minimumf %max3A_350, %get3A_365 : vector<16xf32>
        %max3A_376 = arith.maximumf %max3A_352, %min3A_375 : vector<16xf32>
        %max3A_377 = arith.maximumf %max3A_353, %get3A_373 : vector<16xf32>
        %min3A_378 = arith.minimumf %max3A_353, %get3A_373 : vector<16xf32>
        %max3A_379 = arith.maximumf %max3A_355, %min3A_378 : vector<16xf32>
        %mul3A_380 = arith.constant 16 : i32
        %mul3A_381 = arith.muli %scan3A_138, %mul3A_380 : i32
        %add3A_382 = arith.constant 10 : i32
        %add3A_383 = arith.addi %mul3A_381, %add3A_382 : i32
        %get3A_384 = arith.constant 0 : i32
        %get3A_385 = arith.index_cast %add3A_383 : i32 to index
        %get3A_386 = arith.index_cast %get3A_384 : i32 to index
        %get3A_387 = arith.index_cast %mul3A_105 : i32 to index
        %get3A_388 = tpu.vector_load %arg5[%get3A_385, %get3A_386, %get3A_387] {strides = array<i32>} : memref<192x2x128xf32, #tpu.memory_space<vmem>>, vector<1x1x16xf32>,
        %get3A_389 = vector.shape_cast %get3A_388 : vector<1x1x16xf32> to vector<16xf32>
        %add3A_390 = arith.constant 16 : i32
        %add3A_391 = arith.addi %mul3A_105, %add3A_390 : i32
        %get3A_392 = arith.constant 0 : i32
        %get3A_393 = arith.index_cast %add3A_383 : i32 to index
        %get3A_394 = arith.index_cast %get3A_392 : i32 to index
        %get3A_395 = arith.index_cast %add3A_391 : i32 to index
        %get3A_396 = tpu.vector_load %arg5[%get3A_393, %get3A_394, %get3A_395] {strides = array<i32>} : memref<192x2x128xf32, #tpu.memory_space<vmem>>, vector<1x1x16xf32>,
        %get3A_397 = vector.shape_cast %get3A_396 : vector<1x1x16xf32> to vector<16xf32>
        %max3A_398 = arith.maximumf %max3A_374, %get3A_389 : vector<16xf32>
        %min3A_399 = arith.minimumf %max3A_374, %get3A_389 : vector<16xf32>
        %max3A_400 = arith.maximumf %max3A_376, %min3A_399 : vector<16xf32>
        %max3A_401 = arith.maximumf %max3A_377, %get3A_397 : vector<16xf32>
        %min3A_402 = arith.minimumf %max3A_377, %get3A_397 : vector<16xf32>
        %max3A_403 = arith.maximumf %max3A_379, %min3A_402 : vector<16xf32>
        %mul3A_404 = arith.constant 16 : i32
        %mul3A_405 = arith.muli %scan3A_138, %mul3A_404 : i32
        %add3A_406 = arith.constant 11 : i32
        %add3A_407 = arith.addi %mul3A_405, %add3A_406 : i32
        %get3A_408 = arith.constant 0 : i32
        %get3A_409 = arith.index_cast %add3A_407 : i32 to index
        %get3A_410 = arith.index_cast %get3A_408 : i32 to index
        %get3A_411 = arith.index_cast %mul3A_105 : i32 to index
        %get3A_412 = tpu.vector_load %arg5[%get3A_409, %get3A_410, %get3A_411] {strides = array<i32>} : memref<192x2x128xf32, #tpu.memory_space<vmem>>, vector<1x1x16xf32>,
        %get3A_413 = vector.shape_cast %get3A_412 : vector<1x1x16xf32> to vector<16xf32>
        %add3A_414 = arith.constant 16 : i32
        %add3A_415 = arith.addi %mul3A_105, %add3A_414 : i32
        %get3A_416 = arith.constant 0 : i32
        %get3A_417 = arith.index_cast %add3A_407 : i32 to index
        %get3A_418 = arith.index_cast %get3A_416 : i32 to index
        %get3A_419 = arith.index_cast %add3A_415 : i32 to index
        %get3A_420 = tpu.vector_load %arg5[%get3A_417, %get3A_418, %get3A_419] {strides = array<i32>} : memref<192x2x128xf32, #tpu.memory_space<vmem>>, vector<1x1x16xf32>,
        %get3A_421 = vector.shape_cast %get3A_420 : vector<1x1x16xf32> to vector<16xf32>
        %max3A_422 = arith.maximumf %max3A_398, %get3A_413 : vector<16xf32>
        %min3A_423 = arith.minimumf %max3A_398, %get3A_413 : vector<16xf32>
        %max3A_424 = arith.maximumf %max3A_400, %min3A_423 : vector<16xf32>
        %max3A_425 = arith.maximumf %max3A_401, %get3A_421 : vector<16xf32>
        %min3A_426 = arith.minimumf %max3A_401, %get3A_421 : vector<16xf32>
        %max3A_427 = arith.maximumf %max3A_403, %min3A_426 : vector<16xf32>
        %mul3A_428 = arith.constant 16 : i32
        %mul3A_429 = arith.muli %scan3A_138, %mul3A_428 : i32
        %add3A_430 = arith.constant 12 : i32
        %add3A_431 = arith.addi %mul3A_429, %add3A_430 : i32
        %get3A_432 = arith.constant 0 : i32
        %get3A_433 = arith.index_cast %add3A_431 : i32 to index
        %get3A_434 = arith.index_cast %get3A_432 : i32 to index
        %get3A_435 = arith.index_cast %mul3A_105 : i32 to index
        %get3A_436 = tpu.vector_load %arg5[%get3A_433, %get3A_434, %get3A_435] {strides = array<i32>} : memref<192x2x128xf32, #tpu.memory_space<vmem>>, vector<1x1x16xf32>,
        %get3A_437 = vector.shape_cast %get3A_436 : vector<1x1x16xf32> to vector<16xf32>
        %add3A_438 = arith.constant 16 : i32
        %add3A_439 = arith.addi %mul3A_105, %add3A_438 : i32
        %get3A_440 = arith.constant 0 : i32
        %get3A_441 = arith.index_cast %add3A_431 : i32 to index
        %get3A_442 = arith.index_cast %get3A_440 : i32 to index
        %get3A_443 = arith.index_cast %add3A_439 : i32 to index
        %get3A_444 = tpu.vector_load %arg5[%get3A_441, %get3A_442, %get3A_443] {strides = array<i32>} : memref<192x2x128xf32, #tpu.memory_space<vmem>>, vector<1x1x16xf32>,
        %get3A_445 = vector.shape_cast %get3A_444 : vector<1x1x16xf32> to vector<16xf32>
        %max3A_446 = arith.maximumf %max3A_422, %get3A_437 : vector<16xf32>
        %min3A_447 = arith.minimumf %max3A_422, %get3A_437 : vector<16xf32>
        %max3A_448 = arith.maximumf %max3A_424, %min3A_447 : vector<16xf32>
        %max3A_449 = arith.maximumf %max3A_425, %get3A_445 : vector<16xf32>
        %min3A_450 = arith.minimumf %max3A_425, %get3A_445 : vector<16xf32>
        %max3A_451 = arith.maximumf %max3A_427, %min3A_450 : vector<16xf32>
        %mul3A_452 = arith.constant 16 : i32
        %mul3A_453 = arith.muli %scan3A_138, %mul3A_452 : i32
        %add3A_454 = arith.constant 13 : i32
        %add3A_455 = arith.addi %mul3A_453, %add3A_454 : i32
        %get3A_456 = arith.constant 0 : i32
        %get3A_457 = arith.index_cast %add3A_455 : i32 to index
        %get3A_458 = arith.index_cast %get3A_456 : i32 to index
        %get3A_459 = arith.index_cast %mul3A_105 : i32 to index
        %get3A_460 = tpu.vector_load %arg5[%get3A_457, %get3A_458, %get3A_459] {strides = array<i32>} : memref<192x2x128xf32, #tpu.memory_space<vmem>>, vector<1x1x16xf32>,
        %get3A_461 = vector.shape_cast %get3A_460 : vector<1x1x16xf32> to vector<16xf32>
        %add3A_462 = arith.constant 16 : i32
        %add3A_463 = arith.addi %mul3A_105, %add3A_462 : i32
        %get3A_464 = arith.constant 0 : i32
        %get3A_465 = arith.index_cast %add3A_455 : i32 to index
        %get3A_466 = arith.index_cast %get3A_464 : i32 to index
        %get3A_467 = arith.index_cast %add3A_463 : i32 to index
        %get3A_468 = tpu.vector_load %arg5[%get3A_465, %get3A_466, %get3A_467] {strides = array<i32>} : memref<192x2x128xf32, #tpu.memory_space<vmem>>, vector<1x1x16xf32>,
        %get3A_469 = vector.shape_cast %get3A_468 : vector<1x1x16xf32> to vector<16xf32>
        %max3A_470 = arith.maximumf %max3A_446, %get3A_461 : vector<16xf32>
        %min3A_471 = arith.minimumf %max3A_446, %get3A_461 : vector<16xf32>
        %max3A_472 = arith.maximumf %max3A_448, %min3A_471 : vector<16xf32>
        %max3A_473 = arith.maximumf %max3A_449, %get3A_469 : vector<16xf32>
        %min3A_474 = arith.minimumf %max3A_449, %get3A_469 : vector<16xf32>
        %max3A_475 = arith.maximumf %max3A_451, %min3A_474 : vector<16xf32>
        %mul3A_476 = arith.constant 16 : i32
        %mul3A_477 = arith.muli %scan3A_138, %mul3A_476 : i32
        %add3A_478 = arith.constant 14 : i32
        %add3A_479 = arith.addi %mul3A_477, %add3A_478 : i32
        %get3A_480 = arith.constant 0 : i32
        %get3A_481 = arith.index_cast %add3A_479 : i32 to index
        %get3A_482 = arith.index_cast %get3A_480 : i32 to index
        %get3A_483 = arith.index_cast %mul3A_105 : i32 to index
        %get3A_484 = tpu.vector_load %arg5[%get3A_481, %get3A_482, %get3A_483] {strides = array<i32>} : memref<192x2x128xf32, #tpu.memory_space<vmem>>, vector<1x1x16xf32>,
        %get3A_485 = vector.shape_cast %get3A_484 : vector<1x1x16xf32> to vector<16xf32>
        %add3A_486 = arith.constant 16 : i32
        %add3A_487 = arith.addi %mul3A_105, %add3A_486 : i32
        %get3A_488 = arith.constant 0 : i32
        %get3A_489 = arith.index_cast %add3A_479 : i32 to index
        %get3A_490 = arith.index_cast %get3A_488 : i32 to index
        %get3A_491 = arith.index_cast %add3A_487 : i32 to index
        %get3A_492 = tpu.vector_load %arg5[%get3A_489, %get3A_490, %get3A_491] {strides = array<i32>} : memref<192x2x128xf32, #tpu.memory_space<vmem>>, vector<1x1x16xf32>,
        %get3A_493 = vector.shape_cast %get3A_492 : vector<1x1x16xf32> to vector<16xf32>
        %max3A_494 = arith.maximumf %max3A_470, %get3A_485 : vector<16xf32>
        %min3A_495 = arith.minimumf %max3A_470, %get3A_485 : vector<16xf32>
        %max3A_496 = arith.maximumf %max3A_472, %min3A_495 : vector<16xf32>
        %max3A_497 = arith.maximumf %max3A_473, %get3A_493 : vector<16xf32>
        %min3A_498 = arith.minimumf %max3A_473, %get3A_493 : vector<16xf32>
        %max3A_499 = arith.maximumf %max3A_475, %min3A_498 : vector<16xf32>
        %mul3A_500 = arith.constant 16 : i32
        %mul3A_501 = arith.muli %scan3A_138, %mul3A_500 : i32
        %add3A_502 = arith.constant 15 : i32
        %add3A_503 = arith.addi %mul3A_501, %add3A_502 : i32
        %get3A_504 = arith.constant 0 : i32
        %get3A_505 = arith.index_cast %add3A_503 : i32 to index
        %get3A_506 = arith.index_cast %get3A_504 : i32 to index
        %get3A_507 = arith.index_cast %mul3A_105 : i32 to index
        %get3A_508 = tpu.vector_load %arg5[%get3A_505, %get3A_506, %get3A_507] {strides = array<i32>} : memref<192x2x128xf32, #tpu.memory_space<vmem>>, vector<1x1x16xf32>,
        %get3A_509 = vector.shape_cast %get3A_508 : vector<1x1x16xf32> to vector<16xf32>
        %add3A_510 = arith.constant 16 : i32
        %add3A_511 = arith.addi %mul3A_105, %add3A_510 : i32
        %get3A_512 = arith.constant 0 : i32
        %get3A_513 = arith.index_cast %add3A_503 : i32 to index
        %get3A_514 = arith.index_cast %get3A_512 : i32 to index
        %get3A_515 = arith.index_cast %add3A_511 : i32 to index
        %get3A_516 = tpu.vector_load %arg5[%get3A_513, %get3A_514, %get3A_515] {strides = array<i32>} : memref<192x2x128xf32, #tpu.memory_space<vmem>>, vector<1x1x16xf32>,
        %get3A_517 = vector.shape_cast %get3A_516 : vector<1x1x16xf32> to vector<16xf32>
        %max3A_518 = arith.maximumf %max3A_494, %get3A_509 : vector<16xf32>
        %min3A_519 = arith.minimumf %max3A_494, %get3A_509 : vector<16xf32>
        %max3A_520 = arith.maximumf %max3A_496, %min3A_519 : vector<16xf32>
        %max3A_521 = arith.maximumf %max3A_497, %get3A_517 : vector<16xf32>
        %min3A_522 = arith.minimumf %max3A_497, %get3A_517 : vector<16xf32>
        %max3A_523 = arith.maximumf %max3A_499, %min3A_522 : vector<16xf32>
        scf.yield %max3A_518, %max3A_520, %max3A_521, %max3A_523 : vector<16xf32>, vector<16xf32>, vector<16xf32>, vector<16xf32>
      }
      %scan3A_112 = arith.constant 12 : i32
      %sub3A_113 = arith.subf %scan3A_111#0, %scan3A_111#1 : vector<16xf32>
      %exp3A = math.exp %sub3A_113 : vector<16xf32>
      %sub3A_114 = arith.constant 1.000000e+00 : f32
      %sub3A_115 = vector.broadcast %sub3A_114 : f32 to vector<16xf32>
      %sub3A_116 = arith.subf %sub3A_115, %exp3A : vector<16xf32>
      %exp3A_117 = math.exp %sub3A_116 : vector<16xf32>
      %swap3A = arith.constant 2 : i32
      %swap3A_118 = arith.index_cast %swap3A : i32 to index
      %swap3A_119 = arith.index_cast %mul3A_105 : i32 to index
      %swap3A_120 = tpu.vector_load %arg6[%swap3A_118, %swap3A_119] {strides = array<i32>} : memref<4x128xf32, #tpu.memory_space<vmem>>, vector<1x16xf32>,
      %swap3A_121 = vector.shape_cast %swap3A_120 : vector<1x16xf32> to vector<16xf32>
      %swap3A_122 = vector.shape_cast %exp3A_117 : vector<16xf32> to vector<1x16xf32>
      tpu.vector_store %arg6[%swap3A_118, %swap3A_119], %swap3A_122 {strides = array<i32>} : memref<4x128xf32, #tpu.memory_space<vmem>>, vector<1x16xf32>,
      %sub3A_123 = arith.subf %scan3A_111#2, %scan3A_111#3 : vector<16xf32>
      %exp3A_124 = math.exp %sub3A_123 : vector<16xf32>
      %sub3A_125 = arith.constant 1.000000e+00 : f32
      %sub3A_126 = vector.broadcast %sub3A_125 : f32 to vector<16xf32>
      %sub3A_127 = arith.subf %sub3A_126, %exp3A_124 : vector<16xf32>
      %exp3A_128 = math.exp %sub3A_127 : vector<16xf32>
      %add3A_129 = arith.constant 16 : i32
      %add3A_130 = arith.addi %mul3A_105, %add3A_129 : i32
      %swap3A_131 = arith.constant 2 : i32
      %swap3A_132 = arith.index_cast %swap3A_131 : i32 to index
      %swap3A_133 = arith.index_cast %add3A_130 : i32 to index
      %swap3A_134 = tpu.vector_load %arg6[%swap3A_132, %swap3A_133] {strides = array<i32>} : memref<4x128xf32, #tpu.memory_space<vmem>>, vector<1x16xf32>,
      %swap3A_135 = vector.shape_cast %swap3A_134 : vector<1x16xf32> to vector<16xf32>
      %swap3A_136 = vector.shape_cast %exp3A_128 : vector<16xf32> to vector<1x16xf32>
      tpu.vector_store %arg6[%swap3A_132, %swap3A_133], %swap3A_136 {strides = array<i32>} : memref<4x128xf32, #tpu.memory_space<vmem>>, vector<1x16xf32>,
      %scan3A_137 = arith.constant 0 : i32
      scf.yield %scan3A_137 : i32
    }
    %scan3A_92 = arith.constant 4 : i32
    %scan3A_93 = arith.constant 0 : i32
    %scan3A_94 = arith.constant 0 : i32
    %scan3A_95 = arith.constant 4 : i32
    %scan3A_96 = arith.addi %scan3A_94, %scan3A_95 : i32
    %scan3A_97 = arith.constant 1 : i32
    %scan3A_98 = scf.for %scan3A_102 = %scan3A_94 to %scan3A_96 step %scan3A_97 iter_args(%scan3A_103 = %scan3A_93) -> (i32)  : i32 {
      %mul3A_104 = arith.constant 32 : i32
      %mul3A_105 = arith.muli %scan3A_102, %mul3A_104 : i32
      %broadcast_in_dim3A = arith.constant 0xFF800000 : f32
      %broadcast_in_dim3A_106 = vector.broadcast %broadcast_in_dim3A : f32 to vector<16xf32>
      %scan3A_107 = arith.constant 0 : i32
      %scan3A_108 = arith.constant 12 : i32
      %scan3A_109 = arith.addi %scan3A_107, %scan3A_108 : i32
      %scan3A_110 = arith.constant 1 : i32
      %scan3A_111:4 = scf.for %scan3A_138 = %scan3A_107 to %scan3A_109 step %scan3A_110 iter_args(%scan3A_139 = %broadcast_in_dim3A_106, %scan3A_140 = %broadcast_in_dim3A_106, %scan3A_141 = %broadcast_in_dim3A_106, %scan3A_142 = %broadcast_in_dim3A_106) -> (vector<16xf32>, vector<16xf32>, vector<16xf32>, vector<16xf32>)  : i32 {
        %mul3A_143 = arith.constant 16 : i32
        %mul3A_144 = arith.muli %scan3A_138, %mul3A_143 : i32
        %add3A_145 = arith.constant 0 : i32
        %add3A_146 = arith.addi %mul3A_144, %add3A_145 : i32
        %get3A = arith.constant 1 : i32
        %get3A_147 = arith.index_cast %add3A_146 : i32 to index
        %get3A_148 = arith.index_cast %get3A : i32 to index
        %get3A_149 = arith.index_cast %mul3A_105 : i32 to index
        %get3A_150 = tpu.vector_load %arg5[%get3A_147, %get3A_148, %get3A_149] {strides = array<i32>} : memref<192x2x128xf32, #tpu.memory_space<vmem>>, vector<1x1x16xf32>,
        %get3A_151 = vector.shape_cast %get3A_150 : vector<1x1x16xf32> to vector<16xf32>
        %add3A_152 = arith.constant 16 : i32
        %add3A_153 = arith.addi %mul3A_105, %add3A_152 : i32
        %get3A_154 = arith.constant 1 : i32
        %get3A_155 = arith.index_cast %add3A_146 : i32 to index
        %get3A_156 = arith.index_cast %get3A_154 : i32 to index
        %get3A_157 = arith.index_cast %add3A_153 : i32 to index
        %get3A_158 = tpu.vector_load %arg5[%get3A_155, %get3A_156, %get3A_157] {strides = array<i32>} : memref<192x2x128xf32, #tpu.memory_space<vmem>>, vector<1x1x16xf32>,
        %get3A_159 = vector.shape_cast %get3A_158 : vector<1x1x16xf32> to vector<16xf32>
        %max3A = arith.maximumf %scan3A_139, %get3A_151 : vector<16xf32>
        %min3A = arith.minimumf %scan3A_139, %get3A_151 : vector<16xf32>
        %max3A_160 = arith.maximumf %scan3A_140, %min3A : vector<16xf32>
        %max3A_161 = arith.maximumf %scan3A_141, %get3A_159 : vector<16xf32>
        %min3A_162 = arith.minimumf %scan3A_141, %get3A_159 : vector<16xf32>
        %max3A_163 = arith.maximumf %scan3A_142, %min3A_162 : vector<16xf32>
        %mul3A_164 = arith.constant 16 : i32
        %mul3A_165 = arith.muli %scan3A_138, %mul3A_164 : i32
        %add3A_166 = arith.constant 1 : i32
        %add3A_167 = arith.addi %mul3A_165, %add3A_166 : i32
        %get3A_168 = arith.constant 1 : i32
        %get3A_169 = arith.index_cast %add3A_167 : i32 to index
        %get3A_170 = arith.index_cast %get3A_168 : i32 to index
        %get3A_171 = arith.index_cast %mul3A_105 : i32 to index
        %get3A_172 = tpu.vector_load %arg5[%get3A_169, %get3A_170, %get3A_171] {strides = array<i32>} : memref<192x2x128xf32, #tpu.memory_space<vmem>>, vector<1x1x16xf32>,
        %get3A_173 = vector.shape_cast %get3A_172 : vector<1x1x16xf32> to vector<16xf32>
        %add3A_174 = arith.constant 16 : i32
        %add3A_175 = arith.addi %mul3A_105, %add3A_174 : i32
        %get3A_176 = arith.constant 1 : i32
        %get3A_177 = arith.index_cast %add3A_167 : i32 to index
        %get3A_178 = arith.index_cast %get3A_176 : i32 to index
        %get3A_179 = arith.index_cast %add3A_175 : i32 to index
        %get3A_180 = tpu.vector_load %arg5[%get3A_177, %get3A_178, %get3A_179] {strides = array<i32>} : memref<192x2x128xf32, #tpu.memory_space<vmem>>, vector<1x1x16xf32>,
        %get3A_181 = vector.shape_cast %get3A_180 : vector<1x1x16xf32> to vector<16xf32>
        %max3A_182 = arith.maximumf %max3A, %get3A_173 : vector<16xf32>
        %min3A_183 = arith.minimumf %max3A, %get3A_173 : vector<16xf32>
        %max3A_184 = arith.maximumf %max3A_160, %min3A_183 : vector<16xf32>
        %max3A_185 = arith.maximumf %max3A_161, %get3A_181 : vector<16xf32>
        %min3A_186 = arith.minimumf %max3A_161, %get3A_181 : vector<16xf32>
        %max3A_187 = arith.maximumf %max3A_163, %min3A_186 : vector<16xf32>
        %mul3A_188 = arith.constant 16 : i32
        %mul3A_189 = arith.muli %scan3A_138, %mul3A_188 : i32
        %add3A_190 = arith.constant 2 : i32
        %add3A_191 = arith.addi %mul3A_189, %add3A_190 : i32
        %get3A_192 = arith.constant 1 : i32
        %get3A_193 = arith.index_cast %add3A_191 : i32 to index
        %get3A_194 = arith.index_cast %get3A_192 : i32 to index
        %get3A_195 = arith.index_cast %mul3A_105 : i32 to index
        %get3A_196 = tpu.vector_load %arg5[%get3A_193, %get3A_194, %get3A_195] {strides = array<i32>} : memref<192x2x128xf32, #tpu.memory_space<vmem>>, vector<1x1x16xf32>,
        %get3A_197 = vector.shape_cast %get3A_196 : vector<1x1x16xf32> to vector<16xf32>
        %add3A_198 = arith.constant 16 : i32
        %add3A_199 = arith.addi %mul3A_105, %add3A_198 : i32
        %get3A_200 = arith.constant 1 : i32
        %get3A_201 = arith.index_cast %add3A_191 : i32 to index
        %get3A_202 = arith.index_cast %get3A_200 : i32 to index
        %get3A_203 = arith.index_cast %add3A_199 : i32 to index
        %get3A_204 = tpu.vector_load %arg5[%get3A_201, %get3A_202, %get3A_203] {strides = array<i32>} : memref<192x2x128xf32, #tpu.memory_space<vmem>>, vector<1x1x16xf32>,
        %get3A_205 = vector.shape_cast %get3A_204 : vector<1x1x16xf32> to vector<16xf32>
        %max3A_206 = arith.maximumf %max3A_182, %get3A_197 : vector<16xf32>
        %min3A_207 = arith.minimumf %max3A_182, %get3A_197 : vector<16xf32>
        %max3A_208 = arith.maximumf %max3A_184, %min3A_207 : vector<16xf32>
        %max3A_209 = arith.maximumf %max3A_185, %get3A_205 : vector<16xf32>
        %min3A_210 = arith.minimumf %max3A_185, %get3A_205 : vector<16xf32>
        %max3A_211 = arith.maximumf %max3A_187, %min3A_210 : vector<16xf32>
        %mul3A_212 = arith.constant 16 : i32
        %mul3A_213 = arith.muli %scan3A_138, %mul3A_212 : i32
        %add3A_214 = arith.constant 3 : i32
        %add3A_215 = arith.addi %mul3A_213, %add3A_214 : i32
        %get3A_216 = arith.constant 1 : i32
        %get3A_217 = arith.index_cast %add3A_215 : i32 to index
        %get3A_218 = arith.index_cast %get3A_216 : i32 to index
        %get3A_219 = arith.index_cast %mul3A_105 : i32 to index
        %get3A_220 = tpu.vector_load %arg5[%get3A_217, %get3A_218, %get3A_219] {strides = array<i32>} : memref<192x2x128xf32, #tpu.memory_space<vmem>>, vector<1x1x16xf32>,
        %get3A_221 = vector.shape_cast %get3A_220 : vector<1x1x16xf32> to vector<16xf32>
        %add3A_222 = arith.constant 16 : i32
        %add3A_223 = arith.addi %mul3A_105, %add3A_222 : i32
        %get3A_224 = arith.constant 1 : i32
        %get3A_225 = arith.index_cast %add3A_215 : i32 to index
        %get3A_226 = arith.index_cast %get3A_224 : i32 to index
        %get3A_227 = arith.index_cast %add3A_223 : i32 to index
        %get3A_228 = tpu.vector_load %arg5[%get3A_225, %get3A_226, %get3A_227] {strides = array<i32>} : memref<192x2x128xf32, #tpu.memory_space<vmem>>, vector<1x1x16xf32>,
        %get3A_229 = vector.shape_cast %get3A_228 : vector<1x1x16xf32> to vector<16xf32>
        %max3A_230 = arith.maximumf %max3A_206, %get3A_221 : vector<16xf32>
        %min3A_231 = arith.minimumf %max3A_206, %get3A_221 : vector<16xf32>
        %max3A_232 = arith.maximumf %max3A_208, %min3A_231 : vector<16xf32>
        %max3A_233 = arith.maximumf %max3A_209, %get3A_229 : vector<16xf32>
        %min3A_234 = arith.minimumf %max3A_209, %get3A_229 : vector<16xf32>
        %max3A_235 = arith.maximumf %max3A_211, %min3A_234 : vector<16xf32>
        %mul3A_236 = arith.constant 16 : i32
        %mul3A_237 = arith.muli %scan3A_138, %mul3A_236 : i32
        %add3A_238 = arith.constant 4 : i32
        %add3A_239 = arith.addi %mul3A_237, %add3A_238 : i32
        %get3A_240 = arith.constant 1 : i32
        %get3A_241 = arith.index_cast %add3A_239 : i32 to index
        %get3A_242 = arith.index_cast %get3A_240 : i32 to index
        %get3A_243 = arith.index_cast %mul3A_105 : i32 to index
        %get3A_244 = tpu.vector_load %arg5[%get3A_241, %get3A_242, %get3A_243] {strides = array<i32>} : memref<192x2x128xf32, #tpu.memory_space<vmem>>, vector<1x1x16xf32>,
        %get3A_245 = vector.shape_cast %get3A_244 : vector<1x1x16xf32> to vector<16xf32>
        %add3A_246 = arith.constant 16 : i32
        %add3A_247 = arith.addi %mul3A_105, %add3A_246 : i32
        %get3A_248 = arith.constant 1 : i32
        %get3A_249 = arith.index_cast %add3A_239 : i32 to index
        %get3A_250 = arith.index_cast %get3A_248 : i32 to index
        %get3A_251 = arith.index_cast %add3A_247 : i32 to index
        %get3A_252 = tpu.vector_load %arg5[%get3A_249, %get3A_250, %get3A_251] {strides = array<i32>} : memref<192x2x128xf32, #tpu.memory_space<vmem>>, vector<1x1x16xf32>,
        %get3A_253 = vector.shape_cast %get3A_252 : vector<1x1x16xf32> to vector<16xf32>
        %max3A_254 = arith.maximumf %max3A_230, %get3A_245 : vector<16xf32>
        %min3A_255 = arith.minimumf %max3A_230, %get3A_245 : vector<16xf32>
        %max3A_256 = arith.maximumf %max3A_232, %min3A_255 : vector<16xf32>
        %max3A_257 = arith.maximumf %max3A_233, %get3A_253 : vector<16xf32>
        %min3A_258 = arith.minimumf %max3A_233, %get3A_253 : vector<16xf32>
        %max3A_259 = arith.maximumf %max3A_235, %min3A_258 : vector<16xf32>
        %mul3A_260 = arith.constant 16 : i32
        %mul3A_261 = arith.muli %scan3A_138, %mul3A_260 : i32
        %add3A_262 = arith.constant 5 : i32
        %add3A_263 = arith.addi %mul3A_261, %add3A_262 : i32
        %get3A_264 = arith.constant 1 : i32
        %get3A_265 = arith.index_cast %add3A_263 : i32 to index
        %get3A_266 = arith.index_cast %get3A_264 : i32 to index
        %get3A_267 = arith.index_cast %mul3A_105 : i32 to index
        %get3A_268 = tpu.vector_load %arg5[%get3A_265, %get3A_266, %get3A_267] {strides = array<i32>} : memref<192x2x128xf32, #tpu.memory_space<vmem>>, vector<1x1x16xf32>,
        %get3A_269 = vector.shape_cast %get3A_268 : vector<1x1x16xf32> to vector<16xf32>
        %add3A_270 = arith.constant 16 : i32
        %add3A_271 = arith.addi %mul3A_105, %add3A_270 : i32
        %get3A_272 = arith.constant 1 : i32
        %get3A_273 = arith.index_cast %add3A_263 : i32 to index
        %get3A_274 = arith.index_cast %get3A_272 : i32 to index
        %get3A_275 = arith.index_cast %add3A_271 : i32 to index
        %get3A_276 = tpu.vector_load %arg5[%get3A_273, %get3A_274, %get3A_275] {strides = array<i32>} : memref<192x2x128xf32, #tpu.memory_space<vmem>>, vector<1x1x16xf32>,
        %get3A_277 = vector.shape_cast %get3A_276 : vector<1x1x16xf32> to vector<16xf32>
        %max3A_278 = arith.maximumf %max3A_254, %get3A_269 : vector<16xf32>
        %min3A_279 = arith.minimumf %max3A_254, %get3A_269 : vector<16xf32>
        %max3A_280 = arith.maximumf %max3A_256, %min3A_279 : vector<16xf32>
        %max3A_281 = arith.maximumf %max3A_257, %get3A_277 : vector<16xf32>
        %min3A_282 = arith.minimumf %max3A_257, %get3A_277 : vector<16xf32>
        %max3A_283 = arith.maximumf %max3A_259, %min3A_282 : vector<16xf32>
        %mul3A_284 = arith.constant 16 : i32
        %mul3A_285 = arith.muli %scan3A_138, %mul3A_284 : i32
        %add3A_286 = arith.constant 6 : i32
        %add3A_287 = arith.addi %mul3A_285, %add3A_286 : i32
        %get3A_288 = arith.constant 1 : i32
        %get3A_289 = arith.index_cast %add3A_287 : i32 to index
        %get3A_290 = arith.index_cast %get3A_288 : i32 to index
        %get3A_291 = arith.index_cast %mul3A_105 : i32 to index
        %get3A_292 = tpu.vector_load %arg5[%get3A_289, %get3A_290, %get3A_291] {strides = array<i32>} : memref<192x2x128xf32, #tpu.memory_space<vmem>>, vector<1x1x16xf32>,
        %get3A_293 = vector.shape_cast %get3A_292 : vector<1x1x16xf32> to vector<16xf32>
        %add3A_294 = arith.constant 16 : i32
        %add3A_295 = arith.addi %mul3A_105, %add3A_294 : i32
        %get3A_296 = arith.constant 1 : i32
        %get3A_297 = arith.index_cast %add3A_287 : i32 to index
        %get3A_298 = arith.index_cast %get3A_296 : i32 to index
        %get3A_299 = arith.index_cast %add3A_295 : i32 to index
        %get3A_300 = tpu.vector_load %arg5[%get3A_297, %get3A_298, %get3A_299] {strides = array<i32>} : memref<192x2x128xf32, #tpu.memory_space<vmem>>, vector<1x1x16xf32>,
        %get3A_301 = vector.shape_cast %get3A_300 : vector<1x1x16xf32> to vector<16xf32>
        %max3A_302 = arith.maximumf %max3A_278, %get3A_293 : vector<16xf32>
        %min3A_303 = arith.minimumf %max3A_278, %get3A_293 : vector<16xf32>
        %max3A_304 = arith.maximumf %max3A_280, %min3A_303 : vector<16xf32>
        %max3A_305 = arith.maximumf %max3A_281, %get3A_301 : vector<16xf32>
        %min3A_306 = arith.minimumf %max3A_281, %get3A_301 : vector<16xf32>
        %max3A_307 = arith.maximumf %max3A_283, %min3A_306 : vector<16xf32>
        %mul3A_308 = arith.constant 16 : i32
        %mul3A_309 = arith.muli %scan3A_138, %mul3A_308 : i32
        %add3A_310 = arith.constant 7 : i32
        %add3A_311 = arith.addi %mul3A_309, %add3A_310 : i32
        %get3A_312 = arith.constant 1 : i32
        %get3A_313 = arith.index_cast %add3A_311 : i32 to index
        %get3A_314 = arith.index_cast %get3A_312 : i32 to index
        %get3A_315 = arith.index_cast %mul3A_105 : i32 to index
        %get3A_316 = tpu.vector_load %arg5[%get3A_313, %get3A_314, %get3A_315] {strides = array<i32>} : memref<192x2x128xf32, #tpu.memory_space<vmem>>, vector<1x1x16xf32>,
        %get3A_317 = vector.shape_cast %get3A_316 : vector<1x1x16xf32> to vector<16xf32>
        %add3A_318 = arith.constant 16 : i32
        %add3A_319 = arith.addi %mul3A_105, %add3A_318 : i32
        %get3A_320 = arith.constant 1 : i32
        %get3A_321 = arith.index_cast %add3A_311 : i32 to index
        %get3A_322 = arith.index_cast %get3A_320 : i32 to index
        %get3A_323 = arith.index_cast %add3A_319 : i32 to index
        %get3A_324 = tpu.vector_load %arg5[%get3A_321, %get3A_322, %get3A_323] {strides = array<i32>} : memref<192x2x128xf32, #tpu.memory_space<vmem>>, vector<1x1x16xf32>,
        %get3A_325 = vector.shape_cast %get3A_324 : vector<1x1x16xf32> to vector<16xf32>
        %max3A_326 = arith.maximumf %max3A_302, %get3A_317 : vector<16xf32>
        %min3A_327 = arith.minimumf %max3A_302, %get3A_317 : vector<16xf32>
        %max3A_328 = arith.maximumf %max3A_304, %min3A_327 : vector<16xf32>
        %max3A_329 = arith.maximumf %max3A_305, %get3A_325 : vector<16xf32>
        %min3A_330 = arith.minimumf %max3A_305, %get3A_325 : vector<16xf32>
        %max3A_331 = arith.maximumf %max3A_307, %min3A_330 : vector<16xf32>
        %mul3A_332 = arith.constant 16 : i32
        %mul3A_333 = arith.muli %scan3A_138, %mul3A_332 : i32
        %add3A_334 = arith.constant 8 : i32
        %add3A_335 = arith.addi %mul3A_333, %add3A_334 : i32
        %get3A_336 = arith.constant 1 : i32
        %get3A_337 = arith.index_cast %add3A_335 : i32 to index
        %get3A_338 = arith.index_cast %get3A_336 : i32 to index
        %get3A_339 = arith.index_cast %mul3A_105 : i32 to index
        %get3A_340 = tpu.vector_load %arg5[%get3A_337, %get3A_338, %get3A_339] {strides = array<i32>} : memref<192x2x128xf32, #tpu.memory_space<vmem>>, vector<1x1x16xf32>,
        %get3A_341 = vector.shape_cast %get3A_340 : vector<1x1x16xf32> to vector<16xf32>
        %add3A_342 = arith.constant 16 : i32
        %add3A_343 = arith.addi %mul3A_105, %add3A_342 : i32
        %get3A_344 = arith.constant 1 : i32
        %get3A_345 = arith.index_cast %add3A_335 : i32 to index
        %get3A_346 = arith.index_cast %get3A_344 : i32 to index
        %get3A_347 = arith.index_cast %add3A_343 : i32 to index
        %get3A_348 = tpu.vector_load %arg5[%get3A_345, %get3A_346, %get3A_347] {strides = array<i32>} : memref<192x2x128xf32, #tpu.memory_space<vmem>>, vector<1x1x16xf32>,
        %get3A_349 = vector.shape_cast %get3A_348 : vector<1x1x16xf32> to vector<16xf32>
        %max3A_350 = arith.maximumf %max3A_326, %get3A_341 : vector<16xf32>
        %min3A_351 = arith.minimumf %max3A_326, %get3A_341 : vector<16xf32>
        %max3A_352 = arith.maximumf %max3A_328, %min3A_351 : vector<16xf32>
        %max3A_353 = arith.maximumf %max3A_329, %get3A_349 : vector<16xf32>
        %min3A_354 = arith.minimumf %max3A_329, %get3A_349 : vector<16xf32>
        %max3A_355 = arith.maximumf %max3A_331, %min3A_354 : vector<16xf32>
        %mul3A_356 = arith.constant 16 : i32
        %mul3A_357 = arith.muli %scan3A_138, %mul3A_356 : i32
        %add3A_358 = arith.constant 9 : i32
        %add3A_359 = arith.addi %mul3A_357, %add3A_358 : i32
        %get3A_360 = arith.constant 1 : i32
        %get3A_361 = arith.index_cast %add3A_359 : i32 to index
        %get3A_362 = arith.index_cast %get3A_360 : i32 to index
        %get3A_363 = arith.index_cast %mul3A_105 : i32 to index
        %get3A_364 = tpu.vector_load %arg5[%get3A_361, %get3A_362, %get3A_363] {strides = array<i32>} : memref<192x2x128xf32, #tpu.memory_space<vmem>>, vector<1x1x16xf32>,
        %get3A_365 = vector.shape_cast %get3A_364 : vector<1x1x16xf32> to vector<16xf32>
        %add3A_366 = arith.constant 16 : i32
        %add3A_367 = arith.addi %mul3A_105, %add3A_366 : i32
        %get3A_368 = arith.constant 1 : i32
        %get3A_369 = arith.index_cast %add3A_359 : i32 to index
        %get3A_370 = arith.index_cast %get3A_368 : i32 to index
        %get3A_371 = arith.index_cast %add3A_367 : i32 to index
        %get3A_372 = tpu.vector_load %arg5[%get3A_369, %get3A_370, %get3A_371] {strides = array<i32>} : memref<192x2x128xf32, #tpu.memory_space<vmem>>, vector<1x1x16xf32>,
        %get3A_373 = vector.shape_cast %get3A_372 : vector<1x1x16xf32> to vector<16xf32>
        %max3A_374 = arith.maximumf %max3A_350, %get3A_365 : vector<16xf32>
        %min3A_375 = arith.minimumf %max3A_350, %get3A_365 : vector<16xf32>
        %max3A_376 = arith.maximumf %max3A_352, %min3A_375 : vector<16xf32>
        %max3A_377 = arith.maximumf %max3A_353, %get3A_373 : vector<16xf32>
        %min3A_378 = arith.minimumf %max3A_353, %get3A_373 : vector<16xf32>
        %max3A_379 = arith.maximumf %max3A_355, %min3A_378 : vector<16xf32>
        %mul3A_380 = arith.constant 16 : i32
        %mul3A_381 = arith.muli %scan3A_138, %mul3A_380 : i32
        %add3A_382 = arith.constant 10 : i32
        %add3A_383 = arith.addi %mul3A_381, %add3A_382 : i32
        %get3A_384 = arith.constant 1 : i32
        %get3A_385 = arith.index_cast %add3A_383 : i32 to index
        %get3A_386 = arith.index_cast %get3A_384 : i32 to index
        %get3A_387 = arith.index_cast %mul3A_105 : i32 to index
        %get3A_388 = tpu.vector_load %arg5[%get3A_385, %get3A_386, %get3A_387] {strides = array<i32>} : memref<192x2x128xf32, #tpu.memory_space<vmem>>, vector<1x1x16xf32>,
        %get3A_389 = vector.shape_cast %get3A_388 : vector<1x1x16xf32> to vector<16xf32>
        %add3A_390 = arith.constant 16 : i32
        %add3A_391 = arith.addi %mul3A_105, %add3A_390 : i32
        %get3A_392 = arith.constant 1 : i32
        %get3A_393 = arith.index_cast %add3A_383 : i32 to index
        %get3A_394 = arith.index_cast %get3A_392 : i32 to index
        %get3A_395 = arith.index_cast %add3A_391 : i32 to index
        %get3A_396 = tpu.vector_load %arg5[%get3A_393, %get3A_394, %get3A_395] {strides = array<i32>} : memref<192x2x128xf32, #tpu.memory_space<vmem>>, vector<1x1x16xf32>,
        %get3A_397 = vector.shape_cast %get3A_396 : vector<1x1x16xf32> to vector<16xf32>
        %max3A_398 = arith.maximumf %max3A_374, %get3A_389 : vector<16xf32>
        %min3A_399 = arith.minimumf %max3A_374, %get3A_389 : vector<16xf32>
        %max3A_400 = arith.maximumf %max3A_376, %min3A_399 : vector<16xf32>
        %max3A_401 = arith.maximumf %max3A_377, %get3A_397 : vector<16xf32>
        %min3A_402 = arith.minimumf %max3A_377, %get3A_397 : vector<16xf32>
        %max3A_403 = arith.maximumf %max3A_379, %min3A_402 : vector<16xf32>
        %mul3A_404 = arith.constant 16 : i32
        %mul3A_405 = arith.muli %scan3A_138, %mul3A_404 : i32
        %add3A_406 = arith.constant 11 : i32
        %add3A_407 = arith.addi %mul3A_405, %add3A_406 : i32
        %get3A_408 = arith.constant 1 : i32
        %get3A_409 = arith.index_cast %add3A_407 : i32 to index
        %get3A_410 = arith.index_cast %get3A_408 : i32 to index
        %get3A_411 = arith.index_cast %mul3A_105 : i32 to index
        %get3A_412 = tpu.vector_load %arg5[%get3A_409, %get3A_410, %get3A_411] {strides = array<i32>} : memref<192x2x128xf32, #tpu.memory_space<vmem>>, vector<1x1x16xf32>,
        %get3A_413 = vector.shape_cast %get3A_412 : vector<1x1x16xf32> to vector<16xf32>
        %add3A_414 = arith.constant 16 : i32
        %add3A_415 = arith.addi %mul3A_105, %add3A_414 : i32
        %get3A_416 = arith.constant 1 : i32
        %get3A_417 = arith.index_cast %add3A_407 : i32 to index
        %get3A_418 = arith.index_cast %get3A_416 : i32 to index
        %get3A_419 = arith.index_cast %add3A_415 : i32 to index
        %get3A_420 = tpu.vector_load %arg5[%get3A_417, %get3A_418, %get3A_419] {strides = array<i32>} : memref<192x2x128xf32, #tpu.memory_space<vmem>>, vector<1x1x16xf32>,
        %get3A_421 = vector.shape_cast %get3A_420 : vector<1x1x16xf32> to vector<16xf32>
        %max3A_422 = arith.maximumf %max3A_398, %get3A_413 : vector<16xf32>
        %min3A_423 = arith.minimumf %max3A_398, %get3A_413 : vector<16xf32>
        %max3A_424 = arith.maximumf %max3A_400, %min3A_423 : vector<16xf32>
        %max3A_425 = arith.maximumf %max3A_401, %get3A_421 : vector<16xf32>
        %min3A_426 = arith.minimumf %max3A_401, %get3A_421 : vector<16xf32>
        %max3A_427 = arith.maximumf %max3A_403, %min3A_426 : vector<16xf32>
        %mul3A_428 = arith.constant 16 : i32
        %mul3A_429 = arith.muli %scan3A_138, %mul3A_428 : i32
        %add3A_430 = arith.constant 12 : i32
        %add3A_431 = arith.addi %mul3A_429, %add3A_430 : i32
        %get3A_432 = arith.constant 1 : i32
        %get3A_433 = arith.index_cast %add3A_431 : i32 to index
        %get3A_434 = arith.index_cast %get3A_432 : i32 to index
        %get3A_435 = arith.index_cast %mul3A_105 : i32 to index
        %get3A_436 = tpu.vector_load %arg5[%get3A_433, %get3A_434, %get3A_435] {strides = array<i32>} : memref<192x2x128xf32, #tpu.memory_space<vmem>>, vector<1x1x16xf32>,
        %get3A_437 = vector.shape_cast %get3A_436 : vector<1x1x16xf32> to vector<16xf32>
        %add3A_438 = arith.constant 16 : i32
        %add3A_439 = arith.addi %mul3A_105, %add3A_438 : i32
        %get3A_440 = arith.constant 1 : i32
        %get3A_441 = arith.index_cast %add3A_431 : i32 to index
        %get3A_442 = arith.index_cast %get3A_440 : i32 to index
        %get3A_443 = arith.index_cast %add3A_439 : i32 to index
        %get3A_444 = tpu.vector_load %arg5[%get3A_441, %get3A_442, %get3A_443] {strides = array<i32>} : memref<192x2x128xf32, #tpu.memory_space<vmem>>, vector<1x1x16xf32>,
        %get3A_445 = vector.shape_cast %get3A_444 : vector<1x1x16xf32> to vector<16xf32>
        %max3A_446 = arith.maximumf %max3A_422, %get3A_437 : vector<16xf32>
        %min3A_447 = arith.minimumf %max3A_422, %get3A_437 : vector<16xf32>
        %max3A_448 = arith.maximumf %max3A_424, %min3A_447 : vector<16xf32>
        %max3A_449 = arith.maximumf %max3A_425, %get3A_445 : vector<16xf32>
        %min3A_450 = arith.minimumf %max3A_425, %get3A_445 : vector<16xf32>
        %max3A_451 = arith.maximumf %max3A_427, %min3A_450 : vector<16xf32>
        %mul3A_452 = arith.constant 16 : i32
        %mul3A_453 = arith.muli %scan3A_138, %mul3A_452 : i32
        %add3A_454 = arith.constant 13 : i32
        %add3A_455 = arith.addi %mul3A_453, %add3A_454 : i32
        %get3A_456 = arith.constant 1 : i32
        %get3A_457 = arith.index_cast %add3A_455 : i32 to index
        %get3A_458 = arith.index_cast %get3A_456 : i32 to index
        %get3A_459 = arith.index_cast %mul3A_105 : i32 to index
        %get3A_460 = tpu.vector_load %arg5[%get3A_457, %get3A_458, %get3A_459] {strides = array<i32>} : memref<192x2x128xf32, #tpu.memory_space<vmem>>, vector<1x1x16xf32>,
        %get3A_461 = vector.shape_cast %get3A_460 : vector<1x1x16xf32> to vector<16xf32>
        %add3A_462 = arith.constant 16 : i32
        %add3A_463 = arith.addi %mul3A_105, %add3A_462 : i32
        %get3A_464 = arith.constant 1 : i32
        %get3A_465 = arith.index_cast %add3A_455 : i32 to index
        %get3A_466 = arith.index_cast %get3A_464 : i32 to index
        %get3A_467 = arith.index_cast %add3A_463 : i32 to index
        %get3A_468 = tpu.vector_load %arg5[%get3A_465, %get3A_466, %get3A_467] {strides = array<i32>} : memref<192x2x128xf32, #tpu.memory_space<vmem>>, vector<1x1x16xf32>,
        %get3A_469 = vector.shape_cast %get3A_468 : vector<1x1x16xf32> to vector<16xf32>
        %max3A_470 = arith.maximumf %max3A_446, %get3A_461 : vector<16xf32>
        %min3A_471 = arith.minimumf %max3A_446, %get3A_461 : vector<16xf32>
        %max3A_472 = arith.maximumf %max3A_448, %min3A_471 : vector<16xf32>
        %max3A_473 = arith.maximumf %max3A_449, %get3A_469 : vector<16xf32>
        %min3A_474 = arith.minimumf %max3A_449, %get3A_469 : vector<16xf32>
        %max3A_475 = arith.maximumf %max3A_451, %min3A_474 : vector<16xf32>
        %mul3A_476 = arith.constant 16 : i32
        %mul3A_477 = arith.muli %scan3A_138, %mul3A_476 : i32
        %add3A_478 = arith.constant 14 : i32
        %add3A_479 = arith.addi %mul3A_477, %add3A_478 : i32
        %get3A_480 = arith.constant 1 : i32
        %get3A_481 = arith.index_cast %add3A_479 : i32 to index
        %get3A_482 = arith.index_cast %get3A_480 : i32 to index
        %get3A_483 = arith.index_cast %mul3A_105 : i32 to index
        %get3A_484 = tpu.vector_load %arg5[%get3A_481, %get3A_482, %get3A_483] {strides = array<i32>} : memref<192x2x128xf32, #tpu.memory_space<vmem>>, vector<1x1x16xf32>,
        %get3A_485 = vector.shape_cast %get3A_484 : vector<1x1x16xf32> to vector<16xf32>
        %add3A_486 = arith.constant 16 : i32
        %add3A_487 = arith.addi %mul3A_105, %add3A_486 : i32
        %get3A_488 = arith.constant 1 : i32
        %get3A_489 = arith.index_cast %add3A_479 : i32 to index
        %get3A_490 = arith.index_cast %get3A_488 : i32 to index
        %get3A_491 = arith.index_cast %add3A_487 : i32 to index
        %get3A_492 = tpu.vector_load %arg5[%get3A_489, %get3A_490, %get3A_491] {strides = array<i32>} : memref<192x2x128xf32, #tpu.memory_space<vmem>>, vector<1x1x16xf32>,
        %get3A_493 = vector.shape_cast %get3A_492 : vector<1x1x16xf32> to vector<16xf32>
        %max3A_494 = arith.maximumf %max3A_470, %get3A_485 : vector<16xf32>
        %min3A_495 = arith.minimumf %max3A_470, %get3A_485 : vector<16xf32>
        %max3A_496 = arith.maximumf %max3A_472, %min3A_495 : vector<16xf32>
        %max3A_497 = arith.maximumf %max3A_473, %get3A_493 : vector<16xf32>
        %min3A_498 = arith.minimumf %max3A_473, %get3A_493 : vector<16xf32>
        %max3A_499 = arith.maximumf %max3A_475, %min3A_498 : vector<16xf32>
        %mul3A_500 = arith.constant 16 : i32
        %mul3A_501 = arith.muli %scan3A_138, %mul3A_500 : i32
        %add3A_502 = arith.constant 15 : i32
        %add3A_503 = arith.addi %mul3A_501, %add3A_502 : i32
        %get3A_504 = arith.constant 1 : i32
        %get3A_505 = arith.index_cast %add3A_503 : i32 to index
        %get3A_506 = arith.index_cast %get3A_504 : i32 to index
        %get3A_507 = arith.index_cast %mul3A_105 : i32 to index
        %get3A_508 = tpu.vector_load %arg5[%get3A_505, %get3A_506, %get3A_507] {strides = array<i32>} : memref<192x2x128xf32, #tpu.memory_space<vmem>>, vector<1x1x16xf32>,
        %get3A_509 = vector.shape_cast %get3A_508 : vector<1x1x16xf32> to vector<16xf32>
        %add3A_510 = arith.constant 16 : i32
        %add3A_511 = arith.addi %mul3A_105, %add3A_510 : i32
        %get3A_512 = arith.constant 1 : i32
        %get3A_513 = arith.index_cast %add3A_503 : i32 to index
        %get3A_514 = arith.index_cast %get3A_512 : i32 to index
        %get3A_515 = arith.index_cast %add3A_511 : i32 to index
        %get3A_516 = tpu.vector_load %arg5[%get3A_513, %get3A_514, %get3A_515] {strides = array<i32>} : memref<192x2x128xf32, #tpu.memory_space<vmem>>, vector<1x1x16xf32>,
        %get3A_517 = vector.shape_cast %get3A_516 : vector<1x1x16xf32> to vector<16xf32>
        %max3A_518 = arith.maximumf %max3A_494, %get3A_509 : vector<16xf32>
        %min3A_519 = arith.minimumf %max3A_494, %get3A_509 : vector<16xf32>
        %max3A_520 = arith.maximumf %max3A_496, %min3A_519 : vector<16xf32>
        %max3A_521 = arith.maximumf %max3A_497, %get3A_517 : vector<16xf32>
        %min3A_522 = arith.minimumf %max3A_497, %get3A_517 : vector<16xf32>
        %max3A_523 = arith.maximumf %max3A_499, %min3A_522 : vector<16xf32>
        scf.yield %max3A_518, %max3A_520, %max3A_521, %max3A_523 : vector<16xf32>, vector<16xf32>, vector<16xf32>, vector<16xf32>
      }
      %scan3A_112 = arith.constant 12 : i32
      %sub3A_113 = arith.subf %scan3A_111#0, %scan3A_111#1 : vector<16xf32>
      %exp3A = math.exp %sub3A_113 : vector<16xf32>
      %sub3A_114 = arith.constant 1.000000e+00 : f32
      %sub3A_115 = vector.broadcast %sub3A_114 : f32 to vector<16xf32>
      %sub3A_116 = arith.subf %sub3A_115, %exp3A : vector<16xf32>
      %exp3A_117 = math.exp %sub3A_116 : vector<16xf32>
      %swap3A = arith.constant 3 : i32
      %swap3A_118 = arith.index_cast %swap3A : i32 to index
      %swap3A_119 = arith.index_cast %mul3A_105 : i32 to index
      %swap3A_120 = tpu.vector_load %arg6[%swap3A_118, %swap3A_119] {strides = array<i32>} : memref<4x128xf32, #tpu.memory_space<vmem>>, vector<1x16xf32>,
      %swap3A_121 = vector.shape_cast %swap3A_120 : vector<1x16xf32> to vector<16xf32>
      %swap3A_122 = vector.shape_cast %exp3A_117 : vector<16xf32> to vector<1x16xf32>
      tpu.vector_store %arg6[%swap3A_118, %swap3A_119], %swap3A_122 {strides = array<i32>} : memref<4x128xf32, #tpu.memory_space<vmem>>, vector<1x16xf32>,
      %sub3A_123 = arith.subf %scan3A_111#2, %scan3A_111#3 : vector<16xf32>
      %exp3A_124 = math.exp %sub3A_123 : vector<16xf32>
      %sub3A_125 = arith.constant 1.000000e+00 : f32
      %sub3A_126 = vector.broadcast %sub3A_125 : f32 to vector<16xf32>
      %sub3A_127 = arith.subf %sub3A_126, %exp3A_124 : vector<16xf32>
      %exp3A_128 = math.exp %sub3A_127 : vector<16xf32>
      %add3A_129 = arith.constant 16 : i32
      %add3A_130 = arith.addi %mul3A_105, %add3A_129 : i32
      %swap3A_131 = arith.constant 3 : i32
      %swap3A_132 = arith.index_cast %swap3A_131 : i32 to index
      %swap3A_133 = arith.index_cast %add3A_130 : i32 to index
      %swap3A_134 = tpu.vector_load %arg6[%swap3A_132, %swap3A_133] {strides = array<i32>} : memref<4x128xf32, #tpu.memory_space<vmem>>, vector<1x16xf32>,
      %swap3A_135 = vector.shape_cast %swap3A_134 : vector<1x16xf32> to vector<16xf32>
      %swap3A_136 = vector.shape_cast %exp3A_128 : vector<16xf32> to vector<1x16xf32>
      tpu.vector_store %arg6[%swap3A_132, %swap3A_133], %swap3A_136 {strides = array<i32>} : memref<4x128xf32, #tpu.memory_space<vmem>>, vector<1x16xf32>,
      %scan3A_137 = arith.constant 0 : i32
      scf.yield %scan3A_137 : i32
    }
    %scan3A_99 = arith.constant 4 : i32
    %sub3A_100 = arith.constant 96 : i32
    %sub3A_101 = arith.subi %add3A_34, %sub3A_100 : i32
    "tpu.region"() ({
      %run_scoped3A = tpu.sem_alloc : memref<!tpu.dma_semaphore, #tpu.memory_space<semaphore_mem>>
      %dma_start3A_102 = arith.constant 0 : i32
      %dma_start3A_103 = tpu.memref_slice %arg3[%select_n3A, %sub3A_101, %dma_start3A_102] : memref<4x32x128xf32, #tpu.memory_space<hbm>> -> memref<1x4x128xf32, #tpu.memory_space<hbm>>
      %dma_start3A_104 = tpu.memref_squeeze %dma_start3A_103 : memref<1x4x128xf32, #tpu.memory_space<hbm>> -> memref<4x128xf32, #tpu.memory_space<hbm>>
      %dma_start3A_105 = arith.constant 0 : i32
      %dma_start3A_106 = tpu.memref_slice %arg3[%select_n3A, %sub3A_101, %dma_start3A_105] : memref<4x32x128xf32, #tpu.memory_space<hbm>> -> memref<1x4x128xf32, #tpu.memory_space<hbm>>
      %dma_start3A_107 = tpu.memref_squeeze %dma_start3A_106 : memref<1x4x128xf32, #tpu.memory_space<hbm>> -> memref<4x128xf32, #tpu.memory_space<hbm>>
      tpu.enqueue_dma source(%arg6 : memref<4x128xf32, #tpu.memory_space<vmem>>) target(%dma_start3A_107 : memref<4x128xf32, #tpu.memory_space<hbm>>) target_semaphore(%run_scoped3A : memref<!tpu.dma_semaphore, #tpu.memory_space<semaphore_mem>>)
      %dma_wait3A_108 = arith.constant 0 : i32
      %dma_wait3A_109 = tpu.memref_slice %arg3[%select_n3A, %sub3A_101, %dma_wait3A_108] : memref<4x32x128xf32, #tpu.memory_space<hbm>> -> memref<1x4x128xf32, #tpu.memory_space<hbm>>
      %dma_wait3A_110 = tpu.memref_squeeze %dma_wait3A_109 : memref<1x4x128xf32, #tpu.memory_space<hbm>> -> memref<4x128xf32, #tpu.memory_space<hbm>>
      %dma_wait3A_111 = arith.constant 0 : i32
      %dma_wait3A_112 = tpu.memref_slice %arg3[%select_n3A, %sub3A_101, %dma_wait3A_111] : memref<4x32x128xf32, #tpu.memory_space<hbm>> -> memref<1x4x128xf32, #tpu.memory_space<hbm>>
      %dma_wait3A_113 = tpu.memref_squeeze %dma_wait3A_112 : memref<1x4x128xf32, #tpu.memory_space<hbm>> -> memref<4x128xf32, #tpu.memory_space<hbm>>
      tpu.wait_dma2 semaphore(%run_scoped3A : memref<!tpu.dma_semaphore, #tpu.memory_space<semaphore_mem>>) src(%arg6 : memref<4x128xf32, #tpu.memory_space<vmem>>) dst(%dma_wait3A_113 : memref<4x128xf32, #tpu.memory_space<hbm>>)
      tpu.yield
    }) : () -> ()
    return
  }
}

module attributes {stable_mosaic.version = 14 : i64} {
  func.func @_tc_kernel(%arg0: memref<4x192x128x128xf32, #tpu.memory_space<any>>, %arg1: memref<4x96x128xf32, #tpu.memory_space<any>>, %arg2: memref<192x16x128xf32, #tpu.memory_space<vmem>>, %arg3: memref<192x16x128xf32, #tpu.memory_space<vmem>>, %arg4: memref<192x16x128xf32, #tpu.memory_space<vmem>>, %arg5: memref<192x16x128xf32, #tpu.memory_space<vmem>>, %arg6: memref<4x96x128xf32, #tpu.memory_space<vmem>>, %arg7: memref<!tpu.dma_semaphore, #tpu.memory_space<semaphore_mem>>, %arg8: memref<!tpu.dma_semaphore, #tpu.memory_space<semaphore_mem>>, %arg9: memref<!tpu.dma_semaphore, #tpu.memory_space<semaphore_mem>>, %arg10: memref<!tpu.dma_semaphore, #tpu.memory_space<semaphore_mem>>, %arg11: memref<!tpu.dma_semaphore, #tpu.memory_space<semaphore_mem>>) attributes {dimension_semantics = [], scalar_prefetch = 0 : i64, scratch_operands = 10 : i64, tpu.core_type = #tpu.core_type<tc>} {
    %dma_start3A = arith.constant 0 : i32
    %dma_start3A_0 = arith.constant 0 : i32
    %dma_start3A_1 = arith.constant 0 : i32
    %dma_start3A_2 = arith.constant 0 : i32
    %dma_start3A_3 = tpu.memref_slice %arg0[%dma_start3A, %dma_start3A_0, %dma_start3A_1, %dma_start3A_2] : memref<4x192x128x128xf32, #tpu.memory_space<any>> -> memref<1x192x16x128xf32, #tpu.memory_space<any>>
    %dma_start3A_4 = tpu.memref_squeeze %dma_start3A_3 : memref<1x192x16x128xf32, #tpu.memory_space<any>> -> memref<192x16x128xf32, #tpu.memory_space<any>>
    tpu.enqueue_dma source(%dma_start3A_4 : memref<192x16x128xf32, #tpu.memory_space<any>>) target(%arg2 : memref<192x16x128xf32, #tpu.memory_space<vmem>>) target_semaphore(%arg7 : memref<!tpu.dma_semaphore, #tpu.memory_space<semaphore_mem>>)
    %dma_start3A_5 = arith.constant 0 : i32
    %dma_start3A_6 = arith.constant 0 : i32
    %dma_start3A_7 = arith.constant 16 : i32
    %dma_start3A_8 = arith.constant 0 : i32
    %dma_start3A_9 = tpu.memref_slice %arg0[%dma_start3A_5, %dma_start3A_6, %dma_start3A_7, %dma_start3A_8] : memref<4x192x128x128xf32, #tpu.memory_space<any>> -> memref<1x192x16x128xf32, #tpu.memory_space<any>>
    %dma_start3A_10 = tpu.memref_squeeze %dma_start3A_9 : memref<1x192x16x128xf32, #tpu.memory_space<any>> -> memref<192x16x128xf32, #tpu.memory_space<any>>
    tpu.enqueue_dma source(%dma_start3A_10 : memref<192x16x128xf32, #tpu.memory_space<any>>) target(%arg3 : memref<192x16x128xf32, #tpu.memory_space<vmem>>) target_semaphore(%arg8 : memref<!tpu.dma_semaphore, #tpu.memory_space<semaphore_mem>>)
    %dma_start3A_11 = arith.constant 0 : i32
    %dma_start3A_12 = arith.constant 0 : i32
    %dma_start3A_13 = arith.constant 32 : i32
    %dma_start3A_14 = arith.constant 0 : i32
    %dma_start3A_15 = tpu.memref_slice %arg0[%dma_start3A_11, %dma_start3A_12, %dma_start3A_13, %dma_start3A_14] : memref<4x192x128x128xf32, #tpu.memory_space<any>> -> memref<1x192x16x128xf32, #tpu.memory_space<any>>
    %dma_start3A_16 = tpu.memref_squeeze %dma_start3A_15 : memref<1x192x16x128xf32, #tpu.memory_space<any>> -> memref<192x16x128xf32, #tpu.memory_space<any>>
    tpu.enqueue_dma source(%dma_start3A_16 : memref<192x16x128xf32, #tpu.memory_space<any>>) target(%arg4 : memref<192x16x128xf32, #tpu.memory_space<vmem>>) target_semaphore(%arg9 : memref<!tpu.dma_semaphore, #tpu.memory_space<semaphore_mem>>)
    %dma_start3A_17 = arith.constant 0 : i32
    %dma_start3A_18 = arith.constant 0 : i32
    %dma_start3A_19 = arith.constant 48 : i32
    %dma_start3A_20 = arith.constant 0 : i32
    %dma_start3A_21 = tpu.memref_slice %arg0[%dma_start3A_17, %dma_start3A_18, %dma_start3A_19, %dma_start3A_20] : memref<4x192x128x128xf32, #tpu.memory_space<any>> -> memref<1x192x16x128xf32, #tpu.memory_space<any>>
    %dma_start3A_22 = tpu.memref_squeeze %dma_start3A_21 : memref<1x192x16x128xf32, #tpu.memory_space<any>> -> memref<192x16x128xf32, #tpu.memory_space<any>>
    tpu.enqueue_dma source(%dma_start3A_22 : memref<192x16x128xf32, #tpu.memory_space<any>>) target(%arg5 : memref<192x16x128xf32, #tpu.memory_space<vmem>>) target_semaphore(%arg10 : memref<!tpu.dma_semaphore, #tpu.memory_space<semaphore_mem>>)
    %dma_wait3A = arith.constant 0 : i32
    %dma_wait3A_23 = arith.constant 0 : i32
    %dma_wait3A_24 = arith.constant 0 : i32
    %dma_wait3A_25 = arith.constant 0 : i32
    %dma_wait3A_26 = tpu.memref_slice %arg0[%dma_wait3A, %dma_wait3A_23, %dma_wait3A_24, %dma_wait3A_25] : memref<4x192x128x128xf32, #tpu.memory_space<any>> -> memref<1x192x16x128xf32, #tpu.memory_space<any>>
    %dma_wait3A_27 = tpu.memref_squeeze %dma_wait3A_26 : memref<1x192x16x128xf32, #tpu.memory_space<any>> -> memref<192x16x128xf32, #tpu.memory_space<any>>
    tpu.wait_dma2 semaphore(%arg7 : memref<!tpu.dma_semaphore, #tpu.memory_space<semaphore_mem>>) src(%dma_wait3A_27 : memref<192x16x128xf32, #tpu.memory_space<any>>) dst(%arg2 : memref<192x16x128xf32, #tpu.memory_space<vmem>>)
    %broadcast_in_dim3A = arith.constant 0xFF800000 : f32
    %broadcast_in_dim3A_28 = vector.broadcast %broadcast_in_dim3A : f32 to vector<16x128xf32>
    %scan3A = arith.constant 0 : i32
    %scan3A_29 = arith.constant 24 : i32
    %scan3A_30 = arith.addi %scan3A, %scan3A_29 : i32
    %scan3A_31 = arith.constant 1 : i32
    %scan3A_32:4 = scf.for %scan3A_855 = %scan3A to %scan3A_30 step %scan3A_31 iter_args(%scan3A_856 = %broadcast_in_dim3A_28, %scan3A_857 = %broadcast_in_dim3A_28, %scan3A_858 = %broadcast_in_dim3A_28, %scan3A_859 = %broadcast_in_dim3A_28) -> (vector<16x128xf32>, vector<16x128xf32>, vector<16x128xf32>, vector<16x128xf32>)  : i32 {
      %mul3A = arith.constant 8 : i32
      %mul3A_860 = arith.muli %scan3A_855, %mul3A : i32
      %add3A = arith.constant 0 : i32
      %add3A_861 = arith.addi %mul3A_860, %add3A : i32
      %get3A = arith.index_cast %add3A_861 : i32 to index
      %get3A_862 = arith.constant 0 : index
      %get3A_863 = arith.constant 0 : index
      %get3A_864 = vector.load %arg2[%get3A, %get3A_862, %get3A_863] : memref<192x16x128xf32, #tpu.memory_space<vmem>>, vector<1x16x128xf32>
      %get3A_865 = vector.shape_cast %get3A_864 : vector<1x16x128xf32> to vector<16x128xf32>
      %max3A_866 = arith.maximumf %scan3A_856, %get3A_865 : vector<16x128xf32>
      %min3A_867 = arith.minimumf %scan3A_856, %get3A_865 : vector<16x128xf32>
      %max3A_868 = arith.maximumf %scan3A_857, %min3A_867 : vector<16x128xf32>
      %mul3A_869 = arith.constant 8 : i32
      %mul3A_870 = arith.muli %scan3A_855, %mul3A_869 : i32
      %add3A_871 = arith.constant 1 : i32
      %add3A_872 = arith.addi %mul3A_870, %add3A_871 : i32
      %get3A_873 = arith.index_cast %add3A_872 : i32 to index
      %get3A_874 = arith.constant 0 : index
      %get3A_875 = arith.constant 0 : index
      %get3A_876 = vector.load %arg2[%get3A_873, %get3A_874, %get3A_875] : memref<192x16x128xf32, #tpu.memory_space<vmem>>, vector<1x16x128xf32>
      %get3A_877 = vector.shape_cast %get3A_876 : vector<1x16x128xf32> to vector<16x128xf32>
      %max3A_878 = arith.maximumf %scan3A_858, %get3A_877 : vector<16x128xf32>
      %min3A_879 = arith.minimumf %scan3A_858, %get3A_877 : vector<16x128xf32>
      %max3A_880 = arith.maximumf %scan3A_859, %min3A_879 : vector<16x128xf32>
      %mul3A_881 = arith.constant 8 : i32
      %mul3A_882 = arith.muli %scan3A_855, %mul3A_881 : i32
      %add3A_883 = arith.constant 2 : i32
      %add3A_884 = arith.addi %mul3A_882, %add3A_883 : i32
      %get3A_885 = arith.index_cast %add3A_884 : i32 to index
      %get3A_886 = arith.constant 0 : index
      %get3A_887 = arith.constant 0 : index
      %get3A_888 = vector.load %arg2[%get3A_885, %get3A_886, %get3A_887] : memref<192x16x128xf32, #tpu.memory_space<vmem>>, vector<1x16x128xf32>
      %get3A_889 = vector.shape_cast %get3A_888 : vector<1x16x128xf32> to vector<16x128xf32>
      %max3A_890 = arith.maximumf %max3A_866, %get3A_889 : vector<16x128xf32>
      %min3A_891 = arith.minimumf %max3A_866, %get3A_889 : vector<16x128xf32>
      %max3A_892 = arith.maximumf %max3A_868, %min3A_891 : vector<16x128xf32>
      %mul3A_893 = arith.constant 8 : i32
      %mul3A_894 = arith.muli %scan3A_855, %mul3A_893 : i32
      %add3A_895 = arith.constant 3 : i32
      %add3A_896 = arith.addi %mul3A_894, %add3A_895 : i32
      %get3A_897 = arith.index_cast %add3A_896 : i32 to index
      %get3A_898 = arith.constant 0 : index
      %get3A_899 = arith.constant 0 : index
      %get3A_900 = vector.load %arg2[%get3A_897, %get3A_898, %get3A_899] : memref<192x16x128xf32, #tpu.memory_space<vmem>>, vector<1x16x128xf32>
      %get3A_901 = vector.shape_cast %get3A_900 : vector<1x16x128xf32> to vector<16x128xf32>
      %max3A_902 = arith.maximumf %max3A_878, %get3A_901 : vector<16x128xf32>
      %min3A_903 = arith.minimumf %max3A_878, %get3A_901 : vector<16x128xf32>
      %max3A_904 = arith.maximumf %max3A_880, %min3A_903 : vector<16x128xf32>
      %mul3A_905 = arith.constant 8 : i32
      %mul3A_906 = arith.muli %scan3A_855, %mul3A_905 : i32
      %add3A_907 = arith.constant 4 : i32
      %add3A_908 = arith.addi %mul3A_906, %add3A_907 : i32
      %get3A_909 = arith.index_cast %add3A_908 : i32 to index
      %get3A_910 = arith.constant 0 : index
      %get3A_911 = arith.constant 0 : index
      %get3A_912 = vector.load %arg2[%get3A_909, %get3A_910, %get3A_911] : memref<192x16x128xf32, #tpu.memory_space<vmem>>, vector<1x16x128xf32>
      %get3A_913 = vector.shape_cast %get3A_912 : vector<1x16x128xf32> to vector<16x128xf32>
      %max3A_914 = arith.maximumf %max3A_890, %get3A_913 : vector<16x128xf32>
      %min3A_915 = arith.minimumf %max3A_890, %get3A_913 : vector<16x128xf32>
      %max3A_916 = arith.maximumf %max3A_892, %min3A_915 : vector<16x128xf32>
      %mul3A_917 = arith.constant 8 : i32
      %mul3A_918 = arith.muli %scan3A_855, %mul3A_917 : i32
      %add3A_919 = arith.constant 5 : i32
      %add3A_920 = arith.addi %mul3A_918, %add3A_919 : i32
      %get3A_921 = arith.index_cast %add3A_920 : i32 to index
      %get3A_922 = arith.constant 0 : index
      %get3A_923 = arith.constant 0 : index
      %get3A_924 = vector.load %arg2[%get3A_921, %get3A_922, %get3A_923] : memref<192x16x128xf32, #tpu.memory_space<vmem>>, vector<1x16x128xf32>
      %get3A_925 = vector.shape_cast %get3A_924 : vector<1x16x128xf32> to vector<16x128xf32>
      %max3A_926 = arith.maximumf %max3A_902, %get3A_925 : vector<16x128xf32>
      %min3A_927 = arith.minimumf %max3A_902, %get3A_925 : vector<16x128xf32>
      %max3A_928 = arith.maximumf %max3A_904, %min3A_927 : vector<16x128xf32>
      %mul3A_929 = arith.constant 8 : i32
      %mul3A_930 = arith.muli %scan3A_855, %mul3A_929 : i32
      %add3A_931 = arith.constant 6 : i32
      %add3A_932 = arith.addi %mul3A_930, %add3A_931 : i32
      %get3A_933 = arith.index_cast %add3A_932 : i32 to index
      %get3A_934 = arith.constant 0 : index
      %get3A_935 = arith.constant 0 : index
      %get3A_936 = vector.load %arg2[%get3A_933, %get3A_934, %get3A_935] : memref<192x16x128xf32, #tpu.memory_space<vmem>>, vector<1x16x128xf32>
      %get3A_937 = vector.shape_cast %get3A_936 : vector<1x16x128xf32> to vector<16x128xf32>
      %max3A_938 = arith.maximumf %max3A_914, %get3A_937 : vector<16x128xf32>
      %min3A_939 = arith.minimumf %max3A_914, %get3A_937 : vector<16x128xf32>
      %max3A_940 = arith.maximumf %max3A_916, %min3A_939 : vector<16x128xf32>
      %mul3A_941 = arith.constant 8 : i32
      %mul3A_942 = arith.muli %scan3A_855, %mul3A_941 : i32
      %add3A_943 = arith.constant 7 : i32
      %add3A_944 = arith.addi %mul3A_942, %add3A_943 : i32
      %get3A_945 = arith.index_cast %add3A_944 : i32 to index
      %get3A_946 = arith.constant 0 : index
      %get3A_947 = arith.constant 0 : index
      %get3A_948 = vector.load %arg2[%get3A_945, %get3A_946, %get3A_947] : memref<192x16x128xf32, #tpu.memory_space<vmem>>, vector<1x16x128xf32>
      %get3A_949 = vector.shape_cast %get3A_948 : vector<1x16x128xf32> to vector<16x128xf32>
      %max3A_950 = arith.maximumf %max3A_926, %get3A_949 : vector<16x128xf32>
      %min3A_951 = arith.minimumf %max3A_926, %get3A_949 : vector<16x128xf32>
      %max3A_952 = arith.maximumf %max3A_928, %min3A_951 : vector<16x128xf32>
      scf.yield %max3A_938, %max3A_940, %max3A_950, %max3A_952 : vector<16x128xf32>, vector<16x128xf32>, vector<16x128xf32>, vector<16x128xf32>
    }
    %scan3A_33 = arith.constant 24 : i32
    %max3A = arith.maximumf %scan3A_32#0, %scan3A_32#2 : vector<16x128xf32>
    %min3A = arith.minimumf %scan3A_32#0, %scan3A_32#2 : vector<16x128xf32>
    %max3A_34 = arith.maximumf %scan3A_32#1, %scan3A_32#3 : vector<16x128xf32>
    %max3A_35 = arith.maximumf %min3A, %max3A_34 : vector<16x128xf32>
    %sub3A = arith.subf %max3A, %max3A_35 : vector<16x128xf32>
    %exp3A = math.exp %sub3A : vector<16x128xf32>
    %sub3A_36 = arith.constant 1.000000e+00 : f32
    %sub3A_37 = vector.broadcast %sub3A_36 : f32 to vector<16x128xf32>
    %sub3A_38 = arith.subf %sub3A_37, %exp3A : vector<16x128xf32>
    %exp3A_39 = math.exp %sub3A_38 : vector<16x128xf32>
    %swap3A = arith.constant 0 : index
    %swap3A_40 = arith.constant 0 : index
    %swap3A_41 = arith.constant 0 : index
    %swap3A_42 = vector.load %arg6[%swap3A, %swap3A_40, %swap3A_41] : memref<4x96x128xf32, #tpu.memory_space<vmem>>, vector<1x16x128xf32>
    %swap3A_43 = vector.shape_cast %swap3A_42 : vector<1x16x128xf32> to vector<16x128xf32>
    %swap3A_44 = vector.shape_cast %exp3A_39 : vector<16x128xf32> to vector<1x16x128xf32>
    tpu.vector_store %arg6[%swap3A, %swap3A_40, %swap3A_41], %swap3A_44 {strides = array<i32>} : memref<4x96x128xf32, #tpu.memory_space<vmem>>, vector<1x16x128xf32>,
    %dma_start3A_45 = arith.constant 0 : i32
    %dma_start3A_46 = arith.constant 0 : i32
    %dma_start3A_47 = arith.constant 64 : i32
    %dma_start3A_48 = arith.constant 0 : i32
    %dma_start3A_49 = tpu.memref_slice %arg0[%dma_start3A_45, %dma_start3A_46, %dma_start3A_47, %dma_start3A_48] : memref<4x192x128x128xf32, #tpu.memory_space<any>> -> memref<1x192x16x128xf32, #tpu.memory_space<any>>
    %dma_start3A_50 = tpu.memref_squeeze %dma_start3A_49 : memref<1x192x16x128xf32, #tpu.memory_space<any>> -> memref<192x16x128xf32, #tpu.memory_space<any>>
    tpu.enqueue_dma source(%dma_start3A_50 : memref<192x16x128xf32, #tpu.memory_space<any>>) target(%arg2 : memref<192x16x128xf32, #tpu.memory_space<vmem>>) target_semaphore(%arg7 : memref<!tpu.dma_semaphore, #tpu.memory_space<semaphore_mem>>)
    %dma_wait3A_51 = arith.constant 0 : i32
    %dma_wait3A_52 = arith.constant 0 : i32
    %dma_wait3A_53 = arith.constant 16 : i32
    %dma_wait3A_54 = arith.constant 0 : i32
    %dma_wait3A_55 = tpu.memref_slice %arg0[%dma_wait3A_51, %dma_wait3A_52, %dma_wait3A_53, %dma_wait3A_54] : memref<4x192x128x128xf32, #tpu.memory_space<any>> -> memref<1x192x16x128xf32, #tpu.memory_space<any>>
    %dma_wait3A_56 = tpu.memref_squeeze %dma_wait3A_55 : memref<1x192x16x128xf32, #tpu.memory_space<any>> -> memref<192x16x128xf32, #tpu.memory_space<any>>
    tpu.wait_dma2 semaphore(%arg8 : memref<!tpu.dma_semaphore, #tpu.memory_space<semaphore_mem>>) src(%dma_wait3A_56 : memref<192x16x128xf32, #tpu.memory_space<any>>) dst(%arg3 : memref<192x16x128xf32, #tpu.memory_space<vmem>>)
    %broadcast_in_dim3A_57 = arith.constant 0xFF800000 : f32
    %broadcast_in_dim3A_58 = vector.broadcast %broadcast_in_dim3A_57 : f32 to vector<16x128xf32>
    %scan3A_59 = arith.constant 0 : i32
    %scan3A_60 = arith.constant 24 : i32
    %scan3A_61 = arith.addi %scan3A_59, %scan3A_60 : i32
    %scan3A_62 = arith.constant 1 : i32
    %scan3A_63:4 = scf.for %scan3A_855 = %scan3A_59 to %scan3A_61 step %scan3A_62 iter_args(%scan3A_856 = %broadcast_in_dim3A_58, %scan3A_857 = %broadcast_in_dim3A_58, %scan3A_858 = %broadcast_in_dim3A_58, %scan3A_859 = %broadcast_in_dim3A_58) -> (vector<16x128xf32>, vector<16x128xf32>, vector<16x128xf32>, vector<16x128xf32>)  : i32 {
      %mul3A = arith.constant 8 : i32
      %mul3A_860 = arith.muli %scan3A_855, %mul3A : i32
      %add3A = arith.constant 0 : i32
      %add3A_861 = arith.addi %mul3A_860, %add3A : i32
      %get3A = arith.index_cast %add3A_861 : i32 to index
      %get3A_862 = arith.constant 0 : index
      %get3A_863 = arith.constant 0 : index
      %get3A_864 = vector.load %arg3[%get3A, %get3A_862, %get3A_863] : memref<192x16x128xf32, #tpu.memory_space<vmem>>, vector<1x16x128xf32>
      %get3A_865 = vector.shape_cast %get3A_864 : vector<1x16x128xf32> to vector<16x128xf32>
      %max3A_866 = arith.maximumf %scan3A_856, %get3A_865 : vector<16x128xf32>
      %min3A_867 = arith.minimumf %scan3A_856, %get3A_865 : vector<16x128xf32>
      %max3A_868 = arith.maximumf %scan3A_857, %min3A_867 : vector<16x128xf32>
      %mul3A_869 = arith.constant 8 : i32
      %mul3A_870 = arith.muli %scan3A_855, %mul3A_869 : i32
      %add3A_871 = arith.constant 1 : i32
      %add3A_872 = arith.addi %mul3A_870, %add3A_871 : i32
      %get3A_873 = arith.index_cast %add3A_872 : i32 to index
      %get3A_874 = arith.constant 0 : index
      %get3A_875 = arith.constant 0 : index
      %get3A_876 = vector.load %arg3[%get3A_873, %get3A_874, %get3A_875] : memref<192x16x128xf32, #tpu.memory_space<vmem>>, vector<1x16x128xf32>
      %get3A_877 = vector.shape_cast %get3A_876 : vector<1x16x128xf32> to vector<16x128xf32>
      %max3A_878 = arith.maximumf %scan3A_858, %get3A_877 : vector<16x128xf32>
      %min3A_879 = arith.minimumf %scan3A_858, %get3A_877 : vector<16x128xf32>
      %max3A_880 = arith.maximumf %scan3A_859, %min3A_879 : vector<16x128xf32>
      %mul3A_881 = arith.constant 8 : i32
      %mul3A_882 = arith.muli %scan3A_855, %mul3A_881 : i32
      %add3A_883 = arith.constant 2 : i32
      %add3A_884 = arith.addi %mul3A_882, %add3A_883 : i32
      %get3A_885 = arith.index_cast %add3A_884 : i32 to index
      %get3A_886 = arith.constant 0 : index
      %get3A_887 = arith.constant 0 : index
      %get3A_888 = vector.load %arg3[%get3A_885, %get3A_886, %get3A_887] : memref<192x16x128xf32, #tpu.memory_space<vmem>>, vector<1x16x128xf32>
      %get3A_889 = vector.shape_cast %get3A_888 : vector<1x16x128xf32> to vector<16x128xf32>
      %max3A_890 = arith.maximumf %max3A_866, %get3A_889 : vector<16x128xf32>
      %min3A_891 = arith.minimumf %max3A_866, %get3A_889 : vector<16x128xf32>
      %max3A_892 = arith.maximumf %max3A_868, %min3A_891 : vector<16x128xf32>
      %mul3A_893 = arith.constant 8 : i32
      %mul3A_894 = arith.muli %scan3A_855, %mul3A_893 : i32
      %add3A_895 = arith.constant 3 : i32
      %add3A_896 = arith.addi %mul3A_894, %add3A_895 : i32
      %get3A_897 = arith.index_cast %add3A_896 : i32 to index
      %get3A_898 = arith.constant 0 : index
      %get3A_899 = arith.constant 0 : index
      %get3A_900 = vector.load %arg3[%get3A_897, %get3A_898, %get3A_899] : memref<192x16x128xf32, #tpu.memory_space<vmem>>, vector<1x16x128xf32>
      %get3A_901 = vector.shape_cast %get3A_900 : vector<1x16x128xf32> to vector<16x128xf32>
      %max3A_902 = arith.maximumf %max3A_878, %get3A_901 : vector<16x128xf32>
      %min3A_903 = arith.minimumf %max3A_878, %get3A_901 : vector<16x128xf32>
      %max3A_904 = arith.maximumf %max3A_880, %min3A_903 : vector<16x128xf32>
      %mul3A_905 = arith.constant 8 : i32
      %mul3A_906 = arith.muli %scan3A_855, %mul3A_905 : i32
      %add3A_907 = arith.constant 4 : i32
      %add3A_908 = arith.addi %mul3A_906, %add3A_907 : i32
      %get3A_909 = arith.index_cast %add3A_908 : i32 to index
      %get3A_910 = arith.constant 0 : index
      %get3A_911 = arith.constant 0 : index
      %get3A_912 = vector.load %arg3[%get3A_909, %get3A_910, %get3A_911] : memref<192x16x128xf32, #tpu.memory_space<vmem>>, vector<1x16x128xf32>
      %get3A_913 = vector.shape_cast %get3A_912 : vector<1x16x128xf32> to vector<16x128xf32>
      %max3A_914 = arith.maximumf %max3A_890, %get3A_913 : vector<16x128xf32>
      %min3A_915 = arith.minimumf %max3A_890, %get3A_913 : vector<16x128xf32>
      %max3A_916 = arith.maximumf %max3A_892, %min3A_915 : vector<16x128xf32>
      %mul3A_917 = arith.constant 8 : i32
      %mul3A_918 = arith.muli %scan3A_855, %mul3A_917 : i32
      %add3A_919 = arith.constant 5 : i32
      %add3A_920 = arith.addi %mul3A_918, %add3A_919 : i32
      %get3A_921 = arith.index_cast %add3A_920 : i32 to index
      %get3A_922 = arith.constant 0 : index
      %get3A_923 = arith.constant 0 : index
      %get3A_924 = vector.load %arg3[%get3A_921, %get3A_922, %get3A_923] : memref<192x16x128xf32, #tpu.memory_space<vmem>>, vector<1x16x128xf32>
      %get3A_925 = vector.shape_cast %get3A_924 : vector<1x16x128xf32> to vector<16x128xf32>
      %max3A_926 = arith.maximumf %max3A_902, %get3A_925 : vector<16x128xf32>
      %min3A_927 = arith.minimumf %max3A_902, %get3A_925 : vector<16x128xf32>
      %max3A_928 = arith.maximumf %max3A_904, %min3A_927 : vector<16x128xf32>
      %mul3A_929 = arith.constant 8 : i32
      %mul3A_930 = arith.muli %scan3A_855, %mul3A_929 : i32
      %add3A_931 = arith.constant 6 : i32
      %add3A_932 = arith.addi %mul3A_930, %add3A_931 : i32
      %get3A_933 = arith.index_cast %add3A_932 : i32 to index
      %get3A_934 = arith.constant 0 : index
      %get3A_935 = arith.constant 0 : index
      %get3A_936 = vector.load %arg3[%get3A_933, %get3A_934, %get3A_935] : memref<192x16x128xf32, #tpu.memory_space<vmem>>, vector<1x16x128xf32>
      %get3A_937 = vector.shape_cast %get3A_936 : vector<1x16x128xf32> to vector<16x128xf32>
      %max3A_938 = arith.maximumf %max3A_914, %get3A_937 : vector<16x128xf32>
      %min3A_939 = arith.minimumf %max3A_914, %get3A_937 : vector<16x128xf32>
      %max3A_940 = arith.maximumf %max3A_916, %min3A_939 : vector<16x128xf32>
      %mul3A_941 = arith.constant 8 : i32
      %mul3A_942 = arith.muli %scan3A_855, %mul3A_941 : i32
      %add3A_943 = arith.constant 7 : i32
      %add3A_944 = arith.addi %mul3A_942, %add3A_943 : i32
      %get3A_945 = arith.index_cast %add3A_944 : i32 to index
      %get3A_946 = arith.constant 0 : index
      %get3A_947 = arith.constant 0 : index
      %get3A_948 = vector.load %arg3[%get3A_945, %get3A_946, %get3A_947] : memref<192x16x128xf32, #tpu.memory_space<vmem>>, vector<1x16x128xf32>
      %get3A_949 = vector.shape_cast %get3A_948 : vector<1x16x128xf32> to vector<16x128xf32>
      %max3A_950 = arith.maximumf %max3A_926, %get3A_949 : vector<16x128xf32>
      %min3A_951 = arith.minimumf %max3A_926, %get3A_949 : vector<16x128xf32>
      %max3A_952 = arith.maximumf %max3A_928, %min3A_951 : vector<16x128xf32>
      scf.yield %max3A_938, %max3A_940, %max3A_950, %max3A_952 : vector<16x128xf32>, vector<16x128xf32>, vector<16x128xf32>, vector<16x128xf32>
    }
    %scan3A_64 = arith.constant 24 : i32
    %max3A_65 = arith.maximumf %scan3A_63#0, %scan3A_63#2 : vector<16x128xf32>
    %min3A_66 = arith.minimumf %scan3A_63#0, %scan3A_63#2 : vector<16x128xf32>
    %max3A_67 = arith.maximumf %scan3A_63#1, %scan3A_63#3 : vector<16x128xf32>
    %max3A_68 = arith.maximumf %min3A_66, %max3A_67 : vector<16x128xf32>
    %sub3A_69 = arith.subf %max3A_65, %max3A_68 : vector<16x128xf32>
    %exp3A_70 = math.exp %sub3A_69 : vector<16x128xf32>
    %sub3A_71 = arith.constant 1.000000e+00 : f32
    %sub3A_72 = vector.broadcast %sub3A_71 : f32 to vector<16x128xf32>
    %sub3A_73 = arith.subf %sub3A_72, %exp3A_70 : vector<16x128xf32>
    %exp3A_74 = math.exp %sub3A_73 : vector<16x128xf32>
    %swap3A_75 = arith.constant 0 : index
    %swap3A_76 = arith.constant 16 : index
    %swap3A_77 = arith.constant 0 : index
    %swap3A_78 = vector.load %arg6[%swap3A_75, %swap3A_76, %swap3A_77] : memref<4x96x128xf32, #tpu.memory_space<vmem>>, vector<1x16x128xf32>
    %swap3A_79 = vector.shape_cast %swap3A_78 : vector<1x16x128xf32> to vector<16x128xf32>
    %swap3A_80 = vector.shape_cast %exp3A_74 : vector<16x128xf32> to vector<1x16x128xf32>
    tpu.vector_store %arg6[%swap3A_75, %swap3A_76, %swap3A_77], %swap3A_80 {strides = array<i32>} : memref<4x96x128xf32, #tpu.memory_space<vmem>>, vector<1x16x128xf32>,
    %dma_start3A_81 = arith.constant 0 : i32
    %dma_start3A_82 = arith.constant 0 : i32
    %dma_start3A_83 = arith.constant 80 : i32
    %dma_start3A_84 = arith.constant 0 : i32
    %dma_start3A_85 = tpu.memref_slice %arg0[%dma_start3A_81, %dma_start3A_82, %dma_start3A_83, %dma_start3A_84] : memref<4x192x128x128xf32, #tpu.memory_space<any>> -> memref<1x192x16x128xf32, #tpu.memory_space<any>>
    %dma_start3A_86 = tpu.memref_squeeze %dma_start3A_85 : memref<1x192x16x128xf32, #tpu.memory_space<any>> -> memref<192x16x128xf32, #tpu.memory_space<any>>
    tpu.enqueue_dma source(%dma_start3A_86 : memref<192x16x128xf32, #tpu.memory_space<any>>) target(%arg3 : memref<192x16x128xf32, #tpu.memory_space<vmem>>) target_semaphore(%arg8 : memref<!tpu.dma_semaphore, #tpu.memory_space<semaphore_mem>>)
    %dma_wait3A_87 = arith.constant 0 : i32
    %dma_wait3A_88 = arith.constant 0 : i32
    %dma_wait3A_89 = arith.constant 32 : i32
    %dma_wait3A_90 = arith.constant 0 : i32
    %dma_wait3A_91 = tpu.memref_slice %arg0[%dma_wait3A_87, %dma_wait3A_88, %dma_wait3A_89, %dma_wait3A_90] : memref<4x192x128x128xf32, #tpu.memory_space<any>> -> memref<1x192x16x128xf32, #tpu.memory_space<any>>
    %dma_wait3A_92 = tpu.memref_squeeze %dma_wait3A_91 : memref<1x192x16x128xf32, #tpu.memory_space<any>> -> memref<192x16x128xf32, #tpu.memory_space<any>>
    tpu.wait_dma2 semaphore(%arg9 : memref<!tpu.dma_semaphore, #tpu.memory_space<semaphore_mem>>) src(%dma_wait3A_92 : memref<192x16x128xf32, #tpu.memory_space<any>>) dst(%arg4 : memref<192x16x128xf32, #tpu.memory_space<vmem>>)
    %broadcast_in_dim3A_93 = arith.constant 0xFF800000 : f32
    %broadcast_in_dim3A_94 = vector.broadcast %broadcast_in_dim3A_93 : f32 to vector<16x128xf32>
    %scan3A_95 = arith.constant 0 : i32
    %scan3A_96 = arith.constant 24 : i32
    %scan3A_97 = arith.addi %scan3A_95, %scan3A_96 : i32
    %scan3A_98 = arith.constant 1 : i32
    %scan3A_99:4 = scf.for %scan3A_855 = %scan3A_95 to %scan3A_97 step %scan3A_98 iter_args(%scan3A_856 = %broadcast_in_dim3A_94, %scan3A_857 = %broadcast_in_dim3A_94, %scan3A_858 = %broadcast_in_dim3A_94, %scan3A_859 = %broadcast_in_dim3A_94) -> (vector<16x128xf32>, vector<16x128xf32>, vector<16x128xf32>, vector<16x128xf32>)  : i32 {
      %mul3A = arith.constant 8 : i32
      %mul3A_860 = arith.muli %scan3A_855, %mul3A : i32
      %add3A = arith.constant 0 : i32
      %add3A_861 = arith.addi %mul3A_860, %add3A : i32
      %get3A = arith.index_cast %add3A_861 : i32 to index
      %get3A_862 = arith.constant 0 : index
      %get3A_863 = arith.constant 0 : index
      %get3A_864 = vector.load %arg4[%get3A, %get3A_862, %get3A_863] : memref<192x16x128xf32, #tpu.memory_space<vmem>>, vector<1x16x128xf32>
      %get3A_865 = vector.shape_cast %get3A_864 : vector<1x16x128xf32> to vector<16x128xf32>
      %max3A_866 = arith.maximumf %scan3A_856, %get3A_865 : vector<16x128xf32>
      %min3A_867 = arith.minimumf %scan3A_856, %get3A_865 : vector<16x128xf32>
      %max3A_868 = arith.maximumf %scan3A_857, %min3A_867 : vector<16x128xf32>
      %mul3A_869 = arith.constant 8 : i32
      %mul3A_870 = arith.muli %scan3A_855, %mul3A_869 : i32
      %add3A_871 = arith.constant 1 : i32
      %add3A_872 = arith.addi %mul3A_870, %add3A_871 : i32
      %get3A_873 = arith.index_cast %add3A_872 : i32 to index
      %get3A_874 = arith.constant 0 : index
      %get3A_875 = arith.constant 0 : index
      %get3A_876 = vector.load %arg4[%get3A_873, %get3A_874, %get3A_875] : memref<192x16x128xf32, #tpu.memory_space<vmem>>, vector<1x16x128xf32>
      %get3A_877 = vector.shape_cast %get3A_876 : vector<1x16x128xf32> to vector<16x128xf32>
      %max3A_878 = arith.maximumf %scan3A_858, %get3A_877 : vector<16x128xf32>
      %min3A_879 = arith.minimumf %scan3A_858, %get3A_877 : vector<16x128xf32>
      %max3A_880 = arith.maximumf %scan3A_859, %min3A_879 : vector<16x128xf32>
      %mul3A_881 = arith.constant 8 : i32
      %mul3A_882 = arith.muli %scan3A_855, %mul3A_881 : i32
      %add3A_883 = arith.constant 2 : i32
      %add3A_884 = arith.addi %mul3A_882, %add3A_883 : i32
      %get3A_885 = arith.index_cast %add3A_884 : i32 to index
      %get3A_886 = arith.constant 0 : index
      %get3A_887 = arith.constant 0 : index
      %get3A_888 = vector.load %arg4[%get3A_885, %get3A_886, %get3A_887] : memref<192x16x128xf32, #tpu.memory_space<vmem>>, vector<1x16x128xf32>
      %get3A_889 = vector.shape_cast %get3A_888 : vector<1x16x128xf32> to vector<16x128xf32>
      %max3A_890 = arith.maximumf %max3A_866, %get3A_889 : vector<16x128xf32>
      %min3A_891 = arith.minimumf %max3A_866, %get3A_889 : vector<16x128xf32>
      %max3A_892 = arith.maximumf %max3A_868, %min3A_891 : vector<16x128xf32>
      %mul3A_893 = arith.constant 8 : i32
      %mul3A_894 = arith.muli %scan3A_855, %mul3A_893 : i32
      %add3A_895 = arith.constant 3 : i32
      %add3A_896 = arith.addi %mul3A_894, %add3A_895 : i32
      %get3A_897 = arith.index_cast %add3A_896 : i32 to index
      %get3A_898 = arith.constant 0 : index
      %get3A_899 = arith.constant 0 : index
      %get3A_900 = vector.load %arg4[%get3A_897, %get3A_898, %get3A_899] : memref<192x16x128xf32, #tpu.memory_space<vmem>>, vector<1x16x128xf32>
      %get3A_901 = vector.shape_cast %get3A_900 : vector<1x16x128xf32> to vector<16x128xf32>
      %max3A_902 = arith.maximumf %max3A_878, %get3A_901 : vector<16x128xf32>
      %min3A_903 = arith.minimumf %max3A_878, %get3A_901 : vector<16x128xf32>
      %max3A_904 = arith.maximumf %max3A_880, %min3A_903 : vector<16x128xf32>
      %mul3A_905 = arith.constant 8 : i32
      %mul3A_906 = arith.muli %scan3A_855, %mul3A_905 : i32
      %add3A_907 = arith.constant 4 : i32
      %add3A_908 = arith.addi %mul3A_906, %add3A_907 : i32
      %get3A_909 = arith.index_cast %add3A_908 : i32 to index
      %get3A_910 = arith.constant 0 : index
      %get3A_911 = arith.constant 0 : index
      %get3A_912 = vector.load %arg4[%get3A_909, %get3A_910, %get3A_911] : memref<192x16x128xf32, #tpu.memory_space<vmem>>, vector<1x16x128xf32>
      %get3A_913 = vector.shape_cast %get3A_912 : vector<1x16x128xf32> to vector<16x128xf32>
      %max3A_914 = arith.maximumf %max3A_890, %get3A_913 : vector<16x128xf32>
      %min3A_915 = arith.minimumf %max3A_890, %get3A_913 : vector<16x128xf32>
      %max3A_916 = arith.maximumf %max3A_892, %min3A_915 : vector<16x128xf32>
      %mul3A_917 = arith.constant 8 : i32
      %mul3A_918 = arith.muli %scan3A_855, %mul3A_917 : i32
      %add3A_919 = arith.constant 5 : i32
      %add3A_920 = arith.addi %mul3A_918, %add3A_919 : i32
      %get3A_921 = arith.index_cast %add3A_920 : i32 to index
      %get3A_922 = arith.constant 0 : index
      %get3A_923 = arith.constant 0 : index
      %get3A_924 = vector.load %arg4[%get3A_921, %get3A_922, %get3A_923] : memref<192x16x128xf32, #tpu.memory_space<vmem>>, vector<1x16x128xf32>
      %get3A_925 = vector.shape_cast %get3A_924 : vector<1x16x128xf32> to vector<16x128xf32>
      %max3A_926 = arith.maximumf %max3A_902, %get3A_925 : vector<16x128xf32>
      %min3A_927 = arith.minimumf %max3A_902, %get3A_925 : vector<16x128xf32>
      %max3A_928 = arith.maximumf %max3A_904, %min3A_927 : vector<16x128xf32>
      %mul3A_929 = arith.constant 8 : i32
      %mul3A_930 = arith.muli %scan3A_855, %mul3A_929 : i32
      %add3A_931 = arith.constant 6 : i32
      %add3A_932 = arith.addi %mul3A_930, %add3A_931 : i32
      %get3A_933 = arith.index_cast %add3A_932 : i32 to index
      %get3A_934 = arith.constant 0 : index
      %get3A_935 = arith.constant 0 : index
      %get3A_936 = vector.load %arg4[%get3A_933, %get3A_934, %get3A_935] : memref<192x16x128xf32, #tpu.memory_space<vmem>>, vector<1x16x128xf32>
      %get3A_937 = vector.shape_cast %get3A_936 : vector<1x16x128xf32> to vector<16x128xf32>
      %max3A_938 = arith.maximumf %max3A_914, %get3A_937 : vector<16x128xf32>
      %min3A_939 = arith.minimumf %max3A_914, %get3A_937 : vector<16x128xf32>
      %max3A_940 = arith.maximumf %max3A_916, %min3A_939 : vector<16x128xf32>
      %mul3A_941 = arith.constant 8 : i32
      %mul3A_942 = arith.muli %scan3A_855, %mul3A_941 : i32
      %add3A_943 = arith.constant 7 : i32
      %add3A_944 = arith.addi %mul3A_942, %add3A_943 : i32
      %get3A_945 = arith.index_cast %add3A_944 : i32 to index
      %get3A_946 = arith.constant 0 : index
      %get3A_947 = arith.constant 0 : index
      %get3A_948 = vector.load %arg4[%get3A_945, %get3A_946, %get3A_947] : memref<192x16x128xf32, #tpu.memory_space<vmem>>, vector<1x16x128xf32>
      %get3A_949 = vector.shape_cast %get3A_948 : vector<1x16x128xf32> to vector<16x128xf32>
      %max3A_950 = arith.maximumf %max3A_926, %get3A_949 : vector<16x128xf32>
      %min3A_951 = arith.minimumf %max3A_926, %get3A_949 : vector<16x128xf32>
      %max3A_952 = arith.maximumf %max3A_928, %min3A_951 : vector<16x128xf32>
      scf.yield %max3A_938, %max3A_940, %max3A_950, %max3A_952 : vector<16x128xf32>, vector<16x128xf32>, vector<16x128xf32>, vector<16x128xf32>
    }
    %scan3A_100 = arith.constant 24 : i32
    %max3A_101 = arith.maximumf %scan3A_99#0, %scan3A_99#2 : vector<16x128xf32>
    %min3A_102 = arith.minimumf %scan3A_99#0, %scan3A_99#2 : vector<16x128xf32>
    %max3A_103 = arith.maximumf %scan3A_99#1, %scan3A_99#3 : vector<16x128xf32>
    %max3A_104 = arith.maximumf %min3A_102, %max3A_103 : vector<16x128xf32>
    %sub3A_105 = arith.subf %max3A_101, %max3A_104 : vector<16x128xf32>
    %exp3A_106 = math.exp %sub3A_105 : vector<16x128xf32>
    %sub3A_107 = arith.constant 1.000000e+00 : f32
    %sub3A_108 = vector.broadcast %sub3A_107 : f32 to vector<16x128xf32>
    %sub3A_109 = arith.subf %sub3A_108, %exp3A_106 : vector<16x128xf32>
    %exp3A_110 = math.exp %sub3A_109 : vector<16x128xf32>
    %swap3A_111 = arith.constant 0 : index
    %swap3A_112 = arith.constant 32 : index
    %swap3A_113 = arith.constant 0 : index
    %swap3A_114 = vector.load %arg6[%swap3A_111, %swap3A_112, %swap3A_113] : memref<4x96x128xf32, #tpu.memory_space<vmem>>, vector<1x16x128xf32>
    %swap3A_115 = vector.shape_cast %swap3A_114 : vector<1x16x128xf32> to vector<16x128xf32>
    %swap3A_116 = vector.shape_cast %exp3A_110 : vector<16x128xf32> to vector<1x16x128xf32>
    tpu.vector_store %arg6[%swap3A_111, %swap3A_112, %swap3A_113], %swap3A_116 {strides = array<i32>} : memref<4x96x128xf32, #tpu.memory_space<vmem>>, vector<1x16x128xf32>,
    %dma_start3A_117 = arith.constant 1 : i32
    %dma_start3A_118 = arith.constant 0 : i32
    %dma_start3A_119 = arith.constant 0 : i32
    %dma_start3A_120 = arith.constant 0 : i32
    %dma_start3A_121 = tpu.memref_slice %arg0[%dma_start3A_117, %dma_start3A_118, %dma_start3A_119, %dma_start3A_120] : memref<4x192x128x128xf32, #tpu.memory_space<any>> -> memref<1x192x16x128xf32, #tpu.memory_space<any>>
    %dma_start3A_122 = tpu.memref_squeeze %dma_start3A_121 : memref<1x192x16x128xf32, #tpu.memory_space<any>> -> memref<192x16x128xf32, #tpu.memory_space<any>>
    tpu.enqueue_dma source(%dma_start3A_122 : memref<192x16x128xf32, #tpu.memory_space<any>>) target(%arg4 : memref<192x16x128xf32, #tpu.memory_space<vmem>>) target_semaphore(%arg9 : memref<!tpu.dma_semaphore, #tpu.memory_space<semaphore_mem>>)
    %dma_wait3A_123 = arith.constant 0 : i32
    %dma_wait3A_124 = arith.constant 0 : i32
    %dma_wait3A_125 = arith.constant 48 : i32
    %dma_wait3A_126 = arith.constant 0 : i32
    %dma_wait3A_127 = tpu.memref_slice %arg0[%dma_wait3A_123, %dma_wait3A_124, %dma_wait3A_125, %dma_wait3A_126] : memref<4x192x128x128xf32, #tpu.memory_space<any>> -> memref<1x192x16x128xf32, #tpu.memory_space<any>>
    %dma_wait3A_128 = tpu.memref_squeeze %dma_wait3A_127 : memref<1x192x16x128xf32, #tpu.memory_space<any>> -> memref<192x16x128xf32, #tpu.memory_space<any>>
    tpu.wait_dma2 semaphore(%arg10 : memref<!tpu.dma_semaphore, #tpu.memory_space<semaphore_mem>>) src(%dma_wait3A_128 : memref<192x16x128xf32, #tpu.memory_space<any>>) dst(%arg5 : memref<192x16x128xf32, #tpu.memory_space<vmem>>)
    %broadcast_in_dim3A_129 = arith.constant 0xFF800000 : f32
    %broadcast_in_dim3A_130 = vector.broadcast %broadcast_in_dim3A_129 : f32 to vector<16x128xf32>
    %scan3A_131 = arith.constant 0 : i32
    %scan3A_132 = arith.constant 24 : i32
    %scan3A_133 = arith.addi %scan3A_131, %scan3A_132 : i32
    %scan3A_134 = arith.constant 1 : i32
    %scan3A_135:4 = scf.for %scan3A_855 = %scan3A_131 to %scan3A_133 step %scan3A_134 iter_args(%scan3A_856 = %broadcast_in_dim3A_130, %scan3A_857 = %broadcast_in_dim3A_130, %scan3A_858 = %broadcast_in_dim3A_130, %scan3A_859 = %broadcast_in_dim3A_130) -> (vector<16x128xf32>, vector<16x128xf32>, vector<16x128xf32>, vector<16x128xf32>)  : i32 {
      %mul3A = arith.constant 8 : i32
      %mul3A_860 = arith.muli %scan3A_855, %mul3A : i32
      %add3A = arith.constant 0 : i32
      %add3A_861 = arith.addi %mul3A_860, %add3A : i32
      %get3A = arith.index_cast %add3A_861 : i32 to index
      %get3A_862 = arith.constant 0 : index
      %get3A_863 = arith.constant 0 : index
      %get3A_864 = vector.load %arg5[%get3A, %get3A_862, %get3A_863] : memref<192x16x128xf32, #tpu.memory_space<vmem>>, vector<1x16x128xf32>
      %get3A_865 = vector.shape_cast %get3A_864 : vector<1x16x128xf32> to vector<16x128xf32>
      %max3A_866 = arith.maximumf %scan3A_856, %get3A_865 : vector<16x128xf32>
      %min3A_867 = arith.minimumf %scan3A_856, %get3A_865 : vector<16x128xf32>
      %max3A_868 = arith.maximumf %scan3A_857, %min3A_867 : vector<16x128xf32>
      %mul3A_869 = arith.constant 8 : i32
      %mul3A_870 = arith.muli %scan3A_855, %mul3A_869 : i32
      %add3A_871 = arith.constant 1 : i32
      %add3A_872 = arith.addi %mul3A_870, %add3A_871 : i32
      %get3A_873 = arith.index_cast %add3A_872 : i32 to index
      %get3A_874 = arith.constant 0 : index
      %get3A_875 = arith.constant 0 : index
      %get3A_876 = vector.load %arg5[%get3A_873, %get3A_874, %get3A_875] : memref<192x16x128xf32, #tpu.memory_space<vmem>>, vector<1x16x128xf32>
      %get3A_877 = vector.shape_cast %get3A_876 : vector<1x16x128xf32> to vector<16x128xf32>
      %max3A_878 = arith.maximumf %scan3A_858, %get3A_877 : vector<16x128xf32>
      %min3A_879 = arith.minimumf %scan3A_858, %get3A_877 : vector<16x128xf32>
      %max3A_880 = arith.maximumf %scan3A_859, %min3A_879 : vector<16x128xf32>
      %mul3A_881 = arith.constant 8 : i32
      %mul3A_882 = arith.muli %scan3A_855, %mul3A_881 : i32
      %add3A_883 = arith.constant 2 : i32
      %add3A_884 = arith.addi %mul3A_882, %add3A_883 : i32
      %get3A_885 = arith.index_cast %add3A_884 : i32 to index
      %get3A_886 = arith.constant 0 : index
      %get3A_887 = arith.constant 0 : index
      %get3A_888 = vector.load %arg5[%get3A_885, %get3A_886, %get3A_887] : memref<192x16x128xf32, #tpu.memory_space<vmem>>, vector<1x16x128xf32>
      %get3A_889 = vector.shape_cast %get3A_888 : vector<1x16x128xf32> to vector<16x128xf32>
      %max3A_890 = arith.maximumf %max3A_866, %get3A_889 : vector<16x128xf32>
      %min3A_891 = arith.minimumf %max3A_866, %get3A_889 : vector<16x128xf32>
      %max3A_892 = arith.maximumf %max3A_868, %min3A_891 : vector<16x128xf32>
      %mul3A_893 = arith.constant 8 : i32
      %mul3A_894 = arith.muli %scan3A_855, %mul3A_893 : i32
      %add3A_895 = arith.constant 3 : i32
      %add3A_896 = arith.addi %mul3A_894, %add3A_895 : i32
      %get3A_897 = arith.index_cast %add3A_896 : i32 to index
      %get3A_898 = arith.constant 0 : index
      %get3A_899 = arith.constant 0 : index
      %get3A_900 = vector.load %arg5[%get3A_897, %get3A_898, %get3A_899] : memref<192x16x128xf32, #tpu.memory_space<vmem>>, vector<1x16x128xf32>
      %get3A_901 = vector.shape_cast %get3A_900 : vector<1x16x128xf32> to vector<16x128xf32>
      %max3A_902 = arith.maximumf %max3A_878, %get3A_901 : vector<16x128xf32>
      %min3A_903 = arith.minimumf %max3A_878, %get3A_901 : vector<16x128xf32>
      %max3A_904 = arith.maximumf %max3A_880, %min3A_903 : vector<16x128xf32>
      %mul3A_905 = arith.constant 8 : i32
      %mul3A_906 = arith.muli %scan3A_855, %mul3A_905 : i32
      %add3A_907 = arith.constant 4 : i32
      %add3A_908 = arith.addi %mul3A_906, %add3A_907 : i32
      %get3A_909 = arith.index_cast %add3A_908 : i32 to index
      %get3A_910 = arith.constant 0 : index
      %get3A_911 = arith.constant 0 : index
      %get3A_912 = vector.load %arg5[%get3A_909, %get3A_910, %get3A_911] : memref<192x16x128xf32, #tpu.memory_space<vmem>>, vector<1x16x128xf32>
      %get3A_913 = vector.shape_cast %get3A_912 : vector<1x16x128xf32> to vector<16x128xf32>
      %max3A_914 = arith.maximumf %max3A_890, %get3A_913 : vector<16x128xf32>
      %min3A_915 = arith.minimumf %max3A_890, %get3A_913 : vector<16x128xf32>
      %max3A_916 = arith.maximumf %max3A_892, %min3A_915 : vector<16x128xf32>
      %mul3A_917 = arith.constant 8 : i32
      %mul3A_918 = arith.muli %scan3A_855, %mul3A_917 : i32
      %add3A_919 = arith.constant 5 : i32
      %add3A_920 = arith.addi %mul3A_918, %add3A_919 : i32
      %get3A_921 = arith.index_cast %add3A_920 : i32 to index
      %get3A_922 = arith.constant 0 : index
      %get3A_923 = arith.constant 0 : index
      %get3A_924 = vector.load %arg5[%get3A_921, %get3A_922, %get3A_923] : memref<192x16x128xf32, #tpu.memory_space<vmem>>, vector<1x16x128xf32>
      %get3A_925 = vector.shape_cast %get3A_924 : vector<1x16x128xf32> to vector<16x128xf32>
      %max3A_926 = arith.maximumf %max3A_902, %get3A_925 : vector<16x128xf32>
      %min3A_927 = arith.minimumf %max3A_902, %get3A_925 : vector<16x128xf32>
      %max3A_928 = arith.maximumf %max3A_904, %min3A_927 : vector<16x128xf32>
      %mul3A_929 = arith.constant 8 : i32
      %mul3A_930 = arith.muli %scan3A_855, %mul3A_929 : i32
      %add3A_931 = arith.constant 6 : i32
      %add3A_932 = arith.addi %mul3A_930, %add3A_931 : i32
      %get3A_933 = arith.index_cast %add3A_932 : i32 to index
      %get3A_934 = arith.constant 0 : index
      %get3A_935 = arith.constant 0 : index
      %get3A_936 = vector.load %arg5[%get3A_933, %get3A_934, %get3A_935] : memref<192x16x128xf32, #tpu.memory_space<vmem>>, vector<1x16x128xf32>
      %get3A_937 = vector.shape_cast %get3A_936 : vector<1x16x128xf32> to vector<16x128xf32>
      %max3A_938 = arith.maximumf %max3A_914, %get3A_937 : vector<16x128xf32>
      %min3A_939 = arith.minimumf %max3A_914, %get3A_937 : vector<16x128xf32>
      %max3A_940 = arith.maximumf %max3A_916, %min3A_939 : vector<16x128xf32>
      %mul3A_941 = arith.constant 8 : i32
      %mul3A_942 = arith.muli %scan3A_855, %mul3A_941 : i32
      %add3A_943 = arith.constant 7 : i32
      %add3A_944 = arith.addi %mul3A_942, %add3A_943 : i32
      %get3A_945 = arith.index_cast %add3A_944 : i32 to index
      %get3A_946 = arith.constant 0 : index
      %get3A_947 = arith.constant 0 : index
      %get3A_948 = vector.load %arg5[%get3A_945, %get3A_946, %get3A_947] : memref<192x16x128xf32, #tpu.memory_space<vmem>>, vector<1x16x128xf32>
      %get3A_949 = vector.shape_cast %get3A_948 : vector<1x16x128xf32> to vector<16x128xf32>
      %max3A_950 = arith.maximumf %max3A_926, %get3A_949 : vector<16x128xf32>
      %min3A_951 = arith.minimumf %max3A_926, %get3A_949 : vector<16x128xf32>
      %max3A_952 = arith.maximumf %max3A_928, %min3A_951 : vector<16x128xf32>
      scf.yield %max3A_938, %max3A_940, %max3A_950, %max3A_952 : vector<16x128xf32>, vector<16x128xf32>, vector<16x128xf32>, vector<16x128xf32>
    }
    %scan3A_136 = arith.constant 24 : i32
    %max3A_137 = arith.maximumf %scan3A_135#0, %scan3A_135#2 : vector<16x128xf32>
    %min3A_138 = arith.minimumf %scan3A_135#0, %scan3A_135#2 : vector<16x128xf32>
    %max3A_139 = arith.maximumf %scan3A_135#1, %scan3A_135#3 : vector<16x128xf32>
    %max3A_140 = arith.maximumf %min3A_138, %max3A_139 : vector<16x128xf32>
    %sub3A_141 = arith.subf %max3A_137, %max3A_140 : vector<16x128xf32>
    %exp3A_142 = math.exp %sub3A_141 : vector<16x128xf32>
    %sub3A_143 = arith.constant 1.000000e+00 : f32
    %sub3A_144 = vector.broadcast %sub3A_143 : f32 to vector<16x128xf32>
    %sub3A_145 = arith.subf %sub3A_144, %exp3A_142 : vector<16x128xf32>
    %exp3A_146 = math.exp %sub3A_145 : vector<16x128xf32>
    %swap3A_147 = arith.constant 0 : index
    %swap3A_148 = arith.constant 48 : index
    %swap3A_149 = arith.constant 0 : index
    %swap3A_150 = vector.load %arg6[%swap3A_147, %swap3A_148, %swap3A_149] : memref<4x96x128xf32, #tpu.memory_space<vmem>>, vector<1x16x128xf32>
    %swap3A_151 = vector.shape_cast %swap3A_150 : vector<1x16x128xf32> to vector<16x128xf32>
    %swap3A_152 = vector.shape_cast %exp3A_146 : vector<16x128xf32> to vector<1x16x128xf32>
    tpu.vector_store %arg6[%swap3A_147, %swap3A_148, %swap3A_149], %swap3A_152 {strides = array<i32>} : memref<4x96x128xf32, #tpu.memory_space<vmem>>, vector<1x16x128xf32>,
    %dma_start3A_153 = arith.constant 1 : i32
    %dma_start3A_154 = arith.constant 0 : i32
    %dma_start3A_155 = arith.constant 16 : i32
    %dma_start3A_156 = arith.constant 0 : i32
    %dma_start3A_157 = tpu.memref_slice %arg0[%dma_start3A_153, %dma_start3A_154, %dma_start3A_155, %dma_start3A_156] : memref<4x192x128x128xf32, #tpu.memory_space<any>> -> memref<1x192x16x128xf32, #tpu.memory_space<any>>
    %dma_start3A_158 = tpu.memref_squeeze %dma_start3A_157 : memref<1x192x16x128xf32, #tpu.memory_space<any>> -> memref<192x16x128xf32, #tpu.memory_space<any>>
    tpu.enqueue_dma source(%dma_start3A_158 : memref<192x16x128xf32, #tpu.memory_space<any>>) target(%arg5 : memref<192x16x128xf32, #tpu.memory_space<vmem>>) target_semaphore(%arg10 : memref<!tpu.dma_semaphore, #tpu.memory_space<semaphore_mem>>)
    %dma_wait3A_159 = arith.constant 0 : i32
    %dma_wait3A_160 = arith.constant 0 : i32
    %dma_wait3A_161 = arith.constant 64 : i32
    %dma_wait3A_162 = arith.constant 0 : i32
    %dma_wait3A_163 = tpu.memref_slice %arg0[%dma_wait3A_159, %dma_wait3A_160, %dma_wait3A_161, %dma_wait3A_162] : memref<4x192x128x128xf32, #tpu.memory_space<any>> -> memref<1x192x16x128xf32, #tpu.memory_space<any>>
    %dma_wait3A_164 = tpu.memref_squeeze %dma_wait3A_163 : memref<1x192x16x128xf32, #tpu.memory_space<any>> -> memref<192x16x128xf32, #tpu.memory_space<any>>
    tpu.wait_dma2 semaphore(%arg7 : memref<!tpu.dma_semaphore, #tpu.memory_space<semaphore_mem>>) src(%dma_wait3A_164 : memref<192x16x128xf32, #tpu.memory_space<any>>) dst(%arg2 : memref<192x16x128xf32, #tpu.memory_space<vmem>>)
    %broadcast_in_dim3A_165 = arith.constant 0xFF800000 : f32
    %broadcast_in_dim3A_166 = vector.broadcast %broadcast_in_dim3A_165 : f32 to vector<16x128xf32>
    %scan3A_167 = arith.constant 0 : i32
    %scan3A_168 = arith.constant 24 : i32
    %scan3A_169 = arith.addi %scan3A_167, %scan3A_168 : i32
    %scan3A_170 = arith.constant 1 : i32
    %scan3A_171:4 = scf.for %scan3A_855 = %scan3A_167 to %scan3A_169 step %scan3A_170 iter_args(%scan3A_856 = %broadcast_in_dim3A_166, %scan3A_857 = %broadcast_in_dim3A_166, %scan3A_858 = %broadcast_in_dim3A_166, %scan3A_859 = %broadcast_in_dim3A_166) -> (vector<16x128xf32>, vector<16x128xf32>, vector<16x128xf32>, vector<16x128xf32>)  : i32 {
      %mul3A = arith.constant 8 : i32
      %mul3A_860 = arith.muli %scan3A_855, %mul3A : i32
      %add3A = arith.constant 0 : i32
      %add3A_861 = arith.addi %mul3A_860, %add3A : i32
      %get3A = arith.index_cast %add3A_861 : i32 to index
      %get3A_862 = arith.constant 0 : index
      %get3A_863 = arith.constant 0 : index
      %get3A_864 = vector.load %arg2[%get3A, %get3A_862, %get3A_863] : memref<192x16x128xf32, #tpu.memory_space<vmem>>, vector<1x16x128xf32>
      %get3A_865 = vector.shape_cast %get3A_864 : vector<1x16x128xf32> to vector<16x128xf32>
      %max3A_866 = arith.maximumf %scan3A_856, %get3A_865 : vector<16x128xf32>
      %min3A_867 = arith.minimumf %scan3A_856, %get3A_865 : vector<16x128xf32>
      %max3A_868 = arith.maximumf %scan3A_857, %min3A_867 : vector<16x128xf32>
      %mul3A_869 = arith.constant 8 : i32
      %mul3A_870 = arith.muli %scan3A_855, %mul3A_869 : i32
      %add3A_871 = arith.constant 1 : i32
      %add3A_872 = arith.addi %mul3A_870, %add3A_871 : i32
      %get3A_873 = arith.index_cast %add3A_872 : i32 to index
      %get3A_874 = arith.constant 0 : index
      %get3A_875 = arith.constant 0 : index
      %get3A_876 = vector.load %arg2[%get3A_873, %get3A_874, %get3A_875] : memref<192x16x128xf32, #tpu.memory_space<vmem>>, vector<1x16x128xf32>
      %get3A_877 = vector.shape_cast %get3A_876 : vector<1x16x128xf32> to vector<16x128xf32>
      %max3A_878 = arith.maximumf %scan3A_858, %get3A_877 : vector<16x128xf32>
      %min3A_879 = arith.minimumf %scan3A_858, %get3A_877 : vector<16x128xf32>
      %max3A_880 = arith.maximumf %scan3A_859, %min3A_879 : vector<16x128xf32>
      %mul3A_881 = arith.constant 8 : i32
      %mul3A_882 = arith.muli %scan3A_855, %mul3A_881 : i32
      %add3A_883 = arith.constant 2 : i32
      %add3A_884 = arith.addi %mul3A_882, %add3A_883 : i32
      %get3A_885 = arith.index_cast %add3A_884 : i32 to index
      %get3A_886 = arith.constant 0 : index
      %get3A_887 = arith.constant 0 : index
      %get3A_888 = vector.load %arg2[%get3A_885, %get3A_886, %get3A_887] : memref<192x16x128xf32, #tpu.memory_space<vmem>>, vector<1x16x128xf32>
      %get3A_889 = vector.shape_cast %get3A_888 : vector<1x16x128xf32> to vector<16x128xf32>
      %max3A_890 = arith.maximumf %max3A_866, %get3A_889 : vector<16x128xf32>
      %min3A_891 = arith.minimumf %max3A_866, %get3A_889 : vector<16x128xf32>
      %max3A_892 = arith.maximumf %max3A_868, %min3A_891 : vector<16x128xf32>
      %mul3A_893 = arith.constant 8 : i32
      %mul3A_894 = arith.muli %scan3A_855, %mul3A_893 : i32
      %add3A_895 = arith.constant 3 : i32
      %add3A_896 = arith.addi %mul3A_894, %add3A_895 : i32
      %get3A_897 = arith.index_cast %add3A_896 : i32 to index
      %get3A_898 = arith.constant 0 : index
      %get3A_899 = arith.constant 0 : index
      %get3A_900 = vector.load %arg2[%get3A_897, %get3A_898, %get3A_899] : memref<192x16x128xf32, #tpu.memory_space<vmem>>, vector<1x16x128xf32>
      %get3A_901 = vector.shape_cast %get3A_900 : vector<1x16x128xf32> to vector<16x128xf32>
      %max3A_902 = arith.maximumf %max3A_878, %get3A_901 : vector<16x128xf32>
      %min3A_903 = arith.minimumf %max3A_878, %get3A_901 : vector<16x128xf32>
      %max3A_904 = arith.maximumf %max3A_880, %min3A_903 : vector<16x128xf32>
      %mul3A_905 = arith.constant 8 : i32
      %mul3A_906 = arith.muli %scan3A_855, %mul3A_905 : i32
      %add3A_907 = arith.constant 4 : i32
      %add3A_908 = arith.addi %mul3A_906, %add3A_907 : i32
      %get3A_909 = arith.index_cast %add3A_908 : i32 to index
      %get3A_910 = arith.constant 0 : index
      %get3A_911 = arith.constant 0 : index
      %get3A_912 = vector.load %arg2[%get3A_909, %get3A_910, %get3A_911] : memref<192x16x128xf32, #tpu.memory_space<vmem>>, vector<1x16x128xf32>
      %get3A_913 = vector.shape_cast %get3A_912 : vector<1x16x128xf32> to vector<16x128xf32>
      %max3A_914 = arith.maximumf %max3A_890, %get3A_913 : vector<16x128xf32>
      %min3A_915 = arith.minimumf %max3A_890, %get3A_913 : vector<16x128xf32>
      %max3A_916 = arith.maximumf %max3A_892, %min3A_915 : vector<16x128xf32>
      %mul3A_917 = arith.constant 8 : i32
      %mul3A_918 = arith.muli %scan3A_855, %mul3A_917 : i32
      %add3A_919 = arith.constant 5 : i32
      %add3A_920 = arith.addi %mul3A_918, %add3A_919 : i32
      %get3A_921 = arith.index_cast %add3A_920 : i32 to index
      %get3A_922 = arith.constant 0 : index
      %get3A_923 = arith.constant 0 : index
      %get3A_924 = vector.load %arg2[%get3A_921, %get3A_922, %get3A_923] : memref<192x16x128xf32, #tpu.memory_space<vmem>>, vector<1x16x128xf32>
      %get3A_925 = vector.shape_cast %get3A_924 : vector<1x16x128xf32> to vector<16x128xf32>
      %max3A_926 = arith.maximumf %max3A_902, %get3A_925 : vector<16x128xf32>
      %min3A_927 = arith.minimumf %max3A_902, %get3A_925 : vector<16x128xf32>
      %max3A_928 = arith.maximumf %max3A_904, %min3A_927 : vector<16x128xf32>
      %mul3A_929 = arith.constant 8 : i32
      %mul3A_930 = arith.muli %scan3A_855, %mul3A_929 : i32
      %add3A_931 = arith.constant 6 : i32
      %add3A_932 = arith.addi %mul3A_930, %add3A_931 : i32
      %get3A_933 = arith.index_cast %add3A_932 : i32 to index
      %get3A_934 = arith.constant 0 : index
      %get3A_935 = arith.constant 0 : index
      %get3A_936 = vector.load %arg2[%get3A_933, %get3A_934, %get3A_935] : memref<192x16x128xf32, #tpu.memory_space<vmem>>, vector<1x16x128xf32>
      %get3A_937 = vector.shape_cast %get3A_936 : vector<1x16x128xf32> to vector<16x128xf32>
      %max3A_938 = arith.maximumf %max3A_914, %get3A_937 : vector<16x128xf32>
      %min3A_939 = arith.minimumf %max3A_914, %get3A_937 : vector<16x128xf32>
      %max3A_940 = arith.maximumf %max3A_916, %min3A_939 : vector<16x128xf32>
      %mul3A_941 = arith.constant 8 : i32
      %mul3A_942 = arith.muli %scan3A_855, %mul3A_941 : i32
      %add3A_943 = arith.constant 7 : i32
      %add3A_944 = arith.addi %mul3A_942, %add3A_943 : i32
      %get3A_945 = arith.index_cast %add3A_944 : i32 to index
      %get3A_946 = arith.constant 0 : index
      %get3A_947 = arith.constant 0 : index
      %get3A_948 = vector.load %arg2[%get3A_945, %get3A_946, %get3A_947] : memref<192x16x128xf32, #tpu.memory_space<vmem>>, vector<1x16x128xf32>
      %get3A_949 = vector.shape_cast %get3A_948 : vector<1x16x128xf32> to vector<16x128xf32>
      %max3A_950 = arith.maximumf %max3A_926, %get3A_949 : vector<16x128xf32>
      %min3A_951 = arith.minimumf %max3A_926, %get3A_949 : vector<16x128xf32>
      %max3A_952 = arith.maximumf %max3A_928, %min3A_951 : vector<16x128xf32>
      scf.yield %max3A_938, %max3A_940, %max3A_950, %max3A_952 : vector<16x128xf32>, vector<16x128xf32>, vector<16x128xf32>, vector<16x128xf32>
    }
    %scan3A_172 = arith.constant 24 : i32
    %max3A_173 = arith.maximumf %scan3A_171#0, %scan3A_171#2 : vector<16x128xf32>
    %min3A_174 = arith.minimumf %scan3A_171#0, %scan3A_171#2 : vector<16x128xf32>
    %max3A_175 = arith.maximumf %scan3A_171#1, %scan3A_171#3 : vector<16x128xf32>
    %max3A_176 = arith.maximumf %min3A_174, %max3A_175 : vector<16x128xf32>
    %sub3A_177 = arith.subf %max3A_173, %max3A_176 : vector<16x128xf32>
    %exp3A_178 = math.exp %sub3A_177 : vector<16x128xf32>
    %sub3A_179 = arith.constant 1.000000e+00 : f32
    %sub3A_180 = vector.broadcast %sub3A_179 : f32 to vector<16x128xf32>
    %sub3A_181 = arith.subf %sub3A_180, %exp3A_178 : vector<16x128xf32>
    %exp3A_182 = math.exp %sub3A_181 : vector<16x128xf32>
    %swap3A_183 = arith.constant 0 : index
    %swap3A_184 = arith.constant 64 : index
    %swap3A_185 = arith.constant 0 : index
    %swap3A_186 = vector.load %arg6[%swap3A_183, %swap3A_184, %swap3A_185] : memref<4x96x128xf32, #tpu.memory_space<vmem>>, vector<1x16x128xf32>
    %swap3A_187 = vector.shape_cast %swap3A_186 : vector<1x16x128xf32> to vector<16x128xf32>
    %swap3A_188 = vector.shape_cast %exp3A_182 : vector<16x128xf32> to vector<1x16x128xf32>
    tpu.vector_store %arg6[%swap3A_183, %swap3A_184, %swap3A_185], %swap3A_188 {strides = array<i32>} : memref<4x96x128xf32, #tpu.memory_space<vmem>>, vector<1x16x128xf32>,
    %dma_start3A_189 = arith.constant 1 : i32
    %dma_start3A_190 = arith.constant 0 : i32
    %dma_start3A_191 = arith.constant 32 : i32
    %dma_start3A_192 = arith.constant 0 : i32
    %dma_start3A_193 = tpu.memref_slice %arg0[%dma_start3A_189, %dma_start3A_190, %dma_start3A_191, %dma_start3A_192] : memref<4x192x128x128xf32, #tpu.memory_space<any>> -> memref<1x192x16x128xf32, #tpu.memory_space<any>>
    %dma_start3A_194 = tpu.memref_squeeze %dma_start3A_193 : memref<1x192x16x128xf32, #tpu.memory_space<any>> -> memref<192x16x128xf32, #tpu.memory_space<any>>
    tpu.enqueue_dma source(%dma_start3A_194 : memref<192x16x128xf32, #tpu.memory_space<any>>) target(%arg2 : memref<192x16x128xf32, #tpu.memory_space<vmem>>) target_semaphore(%arg7 : memref<!tpu.dma_semaphore, #tpu.memory_space<semaphore_mem>>)
    %dma_wait3A_195 = arith.constant 0 : i32
    %dma_wait3A_196 = arith.constant 0 : i32
    %dma_wait3A_197 = arith.constant 80 : i32
    %dma_wait3A_198 = arith.constant 0 : i32
    %dma_wait3A_199 = tpu.memref_slice %arg0[%dma_wait3A_195, %dma_wait3A_196, %dma_wait3A_197, %dma_wait3A_198] : memref<4x192x128x128xf32, #tpu.memory_space<any>> -> memref<1x192x16x128xf32, #tpu.memory_space<any>>
    %dma_wait3A_200 = tpu.memref_squeeze %dma_wait3A_199 : memref<1x192x16x128xf32, #tpu.memory_space<any>> -> memref<192x16x128xf32, #tpu.memory_space<any>>
    tpu.wait_dma2 semaphore(%arg8 : memref<!tpu.dma_semaphore, #tpu.memory_space<semaphore_mem>>) src(%dma_wait3A_200 : memref<192x16x128xf32, #tpu.memory_space<any>>) dst(%arg3 : memref<192x16x128xf32, #tpu.memory_space<vmem>>)
    %broadcast_in_dim3A_201 = arith.constant 0xFF800000 : f32
    %broadcast_in_dim3A_202 = vector.broadcast %broadcast_in_dim3A_201 : f32 to vector<16x128xf32>
    %scan3A_203 = arith.constant 0 : i32
    %scan3A_204 = arith.constant 24 : i32
    %scan3A_205 = arith.addi %scan3A_203, %scan3A_204 : i32
    %scan3A_206 = arith.constant 1 : i32
    %scan3A_207:4 = scf.for %scan3A_855 = %scan3A_203 to %scan3A_205 step %scan3A_206 iter_args(%scan3A_856 = %broadcast_in_dim3A_202, %scan3A_857 = %broadcast_in_dim3A_202, %scan3A_858 = %broadcast_in_dim3A_202, %scan3A_859 = %broadcast_in_dim3A_202) -> (vector<16x128xf32>, vector<16x128xf32>, vector<16x128xf32>, vector<16x128xf32>)  : i32 {
      %mul3A = arith.constant 8 : i32
      %mul3A_860 = arith.muli %scan3A_855, %mul3A : i32
      %add3A = arith.constant 0 : i32
      %add3A_861 = arith.addi %mul3A_860, %add3A : i32
      %get3A = arith.index_cast %add3A_861 : i32 to index
      %get3A_862 = arith.constant 0 : index
      %get3A_863 = arith.constant 0 : index
      %get3A_864 = vector.load %arg3[%get3A, %get3A_862, %get3A_863] : memref<192x16x128xf32, #tpu.memory_space<vmem>>, vector<1x16x128xf32>
      %get3A_865 = vector.shape_cast %get3A_864 : vector<1x16x128xf32> to vector<16x128xf32>
      %max3A_866 = arith.maximumf %scan3A_856, %get3A_865 : vector<16x128xf32>
      %min3A_867 = arith.minimumf %scan3A_856, %get3A_865 : vector<16x128xf32>
      %max3A_868 = arith.maximumf %scan3A_857, %min3A_867 : vector<16x128xf32>
      %mul3A_869 = arith.constant 8 : i32
      %mul3A_870 = arith.muli %scan3A_855, %mul3A_869 : i32
      %add3A_871 = arith.constant 1 : i32
      %add3A_872 = arith.addi %mul3A_870, %add3A_871 : i32
      %get3A_873 = arith.index_cast %add3A_872 : i32 to index
      %get3A_874 = arith.constant 0 : index
      %get3A_875 = arith.constant 0 : index
      %get3A_876 = vector.load %arg3[%get3A_873, %get3A_874, %get3A_875] : memref<192x16x128xf32, #tpu.memory_space<vmem>>, vector<1x16x128xf32>
      %get3A_877 = vector.shape_cast %get3A_876 : vector<1x16x128xf32> to vector<16x128xf32>
      %max3A_878 = arith.maximumf %scan3A_858, %get3A_877 : vector<16x128xf32>
      %min3A_879 = arith.minimumf %scan3A_858, %get3A_877 : vector<16x128xf32>
      %max3A_880 = arith.maximumf %scan3A_859, %min3A_879 : vector<16x128xf32>
      %mul3A_881 = arith.constant 8 : i32
      %mul3A_882 = arith.muli %scan3A_855, %mul3A_881 : i32
      %add3A_883 = arith.constant 2 : i32
      %add3A_884 = arith.addi %mul3A_882, %add3A_883 : i32
      %get3A_885 = arith.index_cast %add3A_884 : i32 to index
      %get3A_886 = arith.constant 0 : index
      %get3A_887 = arith.constant 0 : index
      %get3A_888 = vector.load %arg3[%get3A_885, %get3A_886, %get3A_887] : memref<192x16x128xf32, #tpu.memory_space<vmem>>, vector<1x16x128xf32>
      %get3A_889 = vector.shape_cast %get3A_888 : vector<1x16x128xf32> to vector<16x128xf32>
      %max3A_890 = arith.maximumf %max3A_866, %get3A_889 : vector<16x128xf32>
      %min3A_891 = arith.minimumf %max3A_866, %get3A_889 : vector<16x128xf32>
      %max3A_892 = arith.maximumf %max3A_868, %min3A_891 : vector<16x128xf32>
      %mul3A_893 = arith.constant 8 : i32
      %mul3A_894 = arith.muli %scan3A_855, %mul3A_893 : i32
      %add3A_895 = arith.constant 3 : i32
      %add3A_896 = arith.addi %mul3A_894, %add3A_895 : i32
      %get3A_897 = arith.index_cast %add3A_896 : i32 to index
      %get3A_898 = arith.constant 0 : index
      %get3A_899 = arith.constant 0 : index
      %get3A_900 = vector.load %arg3[%get3A_897, %get3A_898, %get3A_899] : memref<192x16x128xf32, #tpu.memory_space<vmem>>, vector<1x16x128xf32>
      %get3A_901 = vector.shape_cast %get3A_900 : vector<1x16x128xf32> to vector<16x128xf32>
      %max3A_902 = arith.maximumf %max3A_878, %get3A_901 : vector<16x128xf32>
      %min3A_903 = arith.minimumf %max3A_878, %get3A_901 : vector<16x128xf32>
      %max3A_904 = arith.maximumf %max3A_880, %min3A_903 : vector<16x128xf32>
      %mul3A_905 = arith.constant 8 : i32
      %mul3A_906 = arith.muli %scan3A_855, %mul3A_905 : i32
      %add3A_907 = arith.constant 4 : i32
      %add3A_908 = arith.addi %mul3A_906, %add3A_907 : i32
      %get3A_909 = arith.index_cast %add3A_908 : i32 to index
      %get3A_910 = arith.constant 0 : index
      %get3A_911 = arith.constant 0 : index
      %get3A_912 = vector.load %arg3[%get3A_909, %get3A_910, %get3A_911] : memref<192x16x128xf32, #tpu.memory_space<vmem>>, vector<1x16x128xf32>
      %get3A_913 = vector.shape_cast %get3A_912 : vector<1x16x128xf32> to vector<16x128xf32>
      %max3A_914 = arith.maximumf %max3A_890, %get3A_913 : vector<16x128xf32>
      %min3A_915 = arith.minimumf %max3A_890, %get3A_913 : vector<16x128xf32>
      %max3A_916 = arith.maximumf %max3A_892, %min3A_915 : vector<16x128xf32>
      %mul3A_917 = arith.constant 8 : i32
      %mul3A_918 = arith.muli %scan3A_855, %mul3A_917 : i32
      %add3A_919 = arith.constant 5 : i32
      %add3A_920 = arith.addi %mul3A_918, %add3A_919 : i32
      %get3A_921 = arith.index_cast %add3A_920 : i32 to index
      %get3A_922 = arith.constant 0 : index
      %get3A_923 = arith.constant 0 : index
      %get3A_924 = vector.load %arg3[%get3A_921, %get3A_922, %get3A_923] : memref<192x16x128xf32, #tpu.memory_space<vmem>>, vector<1x16x128xf32>
      %get3A_925 = vector.shape_cast %get3A_924 : vector<1x16x128xf32> to vector<16x128xf32>
      %max3A_926 = arith.maximumf %max3A_902, %get3A_925 : vector<16x128xf32>
      %min3A_927 = arith.minimumf %max3A_902, %get3A_925 : vector<16x128xf32>
      %max3A_928 = arith.maximumf %max3A_904, %min3A_927 : vector<16x128xf32>
      %mul3A_929 = arith.constant 8 : i32
      %mul3A_930 = arith.muli %scan3A_855, %mul3A_929 : i32
      %add3A_931 = arith.constant 6 : i32
      %add3A_932 = arith.addi %mul3A_930, %add3A_931 : i32
      %get3A_933 = arith.index_cast %add3A_932 : i32 to index
      %get3A_934 = arith.constant 0 : index
      %get3A_935 = arith.constant 0 : index
      %get3A_936 = vector.load %arg3[%get3A_933, %get3A_934, %get3A_935] : memref<192x16x128xf32, #tpu.memory_space<vmem>>, vector<1x16x128xf32>
      %get3A_937 = vector.shape_cast %get3A_936 : vector<1x16x128xf32> to vector<16x128xf32>
      %max3A_938 = arith.maximumf %max3A_914, %get3A_937 : vector<16x128xf32>
      %min3A_939 = arith.minimumf %max3A_914, %get3A_937 : vector<16x128xf32>
      %max3A_940 = arith.maximumf %max3A_916, %min3A_939 : vector<16x128xf32>
      %mul3A_941 = arith.constant 8 : i32
      %mul3A_942 = arith.muli %scan3A_855, %mul3A_941 : i32
      %add3A_943 = arith.constant 7 : i32
      %add3A_944 = arith.addi %mul3A_942, %add3A_943 : i32
      %get3A_945 = arith.index_cast %add3A_944 : i32 to index
      %get3A_946 = arith.constant 0 : index
      %get3A_947 = arith.constant 0 : index
      %get3A_948 = vector.load %arg3[%get3A_945, %get3A_946, %get3A_947] : memref<192x16x128xf32, #tpu.memory_space<vmem>>, vector<1x16x128xf32>
      %get3A_949 = vector.shape_cast %get3A_948 : vector<1x16x128xf32> to vector<16x128xf32>
      %max3A_950 = arith.maximumf %max3A_926, %get3A_949 : vector<16x128xf32>
      %min3A_951 = arith.minimumf %max3A_926, %get3A_949 : vector<16x128xf32>
      %max3A_952 = arith.maximumf %max3A_928, %min3A_951 : vector<16x128xf32>
      scf.yield %max3A_938, %max3A_940, %max3A_950, %max3A_952 : vector<16x128xf32>, vector<16x128xf32>, vector<16x128xf32>, vector<16x128xf32>
    }
    %scan3A_208 = arith.constant 24 : i32
    %max3A_209 = arith.maximumf %scan3A_207#0, %scan3A_207#2 : vector<16x128xf32>
    %min3A_210 = arith.minimumf %scan3A_207#0, %scan3A_207#2 : vector<16x128xf32>
    %max3A_211 = arith.maximumf %scan3A_207#1, %scan3A_207#3 : vector<16x128xf32>
    %max3A_212 = arith.maximumf %min3A_210, %max3A_211 : vector<16x128xf32>
    %sub3A_213 = arith.subf %max3A_209, %max3A_212 : vector<16x128xf32>
    %exp3A_214 = math.exp %sub3A_213 : vector<16x128xf32>
    %sub3A_215 = arith.constant 1.000000e+00 : f32
    %sub3A_216 = vector.broadcast %sub3A_215 : f32 to vector<16x128xf32>
    %sub3A_217 = arith.subf %sub3A_216, %exp3A_214 : vector<16x128xf32>
    %exp3A_218 = math.exp %sub3A_217 : vector<16x128xf32>
    %swap3A_219 = arith.constant 0 : index
    %swap3A_220 = arith.constant 80 : index
    %swap3A_221 = arith.constant 0 : index
    %swap3A_222 = vector.load %arg6[%swap3A_219, %swap3A_220, %swap3A_221] : memref<4x96x128xf32, #tpu.memory_space<vmem>>, vector<1x16x128xf32>
    %swap3A_223 = vector.shape_cast %swap3A_222 : vector<1x16x128xf32> to vector<16x128xf32>
    %swap3A_224 = vector.shape_cast %exp3A_218 : vector<16x128xf32> to vector<1x16x128xf32>
    tpu.vector_store %arg6[%swap3A_219, %swap3A_220, %swap3A_221], %swap3A_224 {strides = array<i32>} : memref<4x96x128xf32, #tpu.memory_space<vmem>>, vector<1x16x128xf32>,
    %dma_start3A_225 = arith.constant 1 : i32
    %dma_start3A_226 = arith.constant 0 : i32
    %dma_start3A_227 = arith.constant 48 : i32
    %dma_start3A_228 = arith.constant 0 : i32
    %dma_start3A_229 = tpu.memref_slice %arg0[%dma_start3A_225, %dma_start3A_226, %dma_start3A_227, %dma_start3A_228] : memref<4x192x128x128xf32, #tpu.memory_space<any>> -> memref<1x192x16x128xf32, #tpu.memory_space<any>>
    %dma_start3A_230 = tpu.memref_squeeze %dma_start3A_229 : memref<1x192x16x128xf32, #tpu.memory_space<any>> -> memref<192x16x128xf32, #tpu.memory_space<any>>
    tpu.enqueue_dma source(%dma_start3A_230 : memref<192x16x128xf32, #tpu.memory_space<any>>) target(%arg3 : memref<192x16x128xf32, #tpu.memory_space<vmem>>) target_semaphore(%arg8 : memref<!tpu.dma_semaphore, #tpu.memory_space<semaphore_mem>>)
    %dma_wait3A_231 = arith.constant 1 : i32
    %dma_wait3A_232 = arith.constant 0 : i32
    %dma_wait3A_233 = arith.constant 0 : i32
    %dma_wait3A_234 = arith.constant 0 : i32
    %dma_wait3A_235 = tpu.memref_slice %arg0[%dma_wait3A_231, %dma_wait3A_232, %dma_wait3A_233, %dma_wait3A_234] : memref<4x192x128x128xf32, #tpu.memory_space<any>> -> memref<1x192x16x128xf32, #tpu.memory_space<any>>
    %dma_wait3A_236 = tpu.memref_squeeze %dma_wait3A_235 : memref<1x192x16x128xf32, #tpu.memory_space<any>> -> memref<192x16x128xf32, #tpu.memory_space<any>>
    tpu.wait_dma2 semaphore(%arg9 : memref<!tpu.dma_semaphore, #tpu.memory_space<semaphore_mem>>) src(%dma_wait3A_236 : memref<192x16x128xf32, #tpu.memory_space<any>>) dst(%arg4 : memref<192x16x128xf32, #tpu.memory_space<vmem>>)
    %broadcast_in_dim3A_237 = arith.constant 0xFF800000 : f32
    %broadcast_in_dim3A_238 = vector.broadcast %broadcast_in_dim3A_237 : f32 to vector<16x128xf32>
    %scan3A_239 = arith.constant 0 : i32
    %scan3A_240 = arith.constant 24 : i32
    %scan3A_241 = arith.addi %scan3A_239, %scan3A_240 : i32
    %scan3A_242 = arith.constant 1 : i32
    %scan3A_243:4 = scf.for %scan3A_855 = %scan3A_239 to %scan3A_241 step %scan3A_242 iter_args(%scan3A_856 = %broadcast_in_dim3A_238, %scan3A_857 = %broadcast_in_dim3A_238, %scan3A_858 = %broadcast_in_dim3A_238, %scan3A_859 = %broadcast_in_dim3A_238) -> (vector<16x128xf32>, vector<16x128xf32>, vector<16x128xf32>, vector<16x128xf32>)  : i32 {
      %mul3A = arith.constant 8 : i32
      %mul3A_860 = arith.muli %scan3A_855, %mul3A : i32
      %add3A = arith.constant 0 : i32
      %add3A_861 = arith.addi %mul3A_860, %add3A : i32
      %get3A = arith.index_cast %add3A_861 : i32 to index
      %get3A_862 = arith.constant 0 : index
      %get3A_863 = arith.constant 0 : index
      %get3A_864 = vector.load %arg4[%get3A, %get3A_862, %get3A_863] : memref<192x16x128xf32, #tpu.memory_space<vmem>>, vector<1x16x128xf32>
      %get3A_865 = vector.shape_cast %get3A_864 : vector<1x16x128xf32> to vector<16x128xf32>
      %max3A_866 = arith.maximumf %scan3A_856, %get3A_865 : vector<16x128xf32>
      %min3A_867 = arith.minimumf %scan3A_856, %get3A_865 : vector<16x128xf32>
      %max3A_868 = arith.maximumf %scan3A_857, %min3A_867 : vector<16x128xf32>
      %mul3A_869 = arith.constant 8 : i32
      %mul3A_870 = arith.muli %scan3A_855, %mul3A_869 : i32
      %add3A_871 = arith.constant 1 : i32
      %add3A_872 = arith.addi %mul3A_870, %add3A_871 : i32
      %get3A_873 = arith.index_cast %add3A_872 : i32 to index
      %get3A_874 = arith.constant 0 : index
      %get3A_875 = arith.constant 0 : index
      %get3A_876 = vector.load %arg4[%get3A_873, %get3A_874, %get3A_875] : memref<192x16x128xf32, #tpu.memory_space<vmem>>, vector<1x16x128xf32>
      %get3A_877 = vector.shape_cast %get3A_876 : vector<1x16x128xf32> to vector<16x128xf32>
      %max3A_878 = arith.maximumf %scan3A_858, %get3A_877 : vector<16x128xf32>
      %min3A_879 = arith.minimumf %scan3A_858, %get3A_877 : vector<16x128xf32>
      %max3A_880 = arith.maximumf %scan3A_859, %min3A_879 : vector<16x128xf32>
      %mul3A_881 = arith.constant 8 : i32
      %mul3A_882 = arith.muli %scan3A_855, %mul3A_881 : i32
      %add3A_883 = arith.constant 2 : i32
      %add3A_884 = arith.addi %mul3A_882, %add3A_883 : i32
      %get3A_885 = arith.index_cast %add3A_884 : i32 to index
      %get3A_886 = arith.constant 0 : index
      %get3A_887 = arith.constant 0 : index
      %get3A_888 = vector.load %arg4[%get3A_885, %get3A_886, %get3A_887] : memref<192x16x128xf32, #tpu.memory_space<vmem>>, vector<1x16x128xf32>
      %get3A_889 = vector.shape_cast %get3A_888 : vector<1x16x128xf32> to vector<16x128xf32>
      %max3A_890 = arith.maximumf %max3A_866, %get3A_889 : vector<16x128xf32>
      %min3A_891 = arith.minimumf %max3A_866, %get3A_889 : vector<16x128xf32>
      %max3A_892 = arith.maximumf %max3A_868, %min3A_891 : vector<16x128xf32>
      %mul3A_893 = arith.constant 8 : i32
      %mul3A_894 = arith.muli %scan3A_855, %mul3A_893 : i32
      %add3A_895 = arith.constant 3 : i32
      %add3A_896 = arith.addi %mul3A_894, %add3A_895 : i32
      %get3A_897 = arith.index_cast %add3A_896 : i32 to index
      %get3A_898 = arith.constant 0 : index
      %get3A_899 = arith.constant 0 : index
      %get3A_900 = vector.load %arg4[%get3A_897, %get3A_898, %get3A_899] : memref<192x16x128xf32, #tpu.memory_space<vmem>>, vector<1x16x128xf32>
      %get3A_901 = vector.shape_cast %get3A_900 : vector<1x16x128xf32> to vector<16x128xf32>
      %max3A_902 = arith.maximumf %max3A_878, %get3A_901 : vector<16x128xf32>
      %min3A_903 = arith.minimumf %max3A_878, %get3A_901 : vector<16x128xf32>
      %max3A_904 = arith.maximumf %max3A_880, %min3A_903 : vector<16x128xf32>
      %mul3A_905 = arith.constant 8 : i32
      %mul3A_906 = arith.muli %scan3A_855, %mul3A_905 : i32
      %add3A_907 = arith.constant 4 : i32
      %add3A_908 = arith.addi %mul3A_906, %add3A_907 : i32
      %get3A_909 = arith.index_cast %add3A_908 : i32 to index
      %get3A_910 = arith.constant 0 : index
      %get3A_911 = arith.constant 0 : index
      %get3A_912 = vector.load %arg4[%get3A_909, %get3A_910, %get3A_911] : memref<192x16x128xf32, #tpu.memory_space<vmem>>, vector<1x16x128xf32>
      %get3A_913 = vector.shape_cast %get3A_912 : vector<1x16x128xf32> to vector<16x128xf32>
      %max3A_914 = arith.maximumf %max3A_890, %get3A_913 : vector<16x128xf32>
      %min3A_915 = arith.minimumf %max3A_890, %get3A_913 : vector<16x128xf32>
      %max3A_916 = arith.maximumf %max3A_892, %min3A_915 : vector<16x128xf32>
      %mul3A_917 = arith.constant 8 : i32
      %mul3A_918 = arith.muli %scan3A_855, %mul3A_917 : i32
      %add3A_919 = arith.constant 5 : i32
      %add3A_920 = arith.addi %mul3A_918, %add3A_919 : i32
      %get3A_921 = arith.index_cast %add3A_920 : i32 to index
      %get3A_922 = arith.constant 0 : index
      %get3A_923 = arith.constant 0 : index
      %get3A_924 = vector.load %arg4[%get3A_921, %get3A_922, %get3A_923] : memref<192x16x128xf32, #tpu.memory_space<vmem>>, vector<1x16x128xf32>
      %get3A_925 = vector.shape_cast %get3A_924 : vector<1x16x128xf32> to vector<16x128xf32>
      %max3A_926 = arith.maximumf %max3A_902, %get3A_925 : vector<16x128xf32>
      %min3A_927 = arith.minimumf %max3A_902, %get3A_925 : vector<16x128xf32>
      %max3A_928 = arith.maximumf %max3A_904, %min3A_927 : vector<16x128xf32>
      %mul3A_929 = arith.constant 8 : i32
      %mul3A_930 = arith.muli %scan3A_855, %mul3A_929 : i32
      %add3A_931 = arith.constant 6 : i32
      %add3A_932 = arith.addi %mul3A_930, %add3A_931 : i32
      %get3A_933 = arith.index_cast %add3A_932 : i32 to index
      %get3A_934 = arith.constant 0 : index
      %get3A_935 = arith.constant 0 : index
      %get3A_936 = vector.load %arg4[%get3A_933, %get3A_934, %get3A_935] : memref<192x16x128xf32, #tpu.memory_space<vmem>>, vector<1x16x128xf32>
      %get3A_937 = vector.shape_cast %get3A_936 : vector<1x16x128xf32> to vector<16x128xf32>
      %max3A_938 = arith.maximumf %max3A_914, %get3A_937 : vector<16x128xf32>
      %min3A_939 = arith.minimumf %max3A_914, %get3A_937 : vector<16x128xf32>
      %max3A_940 = arith.maximumf %max3A_916, %min3A_939 : vector<16x128xf32>
      %mul3A_941 = arith.constant 8 : i32
      %mul3A_942 = arith.muli %scan3A_855, %mul3A_941 : i32
      %add3A_943 = arith.constant 7 : i32
      %add3A_944 = arith.addi %mul3A_942, %add3A_943 : i32
      %get3A_945 = arith.index_cast %add3A_944 : i32 to index
      %get3A_946 = arith.constant 0 : index
      %get3A_947 = arith.constant 0 : index
      %get3A_948 = vector.load %arg4[%get3A_945, %get3A_946, %get3A_947] : memref<192x16x128xf32, #tpu.memory_space<vmem>>, vector<1x16x128xf32>
      %get3A_949 = vector.shape_cast %get3A_948 : vector<1x16x128xf32> to vector<16x128xf32>
      %max3A_950 = arith.maximumf %max3A_926, %get3A_949 : vector<16x128xf32>
      %min3A_951 = arith.minimumf %max3A_926, %get3A_949 : vector<16x128xf32>
      %max3A_952 = arith.maximumf %max3A_928, %min3A_951 : vector<16x128xf32>
      scf.yield %max3A_938, %max3A_940, %max3A_950, %max3A_952 : vector<16x128xf32>, vector<16x128xf32>, vector<16x128xf32>, vector<16x128xf32>
    }
    %scan3A_244 = arith.constant 24 : i32
    %max3A_245 = arith.maximumf %scan3A_243#0, %scan3A_243#2 : vector<16x128xf32>
    %min3A_246 = arith.minimumf %scan3A_243#0, %scan3A_243#2 : vector<16x128xf32>
    %max3A_247 = arith.maximumf %scan3A_243#1, %scan3A_243#3 : vector<16x128xf32>
    %max3A_248 = arith.maximumf %min3A_246, %max3A_247 : vector<16x128xf32>
    %sub3A_249 = arith.subf %max3A_245, %max3A_248 : vector<16x128xf32>
    %exp3A_250 = math.exp %sub3A_249 : vector<16x128xf32>
    %sub3A_251 = arith.constant 1.000000e+00 : f32
    %sub3A_252 = vector.broadcast %sub3A_251 : f32 to vector<16x128xf32>
    %sub3A_253 = arith.subf %sub3A_252, %exp3A_250 : vector<16x128xf32>
    %exp3A_254 = math.exp %sub3A_253 : vector<16x128xf32>
    %swap3A_255 = arith.constant 1 : index
    %swap3A_256 = arith.constant 0 : index
    %swap3A_257 = arith.constant 0 : index
    %swap3A_258 = vector.load %arg6[%swap3A_255, %swap3A_256, %swap3A_257] : memref<4x96x128xf32, #tpu.memory_space<vmem>>, vector<1x16x128xf32>
    %swap3A_259 = vector.shape_cast %swap3A_258 : vector<1x16x128xf32> to vector<16x128xf32>
    %swap3A_260 = vector.shape_cast %exp3A_254 : vector<16x128xf32> to vector<1x16x128xf32>
    tpu.vector_store %arg6[%swap3A_255, %swap3A_256, %swap3A_257], %swap3A_260 {strides = array<i32>} : memref<4x96x128xf32, #tpu.memory_space<vmem>>, vector<1x16x128xf32>,
    %dma_start3A_261 = arith.constant 1 : i32
    %dma_start3A_262 = arith.constant 0 : i32
    %dma_start3A_263 = arith.constant 64 : i32
    %dma_start3A_264 = arith.constant 0 : i32
    %dma_start3A_265 = tpu.memref_slice %arg0[%dma_start3A_261, %dma_start3A_262, %dma_start3A_263, %dma_start3A_264] : memref<4x192x128x128xf32, #tpu.memory_space<any>> -> memref<1x192x16x128xf32, #tpu.memory_space<any>>
    %dma_start3A_266 = tpu.memref_squeeze %dma_start3A_265 : memref<1x192x16x128xf32, #tpu.memory_space<any>> -> memref<192x16x128xf32, #tpu.memory_space<any>>
    tpu.enqueue_dma source(%dma_start3A_266 : memref<192x16x128xf32, #tpu.memory_space<any>>) target(%arg4 : memref<192x16x128xf32, #tpu.memory_space<vmem>>) target_semaphore(%arg9 : memref<!tpu.dma_semaphore, #tpu.memory_space<semaphore_mem>>)
    %dma_wait3A_267 = arith.constant 1 : i32
    %dma_wait3A_268 = arith.constant 0 : i32
    %dma_wait3A_269 = arith.constant 16 : i32
    %dma_wait3A_270 = arith.constant 0 : i32
    %dma_wait3A_271 = tpu.memref_slice %arg0[%dma_wait3A_267, %dma_wait3A_268, %dma_wait3A_269, %dma_wait3A_270] : memref<4x192x128x128xf32, #tpu.memory_space<any>> -> memref<1x192x16x128xf32, #tpu.memory_space<any>>
    %dma_wait3A_272 = tpu.memref_squeeze %dma_wait3A_271 : memref<1x192x16x128xf32, #tpu.memory_space<any>> -> memref<192x16x128xf32, #tpu.memory_space<any>>
    tpu.wait_dma2 semaphore(%arg10 : memref<!tpu.dma_semaphore, #tpu.memory_space<semaphore_mem>>) src(%dma_wait3A_272 : memref<192x16x128xf32, #tpu.memory_space<any>>) dst(%arg5 : memref<192x16x128xf32, #tpu.memory_space<vmem>>)
    %broadcast_in_dim3A_273 = arith.constant 0xFF800000 : f32
    %broadcast_in_dim3A_274 = vector.broadcast %broadcast_in_dim3A_273 : f32 to vector<16x128xf32>
    %scan3A_275 = arith.constant 0 : i32
    %scan3A_276 = arith.constant 24 : i32
    %scan3A_277 = arith.addi %scan3A_275, %scan3A_276 : i32
    %scan3A_278 = arith.constant 1 : i32
    %scan3A_279:4 = scf.for %scan3A_855 = %scan3A_275 to %scan3A_277 step %scan3A_278 iter_args(%scan3A_856 = %broadcast_in_dim3A_274, %scan3A_857 = %broadcast_in_dim3A_274, %scan3A_858 = %broadcast_in_dim3A_274, %scan3A_859 = %broadcast_in_dim3A_274) -> (vector<16x128xf32>, vector<16x128xf32>, vector<16x128xf32>, vector<16x128xf32>)  : i32 {
      %mul3A = arith.constant 8 : i32
      %mul3A_860 = arith.muli %scan3A_855, %mul3A : i32
      %add3A = arith.constant 0 : i32
      %add3A_861 = arith.addi %mul3A_860, %add3A : i32
      %get3A = arith.index_cast %add3A_861 : i32 to index
      %get3A_862 = arith.constant 0 : index
      %get3A_863 = arith.constant 0 : index
      %get3A_864 = vector.load %arg5[%get3A, %get3A_862, %get3A_863] : memref<192x16x128xf32, #tpu.memory_space<vmem>>, vector<1x16x128xf32>
      %get3A_865 = vector.shape_cast %get3A_864 : vector<1x16x128xf32> to vector<16x128xf32>
      %max3A_866 = arith.maximumf %scan3A_856, %get3A_865 : vector<16x128xf32>
      %min3A_867 = arith.minimumf %scan3A_856, %get3A_865 : vector<16x128xf32>
      %max3A_868 = arith.maximumf %scan3A_857, %min3A_867 : vector<16x128xf32>
      %mul3A_869 = arith.constant 8 : i32
      %mul3A_870 = arith.muli %scan3A_855, %mul3A_869 : i32
      %add3A_871 = arith.constant 1 : i32
      %add3A_872 = arith.addi %mul3A_870, %add3A_871 : i32
      %get3A_873 = arith.index_cast %add3A_872 : i32 to index
      %get3A_874 = arith.constant 0 : index
      %get3A_875 = arith.constant 0 : index
      %get3A_876 = vector.load %arg5[%get3A_873, %get3A_874, %get3A_875] : memref<192x16x128xf32, #tpu.memory_space<vmem>>, vector<1x16x128xf32>
      %get3A_877 = vector.shape_cast %get3A_876 : vector<1x16x128xf32> to vector<16x128xf32>
      %max3A_878 = arith.maximumf %scan3A_858, %get3A_877 : vector<16x128xf32>
      %min3A_879 = arith.minimumf %scan3A_858, %get3A_877 : vector<16x128xf32>
      %max3A_880 = arith.maximumf %scan3A_859, %min3A_879 : vector<16x128xf32>
      %mul3A_881 = arith.constant 8 : i32
      %mul3A_882 = arith.muli %scan3A_855, %mul3A_881 : i32
      %add3A_883 = arith.constant 2 : i32
      %add3A_884 = arith.addi %mul3A_882, %add3A_883 : i32
      %get3A_885 = arith.index_cast %add3A_884 : i32 to index
      %get3A_886 = arith.constant 0 : index
      %get3A_887 = arith.constant 0 : index
      %get3A_888 = vector.load %arg5[%get3A_885, %get3A_886, %get3A_887] : memref<192x16x128xf32, #tpu.memory_space<vmem>>, vector<1x16x128xf32>
      %get3A_889 = vector.shape_cast %get3A_888 : vector<1x16x128xf32> to vector<16x128xf32>
      %max3A_890 = arith.maximumf %max3A_866, %get3A_889 : vector<16x128xf32>
      %min3A_891 = arith.minimumf %max3A_866, %get3A_889 : vector<16x128xf32>
      %max3A_892 = arith.maximumf %max3A_868, %min3A_891 : vector<16x128xf32>
      %mul3A_893 = arith.constant 8 : i32
      %mul3A_894 = arith.muli %scan3A_855, %mul3A_893 : i32
      %add3A_895 = arith.constant 3 : i32
      %add3A_896 = arith.addi %mul3A_894, %add3A_895 : i32
      %get3A_897 = arith.index_cast %add3A_896 : i32 to index
      %get3A_898 = arith.constant 0 : index
      %get3A_899 = arith.constant 0 : index
      %get3A_900 = vector.load %arg5[%get3A_897, %get3A_898, %get3A_899] : memref<192x16x128xf32, #tpu.memory_space<vmem>>, vector<1x16x128xf32>
      %get3A_901 = vector.shape_cast %get3A_900 : vector<1x16x128xf32> to vector<16x128xf32>
      %max3A_902 = arith.maximumf %max3A_878, %get3A_901 : vector<16x128xf32>
      %min3A_903 = arith.minimumf %max3A_878, %get3A_901 : vector<16x128xf32>
      %max3A_904 = arith.maximumf %max3A_880, %min3A_903 : vector<16x128xf32>
      %mul3A_905 = arith.constant 8 : i32
      %mul3A_906 = arith.muli %scan3A_855, %mul3A_905 : i32
      %add3A_907 = arith.constant 4 : i32
      %add3A_908 = arith.addi %mul3A_906, %add3A_907 : i32
      %get3A_909 = arith.index_cast %add3A_908 : i32 to index
      %get3A_910 = arith.constant 0 : index
      %get3A_911 = arith.constant 0 : index
      %get3A_912 = vector.load %arg5[%get3A_909, %get3A_910, %get3A_911] : memref<192x16x128xf32, #tpu.memory_space<vmem>>, vector<1x16x128xf32>
      %get3A_913 = vector.shape_cast %get3A_912 : vector<1x16x128xf32> to vector<16x128xf32>
      %max3A_914 = arith.maximumf %max3A_890, %get3A_913 : vector<16x128xf32>
      %min3A_915 = arith.minimumf %max3A_890, %get3A_913 : vector<16x128xf32>
      %max3A_916 = arith.maximumf %max3A_892, %min3A_915 : vector<16x128xf32>
      %mul3A_917 = arith.constant 8 : i32
      %mul3A_918 = arith.muli %scan3A_855, %mul3A_917 : i32
      %add3A_919 = arith.constant 5 : i32
      %add3A_920 = arith.addi %mul3A_918, %add3A_919 : i32
      %get3A_921 = arith.index_cast %add3A_920 : i32 to index
      %get3A_922 = arith.constant 0 : index
      %get3A_923 = arith.constant 0 : index
      %get3A_924 = vector.load %arg5[%get3A_921, %get3A_922, %get3A_923] : memref<192x16x128xf32, #tpu.memory_space<vmem>>, vector<1x16x128xf32>
      %get3A_925 = vector.shape_cast %get3A_924 : vector<1x16x128xf32> to vector<16x128xf32>
      %max3A_926 = arith.maximumf %max3A_902, %get3A_925 : vector<16x128xf32>
      %min3A_927 = arith.minimumf %max3A_902, %get3A_925 : vector<16x128xf32>
      %max3A_928 = arith.maximumf %max3A_904, %min3A_927 : vector<16x128xf32>
      %mul3A_929 = arith.constant 8 : i32
      %mul3A_930 = arith.muli %scan3A_855, %mul3A_929 : i32
      %add3A_931 = arith.constant 6 : i32
      %add3A_932 = arith.addi %mul3A_930, %add3A_931 : i32
      %get3A_933 = arith.index_cast %add3A_932 : i32 to index
      %get3A_934 = arith.constant 0 : index
      %get3A_935 = arith.constant 0 : index
      %get3A_936 = vector.load %arg5[%get3A_933, %get3A_934, %get3A_935] : memref<192x16x128xf32, #tpu.memory_space<vmem>>, vector<1x16x128xf32>
      %get3A_937 = vector.shape_cast %get3A_936 : vector<1x16x128xf32> to vector<16x128xf32>
      %max3A_938 = arith.maximumf %max3A_914, %get3A_937 : vector<16x128xf32>
      %min3A_939 = arith.minimumf %max3A_914, %get3A_937 : vector<16x128xf32>
      %max3A_940 = arith.maximumf %max3A_916, %min3A_939 : vector<16x128xf32>
      %mul3A_941 = arith.constant 8 : i32
      %mul3A_942 = arith.muli %scan3A_855, %mul3A_941 : i32
      %add3A_943 = arith.constant 7 : i32
      %add3A_944 = arith.addi %mul3A_942, %add3A_943 : i32
      %get3A_945 = arith.index_cast %add3A_944 : i32 to index
      %get3A_946 = arith.constant 0 : index
      %get3A_947 = arith.constant 0 : index
      %get3A_948 = vector.load %arg5[%get3A_945, %get3A_946, %get3A_947] : memref<192x16x128xf32, #tpu.memory_space<vmem>>, vector<1x16x128xf32>
      %get3A_949 = vector.shape_cast %get3A_948 : vector<1x16x128xf32> to vector<16x128xf32>
      %max3A_950 = arith.maximumf %max3A_926, %get3A_949 : vector<16x128xf32>
      %min3A_951 = arith.minimumf %max3A_926, %get3A_949 : vector<16x128xf32>
      %max3A_952 = arith.maximumf %max3A_928, %min3A_951 : vector<16x128xf32>
      scf.yield %max3A_938, %max3A_940, %max3A_950, %max3A_952 : vector<16x128xf32>, vector<16x128xf32>, vector<16x128xf32>, vector<16x128xf32>
    }
    %scan3A_280 = arith.constant 24 : i32
    %max3A_281 = arith.maximumf %scan3A_279#0, %scan3A_279#2 : vector<16x128xf32>
    %min3A_282 = arith.minimumf %scan3A_279#0, %scan3A_279#2 : vector<16x128xf32>
    %max3A_283 = arith.maximumf %scan3A_279#1, %scan3A_279#3 : vector<16x128xf32>
    %max3A_284 = arith.maximumf %min3A_282, %max3A_283 : vector<16x128xf32>
    %sub3A_285 = arith.subf %max3A_281, %max3A_284 : vector<16x128xf32>
    %exp3A_286 = math.exp %sub3A_285 : vector<16x128xf32>
    %sub3A_287 = arith.constant 1.000000e+00 : f32
    %sub3A_288 = vector.broadcast %sub3A_287 : f32 to vector<16x128xf32>
    %sub3A_289 = arith.subf %sub3A_288, %exp3A_286 : vector<16x128xf32>
    %exp3A_290 = math.exp %sub3A_289 : vector<16x128xf32>
    %swap3A_291 = arith.constant 1 : index
    %swap3A_292 = arith.constant 16 : index
    %swap3A_293 = arith.constant 0 : index
    %swap3A_294 = vector.load %arg6[%swap3A_291, %swap3A_292, %swap3A_293] : memref<4x96x128xf32, #tpu.memory_space<vmem>>, vector<1x16x128xf32>
    %swap3A_295 = vector.shape_cast %swap3A_294 : vector<1x16x128xf32> to vector<16x128xf32>
    %swap3A_296 = vector.shape_cast %exp3A_290 : vector<16x128xf32> to vector<1x16x128xf32>
    tpu.vector_store %arg6[%swap3A_291, %swap3A_292, %swap3A_293], %swap3A_296 {strides = array<i32>} : memref<4x96x128xf32, #tpu.memory_space<vmem>>, vector<1x16x128xf32>,
    %dma_start3A_297 = arith.constant 1 : i32
    %dma_start3A_298 = arith.constant 0 : i32
    %dma_start3A_299 = arith.constant 80 : i32
    %dma_start3A_300 = arith.constant 0 : i32
    %dma_start3A_301 = tpu.memref_slice %arg0[%dma_start3A_297, %dma_start3A_298, %dma_start3A_299, %dma_start3A_300] : memref<4x192x128x128xf32, #tpu.memory_space<any>> -> memref<1x192x16x128xf32, #tpu.memory_space<any>>
    %dma_start3A_302 = tpu.memref_squeeze %dma_start3A_301 : memref<1x192x16x128xf32, #tpu.memory_space<any>> -> memref<192x16x128xf32, #tpu.memory_space<any>>
    tpu.enqueue_dma source(%dma_start3A_302 : memref<192x16x128xf32, #tpu.memory_space<any>>) target(%arg5 : memref<192x16x128xf32, #tpu.memory_space<vmem>>) target_semaphore(%arg10 : memref<!tpu.dma_semaphore, #tpu.memory_space<semaphore_mem>>)
    %dma_wait3A_303 = arith.constant 1 : i32
    %dma_wait3A_304 = arith.constant 0 : i32
    %dma_wait3A_305 = arith.constant 32 : i32
    %dma_wait3A_306 = arith.constant 0 : i32
    %dma_wait3A_307 = tpu.memref_slice %arg0[%dma_wait3A_303, %dma_wait3A_304, %dma_wait3A_305, %dma_wait3A_306] : memref<4x192x128x128xf32, #tpu.memory_space<any>> -> memref<1x192x16x128xf32, #tpu.memory_space<any>>
    %dma_wait3A_308 = tpu.memref_squeeze %dma_wait3A_307 : memref<1x192x16x128xf32, #tpu.memory_space<any>> -> memref<192x16x128xf32, #tpu.memory_space<any>>
    tpu.wait_dma2 semaphore(%arg7 : memref<!tpu.dma_semaphore, #tpu.memory_space<semaphore_mem>>) src(%dma_wait3A_308 : memref<192x16x128xf32, #tpu.memory_space<any>>) dst(%arg2 : memref<192x16x128xf32, #tpu.memory_space<vmem>>)
    %broadcast_in_dim3A_309 = arith.constant 0xFF800000 : f32
    %broadcast_in_dim3A_310 = vector.broadcast %broadcast_in_dim3A_309 : f32 to vector<16x128xf32>
    %scan3A_311 = arith.constant 0 : i32
    %scan3A_312 = arith.constant 24 : i32
    %scan3A_313 = arith.addi %scan3A_311, %scan3A_312 : i32
    %scan3A_314 = arith.constant 1 : i32
    %scan3A_315:4 = scf.for %scan3A_855 = %scan3A_311 to %scan3A_313 step %scan3A_314 iter_args(%scan3A_856 = %broadcast_in_dim3A_310, %scan3A_857 = %broadcast_in_dim3A_310, %scan3A_858 = %broadcast_in_dim3A_310, %scan3A_859 = %broadcast_in_dim3A_310) -> (vector<16x128xf32>, vector<16x128xf32>, vector<16x128xf32>, vector<16x128xf32>)  : i32 {
      %mul3A = arith.constant 8 : i32
      %mul3A_860 = arith.muli %scan3A_855, %mul3A : i32
      %add3A = arith.constant 0 : i32
      %add3A_861 = arith.addi %mul3A_860, %add3A : i32
      %get3A = arith.index_cast %add3A_861 : i32 to index
      %get3A_862 = arith.constant 0 : index
      %get3A_863 = arith.constant 0 : index
      %get3A_864 = vector.load %arg2[%get3A, %get3A_862, %get3A_863] : memref<192x16x128xf32, #tpu.memory_space<vmem>>, vector<1x16x128xf32>
      %get3A_865 = vector.shape_cast %get3A_864 : vector<1x16x128xf32> to vector<16x128xf32>
      %max3A_866 = arith.maximumf %scan3A_856, %get3A_865 : vector<16x128xf32>
      %min3A_867 = arith.minimumf %scan3A_856, %get3A_865 : vector<16x128xf32>
      %max3A_868 = arith.maximumf %scan3A_857, %min3A_867 : vector<16x128xf32>
      %mul3A_869 = arith.constant 8 : i32
      %mul3A_870 = arith.muli %scan3A_855, %mul3A_869 : i32
      %add3A_871 = arith.constant 1 : i32
      %add3A_872 = arith.addi %mul3A_870, %add3A_871 : i32
      %get3A_873 = arith.index_cast %add3A_872 : i32 to index
      %get3A_874 = arith.constant 0 : index
      %get3A_875 = arith.constant 0 : index
      %get3A_876 = vector.load %arg2[%get3A_873, %get3A_874, %get3A_875] : memref<192x16x128xf32, #tpu.memory_space<vmem>>, vector<1x16x128xf32>
      %get3A_877 = vector.shape_cast %get3A_876 : vector<1x16x128xf32> to vector<16x128xf32>
      %max3A_878 = arith.maximumf %scan3A_858, %get3A_877 : vector<16x128xf32>
      %min3A_879 = arith.minimumf %scan3A_858, %get3A_877 : vector<16x128xf32>
      %max3A_880 = arith.maximumf %scan3A_859, %min3A_879 : vector<16x128xf32>
      %mul3A_881 = arith.constant 8 : i32
      %mul3A_882 = arith.muli %scan3A_855, %mul3A_881 : i32
      %add3A_883 = arith.constant 2 : i32
      %add3A_884 = arith.addi %mul3A_882, %add3A_883 : i32
      %get3A_885 = arith.index_cast %add3A_884 : i32 to index
      %get3A_886 = arith.constant 0 : index
      %get3A_887 = arith.constant 0 : index
      %get3A_888 = vector.load %arg2[%get3A_885, %get3A_886, %get3A_887] : memref<192x16x128xf32, #tpu.memory_space<vmem>>, vector<1x16x128xf32>
      %get3A_889 = vector.shape_cast %get3A_888 : vector<1x16x128xf32> to vector<16x128xf32>
      %max3A_890 = arith.maximumf %max3A_866, %get3A_889 : vector<16x128xf32>
      %min3A_891 = arith.minimumf %max3A_866, %get3A_889 : vector<16x128xf32>
      %max3A_892 = arith.maximumf %max3A_868, %min3A_891 : vector<16x128xf32>
      %mul3A_893 = arith.constant 8 : i32
      %mul3A_894 = arith.muli %scan3A_855, %mul3A_893 : i32
      %add3A_895 = arith.constant 3 : i32
      %add3A_896 = arith.addi %mul3A_894, %add3A_895 : i32
      %get3A_897 = arith.index_cast %add3A_896 : i32 to index
      %get3A_898 = arith.constant 0 : index
      %get3A_899 = arith.constant 0 : index
      %get3A_900 = vector.load %arg2[%get3A_897, %get3A_898, %get3A_899] : memref<192x16x128xf32, #tpu.memory_space<vmem>>, vector<1x16x128xf32>
      %get3A_901 = vector.shape_cast %get3A_900 : vector<1x16x128xf32> to vector<16x128xf32>
      %max3A_902 = arith.maximumf %max3A_878, %get3A_901 : vector<16x128xf32>
      %min3A_903 = arith.minimumf %max3A_878, %get3A_901 : vector<16x128xf32>
      %max3A_904 = arith.maximumf %max3A_880, %min3A_903 : vector<16x128xf32>
      %mul3A_905 = arith.constant 8 : i32
      %mul3A_906 = arith.muli %scan3A_855, %mul3A_905 : i32
      %add3A_907 = arith.constant 4 : i32
      %add3A_908 = arith.addi %mul3A_906, %add3A_907 : i32
      %get3A_909 = arith.index_cast %add3A_908 : i32 to index
      %get3A_910 = arith.constant 0 : index
      %get3A_911 = arith.constant 0 : index
      %get3A_912 = vector.load %arg2[%get3A_909, %get3A_910, %get3A_911] : memref<192x16x128xf32, #tpu.memory_space<vmem>>, vector<1x16x128xf32>
      %get3A_913 = vector.shape_cast %get3A_912 : vector<1x16x128xf32> to vector<16x128xf32>
      %max3A_914 = arith.maximumf %max3A_890, %get3A_913 : vector<16x128xf32>
      %min3A_915 = arith.minimumf %max3A_890, %get3A_913 : vector<16x128xf32>
      %max3A_916 = arith.maximumf %max3A_892, %min3A_915 : vector<16x128xf32>
      %mul3A_917 = arith.constant 8 : i32
      %mul3A_918 = arith.muli %scan3A_855, %mul3A_917 : i32
      %add3A_919 = arith.constant 5 : i32
      %add3A_920 = arith.addi %mul3A_918, %add3A_919 : i32
      %get3A_921 = arith.index_cast %add3A_920 : i32 to index
      %get3A_922 = arith.constant 0 : index
      %get3A_923 = arith.constant 0 : index
      %get3A_924 = vector.load %arg2[%get3A_921, %get3A_922, %get3A_923] : memref<192x16x128xf32, #tpu.memory_space<vmem>>, vector<1x16x128xf32>
      %get3A_925 = vector.shape_cast %get3A_924 : vector<1x16x128xf32> to vector<16x128xf32>
      %max3A_926 = arith.maximumf %max3A_902, %get3A_925 : vector<16x128xf32>
      %min3A_927 = arith.minimumf %max3A_902, %get3A_925 : vector<16x128xf32>
      %max3A_928 = arith.maximumf %max3A_904, %min3A_927 : vector<16x128xf32>
      %mul3A_929 = arith.constant 8 : i32
      %mul3A_930 = arith.muli %scan3A_855, %mul3A_929 : i32
      %add3A_931 = arith.constant 6 : i32
      %add3A_932 = arith.addi %mul3A_930, %add3A_931 : i32
      %get3A_933 = arith.index_cast %add3A_932 : i32 to index
      %get3A_934 = arith.constant 0 : index
      %get3A_935 = arith.constant 0 : index
      %get3A_936 = vector.load %arg2[%get3A_933, %get3A_934, %get3A_935] : memref<192x16x128xf32, #tpu.memory_space<vmem>>, vector<1x16x128xf32>
      %get3A_937 = vector.shape_cast %get3A_936 : vector<1x16x128xf32> to vector<16x128xf32>
      %max3A_938 = arith.maximumf %max3A_914, %get3A_937 : vector<16x128xf32>
      %min3A_939 = arith.minimumf %max3A_914, %get3A_937 : vector<16x128xf32>
      %max3A_940 = arith.maximumf %max3A_916, %min3A_939 : vector<16x128xf32>
      %mul3A_941 = arith.constant 8 : i32
      %mul3A_942 = arith.muli %scan3A_855, %mul3A_941 : i32
      %add3A_943 = arith.constant 7 : i32
      %add3A_944 = arith.addi %mul3A_942, %add3A_943 : i32
      %get3A_945 = arith.index_cast %add3A_944 : i32 to index
      %get3A_946 = arith.constant 0 : index
      %get3A_947 = arith.constant 0 : index
      %get3A_948 = vector.load %arg2[%get3A_945, %get3A_946, %get3A_947] : memref<192x16x128xf32, #tpu.memory_space<vmem>>, vector<1x16x128xf32>
      %get3A_949 = vector.shape_cast %get3A_948 : vector<1x16x128xf32> to vector<16x128xf32>
      %max3A_950 = arith.maximumf %max3A_926, %get3A_949 : vector<16x128xf32>
      %min3A_951 = arith.minimumf %max3A_926, %get3A_949 : vector<16x128xf32>
      %max3A_952 = arith.maximumf %max3A_928, %min3A_951 : vector<16x128xf32>
      scf.yield %max3A_938, %max3A_940, %max3A_950, %max3A_952 : vector<16x128xf32>, vector<16x128xf32>, vector<16x128xf32>, vector<16x128xf32>
    }
    %scan3A_316 = arith.constant 24 : i32
    %max3A_317 = arith.maximumf %scan3A_315#0, %scan3A_315#2 : vector<16x128xf32>
    %min3A_318 = arith.minimumf %scan3A_315#0, %scan3A_315#2 : vector<16x128xf32>
    %max3A_319 = arith.maximumf %scan3A_315#1, %scan3A_315#3 : vector<16x128xf32>
    %max3A_320 = arith.maximumf %min3A_318, %max3A_319 : vector<16x128xf32>
    %sub3A_321 = arith.subf %max3A_317, %max3A_320 : vector<16x128xf32>
    %exp3A_322 = math.exp %sub3A_321 : vector<16x128xf32>
    %sub3A_323 = arith.constant 1.000000e+00 : f32
    %sub3A_324 = vector.broadcast %sub3A_323 : f32 to vector<16x128xf32>
    %sub3A_325 = arith.subf %sub3A_324, %exp3A_322 : vector<16x128xf32>
    %exp3A_326 = math.exp %sub3A_325 : vector<16x128xf32>
    %swap3A_327 = arith.constant 1 : index
    %swap3A_328 = arith.constant 32 : index
    %swap3A_329 = arith.constant 0 : index
    %swap3A_330 = vector.load %arg6[%swap3A_327, %swap3A_328, %swap3A_329] : memref<4x96x128xf32, #tpu.memory_space<vmem>>, vector<1x16x128xf32>
    %swap3A_331 = vector.shape_cast %swap3A_330 : vector<1x16x128xf32> to vector<16x128xf32>
    %swap3A_332 = vector.shape_cast %exp3A_326 : vector<16x128xf32> to vector<1x16x128xf32>
    tpu.vector_store %arg6[%swap3A_327, %swap3A_328, %swap3A_329], %swap3A_332 {strides = array<i32>} : memref<4x96x128xf32, #tpu.memory_space<vmem>>, vector<1x16x128xf32>,
    %dma_start3A_333 = arith.constant 2 : i32
    %dma_start3A_334 = arith.constant 0 : i32
    %dma_start3A_335 = arith.constant 0 : i32
    %dma_start3A_336 = arith.constant 0 : i32
    %dma_start3A_337 = tpu.memref_slice %arg0[%dma_start3A_333, %dma_start3A_334, %dma_start3A_335, %dma_start3A_336] : memref<4x192x128x128xf32, #tpu.memory_space<any>> -> memref<1x192x16x128xf32, #tpu.memory_space<any>>
    %dma_start3A_338 = tpu.memref_squeeze %dma_start3A_337 : memref<1x192x16x128xf32, #tpu.memory_space<any>> -> memref<192x16x128xf32, #tpu.memory_space<any>>
    tpu.enqueue_dma source(%dma_start3A_338 : memref<192x16x128xf32, #tpu.memory_space<any>>) target(%arg2 : memref<192x16x128xf32, #tpu.memory_space<vmem>>) target_semaphore(%arg7 : memref<!tpu.dma_semaphore, #tpu.memory_space<semaphore_mem>>)
    %dma_wait3A_339 = arith.constant 1 : i32
    %dma_wait3A_340 = arith.constant 0 : i32
    %dma_wait3A_341 = arith.constant 48 : i32
    %dma_wait3A_342 = arith.constant 0 : i32
    %dma_wait3A_343 = tpu.memref_slice %arg0[%dma_wait3A_339, %dma_wait3A_340, %dma_wait3A_341, %dma_wait3A_342] : memref<4x192x128x128xf32, #tpu.memory_space<any>> -> memref<1x192x16x128xf32, #tpu.memory_space<any>>
    %dma_wait3A_344 = tpu.memref_squeeze %dma_wait3A_343 : memref<1x192x16x128xf32, #tpu.memory_space<any>> -> memref<192x16x128xf32, #tpu.memory_space<any>>
    tpu.wait_dma2 semaphore(%arg8 : memref<!tpu.dma_semaphore, #tpu.memory_space<semaphore_mem>>) src(%dma_wait3A_344 : memref<192x16x128xf32, #tpu.memory_space<any>>) dst(%arg3 : memref<192x16x128xf32, #tpu.memory_space<vmem>>)
    %broadcast_in_dim3A_345 = arith.constant 0xFF800000 : f32
    %broadcast_in_dim3A_346 = vector.broadcast %broadcast_in_dim3A_345 : f32 to vector<16x128xf32>
    %scan3A_347 = arith.constant 0 : i32
    %scan3A_348 = arith.constant 24 : i32
    %scan3A_349 = arith.addi %scan3A_347, %scan3A_348 : i32
    %scan3A_350 = arith.constant 1 : i32
    %scan3A_351:4 = scf.for %scan3A_855 = %scan3A_347 to %scan3A_349 step %scan3A_350 iter_args(%scan3A_856 = %broadcast_in_dim3A_346, %scan3A_857 = %broadcast_in_dim3A_346, %scan3A_858 = %broadcast_in_dim3A_346, %scan3A_859 = %broadcast_in_dim3A_346) -> (vector<16x128xf32>, vector<16x128xf32>, vector<16x128xf32>, vector<16x128xf32>)  : i32 {
      %mul3A = arith.constant 8 : i32
      %mul3A_860 = arith.muli %scan3A_855, %mul3A : i32
      %add3A = arith.constant 0 : i32
      %add3A_861 = arith.addi %mul3A_860, %add3A : i32
      %get3A = arith.index_cast %add3A_861 : i32 to index
      %get3A_862 = arith.constant 0 : index
      %get3A_863 = arith.constant 0 : index
      %get3A_864 = vector.load %arg3[%get3A, %get3A_862, %get3A_863] : memref<192x16x128xf32, #tpu.memory_space<vmem>>, vector<1x16x128xf32>
      %get3A_865 = vector.shape_cast %get3A_864 : vector<1x16x128xf32> to vector<16x128xf32>
      %max3A_866 = arith.maximumf %scan3A_856, %get3A_865 : vector<16x128xf32>
      %min3A_867 = arith.minimumf %scan3A_856, %get3A_865 : vector<16x128xf32>
      %max3A_868 = arith.maximumf %scan3A_857, %min3A_867 : vector<16x128xf32>
      %mul3A_869 = arith.constant 8 : i32
      %mul3A_870 = arith.muli %scan3A_855, %mul3A_869 : i32
      %add3A_871 = arith.constant 1 : i32
      %add3A_872 = arith.addi %mul3A_870, %add3A_871 : i32
      %get3A_873 = arith.index_cast %add3A_872 : i32 to index
      %get3A_874 = arith.constant 0 : index
      %get3A_875 = arith.constant 0 : index
      %get3A_876 = vector.load %arg3[%get3A_873, %get3A_874, %get3A_875] : memref<192x16x128xf32, #tpu.memory_space<vmem>>, vector<1x16x128xf32>
      %get3A_877 = vector.shape_cast %get3A_876 : vector<1x16x128xf32> to vector<16x128xf32>
      %max3A_878 = arith.maximumf %scan3A_858, %get3A_877 : vector<16x128xf32>
      %min3A_879 = arith.minimumf %scan3A_858, %get3A_877 : vector<16x128xf32>
      %max3A_880 = arith.maximumf %scan3A_859, %min3A_879 : vector<16x128xf32>
      %mul3A_881 = arith.constant 8 : i32
      %mul3A_882 = arith.muli %scan3A_855, %mul3A_881 : i32
      %add3A_883 = arith.constant 2 : i32
      %add3A_884 = arith.addi %mul3A_882, %add3A_883 : i32
      %get3A_885 = arith.index_cast %add3A_884 : i32 to index
      %get3A_886 = arith.constant 0 : index
      %get3A_887 = arith.constant 0 : index
      %get3A_888 = vector.load %arg3[%get3A_885, %get3A_886, %get3A_887] : memref<192x16x128xf32, #tpu.memory_space<vmem>>, vector<1x16x128xf32>
      %get3A_889 = vector.shape_cast %get3A_888 : vector<1x16x128xf32> to vector<16x128xf32>
      %max3A_890 = arith.maximumf %max3A_866, %get3A_889 : vector<16x128xf32>
      %min3A_891 = arith.minimumf %max3A_866, %get3A_889 : vector<16x128xf32>
      %max3A_892 = arith.maximumf %max3A_868, %min3A_891 : vector<16x128xf32>
      %mul3A_893 = arith.constant 8 : i32
      %mul3A_894 = arith.muli %scan3A_855, %mul3A_893 : i32
      %add3A_895 = arith.constant 3 : i32
      %add3A_896 = arith.addi %mul3A_894, %add3A_895 : i32
      %get3A_897 = arith.index_cast %add3A_896 : i32 to index
      %get3A_898 = arith.constant 0 : index
      %get3A_899 = arith.constant 0 : index
      %get3A_900 = vector.load %arg3[%get3A_897, %get3A_898, %get3A_899] : memref<192x16x128xf32, #tpu.memory_space<vmem>>, vector<1x16x128xf32>
      %get3A_901 = vector.shape_cast %get3A_900 : vector<1x16x128xf32> to vector<16x128xf32>
      %max3A_902 = arith.maximumf %max3A_878, %get3A_901 : vector<16x128xf32>
      %min3A_903 = arith.minimumf %max3A_878, %get3A_901 : vector<16x128xf32>
      %max3A_904 = arith.maximumf %max3A_880, %min3A_903 : vector<16x128xf32>
      %mul3A_905 = arith.constant 8 : i32
      %mul3A_906 = arith.muli %scan3A_855, %mul3A_905 : i32
      %add3A_907 = arith.constant 4 : i32
      %add3A_908 = arith.addi %mul3A_906, %add3A_907 : i32
      %get3A_909 = arith.index_cast %add3A_908 : i32 to index
      %get3A_910 = arith.constant 0 : index
      %get3A_911 = arith.constant 0 : index
      %get3A_912 = vector.load %arg3[%get3A_909, %get3A_910, %get3A_911] : memref<192x16x128xf32, #tpu.memory_space<vmem>>, vector<1x16x128xf32>
      %get3A_913 = vector.shape_cast %get3A_912 : vector<1x16x128xf32> to vector<16x128xf32>
      %max3A_914 = arith.maximumf %max3A_890, %get3A_913 : vector<16x128xf32>
      %min3A_915 = arith.minimumf %max3A_890, %get3A_913 : vector<16x128xf32>
      %max3A_916 = arith.maximumf %max3A_892, %min3A_915 : vector<16x128xf32>
      %mul3A_917 = arith.constant 8 : i32
      %mul3A_918 = arith.muli %scan3A_855, %mul3A_917 : i32
      %add3A_919 = arith.constant 5 : i32
      %add3A_920 = arith.addi %mul3A_918, %add3A_919 : i32
      %get3A_921 = arith.index_cast %add3A_920 : i32 to index
      %get3A_922 = arith.constant 0 : index
      %get3A_923 = arith.constant 0 : index
      %get3A_924 = vector.load %arg3[%get3A_921, %get3A_922, %get3A_923] : memref<192x16x128xf32, #tpu.memory_space<vmem>>, vector<1x16x128xf32>
      %get3A_925 = vector.shape_cast %get3A_924 : vector<1x16x128xf32> to vector<16x128xf32>
      %max3A_926 = arith.maximumf %max3A_902, %get3A_925 : vector<16x128xf32>
      %min3A_927 = arith.minimumf %max3A_902, %get3A_925 : vector<16x128xf32>
      %max3A_928 = arith.maximumf %max3A_904, %min3A_927 : vector<16x128xf32>
      %mul3A_929 = arith.constant 8 : i32
      %mul3A_930 = arith.muli %scan3A_855, %mul3A_929 : i32
      %add3A_931 = arith.constant 6 : i32
      %add3A_932 = arith.addi %mul3A_930, %add3A_931 : i32
      %get3A_933 = arith.index_cast %add3A_932 : i32 to index
      %get3A_934 = arith.constant 0 : index
      %get3A_935 = arith.constant 0 : index
      %get3A_936 = vector.load %arg3[%get3A_933, %get3A_934, %get3A_935] : memref<192x16x128xf32, #tpu.memory_space<vmem>>, vector<1x16x128xf32>
      %get3A_937 = vector.shape_cast %get3A_936 : vector<1x16x128xf32> to vector<16x128xf32>
      %max3A_938 = arith.maximumf %max3A_914, %get3A_937 : vector<16x128xf32>
      %min3A_939 = arith.minimumf %max3A_914, %get3A_937 : vector<16x128xf32>
      %max3A_940 = arith.maximumf %max3A_916, %min3A_939 : vector<16x128xf32>
      %mul3A_941 = arith.constant 8 : i32
      %mul3A_942 = arith.muli %scan3A_855, %mul3A_941 : i32
      %add3A_943 = arith.constant 7 : i32
      %add3A_944 = arith.addi %mul3A_942, %add3A_943 : i32
      %get3A_945 = arith.index_cast %add3A_944 : i32 to index
      %get3A_946 = arith.constant 0 : index
      %get3A_947 = arith.constant 0 : index
      %get3A_948 = vector.load %arg3[%get3A_945, %get3A_946, %get3A_947] : memref<192x16x128xf32, #tpu.memory_space<vmem>>, vector<1x16x128xf32>
      %get3A_949 = vector.shape_cast %get3A_948 : vector<1x16x128xf32> to vector<16x128xf32>
      %max3A_950 = arith.maximumf %max3A_926, %get3A_949 : vector<16x128xf32>
      %min3A_951 = arith.minimumf %max3A_926, %get3A_949 : vector<16x128xf32>
      %max3A_952 = arith.maximumf %max3A_928, %min3A_951 : vector<16x128xf32>
      scf.yield %max3A_938, %max3A_940, %max3A_950, %max3A_952 : vector<16x128xf32>, vector<16x128xf32>, vector<16x128xf32>, vector<16x128xf32>
    }
    %scan3A_352 = arith.constant 24 : i32
    %max3A_353 = arith.maximumf %scan3A_351#0, %scan3A_351#2 : vector<16x128xf32>
    %min3A_354 = arith.minimumf %scan3A_351#0, %scan3A_351#2 : vector<16x128xf32>
    %max3A_355 = arith.maximumf %scan3A_351#1, %scan3A_351#3 : vector<16x128xf32>
    %max3A_356 = arith.maximumf %min3A_354, %max3A_355 : vector<16x128xf32>
    %sub3A_357 = arith.subf %max3A_353, %max3A_356 : vector<16x128xf32>
    %exp3A_358 = math.exp %sub3A_357 : vector<16x128xf32>
    %sub3A_359 = arith.constant 1.000000e+00 : f32
    %sub3A_360 = vector.broadcast %sub3A_359 : f32 to vector<16x128xf32>
    %sub3A_361 = arith.subf %sub3A_360, %exp3A_358 : vector<16x128xf32>
    %exp3A_362 = math.exp %sub3A_361 : vector<16x128xf32>
    %swap3A_363 = arith.constant 1 : index
    %swap3A_364 = arith.constant 48 : index
    %swap3A_365 = arith.constant 0 : index
    %swap3A_366 = vector.load %arg6[%swap3A_363, %swap3A_364, %swap3A_365] : memref<4x96x128xf32, #tpu.memory_space<vmem>>, vector<1x16x128xf32>
    %swap3A_367 = vector.shape_cast %swap3A_366 : vector<1x16x128xf32> to vector<16x128xf32>
    %swap3A_368 = vector.shape_cast %exp3A_362 : vector<16x128xf32> to vector<1x16x128xf32>
    tpu.vector_store %arg6[%swap3A_363, %swap3A_364, %swap3A_365], %swap3A_368 {strides = array<i32>} : memref<4x96x128xf32, #tpu.memory_space<vmem>>, vector<1x16x128xf32>,
    %dma_start3A_369 = arith.constant 2 : i32
    %dma_start3A_370 = arith.constant 0 : i32
    %dma_start3A_371 = arith.constant 16 : i32
    %dma_start3A_372 = arith.constant 0 : i32
    %dma_start3A_373 = tpu.memref_slice %arg0[%dma_start3A_369, %dma_start3A_370, %dma_start3A_371, %dma_start3A_372] : memref<4x192x128x128xf32, #tpu.memory_space<any>> -> memref<1x192x16x128xf32, #tpu.memory_space<any>>
    %dma_start3A_374 = tpu.memref_squeeze %dma_start3A_373 : memref<1x192x16x128xf32, #tpu.memory_space<any>> -> memref<192x16x128xf32, #tpu.memory_space<any>>
    tpu.enqueue_dma source(%dma_start3A_374 : memref<192x16x128xf32, #tpu.memory_space<any>>) target(%arg3 : memref<192x16x128xf32, #tpu.memory_space<vmem>>) target_semaphore(%arg8 : memref<!tpu.dma_semaphore, #tpu.memory_space<semaphore_mem>>)
    %dma_wait3A_375 = arith.constant 1 : i32
    %dma_wait3A_376 = arith.constant 0 : i32
    %dma_wait3A_377 = arith.constant 64 : i32
    %dma_wait3A_378 = arith.constant 0 : i32
    %dma_wait3A_379 = tpu.memref_slice %arg0[%dma_wait3A_375, %dma_wait3A_376, %dma_wait3A_377, %dma_wait3A_378] : memref<4x192x128x128xf32, #tpu.memory_space<any>> -> memref<1x192x16x128xf32, #tpu.memory_space<any>>
    %dma_wait3A_380 = tpu.memref_squeeze %dma_wait3A_379 : memref<1x192x16x128xf32, #tpu.memory_space<any>> -> memref<192x16x128xf32, #tpu.memory_space<any>>
    tpu.wait_dma2 semaphore(%arg9 : memref<!tpu.dma_semaphore, #tpu.memory_space<semaphore_mem>>) src(%dma_wait3A_380 : memref<192x16x128xf32, #tpu.memory_space<any>>) dst(%arg4 : memref<192x16x128xf32, #tpu.memory_space<vmem>>)
    %broadcast_in_dim3A_381 = arith.constant 0xFF800000 : f32
    %broadcast_in_dim3A_382 = vector.broadcast %broadcast_in_dim3A_381 : f32 to vector<16x128xf32>
    %scan3A_383 = arith.constant 0 : i32
    %scan3A_384 = arith.constant 24 : i32
    %scan3A_385 = arith.addi %scan3A_383, %scan3A_384 : i32
    %scan3A_386 = arith.constant 1 : i32
    %scan3A_387:4 = scf.for %scan3A_855 = %scan3A_383 to %scan3A_385 step %scan3A_386 iter_args(%scan3A_856 = %broadcast_in_dim3A_382, %scan3A_857 = %broadcast_in_dim3A_382, %scan3A_858 = %broadcast_in_dim3A_382, %scan3A_859 = %broadcast_in_dim3A_382) -> (vector<16x128xf32>, vector<16x128xf32>, vector<16x128xf32>, vector<16x128xf32>)  : i32 {
      %mul3A = arith.constant 8 : i32
      %mul3A_860 = arith.muli %scan3A_855, %mul3A : i32
      %add3A = arith.constant 0 : i32
      %add3A_861 = arith.addi %mul3A_860, %add3A : i32
      %get3A = arith.index_cast %add3A_861 : i32 to index
      %get3A_862 = arith.constant 0 : index
      %get3A_863 = arith.constant 0 : index
      %get3A_864 = vector.load %arg4[%get3A, %get3A_862, %get3A_863] : memref<192x16x128xf32, #tpu.memory_space<vmem>>, vector<1x16x128xf32>
      %get3A_865 = vector.shape_cast %get3A_864 : vector<1x16x128xf32> to vector<16x128xf32>
      %max3A_866 = arith.maximumf %scan3A_856, %get3A_865 : vector<16x128xf32>
      %min3A_867 = arith.minimumf %scan3A_856, %get3A_865 : vector<16x128xf32>
      %max3A_868 = arith.maximumf %scan3A_857, %min3A_867 : vector<16x128xf32>
      %mul3A_869 = arith.constant 8 : i32
      %mul3A_870 = arith.muli %scan3A_855, %mul3A_869 : i32
      %add3A_871 = arith.constant 1 : i32
      %add3A_872 = arith.addi %mul3A_870, %add3A_871 : i32
      %get3A_873 = arith.index_cast %add3A_872 : i32 to index
      %get3A_874 = arith.constant 0 : index
      %get3A_875 = arith.constant 0 : index
      %get3A_876 = vector.load %arg4[%get3A_873, %get3A_874, %get3A_875] : memref<192x16x128xf32, #tpu.memory_space<vmem>>, vector<1x16x128xf32>
      %get3A_877 = vector.shape_cast %get3A_876 : vector<1x16x128xf32> to vector<16x128xf32>
      %max3A_878 = arith.maximumf %scan3A_858, %get3A_877 : vector<16x128xf32>
      %min3A_879 = arith.minimumf %scan3A_858, %get3A_877 : vector<16x128xf32>
      %max3A_880 = arith.maximumf %scan3A_859, %min3A_879 : vector<16x128xf32>
      %mul3A_881 = arith.constant 8 : i32
      %mul3A_882 = arith.muli %scan3A_855, %mul3A_881 : i32
      %add3A_883 = arith.constant 2 : i32
      %add3A_884 = arith.addi %mul3A_882, %add3A_883 : i32
      %get3A_885 = arith.index_cast %add3A_884 : i32 to index
      %get3A_886 = arith.constant 0 : index
      %get3A_887 = arith.constant 0 : index
      %get3A_888 = vector.load %arg4[%get3A_885, %get3A_886, %get3A_887] : memref<192x16x128xf32, #tpu.memory_space<vmem>>, vector<1x16x128xf32>
      %get3A_889 = vector.shape_cast %get3A_888 : vector<1x16x128xf32> to vector<16x128xf32>
      %max3A_890 = arith.maximumf %max3A_866, %get3A_889 : vector<16x128xf32>
      %min3A_891 = arith.minimumf %max3A_866, %get3A_889 : vector<16x128xf32>
      %max3A_892 = arith.maximumf %max3A_868, %min3A_891 : vector<16x128xf32>
      %mul3A_893 = arith.constant 8 : i32
      %mul3A_894 = arith.muli %scan3A_855, %mul3A_893 : i32
      %add3A_895 = arith.constant 3 : i32
      %add3A_896 = arith.addi %mul3A_894, %add3A_895 : i32
      %get3A_897 = arith.index_cast %add3A_896 : i32 to index
      %get3A_898 = arith.constant 0 : index
      %get3A_899 = arith.constant 0 : index
      %get3A_900 = vector.load %arg4[%get3A_897, %get3A_898, %get3A_899] : memref<192x16x128xf32, #tpu.memory_space<vmem>>, vector<1x16x128xf32>
      %get3A_901 = vector.shape_cast %get3A_900 : vector<1x16x128xf32> to vector<16x128xf32>
      %max3A_902 = arith.maximumf %max3A_878, %get3A_901 : vector<16x128xf32>
      %min3A_903 = arith.minimumf %max3A_878, %get3A_901 : vector<16x128xf32>
      %max3A_904 = arith.maximumf %max3A_880, %min3A_903 : vector<16x128xf32>
      %mul3A_905 = arith.constant 8 : i32
      %mul3A_906 = arith.muli %scan3A_855, %mul3A_905 : i32
      %add3A_907 = arith.constant 4 : i32
      %add3A_908 = arith.addi %mul3A_906, %add3A_907 : i32
      %get3A_909 = arith.index_cast %add3A_908 : i32 to index
      %get3A_910 = arith.constant 0 : index
      %get3A_911 = arith.constant 0 : index
      %get3A_912 = vector.load %arg4[%get3A_909, %get3A_910, %get3A_911] : memref<192x16x128xf32, #tpu.memory_space<vmem>>, vector<1x16x128xf32>
      %get3A_913 = vector.shape_cast %get3A_912 : vector<1x16x128xf32> to vector<16x128xf32>
      %max3A_914 = arith.maximumf %max3A_890, %get3A_913 : vector<16x128xf32>
      %min3A_915 = arith.minimumf %max3A_890, %get3A_913 : vector<16x128xf32>
      %max3A_916 = arith.maximumf %max3A_892, %min3A_915 : vector<16x128xf32>
      %mul3A_917 = arith.constant 8 : i32
      %mul3A_918 = arith.muli %scan3A_855, %mul3A_917 : i32
      %add3A_919 = arith.constant 5 : i32
      %add3A_920 = arith.addi %mul3A_918, %add3A_919 : i32
      %get3A_921 = arith.index_cast %add3A_920 : i32 to index
      %get3A_922 = arith.constant 0 : index
      %get3A_923 = arith.constant 0 : index
      %get3A_924 = vector.load %arg4[%get3A_921, %get3A_922, %get3A_923] : memref<192x16x128xf32, #tpu.memory_space<vmem>>, vector<1x16x128xf32>
      %get3A_925 = vector.shape_cast %get3A_924 : vector<1x16x128xf32> to vector<16x128xf32>
      %max3A_926 = arith.maximumf %max3A_902, %get3A_925 : vector<16x128xf32>
      %min3A_927 = arith.minimumf %max3A_902, %get3A_925 : vector<16x128xf32>
      %max3A_928 = arith.maximumf %max3A_904, %min3A_927 : vector<16x128xf32>
      %mul3A_929 = arith.constant 8 : i32
      %mul3A_930 = arith.muli %scan3A_855, %mul3A_929 : i32
      %add3A_931 = arith.constant 6 : i32
      %add3A_932 = arith.addi %mul3A_930, %add3A_931 : i32
      %get3A_933 = arith.index_cast %add3A_932 : i32 to index
      %get3A_934 = arith.constant 0 : index
      %get3A_935 = arith.constant 0 : index
      %get3A_936 = vector.load %arg4[%get3A_933, %get3A_934, %get3A_935] : memref<192x16x128xf32, #tpu.memory_space<vmem>>, vector<1x16x128xf32>
      %get3A_937 = vector.shape_cast %get3A_936 : vector<1x16x128xf32> to vector<16x128xf32>
      %max3A_938 = arith.maximumf %max3A_914, %get3A_937 : vector<16x128xf32>
      %min3A_939 = arith.minimumf %max3A_914, %get3A_937 : vector<16x128xf32>
      %max3A_940 = arith.maximumf %max3A_916, %min3A_939 : vector<16x128xf32>
      %mul3A_941 = arith.constant 8 : i32
      %mul3A_942 = arith.muli %scan3A_855, %mul3A_941 : i32
      %add3A_943 = arith.constant 7 : i32
      %add3A_944 = arith.addi %mul3A_942, %add3A_943 : i32
      %get3A_945 = arith.index_cast %add3A_944 : i32 to index
      %get3A_946 = arith.constant 0 : index
      %get3A_947 = arith.constant 0 : index
      %get3A_948 = vector.load %arg4[%get3A_945, %get3A_946, %get3A_947] : memref<192x16x128xf32, #tpu.memory_space<vmem>>, vector<1x16x128xf32>
      %get3A_949 = vector.shape_cast %get3A_948 : vector<1x16x128xf32> to vector<16x128xf32>
      %max3A_950 = arith.maximumf %max3A_926, %get3A_949 : vector<16x128xf32>
      %min3A_951 = arith.minimumf %max3A_926, %get3A_949 : vector<16x128xf32>
      %max3A_952 = arith.maximumf %max3A_928, %min3A_951 : vector<16x128xf32>
      scf.yield %max3A_938, %max3A_940, %max3A_950, %max3A_952 : vector<16x128xf32>, vector<16x128xf32>, vector<16x128xf32>, vector<16x128xf32>
    }
    %scan3A_388 = arith.constant 24 : i32
    %max3A_389 = arith.maximumf %scan3A_387#0, %scan3A_387#2 : vector<16x128xf32>
    %min3A_390 = arith.minimumf %scan3A_387#0, %scan3A_387#2 : vector<16x128xf32>
    %max3A_391 = arith.maximumf %scan3A_387#1, %scan3A_387#3 : vector<16x128xf32>
    %max3A_392 = arith.maximumf %min3A_390, %max3A_391 : vector<16x128xf32>
    %sub3A_393 = arith.subf %max3A_389, %max3A_392 : vector<16x128xf32>
    %exp3A_394 = math.exp %sub3A_393 : vector<16x128xf32>
    %sub3A_395 = arith.constant 1.000000e+00 : f32
    %sub3A_396 = vector.broadcast %sub3A_395 : f32 to vector<16x128xf32>
    %sub3A_397 = arith.subf %sub3A_396, %exp3A_394 : vector<16x128xf32>
    %exp3A_398 = math.exp %sub3A_397 : vector<16x128xf32>
    %swap3A_399 = arith.constant 1 : index
    %swap3A_400 = arith.constant 64 : index
    %swap3A_401 = arith.constant 0 : index
    %swap3A_402 = vector.load %arg6[%swap3A_399, %swap3A_400, %swap3A_401] : memref<4x96x128xf32, #tpu.memory_space<vmem>>, vector<1x16x128xf32>
    %swap3A_403 = vector.shape_cast %swap3A_402 : vector<1x16x128xf32> to vector<16x128xf32>
    %swap3A_404 = vector.shape_cast %exp3A_398 : vector<16x128xf32> to vector<1x16x128xf32>
    tpu.vector_store %arg6[%swap3A_399, %swap3A_400, %swap3A_401], %swap3A_404 {strides = array<i32>} : memref<4x96x128xf32, #tpu.memory_space<vmem>>, vector<1x16x128xf32>,
    %dma_start3A_405 = arith.constant 2 : i32
    %dma_start3A_406 = arith.constant 0 : i32
    %dma_start3A_407 = arith.constant 32 : i32
    %dma_start3A_408 = arith.constant 0 : i32
    %dma_start3A_409 = tpu.memref_slice %arg0[%dma_start3A_405, %dma_start3A_406, %dma_start3A_407, %dma_start3A_408] : memref<4x192x128x128xf32, #tpu.memory_space<any>> -> memref<1x192x16x128xf32, #tpu.memory_space<any>>
    %dma_start3A_410 = tpu.memref_squeeze %dma_start3A_409 : memref<1x192x16x128xf32, #tpu.memory_space<any>> -> memref<192x16x128xf32, #tpu.memory_space<any>>
    tpu.enqueue_dma source(%dma_start3A_410 : memref<192x16x128xf32, #tpu.memory_space<any>>) target(%arg4 : memref<192x16x128xf32, #tpu.memory_space<vmem>>) target_semaphore(%arg9 : memref<!tpu.dma_semaphore, #tpu.memory_space<semaphore_mem>>)
    %dma_wait3A_411 = arith.constant 1 : i32
    %dma_wait3A_412 = arith.constant 0 : i32
    %dma_wait3A_413 = arith.constant 80 : i32
    %dma_wait3A_414 = arith.constant 0 : i32
    %dma_wait3A_415 = tpu.memref_slice %arg0[%dma_wait3A_411, %dma_wait3A_412, %dma_wait3A_413, %dma_wait3A_414] : memref<4x192x128x128xf32, #tpu.memory_space<any>> -> memref<1x192x16x128xf32, #tpu.memory_space<any>>
    %dma_wait3A_416 = tpu.memref_squeeze %dma_wait3A_415 : memref<1x192x16x128xf32, #tpu.memory_space<any>> -> memref<192x16x128xf32, #tpu.memory_space<any>>
    tpu.wait_dma2 semaphore(%arg10 : memref<!tpu.dma_semaphore, #tpu.memory_space<semaphore_mem>>) src(%dma_wait3A_416 : memref<192x16x128xf32, #tpu.memory_space<any>>) dst(%arg5 : memref<192x16x128xf32, #tpu.memory_space<vmem>>)
    %broadcast_in_dim3A_417 = arith.constant 0xFF800000 : f32
    %broadcast_in_dim3A_418 = vector.broadcast %broadcast_in_dim3A_417 : f32 to vector<16x128xf32>
    %scan3A_419 = arith.constant 0 : i32
    %scan3A_420 = arith.constant 24 : i32
    %scan3A_421 = arith.addi %scan3A_419, %scan3A_420 : i32
    %scan3A_422 = arith.constant 1 : i32
    %scan3A_423:4 = scf.for %scan3A_855 = %scan3A_419 to %scan3A_421 step %scan3A_422 iter_args(%scan3A_856 = %broadcast_in_dim3A_418, %scan3A_857 = %broadcast_in_dim3A_418, %scan3A_858 = %broadcast_in_dim3A_418, %scan3A_859 = %broadcast_in_dim3A_418) -> (vector<16x128xf32>, vector<16x128xf32>, vector<16x128xf32>, vector<16x128xf32>)  : i32 {
      %mul3A = arith.constant 8 : i32
      %mul3A_860 = arith.muli %scan3A_855, %mul3A : i32
      %add3A = arith.constant 0 : i32
      %add3A_861 = arith.addi %mul3A_860, %add3A : i32
      %get3A = arith.index_cast %add3A_861 : i32 to index
      %get3A_862 = arith.constant 0 : index
      %get3A_863 = arith.constant 0 : index
      %get3A_864 = vector.load %arg5[%get3A, %get3A_862, %get3A_863] : memref<192x16x128xf32, #tpu.memory_space<vmem>>, vector<1x16x128xf32>
      %get3A_865 = vector.shape_cast %get3A_864 : vector<1x16x128xf32> to vector<16x128xf32>
      %max3A_866 = arith.maximumf %scan3A_856, %get3A_865 : vector<16x128xf32>
      %min3A_867 = arith.minimumf %scan3A_856, %get3A_865 : vector<16x128xf32>
      %max3A_868 = arith.maximumf %scan3A_857, %min3A_867 : vector<16x128xf32>
      %mul3A_869 = arith.constant 8 : i32
      %mul3A_870 = arith.muli %scan3A_855, %mul3A_869 : i32
      %add3A_871 = arith.constant 1 : i32
      %add3A_872 = arith.addi %mul3A_870, %add3A_871 : i32
      %get3A_873 = arith.index_cast %add3A_872 : i32 to index
      %get3A_874 = arith.constant 0 : index
      %get3A_875 = arith.constant 0 : index
      %get3A_876 = vector.load %arg5[%get3A_873, %get3A_874, %get3A_875] : memref<192x16x128xf32, #tpu.memory_space<vmem>>, vector<1x16x128xf32>
      %get3A_877 = vector.shape_cast %get3A_876 : vector<1x16x128xf32> to vector<16x128xf32>
      %max3A_878 = arith.maximumf %scan3A_858, %get3A_877 : vector<16x128xf32>
      %min3A_879 = arith.minimumf %scan3A_858, %get3A_877 : vector<16x128xf32>
      %max3A_880 = arith.maximumf %scan3A_859, %min3A_879 : vector<16x128xf32>
      %mul3A_881 = arith.constant 8 : i32
      %mul3A_882 = arith.muli %scan3A_855, %mul3A_881 : i32
      %add3A_883 = arith.constant 2 : i32
      %add3A_884 = arith.addi %mul3A_882, %add3A_883 : i32
      %get3A_885 = arith.index_cast %add3A_884 : i32 to index
      %get3A_886 = arith.constant 0 : index
      %get3A_887 = arith.constant 0 : index
      %get3A_888 = vector.load %arg5[%get3A_885, %get3A_886, %get3A_887] : memref<192x16x128xf32, #tpu.memory_space<vmem>>, vector<1x16x128xf32>
      %get3A_889 = vector.shape_cast %get3A_888 : vector<1x16x128xf32> to vector<16x128xf32>
      %max3A_890 = arith.maximumf %max3A_866, %get3A_889 : vector<16x128xf32>
      %min3A_891 = arith.minimumf %max3A_866, %get3A_889 : vector<16x128xf32>
      %max3A_892 = arith.maximumf %max3A_868, %min3A_891 : vector<16x128xf32>
      %mul3A_893 = arith.constant 8 : i32
      %mul3A_894 = arith.muli %scan3A_855, %mul3A_893 : i32
      %add3A_895 = arith.constant 3 : i32
      %add3A_896 = arith.addi %mul3A_894, %add3A_895 : i32
      %get3A_897 = arith.index_cast %add3A_896 : i32 to index
      %get3A_898 = arith.constant 0 : index
      %get3A_899 = arith.constant 0 : index
      %get3A_900 = vector.load %arg5[%get3A_897, %get3A_898, %get3A_899] : memref<192x16x128xf32, #tpu.memory_space<vmem>>, vector<1x16x128xf32>
      %get3A_901 = vector.shape_cast %get3A_900 : vector<1x16x128xf32> to vector<16x128xf32>
      %max3A_902 = arith.maximumf %max3A_878, %get3A_901 : vector<16x128xf32>
      %min3A_903 = arith.minimumf %max3A_878, %get3A_901 : vector<16x128xf32>
      %max3A_904 = arith.maximumf %max3A_880, %min3A_903 : vector<16x128xf32>
      %mul3A_905 = arith.constant 8 : i32
      %mul3A_906 = arith.muli %scan3A_855, %mul3A_905 : i32
      %add3A_907 = arith.constant 4 : i32
      %add3A_908 = arith.addi %mul3A_906, %add3A_907 : i32
      %get3A_909 = arith.index_cast %add3A_908 : i32 to index
      %get3A_910 = arith.constant 0 : index
      %get3A_911 = arith.constant 0 : index
      %get3A_912 = vector.load %arg5[%get3A_909, %get3A_910, %get3A_911] : memref<192x16x128xf32, #tpu.memory_space<vmem>>, vector<1x16x128xf32>
      %get3A_913 = vector.shape_cast %get3A_912 : vector<1x16x128xf32> to vector<16x128xf32>
      %max3A_914 = arith.maximumf %max3A_890, %get3A_913 : vector<16x128xf32>
      %min3A_915 = arith.minimumf %max3A_890, %get3A_913 : vector<16x128xf32>
      %max3A_916 = arith.maximumf %max3A_892, %min3A_915 : vector<16x128xf32>
      %mul3A_917 = arith.constant 8 : i32
      %mul3A_918 = arith.muli %scan3A_855, %mul3A_917 : i32
      %add3A_919 = arith.constant 5 : i32
      %add3A_920 = arith.addi %mul3A_918, %add3A_919 : i32
      %get3A_921 = arith.index_cast %add3A_920 : i32 to index
      %get3A_922 = arith.constant 0 : index
      %get3A_923 = arith.constant 0 : index
      %get3A_924 = vector.load %arg5[%get3A_921, %get3A_922, %get3A_923] : memref<192x16x128xf32, #tpu.memory_space<vmem>>, vector<1x16x128xf32>
      %get3A_925 = vector.shape_cast %get3A_924 : vector<1x16x128xf32> to vector<16x128xf32>
      %max3A_926 = arith.maximumf %max3A_902, %get3A_925 : vector<16x128xf32>
      %min3A_927 = arith.minimumf %max3A_902, %get3A_925 : vector<16x128xf32>
      %max3A_928 = arith.maximumf %max3A_904, %min3A_927 : vector<16x128xf32>
      %mul3A_929 = arith.constant 8 : i32
      %mul3A_930 = arith.muli %scan3A_855, %mul3A_929 : i32
      %add3A_931 = arith.constant 6 : i32
      %add3A_932 = arith.addi %mul3A_930, %add3A_931 : i32
      %get3A_933 = arith.index_cast %add3A_932 : i32 to index
      %get3A_934 = arith.constant 0 : index
      %get3A_935 = arith.constant 0 : index
      %get3A_936 = vector.load %arg5[%get3A_933, %get3A_934, %get3A_935] : memref<192x16x128xf32, #tpu.memory_space<vmem>>, vector<1x16x128xf32>
      %get3A_937 = vector.shape_cast %get3A_936 : vector<1x16x128xf32> to vector<16x128xf32>
      %max3A_938 = arith.maximumf %max3A_914, %get3A_937 : vector<16x128xf32>
      %min3A_939 = arith.minimumf %max3A_914, %get3A_937 : vector<16x128xf32>
      %max3A_940 = arith.maximumf %max3A_916, %min3A_939 : vector<16x128xf32>
      %mul3A_941 = arith.constant 8 : i32
      %mul3A_942 = arith.muli %scan3A_855, %mul3A_941 : i32
      %add3A_943 = arith.constant 7 : i32
      %add3A_944 = arith.addi %mul3A_942, %add3A_943 : i32
      %get3A_945 = arith.index_cast %add3A_944 : i32 to index
      %get3A_946 = arith.constant 0 : index
      %get3A_947 = arith.constant 0 : index
      %get3A_948 = vector.load %arg5[%get3A_945, %get3A_946, %get3A_947] : memref<192x16x128xf32, #tpu.memory_space<vmem>>, vector<1x16x128xf32>
      %get3A_949 = vector.shape_cast %get3A_948 : vector<1x16x128xf32> to vector<16x128xf32>
      %max3A_950 = arith.maximumf %max3A_926, %get3A_949 : vector<16x128xf32>
      %min3A_951 = arith.minimumf %max3A_926, %get3A_949 : vector<16x128xf32>
      %max3A_952 = arith.maximumf %max3A_928, %min3A_951 : vector<16x128xf32>
      scf.yield %max3A_938, %max3A_940, %max3A_950, %max3A_952 : vector<16x128xf32>, vector<16x128xf32>, vector<16x128xf32>, vector<16x128xf32>
    }
    %scan3A_424 = arith.constant 24 : i32
    %max3A_425 = arith.maximumf %scan3A_423#0, %scan3A_423#2 : vector<16x128xf32>
    %min3A_426 = arith.minimumf %scan3A_423#0, %scan3A_423#2 : vector<16x128xf32>
    %max3A_427 = arith.maximumf %scan3A_423#1, %scan3A_423#3 : vector<16x128xf32>
    %max3A_428 = arith.maximumf %min3A_426, %max3A_427 : vector<16x128xf32>
    %sub3A_429 = arith.subf %max3A_425, %max3A_428 : vector<16x128xf32>
    %exp3A_430 = math.exp %sub3A_429 : vector<16x128xf32>
    %sub3A_431 = arith.constant 1.000000e+00 : f32
    %sub3A_432 = vector.broadcast %sub3A_431 : f32 to vector<16x128xf32>
    %sub3A_433 = arith.subf %sub3A_432, %exp3A_430 : vector<16x128xf32>
    %exp3A_434 = math.exp %sub3A_433 : vector<16x128xf32>
    %swap3A_435 = arith.constant 1 : index
    %swap3A_436 = arith.constant 80 : index
    %swap3A_437 = arith.constant 0 : index
    %swap3A_438 = vector.load %arg6[%swap3A_435, %swap3A_436, %swap3A_437] : memref<4x96x128xf32, #tpu.memory_space<vmem>>, vector<1x16x128xf32>
    %swap3A_439 = vector.shape_cast %swap3A_438 : vector<1x16x128xf32> to vector<16x128xf32>
    %swap3A_440 = vector.shape_cast %exp3A_434 : vector<16x128xf32> to vector<1x16x128xf32>
    tpu.vector_store %arg6[%swap3A_435, %swap3A_436, %swap3A_437], %swap3A_440 {strides = array<i32>} : memref<4x96x128xf32, #tpu.memory_space<vmem>>, vector<1x16x128xf32>,
    %dma_start3A_441 = arith.constant 2 : i32
    %dma_start3A_442 = arith.constant 0 : i32
    %dma_start3A_443 = arith.constant 48 : i32
    %dma_start3A_444 = arith.constant 0 : i32
    %dma_start3A_445 = tpu.memref_slice %arg0[%dma_start3A_441, %dma_start3A_442, %dma_start3A_443, %dma_start3A_444] : memref<4x192x128x128xf32, #tpu.memory_space<any>> -> memref<1x192x16x128xf32, #tpu.memory_space<any>>
    %dma_start3A_446 = tpu.memref_squeeze %dma_start3A_445 : memref<1x192x16x128xf32, #tpu.memory_space<any>> -> memref<192x16x128xf32, #tpu.memory_space<any>>
    tpu.enqueue_dma source(%dma_start3A_446 : memref<192x16x128xf32, #tpu.memory_space<any>>) target(%arg5 : memref<192x16x128xf32, #tpu.memory_space<vmem>>) target_semaphore(%arg10 : memref<!tpu.dma_semaphore, #tpu.memory_space<semaphore_mem>>)
    %dma_wait3A_447 = arith.constant 2 : i32
    %dma_wait3A_448 = arith.constant 0 : i32
    %dma_wait3A_449 = arith.constant 0 : i32
    %dma_wait3A_450 = arith.constant 0 : i32
    %dma_wait3A_451 = tpu.memref_slice %arg0[%dma_wait3A_447, %dma_wait3A_448, %dma_wait3A_449, %dma_wait3A_450] : memref<4x192x128x128xf32, #tpu.memory_space<any>> -> memref<1x192x16x128xf32, #tpu.memory_space<any>>
    %dma_wait3A_452 = tpu.memref_squeeze %dma_wait3A_451 : memref<1x192x16x128xf32, #tpu.memory_space<any>> -> memref<192x16x128xf32, #tpu.memory_space<any>>
    tpu.wait_dma2 semaphore(%arg7 : memref<!tpu.dma_semaphore, #tpu.memory_space<semaphore_mem>>) src(%dma_wait3A_452 : memref<192x16x128xf32, #tpu.memory_space<any>>) dst(%arg2 : memref<192x16x128xf32, #tpu.memory_space<vmem>>)
    %broadcast_in_dim3A_453 = arith.constant 0xFF800000 : f32
    %broadcast_in_dim3A_454 = vector.broadcast %broadcast_in_dim3A_453 : f32 to vector<16x128xf32>
    %scan3A_455 = arith.constant 0 : i32
    %scan3A_456 = arith.constant 24 : i32
    %scan3A_457 = arith.addi %scan3A_455, %scan3A_456 : i32
    %scan3A_458 = arith.constant 1 : i32
    %scan3A_459:4 = scf.for %scan3A_855 = %scan3A_455 to %scan3A_457 step %scan3A_458 iter_args(%scan3A_856 = %broadcast_in_dim3A_454, %scan3A_857 = %broadcast_in_dim3A_454, %scan3A_858 = %broadcast_in_dim3A_454, %scan3A_859 = %broadcast_in_dim3A_454) -> (vector<16x128xf32>, vector<16x128xf32>, vector<16x128xf32>, vector<16x128xf32>)  : i32 {
      %mul3A = arith.constant 8 : i32
      %mul3A_860 = arith.muli %scan3A_855, %mul3A : i32
      %add3A = arith.constant 0 : i32
      %add3A_861 = arith.addi %mul3A_860, %add3A : i32
      %get3A = arith.index_cast %add3A_861 : i32 to index
      %get3A_862 = arith.constant 0 : index
      %get3A_863 = arith.constant 0 : index
      %get3A_864 = vector.load %arg2[%get3A, %get3A_862, %get3A_863] : memref<192x16x128xf32, #tpu.memory_space<vmem>>, vector<1x16x128xf32>
      %get3A_865 = vector.shape_cast %get3A_864 : vector<1x16x128xf32> to vector<16x128xf32>
      %max3A_866 = arith.maximumf %scan3A_856, %get3A_865 : vector<16x128xf32>
      %min3A_867 = arith.minimumf %scan3A_856, %get3A_865 : vector<16x128xf32>
      %max3A_868 = arith.maximumf %scan3A_857, %min3A_867 : vector<16x128xf32>
      %mul3A_869 = arith.constant 8 : i32
      %mul3A_870 = arith.muli %scan3A_855, %mul3A_869 : i32
      %add3A_871 = arith.constant 1 : i32
      %add3A_872 = arith.addi %mul3A_870, %add3A_871 : i32
      %get3A_873 = arith.index_cast %add3A_872 : i32 to index
      %get3A_874 = arith.constant 0 : index
      %get3A_875 = arith.constant 0 : index
      %get3A_876 = vector.load %arg2[%get3A_873, %get3A_874, %get3A_875] : memref<192x16x128xf32, #tpu.memory_space<vmem>>, vector<1x16x128xf32>
      %get3A_877 = vector.shape_cast %get3A_876 : vector<1x16x128xf32> to vector<16x128xf32>
      %max3A_878 = arith.maximumf %scan3A_858, %get3A_877 : vector<16x128xf32>
      %min3A_879 = arith.minimumf %scan3A_858, %get3A_877 : vector<16x128xf32>
      %max3A_880 = arith.maximumf %scan3A_859, %min3A_879 : vector<16x128xf32>
      %mul3A_881 = arith.constant 8 : i32
      %mul3A_882 = arith.muli %scan3A_855, %mul3A_881 : i32
      %add3A_883 = arith.constant 2 : i32
      %add3A_884 = arith.addi %mul3A_882, %add3A_883 : i32
      %get3A_885 = arith.index_cast %add3A_884 : i32 to index
      %get3A_886 = arith.constant 0 : index
      %get3A_887 = arith.constant 0 : index
      %get3A_888 = vector.load %arg2[%get3A_885, %get3A_886, %get3A_887] : memref<192x16x128xf32, #tpu.memory_space<vmem>>, vector<1x16x128xf32>
      %get3A_889 = vector.shape_cast %get3A_888 : vector<1x16x128xf32> to vector<16x128xf32>
      %max3A_890 = arith.maximumf %max3A_866, %get3A_889 : vector<16x128xf32>
      %min3A_891 = arith.minimumf %max3A_866, %get3A_889 : vector<16x128xf32>
      %max3A_892 = arith.maximumf %max3A_868, %min3A_891 : vector<16x128xf32>
      %mul3A_893 = arith.constant 8 : i32
      %mul3A_894 = arith.muli %scan3A_855, %mul3A_893 : i32
      %add3A_895 = arith.constant 3 : i32
      %add3A_896 = arith.addi %mul3A_894, %add3A_895 : i32
      %get3A_897 = arith.index_cast %add3A_896 : i32 to index
      %get3A_898 = arith.constant 0 : index
      %get3A_899 = arith.constant 0 : index
      %get3A_900 = vector.load %arg2[%get3A_897, %get3A_898, %get3A_899] : memref<192x16x128xf32, #tpu.memory_space<vmem>>, vector<1x16x128xf32>
      %get3A_901 = vector.shape_cast %get3A_900 : vector<1x16x128xf32> to vector<16x128xf32>
      %max3A_902 = arith.maximumf %max3A_878, %get3A_901 : vector<16x128xf32>
      %min3A_903 = arith.minimumf %max3A_878, %get3A_901 : vector<16x128xf32>
      %max3A_904 = arith.maximumf %max3A_880, %min3A_903 : vector<16x128xf32>
      %mul3A_905 = arith.constant 8 : i32
      %mul3A_906 = arith.muli %scan3A_855, %mul3A_905 : i32
      %add3A_907 = arith.constant 4 : i32
      %add3A_908 = arith.addi %mul3A_906, %add3A_907 : i32
      %get3A_909 = arith.index_cast %add3A_908 : i32 to index
      %get3A_910 = arith.constant 0 : index
      %get3A_911 = arith.constant 0 : index
      %get3A_912 = vector.load %arg2[%get3A_909, %get3A_910, %get3A_911] : memref<192x16x128xf32, #tpu.memory_space<vmem>>, vector<1x16x128xf32>
      %get3A_913 = vector.shape_cast %get3A_912 : vector<1x16x128xf32> to vector<16x128xf32>
      %max3A_914 = arith.maximumf %max3A_890, %get3A_913 : vector<16x128xf32>
      %min3A_915 = arith.minimumf %max3A_890, %get3A_913 : vector<16x128xf32>
      %max3A_916 = arith.maximumf %max3A_892, %min3A_915 : vector<16x128xf32>
      %mul3A_917 = arith.constant 8 : i32
      %mul3A_918 = arith.muli %scan3A_855, %mul3A_917 : i32
      %add3A_919 = arith.constant 5 : i32
      %add3A_920 = arith.addi %mul3A_918, %add3A_919 : i32
      %get3A_921 = arith.index_cast %add3A_920 : i32 to index
      %get3A_922 = arith.constant 0 : index
      %get3A_923 = arith.constant 0 : index
      %get3A_924 = vector.load %arg2[%get3A_921, %get3A_922, %get3A_923] : memref<192x16x128xf32, #tpu.memory_space<vmem>>, vector<1x16x128xf32>
      %get3A_925 = vector.shape_cast %get3A_924 : vector<1x16x128xf32> to vector<16x128xf32>
      %max3A_926 = arith.maximumf %max3A_902, %get3A_925 : vector<16x128xf32>
      %min3A_927 = arith.minimumf %max3A_902, %get3A_925 : vector<16x128xf32>
      %max3A_928 = arith.maximumf %max3A_904, %min3A_927 : vector<16x128xf32>
      %mul3A_929 = arith.constant 8 : i32
      %mul3A_930 = arith.muli %scan3A_855, %mul3A_929 : i32
      %add3A_931 = arith.constant 6 : i32
      %add3A_932 = arith.addi %mul3A_930, %add3A_931 : i32
      %get3A_933 = arith.index_cast %add3A_932 : i32 to index
      %get3A_934 = arith.constant 0 : index
      %get3A_935 = arith.constant 0 : index
      %get3A_936 = vector.load %arg2[%get3A_933, %get3A_934, %get3A_935] : memref<192x16x128xf32, #tpu.memory_space<vmem>>, vector<1x16x128xf32>
      %get3A_937 = vector.shape_cast %get3A_936 : vector<1x16x128xf32> to vector<16x128xf32>
      %max3A_938 = arith.maximumf %max3A_914, %get3A_937 : vector<16x128xf32>
      %min3A_939 = arith.minimumf %max3A_914, %get3A_937 : vector<16x128xf32>
      %max3A_940 = arith.maximumf %max3A_916, %min3A_939 : vector<16x128xf32>
      %mul3A_941 = arith.constant 8 : i32
      %mul3A_942 = arith.muli %scan3A_855, %mul3A_941 : i32
      %add3A_943 = arith.constant 7 : i32
      %add3A_944 = arith.addi %mul3A_942, %add3A_943 : i32
      %get3A_945 = arith.index_cast %add3A_944 : i32 to index
      %get3A_946 = arith.constant 0 : index
      %get3A_947 = arith.constant 0 : index
      %get3A_948 = vector.load %arg2[%get3A_945, %get3A_946, %get3A_947] : memref<192x16x128xf32, #tpu.memory_space<vmem>>, vector<1x16x128xf32>
      %get3A_949 = vector.shape_cast %get3A_948 : vector<1x16x128xf32> to vector<16x128xf32>
      %max3A_950 = arith.maximumf %max3A_926, %get3A_949 : vector<16x128xf32>
      %min3A_951 = arith.minimumf %max3A_926, %get3A_949 : vector<16x128xf32>
      %max3A_952 = arith.maximumf %max3A_928, %min3A_951 : vector<16x128xf32>
      scf.yield %max3A_938, %max3A_940, %max3A_950, %max3A_952 : vector<16x128xf32>, vector<16x128xf32>, vector<16x128xf32>, vector<16x128xf32>
    }
    %scan3A_460 = arith.constant 24 : i32
    %max3A_461 = arith.maximumf %scan3A_459#0, %scan3A_459#2 : vector<16x128xf32>
    %min3A_462 = arith.minimumf %scan3A_459#0, %scan3A_459#2 : vector<16x128xf32>
    %max3A_463 = arith.maximumf %scan3A_459#1, %scan3A_459#3 : vector<16x128xf32>
    %max3A_464 = arith.maximumf %min3A_462, %max3A_463 : vector<16x128xf32>
    %sub3A_465 = arith.subf %max3A_461, %max3A_464 : vector<16x128xf32>
    %exp3A_466 = math.exp %sub3A_465 : vector<16x128xf32>
    %sub3A_467 = arith.constant 1.000000e+00 : f32
    %sub3A_468 = vector.broadcast %sub3A_467 : f32 to vector<16x128xf32>
    %sub3A_469 = arith.subf %sub3A_468, %exp3A_466 : vector<16x128xf32>
    %exp3A_470 = math.exp %sub3A_469 : vector<16x128xf32>
    %swap3A_471 = arith.constant 2 : index
    %swap3A_472 = arith.constant 0 : index
    %swap3A_473 = arith.constant 0 : index
    %swap3A_474 = vector.load %arg6[%swap3A_471, %swap3A_472, %swap3A_473] : memref<4x96x128xf32, #tpu.memory_space<vmem>>, vector<1x16x128xf32>
    %swap3A_475 = vector.shape_cast %swap3A_474 : vector<1x16x128xf32> to vector<16x128xf32>
    %swap3A_476 = vector.shape_cast %exp3A_470 : vector<16x128xf32> to vector<1x16x128xf32>
    tpu.vector_store %arg6[%swap3A_471, %swap3A_472, %swap3A_473], %swap3A_476 {strides = array<i32>} : memref<4x96x128xf32, #tpu.memory_space<vmem>>, vector<1x16x128xf32>,
    %dma_start3A_477 = arith.constant 2 : i32
    %dma_start3A_478 = arith.constant 0 : i32
    %dma_start3A_479 = arith.constant 64 : i32
    %dma_start3A_480 = arith.constant 0 : i32
    %dma_start3A_481 = tpu.memref_slice %arg0[%dma_start3A_477, %dma_start3A_478, %dma_start3A_479, %dma_start3A_480] : memref<4x192x128x128xf32, #tpu.memory_space<any>> -> memref<1x192x16x128xf32, #tpu.memory_space<any>>
    %dma_start3A_482 = tpu.memref_squeeze %dma_start3A_481 : memref<1x192x16x128xf32, #tpu.memory_space<any>> -> memref<192x16x128xf32, #tpu.memory_space<any>>
    tpu.enqueue_dma source(%dma_start3A_482 : memref<192x16x128xf32, #tpu.memory_space<any>>) target(%arg2 : memref<192x16x128xf32, #tpu.memory_space<vmem>>) target_semaphore(%arg7 : memref<!tpu.dma_semaphore, #tpu.memory_space<semaphore_mem>>)
    %dma_wait3A_483 = arith.constant 2 : i32
    %dma_wait3A_484 = arith.constant 0 : i32
    %dma_wait3A_485 = arith.constant 16 : i32
    %dma_wait3A_486 = arith.constant 0 : i32
    %dma_wait3A_487 = tpu.memref_slice %arg0[%dma_wait3A_483, %dma_wait3A_484, %dma_wait3A_485, %dma_wait3A_486] : memref<4x192x128x128xf32, #tpu.memory_space<any>> -> memref<1x192x16x128xf32, #tpu.memory_space<any>>
    %dma_wait3A_488 = tpu.memref_squeeze %dma_wait3A_487 : memref<1x192x16x128xf32, #tpu.memory_space<any>> -> memref<192x16x128xf32, #tpu.memory_space<any>>
    tpu.wait_dma2 semaphore(%arg8 : memref<!tpu.dma_semaphore, #tpu.memory_space<semaphore_mem>>) src(%dma_wait3A_488 : memref<192x16x128xf32, #tpu.memory_space<any>>) dst(%arg3 : memref<192x16x128xf32, #tpu.memory_space<vmem>>)
    %broadcast_in_dim3A_489 = arith.constant 0xFF800000 : f32
    %broadcast_in_dim3A_490 = vector.broadcast %broadcast_in_dim3A_489 : f32 to vector<16x128xf32>
    %scan3A_491 = arith.constant 0 : i32
    %scan3A_492 = arith.constant 24 : i32
    %scan3A_493 = arith.addi %scan3A_491, %scan3A_492 : i32
    %scan3A_494 = arith.constant 1 : i32
    %scan3A_495:4 = scf.for %scan3A_855 = %scan3A_491 to %scan3A_493 step %scan3A_494 iter_args(%scan3A_856 = %broadcast_in_dim3A_490, %scan3A_857 = %broadcast_in_dim3A_490, %scan3A_858 = %broadcast_in_dim3A_490, %scan3A_859 = %broadcast_in_dim3A_490) -> (vector<16x128xf32>, vector<16x128xf32>, vector<16x128xf32>, vector<16x128xf32>)  : i32 {
      %mul3A = arith.constant 8 : i32
      %mul3A_860 = arith.muli %scan3A_855, %mul3A : i32
      %add3A = arith.constant 0 : i32
      %add3A_861 = arith.addi %mul3A_860, %add3A : i32
      %get3A = arith.index_cast %add3A_861 : i32 to index
      %get3A_862 = arith.constant 0 : index
      %get3A_863 = arith.constant 0 : index
      %get3A_864 = vector.load %arg3[%get3A, %get3A_862, %get3A_863] : memref<192x16x128xf32, #tpu.memory_space<vmem>>, vector<1x16x128xf32>
      %get3A_865 = vector.shape_cast %get3A_864 : vector<1x16x128xf32> to vector<16x128xf32>
      %max3A_866 = arith.maximumf %scan3A_856, %get3A_865 : vector<16x128xf32>
      %min3A_867 = arith.minimumf %scan3A_856, %get3A_865 : vector<16x128xf32>
      %max3A_868 = arith.maximumf %scan3A_857, %min3A_867 : vector<16x128xf32>
      %mul3A_869 = arith.constant 8 : i32
      %mul3A_870 = arith.muli %scan3A_855, %mul3A_869 : i32
      %add3A_871 = arith.constant 1 : i32
      %add3A_872 = arith.addi %mul3A_870, %add3A_871 : i32
      %get3A_873 = arith.index_cast %add3A_872 : i32 to index
      %get3A_874 = arith.constant 0 : index
      %get3A_875 = arith.constant 0 : index
      %get3A_876 = vector.load %arg3[%get3A_873, %get3A_874, %get3A_875] : memref<192x16x128xf32, #tpu.memory_space<vmem>>, vector<1x16x128xf32>
      %get3A_877 = vector.shape_cast %get3A_876 : vector<1x16x128xf32> to vector<16x128xf32>
      %max3A_878 = arith.maximumf %scan3A_858, %get3A_877 : vector<16x128xf32>
      %min3A_879 = arith.minimumf %scan3A_858, %get3A_877 : vector<16x128xf32>
      %max3A_880 = arith.maximumf %scan3A_859, %min3A_879 : vector<16x128xf32>
      %mul3A_881 = arith.constant 8 : i32
      %mul3A_882 = arith.muli %scan3A_855, %mul3A_881 : i32
      %add3A_883 = arith.constant 2 : i32
      %add3A_884 = arith.addi %mul3A_882, %add3A_883 : i32
      %get3A_885 = arith.index_cast %add3A_884 : i32 to index
      %get3A_886 = arith.constant 0 : index
      %get3A_887 = arith.constant 0 : index
      %get3A_888 = vector.load %arg3[%get3A_885, %get3A_886, %get3A_887] : memref<192x16x128xf32, #tpu.memory_space<vmem>>, vector<1x16x128xf32>
      %get3A_889 = vector.shape_cast %get3A_888 : vector<1x16x128xf32> to vector<16x128xf32>
      %max3A_890 = arith.maximumf %max3A_866, %get3A_889 : vector<16x128xf32>
      %min3A_891 = arith.minimumf %max3A_866, %get3A_889 : vector<16x128xf32>
      %max3A_892 = arith.maximumf %max3A_868, %min3A_891 : vector<16x128xf32>
      %mul3A_893 = arith.constant 8 : i32
      %mul3A_894 = arith.muli %scan3A_855, %mul3A_893 : i32
      %add3A_895 = arith.constant 3 : i32
      %add3A_896 = arith.addi %mul3A_894, %add3A_895 : i32
      %get3A_897 = arith.index_cast %add3A_896 : i32 to index
      %get3A_898 = arith.constant 0 : index
      %get3A_899 = arith.constant 0 : index
      %get3A_900 = vector.load %arg3[%get3A_897, %get3A_898, %get3A_899] : memref<192x16x128xf32, #tpu.memory_space<vmem>>, vector<1x16x128xf32>
      %get3A_901 = vector.shape_cast %get3A_900 : vector<1x16x128xf32> to vector<16x128xf32>
      %max3A_902 = arith.maximumf %max3A_878, %get3A_901 : vector<16x128xf32>
      %min3A_903 = arith.minimumf %max3A_878, %get3A_901 : vector<16x128xf32>
      %max3A_904 = arith.maximumf %max3A_880, %min3A_903 : vector<16x128xf32>
      %mul3A_905 = arith.constant 8 : i32
      %mul3A_906 = arith.muli %scan3A_855, %mul3A_905 : i32
      %add3A_907 = arith.constant 4 : i32
      %add3A_908 = arith.addi %mul3A_906, %add3A_907 : i32
      %get3A_909 = arith.index_cast %add3A_908 : i32 to index
      %get3A_910 = arith.constant 0 : index
      %get3A_911 = arith.constant 0 : index
      %get3A_912 = vector.load %arg3[%get3A_909, %get3A_910, %get3A_911] : memref<192x16x128xf32, #tpu.memory_space<vmem>>, vector<1x16x128xf32>
      %get3A_913 = vector.shape_cast %get3A_912 : vector<1x16x128xf32> to vector<16x128xf32>
      %max3A_914 = arith.maximumf %max3A_890, %get3A_913 : vector<16x128xf32>
      %min3A_915 = arith.minimumf %max3A_890, %get3A_913 : vector<16x128xf32>
      %max3A_916 = arith.maximumf %max3A_892, %min3A_915 : vector<16x128xf32>
      %mul3A_917 = arith.constant 8 : i32
      %mul3A_918 = arith.muli %scan3A_855, %mul3A_917 : i32
      %add3A_919 = arith.constant 5 : i32
      %add3A_920 = arith.addi %mul3A_918, %add3A_919 : i32
      %get3A_921 = arith.index_cast %add3A_920 : i32 to index
      %get3A_922 = arith.constant 0 : index
      %get3A_923 = arith.constant 0 : index
      %get3A_924 = vector.load %arg3[%get3A_921, %get3A_922, %get3A_923] : memref<192x16x128xf32, #tpu.memory_space<vmem>>, vector<1x16x128xf32>
      %get3A_925 = vector.shape_cast %get3A_924 : vector<1x16x128xf32> to vector<16x128xf32>
      %max3A_926 = arith.maximumf %max3A_902, %get3A_925 : vector<16x128xf32>
      %min3A_927 = arith.minimumf %max3A_902, %get3A_925 : vector<16x128xf32>
      %max3A_928 = arith.maximumf %max3A_904, %min3A_927 : vector<16x128xf32>
      %mul3A_929 = arith.constant 8 : i32
      %mul3A_930 = arith.muli %scan3A_855, %mul3A_929 : i32
      %add3A_931 = arith.constant 6 : i32
      %add3A_932 = arith.addi %mul3A_930, %add3A_931 : i32
      %get3A_933 = arith.index_cast %add3A_932 : i32 to index
      %get3A_934 = arith.constant 0 : index
      %get3A_935 = arith.constant 0 : index
      %get3A_936 = vector.load %arg3[%get3A_933, %get3A_934, %get3A_935] : memref<192x16x128xf32, #tpu.memory_space<vmem>>, vector<1x16x128xf32>
      %get3A_937 = vector.shape_cast %get3A_936 : vector<1x16x128xf32> to vector<16x128xf32>
      %max3A_938 = arith.maximumf %max3A_914, %get3A_937 : vector<16x128xf32>
      %min3A_939 = arith.minimumf %max3A_914, %get3A_937 : vector<16x128xf32>
      %max3A_940 = arith.maximumf %max3A_916, %min3A_939 : vector<16x128xf32>
      %mul3A_941 = arith.constant 8 : i32
      %mul3A_942 = arith.muli %scan3A_855, %mul3A_941 : i32
      %add3A_943 = arith.constant 7 : i32
      %add3A_944 = arith.addi %mul3A_942, %add3A_943 : i32
      %get3A_945 = arith.index_cast %add3A_944 : i32 to index
      %get3A_946 = arith.constant 0 : index
      %get3A_947 = arith.constant 0 : index
      %get3A_948 = vector.load %arg3[%get3A_945, %get3A_946, %get3A_947] : memref<192x16x128xf32, #tpu.memory_space<vmem>>, vector<1x16x128xf32>
      %get3A_949 = vector.shape_cast %get3A_948 : vector<1x16x128xf32> to vector<16x128xf32>
      %max3A_950 = arith.maximumf %max3A_926, %get3A_949 : vector<16x128xf32>
      %min3A_951 = arith.minimumf %max3A_926, %get3A_949 : vector<16x128xf32>
      %max3A_952 = arith.maximumf %max3A_928, %min3A_951 : vector<16x128xf32>
      scf.yield %max3A_938, %max3A_940, %max3A_950, %max3A_952 : vector<16x128xf32>, vector<16x128xf32>, vector<16x128xf32>, vector<16x128xf32>
    }
    %scan3A_496 = arith.constant 24 : i32
    %max3A_497 = arith.maximumf %scan3A_495#0, %scan3A_495#2 : vector<16x128xf32>
    %min3A_498 = arith.minimumf %scan3A_495#0, %scan3A_495#2 : vector<16x128xf32>
    %max3A_499 = arith.maximumf %scan3A_495#1, %scan3A_495#3 : vector<16x128xf32>
    %max3A_500 = arith.maximumf %min3A_498, %max3A_499 : vector<16x128xf32>
    %sub3A_501 = arith.subf %max3A_497, %max3A_500 : vector<16x128xf32>
    %exp3A_502 = math.exp %sub3A_501 : vector<16x128xf32>
    %sub3A_503 = arith.constant 1.000000e+00 : f32
    %sub3A_504 = vector.broadcast %sub3A_503 : f32 to vector<16x128xf32>
    %sub3A_505 = arith.subf %sub3A_504, %exp3A_502 : vector<16x128xf32>
    %exp3A_506 = math.exp %sub3A_505 : vector<16x128xf32>
    %swap3A_507 = arith.constant 2 : index
    %swap3A_508 = arith.constant 16 : index
    %swap3A_509 = arith.constant 0 : index
    %swap3A_510 = vector.load %arg6[%swap3A_507, %swap3A_508, %swap3A_509] : memref<4x96x128xf32, #tpu.memory_space<vmem>>, vector<1x16x128xf32>
    %swap3A_511 = vector.shape_cast %swap3A_510 : vector<1x16x128xf32> to vector<16x128xf32>
    %swap3A_512 = vector.shape_cast %exp3A_506 : vector<16x128xf32> to vector<1x16x128xf32>
    tpu.vector_store %arg6[%swap3A_507, %swap3A_508, %swap3A_509], %swap3A_512 {strides = array<i32>} : memref<4x96x128xf32, #tpu.memory_space<vmem>>, vector<1x16x128xf32>,
    %dma_start3A_513 = arith.constant 2 : i32
    %dma_start3A_514 = arith.constant 0 : i32
    %dma_start3A_515 = arith.constant 80 : i32
    %dma_start3A_516 = arith.constant 0 : i32
    %dma_start3A_517 = tpu.memref_slice %arg0[%dma_start3A_513, %dma_start3A_514, %dma_start3A_515, %dma_start3A_516] : memref<4x192x128x128xf32, #tpu.memory_space<any>> -> memref<1x192x16x128xf32, #tpu.memory_space<any>>
    %dma_start3A_518 = tpu.memref_squeeze %dma_start3A_517 : memref<1x192x16x128xf32, #tpu.memory_space<any>> -> memref<192x16x128xf32, #tpu.memory_space<any>>
    tpu.enqueue_dma source(%dma_start3A_518 : memref<192x16x128xf32, #tpu.memory_space<any>>) target(%arg3 : memref<192x16x128xf32, #tpu.memory_space<vmem>>) target_semaphore(%arg8 : memref<!tpu.dma_semaphore, #tpu.memory_space<semaphore_mem>>)
    %dma_wait3A_519 = arith.constant 2 : i32
    %dma_wait3A_520 = arith.constant 0 : i32
    %dma_wait3A_521 = arith.constant 32 : i32
    %dma_wait3A_522 = arith.constant 0 : i32
    %dma_wait3A_523 = tpu.memref_slice %arg0[%dma_wait3A_519, %dma_wait3A_520, %dma_wait3A_521, %dma_wait3A_522] : memref<4x192x128x128xf32, #tpu.memory_space<any>> -> memref<1x192x16x128xf32, #tpu.memory_space<any>>
    %dma_wait3A_524 = tpu.memref_squeeze %dma_wait3A_523 : memref<1x192x16x128xf32, #tpu.memory_space<any>> -> memref<192x16x128xf32, #tpu.memory_space<any>>
    tpu.wait_dma2 semaphore(%arg9 : memref<!tpu.dma_semaphore, #tpu.memory_space<semaphore_mem>>) src(%dma_wait3A_524 : memref<192x16x128xf32, #tpu.memory_space<any>>) dst(%arg4 : memref<192x16x128xf32, #tpu.memory_space<vmem>>)
    %broadcast_in_dim3A_525 = arith.constant 0xFF800000 : f32
    %broadcast_in_dim3A_526 = vector.broadcast %broadcast_in_dim3A_525 : f32 to vector<16x128xf32>
    %scan3A_527 = arith.constant 0 : i32
    %scan3A_528 = arith.constant 24 : i32
    %scan3A_529 = arith.addi %scan3A_527, %scan3A_528 : i32
    %scan3A_530 = arith.constant 1 : i32
    %scan3A_531:4 = scf.for %scan3A_855 = %scan3A_527 to %scan3A_529 step %scan3A_530 iter_args(%scan3A_856 = %broadcast_in_dim3A_526, %scan3A_857 = %broadcast_in_dim3A_526, %scan3A_858 = %broadcast_in_dim3A_526, %scan3A_859 = %broadcast_in_dim3A_526) -> (vector<16x128xf32>, vector<16x128xf32>, vector<16x128xf32>, vector<16x128xf32>)  : i32 {
      %mul3A = arith.constant 8 : i32
      %mul3A_860 = arith.muli %scan3A_855, %mul3A : i32
      %add3A = arith.constant 0 : i32
      %add3A_861 = arith.addi %mul3A_860, %add3A : i32
      %get3A = arith.index_cast %add3A_861 : i32 to index
      %get3A_862 = arith.constant 0 : index
      %get3A_863 = arith.constant 0 : index
      %get3A_864 = vector.load %arg4[%get3A, %get3A_862, %get3A_863] : memref<192x16x128xf32, #tpu.memory_space<vmem>>, vector<1x16x128xf32>
      %get3A_865 = vector.shape_cast %get3A_864 : vector<1x16x128xf32> to vector<16x128xf32>
      %max3A_866 = arith.maximumf %scan3A_856, %get3A_865 : vector<16x128xf32>
      %min3A_867 = arith.minimumf %scan3A_856, %get3A_865 : vector<16x128xf32>
      %max3A_868 = arith.maximumf %scan3A_857, %min3A_867 : vector<16x128xf32>
      %mul3A_869 = arith.constant 8 : i32
      %mul3A_870 = arith.muli %scan3A_855, %mul3A_869 : i32
      %add3A_871 = arith.constant 1 : i32
      %add3A_872 = arith.addi %mul3A_870, %add3A_871 : i32
      %get3A_873 = arith.index_cast %add3A_872 : i32 to index
      %get3A_874 = arith.constant 0 : index
      %get3A_875 = arith.constant 0 : index
      %get3A_876 = vector.load %arg4[%get3A_873, %get3A_874, %get3A_875] : memref<192x16x128xf32, #tpu.memory_space<vmem>>, vector<1x16x128xf32>
      %get3A_877 = vector.shape_cast %get3A_876 : vector<1x16x128xf32> to vector<16x128xf32>
      %max3A_878 = arith.maximumf %scan3A_858, %get3A_877 : vector<16x128xf32>
      %min3A_879 = arith.minimumf %scan3A_858, %get3A_877 : vector<16x128xf32>
      %max3A_880 = arith.maximumf %scan3A_859, %min3A_879 : vector<16x128xf32>
      %mul3A_881 = arith.constant 8 : i32
      %mul3A_882 = arith.muli %scan3A_855, %mul3A_881 : i32
      %add3A_883 = arith.constant 2 : i32
      %add3A_884 = arith.addi %mul3A_882, %add3A_883 : i32
      %get3A_885 = arith.index_cast %add3A_884 : i32 to index
      %get3A_886 = arith.constant 0 : index
      %get3A_887 = arith.constant 0 : index
      %get3A_888 = vector.load %arg4[%get3A_885, %get3A_886, %get3A_887] : memref<192x16x128xf32, #tpu.memory_space<vmem>>, vector<1x16x128xf32>
      %get3A_889 = vector.shape_cast %get3A_888 : vector<1x16x128xf32> to vector<16x128xf32>
      %max3A_890 = arith.maximumf %max3A_866, %get3A_889 : vector<16x128xf32>
      %min3A_891 = arith.minimumf %max3A_866, %get3A_889 : vector<16x128xf32>
      %max3A_892 = arith.maximumf %max3A_868, %min3A_891 : vector<16x128xf32>
      %mul3A_893 = arith.constant 8 : i32
      %mul3A_894 = arith.muli %scan3A_855, %mul3A_893 : i32
      %add3A_895 = arith.constant 3 : i32
      %add3A_896 = arith.addi %mul3A_894, %add3A_895 : i32
      %get3A_897 = arith.index_cast %add3A_896 : i32 to index
      %get3A_898 = arith.constant 0 : index
      %get3A_899 = arith.constant 0 : index
      %get3A_900 = vector.load %arg4[%get3A_897, %get3A_898, %get3A_899] : memref<192x16x128xf32, #tpu.memory_space<vmem>>, vector<1x16x128xf32>
      %get3A_901 = vector.shape_cast %get3A_900 : vector<1x16x128xf32> to vector<16x128xf32>
      %max3A_902 = arith.maximumf %max3A_878, %get3A_901 : vector<16x128xf32>
      %min3A_903 = arith.minimumf %max3A_878, %get3A_901 : vector<16x128xf32>
      %max3A_904 = arith.maximumf %max3A_880, %min3A_903 : vector<16x128xf32>
      %mul3A_905 = arith.constant 8 : i32
      %mul3A_906 = arith.muli %scan3A_855, %mul3A_905 : i32
      %add3A_907 = arith.constant 4 : i32
      %add3A_908 = arith.addi %mul3A_906, %add3A_907 : i32
      %get3A_909 = arith.index_cast %add3A_908 : i32 to index
      %get3A_910 = arith.constant 0 : index
      %get3A_911 = arith.constant 0 : index
      %get3A_912 = vector.load %arg4[%get3A_909, %get3A_910, %get3A_911] : memref<192x16x128xf32, #tpu.memory_space<vmem>>, vector<1x16x128xf32>
      %get3A_913 = vector.shape_cast %get3A_912 : vector<1x16x128xf32> to vector<16x128xf32>
      %max3A_914 = arith.maximumf %max3A_890, %get3A_913 : vector<16x128xf32>
      %min3A_915 = arith.minimumf %max3A_890, %get3A_913 : vector<16x128xf32>
      %max3A_916 = arith.maximumf %max3A_892, %min3A_915 : vector<16x128xf32>
      %mul3A_917 = arith.constant 8 : i32
      %mul3A_918 = arith.muli %scan3A_855, %mul3A_917 : i32
      %add3A_919 = arith.constant 5 : i32
      %add3A_920 = arith.addi %mul3A_918, %add3A_919 : i32
      %get3A_921 = arith.index_cast %add3A_920 : i32 to index
      %get3A_922 = arith.constant 0 : index
      %get3A_923 = arith.constant 0 : index
      %get3A_924 = vector.load %arg4[%get3A_921, %get3A_922, %get3A_923] : memref<192x16x128xf32, #tpu.memory_space<vmem>>, vector<1x16x128xf32>
      %get3A_925 = vector.shape_cast %get3A_924 : vector<1x16x128xf32> to vector<16x128xf32>
      %max3A_926 = arith.maximumf %max3A_902, %get3A_925 : vector<16x128xf32>
      %min3A_927 = arith.minimumf %max3A_902, %get3A_925 : vector<16x128xf32>
      %max3A_928 = arith.maximumf %max3A_904, %min3A_927 : vector<16x128xf32>
      %mul3A_929 = arith.constant 8 : i32
      %mul3A_930 = arith.muli %scan3A_855, %mul3A_929 : i32
      %add3A_931 = arith.constant 6 : i32
      %add3A_932 = arith.addi %mul3A_930, %add3A_931 : i32
      %get3A_933 = arith.index_cast %add3A_932 : i32 to index
      %get3A_934 = arith.constant 0 : index
      %get3A_935 = arith.constant 0 : index
      %get3A_936 = vector.load %arg4[%get3A_933, %get3A_934, %get3A_935] : memref<192x16x128xf32, #tpu.memory_space<vmem>>, vector<1x16x128xf32>
      %get3A_937 = vector.shape_cast %get3A_936 : vector<1x16x128xf32> to vector<16x128xf32>
      %max3A_938 = arith.maximumf %max3A_914, %get3A_937 : vector<16x128xf32>
      %min3A_939 = arith.minimumf %max3A_914, %get3A_937 : vector<16x128xf32>
      %max3A_940 = arith.maximumf %max3A_916, %min3A_939 : vector<16x128xf32>
      %mul3A_941 = arith.constant 8 : i32
      %mul3A_942 = arith.muli %scan3A_855, %mul3A_941 : i32
      %add3A_943 = arith.constant 7 : i32
      %add3A_944 = arith.addi %mul3A_942, %add3A_943 : i32
      %get3A_945 = arith.index_cast %add3A_944 : i32 to index
      %get3A_946 = arith.constant 0 : index
      %get3A_947 = arith.constant 0 : index
      %get3A_948 = vector.load %arg4[%get3A_945, %get3A_946, %get3A_947] : memref<192x16x128xf32, #tpu.memory_space<vmem>>, vector<1x16x128xf32>
      %get3A_949 = vector.shape_cast %get3A_948 : vector<1x16x128xf32> to vector<16x128xf32>
      %max3A_950 = arith.maximumf %max3A_926, %get3A_949 : vector<16x128xf32>
      %min3A_951 = arith.minimumf %max3A_926, %get3A_949 : vector<16x128xf32>
      %max3A_952 = arith.maximumf %max3A_928, %min3A_951 : vector<16x128xf32>
      scf.yield %max3A_938, %max3A_940, %max3A_950, %max3A_952 : vector<16x128xf32>, vector<16x128xf32>, vector<16x128xf32>, vector<16x128xf32>
    }
    %scan3A_532 = arith.constant 24 : i32
    %max3A_533 = arith.maximumf %scan3A_531#0, %scan3A_531#2 : vector<16x128xf32>
    %min3A_534 = arith.minimumf %scan3A_531#0, %scan3A_531#2 : vector<16x128xf32>
    %max3A_535 = arith.maximumf %scan3A_531#1, %scan3A_531#3 : vector<16x128xf32>
    %max3A_536 = arith.maximumf %min3A_534, %max3A_535 : vector<16x128xf32>
    %sub3A_537 = arith.subf %max3A_533, %max3A_536 : vector<16x128xf32>
    %exp3A_538 = math.exp %sub3A_537 : vector<16x128xf32>
    %sub3A_539 = arith.constant 1.000000e+00 : f32
    %sub3A_540 = vector.broadcast %sub3A_539 : f32 to vector<16x128xf32>
    %sub3A_541 = arith.subf %sub3A_540, %exp3A_538 : vector<16x128xf32>
    %exp3A_542 = math.exp %sub3A_541 : vector<16x128xf32>
    %swap3A_543 = arith.constant 2 : index
    %swap3A_544 = arith.constant 32 : index
    %swap3A_545 = arith.constant 0 : index
    %swap3A_546 = vector.load %arg6[%swap3A_543, %swap3A_544, %swap3A_545] : memref<4x96x128xf32, #tpu.memory_space<vmem>>, vector<1x16x128xf32>
    %swap3A_547 = vector.shape_cast %swap3A_546 : vector<1x16x128xf32> to vector<16x128xf32>
    %swap3A_548 = vector.shape_cast %exp3A_542 : vector<16x128xf32> to vector<1x16x128xf32>
    tpu.vector_store %arg6[%swap3A_543, %swap3A_544, %swap3A_545], %swap3A_548 {strides = array<i32>} : memref<4x96x128xf32, #tpu.memory_space<vmem>>, vector<1x16x128xf32>,
    %dma_start3A_549 = arith.constant 3 : i32
    %dma_start3A_550 = arith.constant 0 : i32
    %dma_start3A_551 = arith.constant 0 : i32
    %dma_start3A_552 = arith.constant 0 : i32
    %dma_start3A_553 = tpu.memref_slice %arg0[%dma_start3A_549, %dma_start3A_550, %dma_start3A_551, %dma_start3A_552] : memref<4x192x128x128xf32, #tpu.memory_space<any>> -> memref<1x192x16x128xf32, #tpu.memory_space<any>>
    %dma_start3A_554 = tpu.memref_squeeze %dma_start3A_553 : memref<1x192x16x128xf32, #tpu.memory_space<any>> -> memref<192x16x128xf32, #tpu.memory_space<any>>
    tpu.enqueue_dma source(%dma_start3A_554 : memref<192x16x128xf32, #tpu.memory_space<any>>) target(%arg4 : memref<192x16x128xf32, #tpu.memory_space<vmem>>) target_semaphore(%arg9 : memref<!tpu.dma_semaphore, #tpu.memory_space<semaphore_mem>>)
    %dma_wait3A_555 = arith.constant 2 : i32
    %dma_wait3A_556 = arith.constant 0 : i32
    %dma_wait3A_557 = arith.constant 48 : i32
    %dma_wait3A_558 = arith.constant 0 : i32
    %dma_wait3A_559 = tpu.memref_slice %arg0[%dma_wait3A_555, %dma_wait3A_556, %dma_wait3A_557, %dma_wait3A_558] : memref<4x192x128x128xf32, #tpu.memory_space<any>> -> memref<1x192x16x128xf32, #tpu.memory_space<any>>
    %dma_wait3A_560 = tpu.memref_squeeze %dma_wait3A_559 : memref<1x192x16x128xf32, #tpu.memory_space<any>> -> memref<192x16x128xf32, #tpu.memory_space<any>>
    tpu.wait_dma2 semaphore(%arg10 : memref<!tpu.dma_semaphore, #tpu.memory_space<semaphore_mem>>) src(%dma_wait3A_560 : memref<192x16x128xf32, #tpu.memory_space<any>>) dst(%arg5 : memref<192x16x128xf32, #tpu.memory_space<vmem>>)
    %broadcast_in_dim3A_561 = arith.constant 0xFF800000 : f32
    %broadcast_in_dim3A_562 = vector.broadcast %broadcast_in_dim3A_561 : f32 to vector<16x128xf32>
    %scan3A_563 = arith.constant 0 : i32
    %scan3A_564 = arith.constant 24 : i32
    %scan3A_565 = arith.addi %scan3A_563, %scan3A_564 : i32
    %scan3A_566 = arith.constant 1 : i32
    %scan3A_567:4 = scf.for %scan3A_855 = %scan3A_563 to %scan3A_565 step %scan3A_566 iter_args(%scan3A_856 = %broadcast_in_dim3A_562, %scan3A_857 = %broadcast_in_dim3A_562, %scan3A_858 = %broadcast_in_dim3A_562, %scan3A_859 = %broadcast_in_dim3A_562) -> (vector<16x128xf32>, vector<16x128xf32>, vector<16x128xf32>, vector<16x128xf32>)  : i32 {
      %mul3A = arith.constant 8 : i32
      %mul3A_860 = arith.muli %scan3A_855, %mul3A : i32
      %add3A = arith.constant 0 : i32
      %add3A_861 = arith.addi %mul3A_860, %add3A : i32
      %get3A = arith.index_cast %add3A_861 : i32 to index
      %get3A_862 = arith.constant 0 : index
      %get3A_863 = arith.constant 0 : index
      %get3A_864 = vector.load %arg5[%get3A, %get3A_862, %get3A_863] : memref<192x16x128xf32, #tpu.memory_space<vmem>>, vector<1x16x128xf32>
      %get3A_865 = vector.shape_cast %get3A_864 : vector<1x16x128xf32> to vector<16x128xf32>
      %max3A_866 = arith.maximumf %scan3A_856, %get3A_865 : vector<16x128xf32>
      %min3A_867 = arith.minimumf %scan3A_856, %get3A_865 : vector<16x128xf32>
      %max3A_868 = arith.maximumf %scan3A_857, %min3A_867 : vector<16x128xf32>
      %mul3A_869 = arith.constant 8 : i32
      %mul3A_870 = arith.muli %scan3A_855, %mul3A_869 : i32
      %add3A_871 = arith.constant 1 : i32
      %add3A_872 = arith.addi %mul3A_870, %add3A_871 : i32
      %get3A_873 = arith.index_cast %add3A_872 : i32 to index
      %get3A_874 = arith.constant 0 : index
      %get3A_875 = arith.constant 0 : index
      %get3A_876 = vector.load %arg5[%get3A_873, %get3A_874, %get3A_875] : memref<192x16x128xf32, #tpu.memory_space<vmem>>, vector<1x16x128xf32>
      %get3A_877 = vector.shape_cast %get3A_876 : vector<1x16x128xf32> to vector<16x128xf32>
      %max3A_878 = arith.maximumf %scan3A_858, %get3A_877 : vector<16x128xf32>
      %min3A_879 = arith.minimumf %scan3A_858, %get3A_877 : vector<16x128xf32>
      %max3A_880 = arith.maximumf %scan3A_859, %min3A_879 : vector<16x128xf32>
      %mul3A_881 = arith.constant 8 : i32
      %mul3A_882 = arith.muli %scan3A_855, %mul3A_881 : i32
      %add3A_883 = arith.constant 2 : i32
      %add3A_884 = arith.addi %mul3A_882, %add3A_883 : i32
      %get3A_885 = arith.index_cast %add3A_884 : i32 to index
      %get3A_886 = arith.constant 0 : index
      %get3A_887 = arith.constant 0 : index
      %get3A_888 = vector.load %arg5[%get3A_885, %get3A_886, %get3A_887] : memref<192x16x128xf32, #tpu.memory_space<vmem>>, vector<1x16x128xf32>
      %get3A_889 = vector.shape_cast %get3A_888 : vector<1x16x128xf32> to vector<16x128xf32>
      %max3A_890 = arith.maximumf %max3A_866, %get3A_889 : vector<16x128xf32>
      %min3A_891 = arith.minimumf %max3A_866, %get3A_889 : vector<16x128xf32>
      %max3A_892 = arith.maximumf %max3A_868, %min3A_891 : vector<16x128xf32>
      %mul3A_893 = arith.constant 8 : i32
      %mul3A_894 = arith.muli %scan3A_855, %mul3A_893 : i32
      %add3A_895 = arith.constant 3 : i32
      %add3A_896 = arith.addi %mul3A_894, %add3A_895 : i32
      %get3A_897 = arith.index_cast %add3A_896 : i32 to index
      %get3A_898 = arith.constant 0 : index
      %get3A_899 = arith.constant 0 : index
      %get3A_900 = vector.load %arg5[%get3A_897, %get3A_898, %get3A_899] : memref<192x16x128xf32, #tpu.memory_space<vmem>>, vector<1x16x128xf32>
      %get3A_901 = vector.shape_cast %get3A_900 : vector<1x16x128xf32> to vector<16x128xf32>
      %max3A_902 = arith.maximumf %max3A_878, %get3A_901 : vector<16x128xf32>
      %min3A_903 = arith.minimumf %max3A_878, %get3A_901 : vector<16x128xf32>
      %max3A_904 = arith.maximumf %max3A_880, %min3A_903 : vector<16x128xf32>
      %mul3A_905 = arith.constant 8 : i32
      %mul3A_906 = arith.muli %scan3A_855, %mul3A_905 : i32
      %add3A_907 = arith.constant 4 : i32
      %add3A_908 = arith.addi %mul3A_906, %add3A_907 : i32
      %get3A_909 = arith.index_cast %add3A_908 : i32 to index
      %get3A_910 = arith.constant 0 : index
      %get3A_911 = arith.constant 0 : index
      %get3A_912 = vector.load %arg5[%get3A_909, %get3A_910, %get3A_911] : memref<192x16x128xf32, #tpu.memory_space<vmem>>, vector<1x16x128xf32>
      %get3A_913 = vector.shape_cast %get3A_912 : vector<1x16x128xf32> to vector<16x128xf32>
      %max3A_914 = arith.maximumf %max3A_890, %get3A_913 : vector<16x128xf32>
      %min3A_915 = arith.minimumf %max3A_890, %get3A_913 : vector<16x128xf32>
      %max3A_916 = arith.maximumf %max3A_892, %min3A_915 : vector<16x128xf32>
      %mul3A_917 = arith.constant 8 : i32
      %mul3A_918 = arith.muli %scan3A_855, %mul3A_917 : i32
      %add3A_919 = arith.constant 5 : i32
      %add3A_920 = arith.addi %mul3A_918, %add3A_919 : i32
      %get3A_921 = arith.index_cast %add3A_920 : i32 to index
      %get3A_922 = arith.constant 0 : index
      %get3A_923 = arith.constant 0 : index
      %get3A_924 = vector.load %arg5[%get3A_921, %get3A_922, %get3A_923] : memref<192x16x128xf32, #tpu.memory_space<vmem>>, vector<1x16x128xf32>
      %get3A_925 = vector.shape_cast %get3A_924 : vector<1x16x128xf32> to vector<16x128xf32>
      %max3A_926 = arith.maximumf %max3A_902, %get3A_925 : vector<16x128xf32>
      %min3A_927 = arith.minimumf %max3A_902, %get3A_925 : vector<16x128xf32>
      %max3A_928 = arith.maximumf %max3A_904, %min3A_927 : vector<16x128xf32>
      %mul3A_929 = arith.constant 8 : i32
      %mul3A_930 = arith.muli %scan3A_855, %mul3A_929 : i32
      %add3A_931 = arith.constant 6 : i32
      %add3A_932 = arith.addi %mul3A_930, %add3A_931 : i32
      %get3A_933 = arith.index_cast %add3A_932 : i32 to index
      %get3A_934 = arith.constant 0 : index
      %get3A_935 = arith.constant 0 : index
      %get3A_936 = vector.load %arg5[%get3A_933, %get3A_934, %get3A_935] : memref<192x16x128xf32, #tpu.memory_space<vmem>>, vector<1x16x128xf32>
      %get3A_937 = vector.shape_cast %get3A_936 : vector<1x16x128xf32> to vector<16x128xf32>
      %max3A_938 = arith.maximumf %max3A_914, %get3A_937 : vector<16x128xf32>
      %min3A_939 = arith.minimumf %max3A_914, %get3A_937 : vector<16x128xf32>
      %max3A_940 = arith.maximumf %max3A_916, %min3A_939 : vector<16x128xf32>
      %mul3A_941 = arith.constant 8 : i32
      %mul3A_942 = arith.muli %scan3A_855, %mul3A_941 : i32
      %add3A_943 = arith.constant 7 : i32
      %add3A_944 = arith.addi %mul3A_942, %add3A_943 : i32
      %get3A_945 = arith.index_cast %add3A_944 : i32 to index
      %get3A_946 = arith.constant 0 : index
      %get3A_947 = arith.constant 0 : index
      %get3A_948 = vector.load %arg5[%get3A_945, %get3A_946, %get3A_947] : memref<192x16x128xf32, #tpu.memory_space<vmem>>, vector<1x16x128xf32>
      %get3A_949 = vector.shape_cast %get3A_948 : vector<1x16x128xf32> to vector<16x128xf32>
      %max3A_950 = arith.maximumf %max3A_926, %get3A_949 : vector<16x128xf32>
      %min3A_951 = arith.minimumf %max3A_926, %get3A_949 : vector<16x128xf32>
      %max3A_952 = arith.maximumf %max3A_928, %min3A_951 : vector<16x128xf32>
      scf.yield %max3A_938, %max3A_940, %max3A_950, %max3A_952 : vector<16x128xf32>, vector<16x128xf32>, vector<16x128xf32>, vector<16x128xf32>
    }
    %scan3A_568 = arith.constant 24 : i32
    %max3A_569 = arith.maximumf %scan3A_567#0, %scan3A_567#2 : vector<16x128xf32>
    %min3A_570 = arith.minimumf %scan3A_567#0, %scan3A_567#2 : vector<16x128xf32>
    %max3A_571 = arith.maximumf %scan3A_567#1, %scan3A_567#3 : vector<16x128xf32>
    %max3A_572 = arith.maximumf %min3A_570, %max3A_571 : vector<16x128xf32>
    %sub3A_573 = arith.subf %max3A_569, %max3A_572 : vector<16x128xf32>
    %exp3A_574 = math.exp %sub3A_573 : vector<16x128xf32>
    %sub3A_575 = arith.constant 1.000000e+00 : f32
    %sub3A_576 = vector.broadcast %sub3A_575 : f32 to vector<16x128xf32>
    %sub3A_577 = arith.subf %sub3A_576, %exp3A_574 : vector<16x128xf32>
    %exp3A_578 = math.exp %sub3A_577 : vector<16x128xf32>
    %swap3A_579 = arith.constant 2 : index
    %swap3A_580 = arith.constant 48 : index
    %swap3A_581 = arith.constant 0 : index
    %swap3A_582 = vector.load %arg6[%swap3A_579, %swap3A_580, %swap3A_581] : memref<4x96x128xf32, #tpu.memory_space<vmem>>, vector<1x16x128xf32>
    %swap3A_583 = vector.shape_cast %swap3A_582 : vector<1x16x128xf32> to vector<16x128xf32>
    %swap3A_584 = vector.shape_cast %exp3A_578 : vector<16x128xf32> to vector<1x16x128xf32>
    tpu.vector_store %arg6[%swap3A_579, %swap3A_580, %swap3A_581], %swap3A_584 {strides = array<i32>} : memref<4x96x128xf32, #tpu.memory_space<vmem>>, vector<1x16x128xf32>,
    %dma_start3A_585 = arith.constant 3 : i32
    %dma_start3A_586 = arith.constant 0 : i32
    %dma_start3A_587 = arith.constant 16 : i32
    %dma_start3A_588 = arith.constant 0 : i32
    %dma_start3A_589 = tpu.memref_slice %arg0[%dma_start3A_585, %dma_start3A_586, %dma_start3A_587, %dma_start3A_588] : memref<4x192x128x128xf32, #tpu.memory_space<any>> -> memref<1x192x16x128xf32, #tpu.memory_space<any>>
    %dma_start3A_590 = tpu.memref_squeeze %dma_start3A_589 : memref<1x192x16x128xf32, #tpu.memory_space<any>> -> memref<192x16x128xf32, #tpu.memory_space<any>>
    tpu.enqueue_dma source(%dma_start3A_590 : memref<192x16x128xf32, #tpu.memory_space<any>>) target(%arg5 : memref<192x16x128xf32, #tpu.memory_space<vmem>>) target_semaphore(%arg10 : memref<!tpu.dma_semaphore, #tpu.memory_space<semaphore_mem>>)
    %dma_wait3A_591 = arith.constant 2 : i32
    %dma_wait3A_592 = arith.constant 0 : i32
    %dma_wait3A_593 = arith.constant 64 : i32
    %dma_wait3A_594 = arith.constant 0 : i32
    %dma_wait3A_595 = tpu.memref_slice %arg0[%dma_wait3A_591, %dma_wait3A_592, %dma_wait3A_593, %dma_wait3A_594] : memref<4x192x128x128xf32, #tpu.memory_space<any>> -> memref<1x192x16x128xf32, #tpu.memory_space<any>>
    %dma_wait3A_596 = tpu.memref_squeeze %dma_wait3A_595 : memref<1x192x16x128xf32, #tpu.memory_space<any>> -> memref<192x16x128xf32, #tpu.memory_space<any>>
    tpu.wait_dma2 semaphore(%arg7 : memref<!tpu.dma_semaphore, #tpu.memory_space<semaphore_mem>>) src(%dma_wait3A_596 : memref<192x16x128xf32, #tpu.memory_space<any>>) dst(%arg2 : memref<192x16x128xf32, #tpu.memory_space<vmem>>)
    %broadcast_in_dim3A_597 = arith.constant 0xFF800000 : f32
    %broadcast_in_dim3A_598 = vector.broadcast %broadcast_in_dim3A_597 : f32 to vector<16x128xf32>
    %scan3A_599 = arith.constant 0 : i32
    %scan3A_600 = arith.constant 24 : i32
    %scan3A_601 = arith.addi %scan3A_599, %scan3A_600 : i32
    %scan3A_602 = arith.constant 1 : i32
    %scan3A_603:4 = scf.for %scan3A_855 = %scan3A_599 to %scan3A_601 step %scan3A_602 iter_args(%scan3A_856 = %broadcast_in_dim3A_598, %scan3A_857 = %broadcast_in_dim3A_598, %scan3A_858 = %broadcast_in_dim3A_598, %scan3A_859 = %broadcast_in_dim3A_598) -> (vector<16x128xf32>, vector<16x128xf32>, vector<16x128xf32>, vector<16x128xf32>)  : i32 {
      %mul3A = arith.constant 8 : i32
      %mul3A_860 = arith.muli %scan3A_855, %mul3A : i32
      %add3A = arith.constant 0 : i32
      %add3A_861 = arith.addi %mul3A_860, %add3A : i32
      %get3A = arith.index_cast %add3A_861 : i32 to index
      %get3A_862 = arith.constant 0 : index
      %get3A_863 = arith.constant 0 : index
      %get3A_864 = vector.load %arg2[%get3A, %get3A_862, %get3A_863] : memref<192x16x128xf32, #tpu.memory_space<vmem>>, vector<1x16x128xf32>
      %get3A_865 = vector.shape_cast %get3A_864 : vector<1x16x128xf32> to vector<16x128xf32>
      %max3A_866 = arith.maximumf %scan3A_856, %get3A_865 : vector<16x128xf32>
      %min3A_867 = arith.minimumf %scan3A_856, %get3A_865 : vector<16x128xf32>
      %max3A_868 = arith.maximumf %scan3A_857, %min3A_867 : vector<16x128xf32>
      %mul3A_869 = arith.constant 8 : i32
      %mul3A_870 = arith.muli %scan3A_855, %mul3A_869 : i32
      %add3A_871 = arith.constant 1 : i32
      %add3A_872 = arith.addi %mul3A_870, %add3A_871 : i32
      %get3A_873 = arith.index_cast %add3A_872 : i32 to index
      %get3A_874 = arith.constant 0 : index
      %get3A_875 = arith.constant 0 : index
      %get3A_876 = vector.load %arg2[%get3A_873, %get3A_874, %get3A_875] : memref<192x16x128xf32, #tpu.memory_space<vmem>>, vector<1x16x128xf32>
      %get3A_877 = vector.shape_cast %get3A_876 : vector<1x16x128xf32> to vector<16x128xf32>
      %max3A_878 = arith.maximumf %scan3A_858, %get3A_877 : vector<16x128xf32>
      %min3A_879 = arith.minimumf %scan3A_858, %get3A_877 : vector<16x128xf32>
      %max3A_880 = arith.maximumf %scan3A_859, %min3A_879 : vector<16x128xf32>
      %mul3A_881 = arith.constant 8 : i32
      %mul3A_882 = arith.muli %scan3A_855, %mul3A_881 : i32
      %add3A_883 = arith.constant 2 : i32
      %add3A_884 = arith.addi %mul3A_882, %add3A_883 : i32
      %get3A_885 = arith.index_cast %add3A_884 : i32 to index
      %get3A_886 = arith.constant 0 : index
      %get3A_887 = arith.constant 0 : index
      %get3A_888 = vector.load %arg2[%get3A_885, %get3A_886, %get3A_887] : memref<192x16x128xf32, #tpu.memory_space<vmem>>, vector<1x16x128xf32>
      %get3A_889 = vector.shape_cast %get3A_888 : vector<1x16x128xf32> to vector<16x128xf32>
      %max3A_890 = arith.maximumf %max3A_866, %get3A_889 : vector<16x128xf32>
      %min3A_891 = arith.minimumf %max3A_866, %get3A_889 : vector<16x128xf32>
      %max3A_892 = arith.maximumf %max3A_868, %min3A_891 : vector<16x128xf32>
      %mul3A_893 = arith.constant 8 : i32
      %mul3A_894 = arith.muli %scan3A_855, %mul3A_893 : i32
      %add3A_895 = arith.constant 3 : i32
      %add3A_896 = arith.addi %mul3A_894, %add3A_895 : i32
      %get3A_897 = arith.index_cast %add3A_896 : i32 to index
      %get3A_898 = arith.constant 0 : index
      %get3A_899 = arith.constant 0 : index
      %get3A_900 = vector.load %arg2[%get3A_897, %get3A_898, %get3A_899] : memref<192x16x128xf32, #tpu.memory_space<vmem>>, vector<1x16x128xf32>
      %get3A_901 = vector.shape_cast %get3A_900 : vector<1x16x128xf32> to vector<16x128xf32>
      %max3A_902 = arith.maximumf %max3A_878, %get3A_901 : vector<16x128xf32>
      %min3A_903 = arith.minimumf %max3A_878, %get3A_901 : vector<16x128xf32>
      %max3A_904 = arith.maximumf %max3A_880, %min3A_903 : vector<16x128xf32>
      %mul3A_905 = arith.constant 8 : i32
      %mul3A_906 = arith.muli %scan3A_855, %mul3A_905 : i32
      %add3A_907 = arith.constant 4 : i32
      %add3A_908 = arith.addi %mul3A_906, %add3A_907 : i32
      %get3A_909 = arith.index_cast %add3A_908 : i32 to index
      %get3A_910 = arith.constant 0 : index
      %get3A_911 = arith.constant 0 : index
      %get3A_912 = vector.load %arg2[%get3A_909, %get3A_910, %get3A_911] : memref<192x16x128xf32, #tpu.memory_space<vmem>>, vector<1x16x128xf32>
      %get3A_913 = vector.shape_cast %get3A_912 : vector<1x16x128xf32> to vector<16x128xf32>
      %max3A_914 = arith.maximumf %max3A_890, %get3A_913 : vector<16x128xf32>
      %min3A_915 = arith.minimumf %max3A_890, %get3A_913 : vector<16x128xf32>
      %max3A_916 = arith.maximumf %max3A_892, %min3A_915 : vector<16x128xf32>
      %mul3A_917 = arith.constant 8 : i32
      %mul3A_918 = arith.muli %scan3A_855, %mul3A_917 : i32
      %add3A_919 = arith.constant 5 : i32
      %add3A_920 = arith.addi %mul3A_918, %add3A_919 : i32
      %get3A_921 = arith.index_cast %add3A_920 : i32 to index
      %get3A_922 = arith.constant 0 : index
      %get3A_923 = arith.constant 0 : index
      %get3A_924 = vector.load %arg2[%get3A_921, %get3A_922, %get3A_923] : memref<192x16x128xf32, #tpu.memory_space<vmem>>, vector<1x16x128xf32>
      %get3A_925 = vector.shape_cast %get3A_924 : vector<1x16x128xf32> to vector<16x128xf32>
      %max3A_926 = arith.maximumf %max3A_902, %get3A_925 : vector<16x128xf32>
      %min3A_927 = arith.minimumf %max3A_902, %get3A_925 : vector<16x128xf32>
      %max3A_928 = arith.maximumf %max3A_904, %min3A_927 : vector<16x128xf32>
      %mul3A_929 = arith.constant 8 : i32
      %mul3A_930 = arith.muli %scan3A_855, %mul3A_929 : i32
      %add3A_931 = arith.constant 6 : i32
      %add3A_932 = arith.addi %mul3A_930, %add3A_931 : i32
      %get3A_933 = arith.index_cast %add3A_932 : i32 to index
      %get3A_934 = arith.constant 0 : index
      %get3A_935 = arith.constant 0 : index
      %get3A_936 = vector.load %arg2[%get3A_933, %get3A_934, %get3A_935] : memref<192x16x128xf32, #tpu.memory_space<vmem>>, vector<1x16x128xf32>
      %get3A_937 = vector.shape_cast %get3A_936 : vector<1x16x128xf32> to vector<16x128xf32>
      %max3A_938 = arith.maximumf %max3A_914, %get3A_937 : vector<16x128xf32>
      %min3A_939 = arith.minimumf %max3A_914, %get3A_937 : vector<16x128xf32>
      %max3A_940 = arith.maximumf %max3A_916, %min3A_939 : vector<16x128xf32>
      %mul3A_941 = arith.constant 8 : i32
      %mul3A_942 = arith.muli %scan3A_855, %mul3A_941 : i32
      %add3A_943 = arith.constant 7 : i32
      %add3A_944 = arith.addi %mul3A_942, %add3A_943 : i32
      %get3A_945 = arith.index_cast %add3A_944 : i32 to index
      %get3A_946 = arith.constant 0 : index
      %get3A_947 = arith.constant 0 : index
      %get3A_948 = vector.load %arg2[%get3A_945, %get3A_946, %get3A_947] : memref<192x16x128xf32, #tpu.memory_space<vmem>>, vector<1x16x128xf32>
      %get3A_949 = vector.shape_cast %get3A_948 : vector<1x16x128xf32> to vector<16x128xf32>
      %max3A_950 = arith.maximumf %max3A_926, %get3A_949 : vector<16x128xf32>
      %min3A_951 = arith.minimumf %max3A_926, %get3A_949 : vector<16x128xf32>
      %max3A_952 = arith.maximumf %max3A_928, %min3A_951 : vector<16x128xf32>
      scf.yield %max3A_938, %max3A_940, %max3A_950, %max3A_952 : vector<16x128xf32>, vector<16x128xf32>, vector<16x128xf32>, vector<16x128xf32>
    }
    %scan3A_604 = arith.constant 24 : i32
    %max3A_605 = arith.maximumf %scan3A_603#0, %scan3A_603#2 : vector<16x128xf32>
    %min3A_606 = arith.minimumf %scan3A_603#0, %scan3A_603#2 : vector<16x128xf32>
    %max3A_607 = arith.maximumf %scan3A_603#1, %scan3A_603#3 : vector<16x128xf32>
    %max3A_608 = arith.maximumf %min3A_606, %max3A_607 : vector<16x128xf32>
    %sub3A_609 = arith.subf %max3A_605, %max3A_608 : vector<16x128xf32>
    %exp3A_610 = math.exp %sub3A_609 : vector<16x128xf32>
    %sub3A_611 = arith.constant 1.000000e+00 : f32
    %sub3A_612 = vector.broadcast %sub3A_611 : f32 to vector<16x128xf32>
    %sub3A_613 = arith.subf %sub3A_612, %exp3A_610 : vector<16x128xf32>
    %exp3A_614 = math.exp %sub3A_613 : vector<16x128xf32>
    %swap3A_615 = arith.constant 2 : index
    %swap3A_616 = arith.constant 64 : index
    %swap3A_617 = arith.constant 0 : index
    %swap3A_618 = vector.load %arg6[%swap3A_615, %swap3A_616, %swap3A_617] : memref<4x96x128xf32, #tpu.memory_space<vmem>>, vector<1x16x128xf32>
    %swap3A_619 = vector.shape_cast %swap3A_618 : vector<1x16x128xf32> to vector<16x128xf32>
    %swap3A_620 = vector.shape_cast %exp3A_614 : vector<16x128xf32> to vector<1x16x128xf32>
    tpu.vector_store %arg6[%swap3A_615, %swap3A_616, %swap3A_617], %swap3A_620 {strides = array<i32>} : memref<4x96x128xf32, #tpu.memory_space<vmem>>, vector<1x16x128xf32>,
    %dma_start3A_621 = arith.constant 3 : i32
    %dma_start3A_622 = arith.constant 0 : i32
    %dma_start3A_623 = arith.constant 32 : i32
    %dma_start3A_624 = arith.constant 0 : i32
    %dma_start3A_625 = tpu.memref_slice %arg0[%dma_start3A_621, %dma_start3A_622, %dma_start3A_623, %dma_start3A_624] : memref<4x192x128x128xf32, #tpu.memory_space<any>> -> memref<1x192x16x128xf32, #tpu.memory_space<any>>
    %dma_start3A_626 = tpu.memref_squeeze %dma_start3A_625 : memref<1x192x16x128xf32, #tpu.memory_space<any>> -> memref<192x16x128xf32, #tpu.memory_space<any>>
    tpu.enqueue_dma source(%dma_start3A_626 : memref<192x16x128xf32, #tpu.memory_space<any>>) target(%arg2 : memref<192x16x128xf32, #tpu.memory_space<vmem>>) target_semaphore(%arg7 : memref<!tpu.dma_semaphore, #tpu.memory_space<semaphore_mem>>)
    %dma_wait3A_627 = arith.constant 2 : i32
    %dma_wait3A_628 = arith.constant 0 : i32
    %dma_wait3A_629 = arith.constant 80 : i32
    %dma_wait3A_630 = arith.constant 0 : i32
    %dma_wait3A_631 = tpu.memref_slice %arg0[%dma_wait3A_627, %dma_wait3A_628, %dma_wait3A_629, %dma_wait3A_630] : memref<4x192x128x128xf32, #tpu.memory_space<any>> -> memref<1x192x16x128xf32, #tpu.memory_space<any>>
    %dma_wait3A_632 = tpu.memref_squeeze %dma_wait3A_631 : memref<1x192x16x128xf32, #tpu.memory_space<any>> -> memref<192x16x128xf32, #tpu.memory_space<any>>
    tpu.wait_dma2 semaphore(%arg8 : memref<!tpu.dma_semaphore, #tpu.memory_space<semaphore_mem>>) src(%dma_wait3A_632 : memref<192x16x128xf32, #tpu.memory_space<any>>) dst(%arg3 : memref<192x16x128xf32, #tpu.memory_space<vmem>>)
    %broadcast_in_dim3A_633 = arith.constant 0xFF800000 : f32
    %broadcast_in_dim3A_634 = vector.broadcast %broadcast_in_dim3A_633 : f32 to vector<16x128xf32>
    %scan3A_635 = arith.constant 0 : i32
    %scan3A_636 = arith.constant 24 : i32
    %scan3A_637 = arith.addi %scan3A_635, %scan3A_636 : i32
    %scan3A_638 = arith.constant 1 : i32
    %scan3A_639:4 = scf.for %scan3A_855 = %scan3A_635 to %scan3A_637 step %scan3A_638 iter_args(%scan3A_856 = %broadcast_in_dim3A_634, %scan3A_857 = %broadcast_in_dim3A_634, %scan3A_858 = %broadcast_in_dim3A_634, %scan3A_859 = %broadcast_in_dim3A_634) -> (vector<16x128xf32>, vector<16x128xf32>, vector<16x128xf32>, vector<16x128xf32>)  : i32 {
      %mul3A = arith.constant 8 : i32
      %mul3A_860 = arith.muli %scan3A_855, %mul3A : i32
      %add3A = arith.constant 0 : i32
      %add3A_861 = arith.addi %mul3A_860, %add3A : i32
      %get3A = arith.index_cast %add3A_861 : i32 to index
      %get3A_862 = arith.constant 0 : index
      %get3A_863 = arith.constant 0 : index
      %get3A_864 = vector.load %arg3[%get3A, %get3A_862, %get3A_863] : memref<192x16x128xf32, #tpu.memory_space<vmem>>, vector<1x16x128xf32>
      %get3A_865 = vector.shape_cast %get3A_864 : vector<1x16x128xf32> to vector<16x128xf32>
      %max3A_866 = arith.maximumf %scan3A_856, %get3A_865 : vector<16x128xf32>
      %min3A_867 = arith.minimumf %scan3A_856, %get3A_865 : vector<16x128xf32>
      %max3A_868 = arith.maximumf %scan3A_857, %min3A_867 : vector<16x128xf32>
      %mul3A_869 = arith.constant 8 : i32
      %mul3A_870 = arith.muli %scan3A_855, %mul3A_869 : i32
      %add3A_871 = arith.constant 1 : i32
      %add3A_872 = arith.addi %mul3A_870, %add3A_871 : i32
      %get3A_873 = arith.index_cast %add3A_872 : i32 to index
      %get3A_874 = arith.constant 0 : index
      %get3A_875 = arith.constant 0 : index
      %get3A_876 = vector.load %arg3[%get3A_873, %get3A_874, %get3A_875] : memref<192x16x128xf32, #tpu.memory_space<vmem>>, vector<1x16x128xf32>
      %get3A_877 = vector.shape_cast %get3A_876 : vector<1x16x128xf32> to vector<16x128xf32>
      %max3A_878 = arith.maximumf %scan3A_858, %get3A_877 : vector<16x128xf32>
      %min3A_879 = arith.minimumf %scan3A_858, %get3A_877 : vector<16x128xf32>
      %max3A_880 = arith.maximumf %scan3A_859, %min3A_879 : vector<16x128xf32>
      %mul3A_881 = arith.constant 8 : i32
      %mul3A_882 = arith.muli %scan3A_855, %mul3A_881 : i32
      %add3A_883 = arith.constant 2 : i32
      %add3A_884 = arith.addi %mul3A_882, %add3A_883 : i32
      %get3A_885 = arith.index_cast %add3A_884 : i32 to index
      %get3A_886 = arith.constant 0 : index
      %get3A_887 = arith.constant 0 : index
      %get3A_888 = vector.load %arg3[%get3A_885, %get3A_886, %get3A_887] : memref<192x16x128xf32, #tpu.memory_space<vmem>>, vector<1x16x128xf32>
      %get3A_889 = vector.shape_cast %get3A_888 : vector<1x16x128xf32> to vector<16x128xf32>
      %max3A_890 = arith.maximumf %max3A_866, %get3A_889 : vector<16x128xf32>
      %min3A_891 = arith.minimumf %max3A_866, %get3A_889 : vector<16x128xf32>
      %max3A_892 = arith.maximumf %max3A_868, %min3A_891 : vector<16x128xf32>
      %mul3A_893 = arith.constant 8 : i32
      %mul3A_894 = arith.muli %scan3A_855, %mul3A_893 : i32
      %add3A_895 = arith.constant 3 : i32
      %add3A_896 = arith.addi %mul3A_894, %add3A_895 : i32
      %get3A_897 = arith.index_cast %add3A_896 : i32 to index
      %get3A_898 = arith.constant 0 : index
      %get3A_899 = arith.constant 0 : index
      %get3A_900 = vector.load %arg3[%get3A_897, %get3A_898, %get3A_899] : memref<192x16x128xf32, #tpu.memory_space<vmem>>, vector<1x16x128xf32>
      %get3A_901 = vector.shape_cast %get3A_900 : vector<1x16x128xf32> to vector<16x128xf32>
      %max3A_902 = arith.maximumf %max3A_878, %get3A_901 : vector<16x128xf32>
      %min3A_903 = arith.minimumf %max3A_878, %get3A_901 : vector<16x128xf32>
      %max3A_904 = arith.maximumf %max3A_880, %min3A_903 : vector<16x128xf32>
      %mul3A_905 = arith.constant 8 : i32
      %mul3A_906 = arith.muli %scan3A_855, %mul3A_905 : i32
      %add3A_907 = arith.constant 4 : i32
      %add3A_908 = arith.addi %mul3A_906, %add3A_907 : i32
      %get3A_909 = arith.index_cast %add3A_908 : i32 to index
      %get3A_910 = arith.constant 0 : index
      %get3A_911 = arith.constant 0 : index
      %get3A_912 = vector.load %arg3[%get3A_909, %get3A_910, %get3A_911] : memref<192x16x128xf32, #tpu.memory_space<vmem>>, vector<1x16x128xf32>
      %get3A_913 = vector.shape_cast %get3A_912 : vector<1x16x128xf32> to vector<16x128xf32>
      %max3A_914 = arith.maximumf %max3A_890, %get3A_913 : vector<16x128xf32>
      %min3A_915 = arith.minimumf %max3A_890, %get3A_913 : vector<16x128xf32>
      %max3A_916 = arith.maximumf %max3A_892, %min3A_915 : vector<16x128xf32>
      %mul3A_917 = arith.constant 8 : i32
      %mul3A_918 = arith.muli %scan3A_855, %mul3A_917 : i32
      %add3A_919 = arith.constant 5 : i32
      %add3A_920 = arith.addi %mul3A_918, %add3A_919 : i32
      %get3A_921 = arith.index_cast %add3A_920 : i32 to index
      %get3A_922 = arith.constant 0 : index
      %get3A_923 = arith.constant 0 : index
      %get3A_924 = vector.load %arg3[%get3A_921, %get3A_922, %get3A_923] : memref<192x16x128xf32, #tpu.memory_space<vmem>>, vector<1x16x128xf32>
      %get3A_925 = vector.shape_cast %get3A_924 : vector<1x16x128xf32> to vector<16x128xf32>
      %max3A_926 = arith.maximumf %max3A_902, %get3A_925 : vector<16x128xf32>
      %min3A_927 = arith.minimumf %max3A_902, %get3A_925 : vector<16x128xf32>
      %max3A_928 = arith.maximumf %max3A_904, %min3A_927 : vector<16x128xf32>
      %mul3A_929 = arith.constant 8 : i32
      %mul3A_930 = arith.muli %scan3A_855, %mul3A_929 : i32
      %add3A_931 = arith.constant 6 : i32
      %add3A_932 = arith.addi %mul3A_930, %add3A_931 : i32
      %get3A_933 = arith.index_cast %add3A_932 : i32 to index
      %get3A_934 = arith.constant 0 : index
      %get3A_935 = arith.constant 0 : index
      %get3A_936 = vector.load %arg3[%get3A_933, %get3A_934, %get3A_935] : memref<192x16x128xf32, #tpu.memory_space<vmem>>, vector<1x16x128xf32>
      %get3A_937 = vector.shape_cast %get3A_936 : vector<1x16x128xf32> to vector<16x128xf32>
      %max3A_938 = arith.maximumf %max3A_914, %get3A_937 : vector<16x128xf32>
      %min3A_939 = arith.minimumf %max3A_914, %get3A_937 : vector<16x128xf32>
      %max3A_940 = arith.maximumf %max3A_916, %min3A_939 : vector<16x128xf32>
      %mul3A_941 = arith.constant 8 : i32
      %mul3A_942 = arith.muli %scan3A_855, %mul3A_941 : i32
      %add3A_943 = arith.constant 7 : i32
      %add3A_944 = arith.addi %mul3A_942, %add3A_943 : i32
      %get3A_945 = arith.index_cast %add3A_944 : i32 to index
      %get3A_946 = arith.constant 0 : index
      %get3A_947 = arith.constant 0 : index
      %get3A_948 = vector.load %arg3[%get3A_945, %get3A_946, %get3A_947] : memref<192x16x128xf32, #tpu.memory_space<vmem>>, vector<1x16x128xf32>
      %get3A_949 = vector.shape_cast %get3A_948 : vector<1x16x128xf32> to vector<16x128xf32>
      %max3A_950 = arith.maximumf %max3A_926, %get3A_949 : vector<16x128xf32>
      %min3A_951 = arith.minimumf %max3A_926, %get3A_949 : vector<16x128xf32>
      %max3A_952 = arith.maximumf %max3A_928, %min3A_951 : vector<16x128xf32>
      scf.yield %max3A_938, %max3A_940, %max3A_950, %max3A_952 : vector<16x128xf32>, vector<16x128xf32>, vector<16x128xf32>, vector<16x128xf32>
    }
    %scan3A_640 = arith.constant 24 : i32
    %max3A_641 = arith.maximumf %scan3A_639#0, %scan3A_639#2 : vector<16x128xf32>
    %min3A_642 = arith.minimumf %scan3A_639#0, %scan3A_639#2 : vector<16x128xf32>
    %max3A_643 = arith.maximumf %scan3A_639#1, %scan3A_639#3 : vector<16x128xf32>
    %max3A_644 = arith.maximumf %min3A_642, %max3A_643 : vector<16x128xf32>
    %sub3A_645 = arith.subf %max3A_641, %max3A_644 : vector<16x128xf32>
    %exp3A_646 = math.exp %sub3A_645 : vector<16x128xf32>
    %sub3A_647 = arith.constant 1.000000e+00 : f32
    %sub3A_648 = vector.broadcast %sub3A_647 : f32 to vector<16x128xf32>
    %sub3A_649 = arith.subf %sub3A_648, %exp3A_646 : vector<16x128xf32>
    %exp3A_650 = math.exp %sub3A_649 : vector<16x128xf32>
    %swap3A_651 = arith.constant 2 : index
    %swap3A_652 = arith.constant 80 : index
    %swap3A_653 = arith.constant 0 : index
    %swap3A_654 = vector.load %arg6[%swap3A_651, %swap3A_652, %swap3A_653] : memref<4x96x128xf32, #tpu.memory_space<vmem>>, vector<1x16x128xf32>
    %swap3A_655 = vector.shape_cast %swap3A_654 : vector<1x16x128xf32> to vector<16x128xf32>
    %swap3A_656 = vector.shape_cast %exp3A_650 : vector<16x128xf32> to vector<1x16x128xf32>
    tpu.vector_store %arg6[%swap3A_651, %swap3A_652, %swap3A_653], %swap3A_656 {strides = array<i32>} : memref<4x96x128xf32, #tpu.memory_space<vmem>>, vector<1x16x128xf32>,
    %dma_start3A_657 = arith.constant 3 : i32
    %dma_start3A_658 = arith.constant 0 : i32
    %dma_start3A_659 = arith.constant 48 : i32
    %dma_start3A_660 = arith.constant 0 : i32
    %dma_start3A_661 = tpu.memref_slice %arg0[%dma_start3A_657, %dma_start3A_658, %dma_start3A_659, %dma_start3A_660] : memref<4x192x128x128xf32, #tpu.memory_space<any>> -> memref<1x192x16x128xf32, #tpu.memory_space<any>>
    %dma_start3A_662 = tpu.memref_squeeze %dma_start3A_661 : memref<1x192x16x128xf32, #tpu.memory_space<any>> -> memref<192x16x128xf32, #tpu.memory_space<any>>
    tpu.enqueue_dma source(%dma_start3A_662 : memref<192x16x128xf32, #tpu.memory_space<any>>) target(%arg3 : memref<192x16x128xf32, #tpu.memory_space<vmem>>) target_semaphore(%arg8 : memref<!tpu.dma_semaphore, #tpu.memory_space<semaphore_mem>>)
    %dma_wait3A_663 = arith.constant 3 : i32
    %dma_wait3A_664 = arith.constant 0 : i32
    %dma_wait3A_665 = arith.constant 0 : i32
    %dma_wait3A_666 = arith.constant 0 : i32
    %dma_wait3A_667 = tpu.memref_slice %arg0[%dma_wait3A_663, %dma_wait3A_664, %dma_wait3A_665, %dma_wait3A_666] : memref<4x192x128x128xf32, #tpu.memory_space<any>> -> memref<1x192x16x128xf32, #tpu.memory_space<any>>
    %dma_wait3A_668 = tpu.memref_squeeze %dma_wait3A_667 : memref<1x192x16x128xf32, #tpu.memory_space<any>> -> memref<192x16x128xf32, #tpu.memory_space<any>>
    tpu.wait_dma2 semaphore(%arg9 : memref<!tpu.dma_semaphore, #tpu.memory_space<semaphore_mem>>) src(%dma_wait3A_668 : memref<192x16x128xf32, #tpu.memory_space<any>>) dst(%arg4 : memref<192x16x128xf32, #tpu.memory_space<vmem>>)
    %broadcast_in_dim3A_669 = arith.constant 0xFF800000 : f32
    %broadcast_in_dim3A_670 = vector.broadcast %broadcast_in_dim3A_669 : f32 to vector<16x128xf32>
    %scan3A_671 = arith.constant 0 : i32
    %scan3A_672 = arith.constant 24 : i32
    %scan3A_673 = arith.addi %scan3A_671, %scan3A_672 : i32
    %scan3A_674 = arith.constant 1 : i32
    %scan3A_675:4 = scf.for %scan3A_855 = %scan3A_671 to %scan3A_673 step %scan3A_674 iter_args(%scan3A_856 = %broadcast_in_dim3A_670, %scan3A_857 = %broadcast_in_dim3A_670, %scan3A_858 = %broadcast_in_dim3A_670, %scan3A_859 = %broadcast_in_dim3A_670) -> (vector<16x128xf32>, vector<16x128xf32>, vector<16x128xf32>, vector<16x128xf32>)  : i32 {
      %mul3A = arith.constant 8 : i32
      %mul3A_860 = arith.muli %scan3A_855, %mul3A : i32
      %add3A = arith.constant 0 : i32
      %add3A_861 = arith.addi %mul3A_860, %add3A : i32
      %get3A = arith.index_cast %add3A_861 : i32 to index
      %get3A_862 = arith.constant 0 : index
      %get3A_863 = arith.constant 0 : index
      %get3A_864 = vector.load %arg4[%get3A, %get3A_862, %get3A_863] : memref<192x16x128xf32, #tpu.memory_space<vmem>>, vector<1x16x128xf32>
      %get3A_865 = vector.shape_cast %get3A_864 : vector<1x16x128xf32> to vector<16x128xf32>
      %max3A_866 = arith.maximumf %scan3A_856, %get3A_865 : vector<16x128xf32>
      %min3A_867 = arith.minimumf %scan3A_856, %get3A_865 : vector<16x128xf32>
      %max3A_868 = arith.maximumf %scan3A_857, %min3A_867 : vector<16x128xf32>
      %mul3A_869 = arith.constant 8 : i32
      %mul3A_870 = arith.muli %scan3A_855, %mul3A_869 : i32
      %add3A_871 = arith.constant 1 : i32
      %add3A_872 = arith.addi %mul3A_870, %add3A_871 : i32
      %get3A_873 = arith.index_cast %add3A_872 : i32 to index
      %get3A_874 = arith.constant 0 : index
      %get3A_875 = arith.constant 0 : index
      %get3A_876 = vector.load %arg4[%get3A_873, %get3A_874, %get3A_875] : memref<192x16x128xf32, #tpu.memory_space<vmem>>, vector<1x16x128xf32>
      %get3A_877 = vector.shape_cast %get3A_876 : vector<1x16x128xf32> to vector<16x128xf32>
      %max3A_878 = arith.maximumf %scan3A_858, %get3A_877 : vector<16x128xf32>
      %min3A_879 = arith.minimumf %scan3A_858, %get3A_877 : vector<16x128xf32>
      %max3A_880 = arith.maximumf %scan3A_859, %min3A_879 : vector<16x128xf32>
      %mul3A_881 = arith.constant 8 : i32
      %mul3A_882 = arith.muli %scan3A_855, %mul3A_881 : i32
      %add3A_883 = arith.constant 2 : i32
      %add3A_884 = arith.addi %mul3A_882, %add3A_883 : i32
      %get3A_885 = arith.index_cast %add3A_884 : i32 to index
      %get3A_886 = arith.constant 0 : index
      %get3A_887 = arith.constant 0 : index
      %get3A_888 = vector.load %arg4[%get3A_885, %get3A_886, %get3A_887] : memref<192x16x128xf32, #tpu.memory_space<vmem>>, vector<1x16x128xf32>
      %get3A_889 = vector.shape_cast %get3A_888 : vector<1x16x128xf32> to vector<16x128xf32>
      %max3A_890 = arith.maximumf %max3A_866, %get3A_889 : vector<16x128xf32>
      %min3A_891 = arith.minimumf %max3A_866, %get3A_889 : vector<16x128xf32>
      %max3A_892 = arith.maximumf %max3A_868, %min3A_891 : vector<16x128xf32>
      %mul3A_893 = arith.constant 8 : i32
      %mul3A_894 = arith.muli %scan3A_855, %mul3A_893 : i32
      %add3A_895 = arith.constant 3 : i32
      %add3A_896 = arith.addi %mul3A_894, %add3A_895 : i32
      %get3A_897 = arith.index_cast %add3A_896 : i32 to index
      %get3A_898 = arith.constant 0 : index
      %get3A_899 = arith.constant 0 : index
      %get3A_900 = vector.load %arg4[%get3A_897, %get3A_898, %get3A_899] : memref<192x16x128xf32, #tpu.memory_space<vmem>>, vector<1x16x128xf32>
      %get3A_901 = vector.shape_cast %get3A_900 : vector<1x16x128xf32> to vector<16x128xf32>
      %max3A_902 = arith.maximumf %max3A_878, %get3A_901 : vector<16x128xf32>
      %min3A_903 = arith.minimumf %max3A_878, %get3A_901 : vector<16x128xf32>
      %max3A_904 = arith.maximumf %max3A_880, %min3A_903 : vector<16x128xf32>
      %mul3A_905 = arith.constant 8 : i32
      %mul3A_906 = arith.muli %scan3A_855, %mul3A_905 : i32
      %add3A_907 = arith.constant 4 : i32
      %add3A_908 = arith.addi %mul3A_906, %add3A_907 : i32
      %get3A_909 = arith.index_cast %add3A_908 : i32 to index
      %get3A_910 = arith.constant 0 : index
      %get3A_911 = arith.constant 0 : index
      %get3A_912 = vector.load %arg4[%get3A_909, %get3A_910, %get3A_911] : memref<192x16x128xf32, #tpu.memory_space<vmem>>, vector<1x16x128xf32>
      %get3A_913 = vector.shape_cast %get3A_912 : vector<1x16x128xf32> to vector<16x128xf32>
      %max3A_914 = arith.maximumf %max3A_890, %get3A_913 : vector<16x128xf32>
      %min3A_915 = arith.minimumf %max3A_890, %get3A_913 : vector<16x128xf32>
      %max3A_916 = arith.maximumf %max3A_892, %min3A_915 : vector<16x128xf32>
      %mul3A_917 = arith.constant 8 : i32
      %mul3A_918 = arith.muli %scan3A_855, %mul3A_917 : i32
      %add3A_919 = arith.constant 5 : i32
      %add3A_920 = arith.addi %mul3A_918, %add3A_919 : i32
      %get3A_921 = arith.index_cast %add3A_920 : i32 to index
      %get3A_922 = arith.constant 0 : index
      %get3A_923 = arith.constant 0 : index
      %get3A_924 = vector.load %arg4[%get3A_921, %get3A_922, %get3A_923] : memref<192x16x128xf32, #tpu.memory_space<vmem>>, vector<1x16x128xf32>
      %get3A_925 = vector.shape_cast %get3A_924 : vector<1x16x128xf32> to vector<16x128xf32>
      %max3A_926 = arith.maximumf %max3A_902, %get3A_925 : vector<16x128xf32>
      %min3A_927 = arith.minimumf %max3A_902, %get3A_925 : vector<16x128xf32>
      %max3A_928 = arith.maximumf %max3A_904, %min3A_927 : vector<16x128xf32>
      %mul3A_929 = arith.constant 8 : i32
      %mul3A_930 = arith.muli %scan3A_855, %mul3A_929 : i32
      %add3A_931 = arith.constant 6 : i32
      %add3A_932 = arith.addi %mul3A_930, %add3A_931 : i32
      %get3A_933 = arith.index_cast %add3A_932 : i32 to index
      %get3A_934 = arith.constant 0 : index
      %get3A_935 = arith.constant 0 : index
      %get3A_936 = vector.load %arg4[%get3A_933, %get3A_934, %get3A_935] : memref<192x16x128xf32, #tpu.memory_space<vmem>>, vector<1x16x128xf32>
      %get3A_937 = vector.shape_cast %get3A_936 : vector<1x16x128xf32> to vector<16x128xf32>
      %max3A_938 = arith.maximumf %max3A_914, %get3A_937 : vector<16x128xf32>
      %min3A_939 = arith.minimumf %max3A_914, %get3A_937 : vector<16x128xf32>
      %max3A_940 = arith.maximumf %max3A_916, %min3A_939 : vector<16x128xf32>
      %mul3A_941 = arith.constant 8 : i32
      %mul3A_942 = arith.muli %scan3A_855, %mul3A_941 : i32
      %add3A_943 = arith.constant 7 : i32
      %add3A_944 = arith.addi %mul3A_942, %add3A_943 : i32
      %get3A_945 = arith.index_cast %add3A_944 : i32 to index
      %get3A_946 = arith.constant 0 : index
      %get3A_947 = arith.constant 0 : index
      %get3A_948 = vector.load %arg4[%get3A_945, %get3A_946, %get3A_947] : memref<192x16x128xf32, #tpu.memory_space<vmem>>, vector<1x16x128xf32>
      %get3A_949 = vector.shape_cast %get3A_948 : vector<1x16x128xf32> to vector<16x128xf32>
      %max3A_950 = arith.maximumf %max3A_926, %get3A_949 : vector<16x128xf32>
      %min3A_951 = arith.minimumf %max3A_926, %get3A_949 : vector<16x128xf32>
      %max3A_952 = arith.maximumf %max3A_928, %min3A_951 : vector<16x128xf32>
      scf.yield %max3A_938, %max3A_940, %max3A_950, %max3A_952 : vector<16x128xf32>, vector<16x128xf32>, vector<16x128xf32>, vector<16x128xf32>
    }
    %scan3A_676 = arith.constant 24 : i32
    %max3A_677 = arith.maximumf %scan3A_675#0, %scan3A_675#2 : vector<16x128xf32>
    %min3A_678 = arith.minimumf %scan3A_675#0, %scan3A_675#2 : vector<16x128xf32>
    %max3A_679 = arith.maximumf %scan3A_675#1, %scan3A_675#3 : vector<16x128xf32>
    %max3A_680 = arith.maximumf %min3A_678, %max3A_679 : vector<16x128xf32>
    %sub3A_681 = arith.subf %max3A_677, %max3A_680 : vector<16x128xf32>
    %exp3A_682 = math.exp %sub3A_681 : vector<16x128xf32>
    %sub3A_683 = arith.constant 1.000000e+00 : f32
    %sub3A_684 = vector.broadcast %sub3A_683 : f32 to vector<16x128xf32>
    %sub3A_685 = arith.subf %sub3A_684, %exp3A_682 : vector<16x128xf32>
    %exp3A_686 = math.exp %sub3A_685 : vector<16x128xf32>
    %swap3A_687 = arith.constant 3 : index
    %swap3A_688 = arith.constant 0 : index
    %swap3A_689 = arith.constant 0 : index
    %swap3A_690 = vector.load %arg6[%swap3A_687, %swap3A_688, %swap3A_689] : memref<4x96x128xf32, #tpu.memory_space<vmem>>, vector<1x16x128xf32>
    %swap3A_691 = vector.shape_cast %swap3A_690 : vector<1x16x128xf32> to vector<16x128xf32>
    %swap3A_692 = vector.shape_cast %exp3A_686 : vector<16x128xf32> to vector<1x16x128xf32>
    tpu.vector_store %arg6[%swap3A_687, %swap3A_688, %swap3A_689], %swap3A_692 {strides = array<i32>} : memref<4x96x128xf32, #tpu.memory_space<vmem>>, vector<1x16x128xf32>,
    %dma_start3A_693 = arith.constant 3 : i32
    %dma_start3A_694 = arith.constant 0 : i32
    %dma_start3A_695 = arith.constant 64 : i32
    %dma_start3A_696 = arith.constant 0 : i32
    %dma_start3A_697 = tpu.memref_slice %arg0[%dma_start3A_693, %dma_start3A_694, %dma_start3A_695, %dma_start3A_696] : memref<4x192x128x128xf32, #tpu.memory_space<any>> -> memref<1x192x16x128xf32, #tpu.memory_space<any>>
    %dma_start3A_698 = tpu.memref_squeeze %dma_start3A_697 : memref<1x192x16x128xf32, #tpu.memory_space<any>> -> memref<192x16x128xf32, #tpu.memory_space<any>>
    tpu.enqueue_dma source(%dma_start3A_698 : memref<192x16x128xf32, #tpu.memory_space<any>>) target(%arg4 : memref<192x16x128xf32, #tpu.memory_space<vmem>>) target_semaphore(%arg9 : memref<!tpu.dma_semaphore, #tpu.memory_space<semaphore_mem>>)
    %dma_wait3A_699 = arith.constant 3 : i32
    %dma_wait3A_700 = arith.constant 0 : i32
    %dma_wait3A_701 = arith.constant 16 : i32
    %dma_wait3A_702 = arith.constant 0 : i32
    %dma_wait3A_703 = tpu.memref_slice %arg0[%dma_wait3A_699, %dma_wait3A_700, %dma_wait3A_701, %dma_wait3A_702] : memref<4x192x128x128xf32, #tpu.memory_space<any>> -> memref<1x192x16x128xf32, #tpu.memory_space<any>>
    %dma_wait3A_704 = tpu.memref_squeeze %dma_wait3A_703 : memref<1x192x16x128xf32, #tpu.memory_space<any>> -> memref<192x16x128xf32, #tpu.memory_space<any>>
    tpu.wait_dma2 semaphore(%arg10 : memref<!tpu.dma_semaphore, #tpu.memory_space<semaphore_mem>>) src(%dma_wait3A_704 : memref<192x16x128xf32, #tpu.memory_space<any>>) dst(%arg5 : memref<192x16x128xf32, #tpu.memory_space<vmem>>)
    %broadcast_in_dim3A_705 = arith.constant 0xFF800000 : f32
    %broadcast_in_dim3A_706 = vector.broadcast %broadcast_in_dim3A_705 : f32 to vector<16x128xf32>
    %scan3A_707 = arith.constant 0 : i32
    %scan3A_708 = arith.constant 24 : i32
    %scan3A_709 = arith.addi %scan3A_707, %scan3A_708 : i32
    %scan3A_710 = arith.constant 1 : i32
    %scan3A_711:4 = scf.for %scan3A_855 = %scan3A_707 to %scan3A_709 step %scan3A_710 iter_args(%scan3A_856 = %broadcast_in_dim3A_706, %scan3A_857 = %broadcast_in_dim3A_706, %scan3A_858 = %broadcast_in_dim3A_706, %scan3A_859 = %broadcast_in_dim3A_706) -> (vector<16x128xf32>, vector<16x128xf32>, vector<16x128xf32>, vector<16x128xf32>)  : i32 {
      %mul3A = arith.constant 8 : i32
      %mul3A_860 = arith.muli %scan3A_855, %mul3A : i32
      %add3A = arith.constant 0 : i32
      %add3A_861 = arith.addi %mul3A_860, %add3A : i32
      %get3A = arith.index_cast %add3A_861 : i32 to index
      %get3A_862 = arith.constant 0 : index
      %get3A_863 = arith.constant 0 : index
      %get3A_864 = vector.load %arg5[%get3A, %get3A_862, %get3A_863] : memref<192x16x128xf32, #tpu.memory_space<vmem>>, vector<1x16x128xf32>
      %get3A_865 = vector.shape_cast %get3A_864 : vector<1x16x128xf32> to vector<16x128xf32>
      %max3A_866 = arith.maximumf %scan3A_856, %get3A_865 : vector<16x128xf32>
      %min3A_867 = arith.minimumf %scan3A_856, %get3A_865 : vector<16x128xf32>
      %max3A_868 = arith.maximumf %scan3A_857, %min3A_867 : vector<16x128xf32>
      %mul3A_869 = arith.constant 8 : i32
      %mul3A_870 = arith.muli %scan3A_855, %mul3A_869 : i32
      %add3A_871 = arith.constant 1 : i32
      %add3A_872 = arith.addi %mul3A_870, %add3A_871 : i32
      %get3A_873 = arith.index_cast %add3A_872 : i32 to index
      %get3A_874 = arith.constant 0 : index
      %get3A_875 = arith.constant 0 : index
      %get3A_876 = vector.load %arg5[%get3A_873, %get3A_874, %get3A_875] : memref<192x16x128xf32, #tpu.memory_space<vmem>>, vector<1x16x128xf32>
      %get3A_877 = vector.shape_cast %get3A_876 : vector<1x16x128xf32> to vector<16x128xf32>
      %max3A_878 = arith.maximumf %scan3A_858, %get3A_877 : vector<16x128xf32>
      %min3A_879 = arith.minimumf %scan3A_858, %get3A_877 : vector<16x128xf32>
      %max3A_880 = arith.maximumf %scan3A_859, %min3A_879 : vector<16x128xf32>
      %mul3A_881 = arith.constant 8 : i32
      %mul3A_882 = arith.muli %scan3A_855, %mul3A_881 : i32
      %add3A_883 = arith.constant 2 : i32
      %add3A_884 = arith.addi %mul3A_882, %add3A_883 : i32
      %get3A_885 = arith.index_cast %add3A_884 : i32 to index
      %get3A_886 = arith.constant 0 : index
      %get3A_887 = arith.constant 0 : index
      %get3A_888 = vector.load %arg5[%get3A_885, %get3A_886, %get3A_887] : memref<192x16x128xf32, #tpu.memory_space<vmem>>, vector<1x16x128xf32>
      %get3A_889 = vector.shape_cast %get3A_888 : vector<1x16x128xf32> to vector<16x128xf32>
      %max3A_890 = arith.maximumf %max3A_866, %get3A_889 : vector<16x128xf32>
      %min3A_891 = arith.minimumf %max3A_866, %get3A_889 : vector<16x128xf32>
      %max3A_892 = arith.maximumf %max3A_868, %min3A_891 : vector<16x128xf32>
      %mul3A_893 = arith.constant 8 : i32
      %mul3A_894 = arith.muli %scan3A_855, %mul3A_893 : i32
      %add3A_895 = arith.constant 3 : i32
      %add3A_896 = arith.addi %mul3A_894, %add3A_895 : i32
      %get3A_897 = arith.index_cast %add3A_896 : i32 to index
      %get3A_898 = arith.constant 0 : index
      %get3A_899 = arith.constant 0 : index
      %get3A_900 = vector.load %arg5[%get3A_897, %get3A_898, %get3A_899] : memref<192x16x128xf32, #tpu.memory_space<vmem>>, vector<1x16x128xf32>
      %get3A_901 = vector.shape_cast %get3A_900 : vector<1x16x128xf32> to vector<16x128xf32>
      %max3A_902 = arith.maximumf %max3A_878, %get3A_901 : vector<16x128xf32>
      %min3A_903 = arith.minimumf %max3A_878, %get3A_901 : vector<16x128xf32>
      %max3A_904 = arith.maximumf %max3A_880, %min3A_903 : vector<16x128xf32>
      %mul3A_905 = arith.constant 8 : i32
      %mul3A_906 = arith.muli %scan3A_855, %mul3A_905 : i32
      %add3A_907 = arith.constant 4 : i32
      %add3A_908 = arith.addi %mul3A_906, %add3A_907 : i32
      %get3A_909 = arith.index_cast %add3A_908 : i32 to index
      %get3A_910 = arith.constant 0 : index
      %get3A_911 = arith.constant 0 : index
      %get3A_912 = vector.load %arg5[%get3A_909, %get3A_910, %get3A_911] : memref<192x16x128xf32, #tpu.memory_space<vmem>>, vector<1x16x128xf32>
      %get3A_913 = vector.shape_cast %get3A_912 : vector<1x16x128xf32> to vector<16x128xf32>
      %max3A_914 = arith.maximumf %max3A_890, %get3A_913 : vector<16x128xf32>
      %min3A_915 = arith.minimumf %max3A_890, %get3A_913 : vector<16x128xf32>
      %max3A_916 = arith.maximumf %max3A_892, %min3A_915 : vector<16x128xf32>
      %mul3A_917 = arith.constant 8 : i32
      %mul3A_918 = arith.muli %scan3A_855, %mul3A_917 : i32
      %add3A_919 = arith.constant 5 : i32
      %add3A_920 = arith.addi %mul3A_918, %add3A_919 : i32
      %get3A_921 = arith.index_cast %add3A_920 : i32 to index
      %get3A_922 = arith.constant 0 : index
      %get3A_923 = arith.constant 0 : index
      %get3A_924 = vector.load %arg5[%get3A_921, %get3A_922, %get3A_923] : memref<192x16x128xf32, #tpu.memory_space<vmem>>, vector<1x16x128xf32>
      %get3A_925 = vector.shape_cast %get3A_924 : vector<1x16x128xf32> to vector<16x128xf32>
      %max3A_926 = arith.maximumf %max3A_902, %get3A_925 : vector<16x128xf32>
      %min3A_927 = arith.minimumf %max3A_902, %get3A_925 : vector<16x128xf32>
      %max3A_928 = arith.maximumf %max3A_904, %min3A_927 : vector<16x128xf32>
      %mul3A_929 = arith.constant 8 : i32
      %mul3A_930 = arith.muli %scan3A_855, %mul3A_929 : i32
      %add3A_931 = arith.constant 6 : i32
      %add3A_932 = arith.addi %mul3A_930, %add3A_931 : i32
      %get3A_933 = arith.index_cast %add3A_932 : i32 to index
      %get3A_934 = arith.constant 0 : index
      %get3A_935 = arith.constant 0 : index
      %get3A_936 = vector.load %arg5[%get3A_933, %get3A_934, %get3A_935] : memref<192x16x128xf32, #tpu.memory_space<vmem>>, vector<1x16x128xf32>
      %get3A_937 = vector.shape_cast %get3A_936 : vector<1x16x128xf32> to vector<16x128xf32>
      %max3A_938 = arith.maximumf %max3A_914, %get3A_937 : vector<16x128xf32>
      %min3A_939 = arith.minimumf %max3A_914, %get3A_937 : vector<16x128xf32>
      %max3A_940 = arith.maximumf %max3A_916, %min3A_939 : vector<16x128xf32>
      %mul3A_941 = arith.constant 8 : i32
      %mul3A_942 = arith.muli %scan3A_855, %mul3A_941 : i32
      %add3A_943 = arith.constant 7 : i32
      %add3A_944 = arith.addi %mul3A_942, %add3A_943 : i32
      %get3A_945 = arith.index_cast %add3A_944 : i32 to index
      %get3A_946 = arith.constant 0 : index
      %get3A_947 = arith.constant 0 : index
      %get3A_948 = vector.load %arg5[%get3A_945, %get3A_946, %get3A_947] : memref<192x16x128xf32, #tpu.memory_space<vmem>>, vector<1x16x128xf32>
      %get3A_949 = vector.shape_cast %get3A_948 : vector<1x16x128xf32> to vector<16x128xf32>
      %max3A_950 = arith.maximumf %max3A_926, %get3A_949 : vector<16x128xf32>
      %min3A_951 = arith.minimumf %max3A_926, %get3A_949 : vector<16x128xf32>
      %max3A_952 = arith.maximumf %max3A_928, %min3A_951 : vector<16x128xf32>
      scf.yield %max3A_938, %max3A_940, %max3A_950, %max3A_952 : vector<16x128xf32>, vector<16x128xf32>, vector<16x128xf32>, vector<16x128xf32>
    }
    %scan3A_712 = arith.constant 24 : i32
    %max3A_713 = arith.maximumf %scan3A_711#0, %scan3A_711#2 : vector<16x128xf32>
    %min3A_714 = arith.minimumf %scan3A_711#0, %scan3A_711#2 : vector<16x128xf32>
    %max3A_715 = arith.maximumf %scan3A_711#1, %scan3A_711#3 : vector<16x128xf32>
    %max3A_716 = arith.maximumf %min3A_714, %max3A_715 : vector<16x128xf32>
    %sub3A_717 = arith.subf %max3A_713, %max3A_716 : vector<16x128xf32>
    %exp3A_718 = math.exp %sub3A_717 : vector<16x128xf32>
    %sub3A_719 = arith.constant 1.000000e+00 : f32
    %sub3A_720 = vector.broadcast %sub3A_719 : f32 to vector<16x128xf32>
    %sub3A_721 = arith.subf %sub3A_720, %exp3A_718 : vector<16x128xf32>
    %exp3A_722 = math.exp %sub3A_721 : vector<16x128xf32>
    %swap3A_723 = arith.constant 3 : index
    %swap3A_724 = arith.constant 16 : index
    %swap3A_725 = arith.constant 0 : index
    %swap3A_726 = vector.load %arg6[%swap3A_723, %swap3A_724, %swap3A_725] : memref<4x96x128xf32, #tpu.memory_space<vmem>>, vector<1x16x128xf32>
    %swap3A_727 = vector.shape_cast %swap3A_726 : vector<1x16x128xf32> to vector<16x128xf32>
    %swap3A_728 = vector.shape_cast %exp3A_722 : vector<16x128xf32> to vector<1x16x128xf32>
    tpu.vector_store %arg6[%swap3A_723, %swap3A_724, %swap3A_725], %swap3A_728 {strides = array<i32>} : memref<4x96x128xf32, #tpu.memory_space<vmem>>, vector<1x16x128xf32>,
    %dma_start3A_729 = arith.constant 3 : i32
    %dma_start3A_730 = arith.constant 0 : i32
    %dma_start3A_731 = arith.constant 80 : i32
    %dma_start3A_732 = arith.constant 0 : i32
    %dma_start3A_733 = tpu.memref_slice %arg0[%dma_start3A_729, %dma_start3A_730, %dma_start3A_731, %dma_start3A_732] : memref<4x192x128x128xf32, #tpu.memory_space<any>> -> memref<1x192x16x128xf32, #tpu.memory_space<any>>
    %dma_start3A_734 = tpu.memref_squeeze %dma_start3A_733 : memref<1x192x16x128xf32, #tpu.memory_space<any>> -> memref<192x16x128xf32, #tpu.memory_space<any>>
    tpu.enqueue_dma source(%dma_start3A_734 : memref<192x16x128xf32, #tpu.memory_space<any>>) target(%arg5 : memref<192x16x128xf32, #tpu.memory_space<vmem>>) target_semaphore(%arg10 : memref<!tpu.dma_semaphore, #tpu.memory_space<semaphore_mem>>)
    %dma_wait3A_735 = arith.constant 3 : i32
    %dma_wait3A_736 = arith.constant 0 : i32
    %dma_wait3A_737 = arith.constant 32 : i32
    %dma_wait3A_738 = arith.constant 0 : i32
    %dma_wait3A_739 = tpu.memref_slice %arg0[%dma_wait3A_735, %dma_wait3A_736, %dma_wait3A_737, %dma_wait3A_738] : memref<4x192x128x128xf32, #tpu.memory_space<any>> -> memref<1x192x16x128xf32, #tpu.memory_space<any>>
    %dma_wait3A_740 = tpu.memref_squeeze %dma_wait3A_739 : memref<1x192x16x128xf32, #tpu.memory_space<any>> -> memref<192x16x128xf32, #tpu.memory_space<any>>
    tpu.wait_dma2 semaphore(%arg7 : memref<!tpu.dma_semaphore, #tpu.memory_space<semaphore_mem>>) src(%dma_wait3A_740 : memref<192x16x128xf32, #tpu.memory_space<any>>) dst(%arg2 : memref<192x16x128xf32, #tpu.memory_space<vmem>>)
    %broadcast_in_dim3A_741 = arith.constant 0xFF800000 : f32
    %broadcast_in_dim3A_742 = vector.broadcast %broadcast_in_dim3A_741 : f32 to vector<16x128xf32>
    %scan3A_743 = arith.constant 0 : i32
    %scan3A_744 = arith.constant 24 : i32
    %scan3A_745 = arith.addi %scan3A_743, %scan3A_744 : i32
    %scan3A_746 = arith.constant 1 : i32
    %scan3A_747:4 = scf.for %scan3A_855 = %scan3A_743 to %scan3A_745 step %scan3A_746 iter_args(%scan3A_856 = %broadcast_in_dim3A_742, %scan3A_857 = %broadcast_in_dim3A_742, %scan3A_858 = %broadcast_in_dim3A_742, %scan3A_859 = %broadcast_in_dim3A_742) -> (vector<16x128xf32>, vector<16x128xf32>, vector<16x128xf32>, vector<16x128xf32>)  : i32 {
      %mul3A = arith.constant 8 : i32
      %mul3A_860 = arith.muli %scan3A_855, %mul3A : i32
      %add3A = arith.constant 0 : i32
      %add3A_861 = arith.addi %mul3A_860, %add3A : i32
      %get3A = arith.index_cast %add3A_861 : i32 to index
      %get3A_862 = arith.constant 0 : index
      %get3A_863 = arith.constant 0 : index
      %get3A_864 = vector.load %arg2[%get3A, %get3A_862, %get3A_863] : memref<192x16x128xf32, #tpu.memory_space<vmem>>, vector<1x16x128xf32>
      %get3A_865 = vector.shape_cast %get3A_864 : vector<1x16x128xf32> to vector<16x128xf32>
      %max3A_866 = arith.maximumf %scan3A_856, %get3A_865 : vector<16x128xf32>
      %min3A_867 = arith.minimumf %scan3A_856, %get3A_865 : vector<16x128xf32>
      %max3A_868 = arith.maximumf %scan3A_857, %min3A_867 : vector<16x128xf32>
      %mul3A_869 = arith.constant 8 : i32
      %mul3A_870 = arith.muli %scan3A_855, %mul3A_869 : i32
      %add3A_871 = arith.constant 1 : i32
      %add3A_872 = arith.addi %mul3A_870, %add3A_871 : i32
      %get3A_873 = arith.index_cast %add3A_872 : i32 to index
      %get3A_874 = arith.constant 0 : index
      %get3A_875 = arith.constant 0 : index
      %get3A_876 = vector.load %arg2[%get3A_873, %get3A_874, %get3A_875] : memref<192x16x128xf32, #tpu.memory_space<vmem>>, vector<1x16x128xf32>
      %get3A_877 = vector.shape_cast %get3A_876 : vector<1x16x128xf32> to vector<16x128xf32>
      %max3A_878 = arith.maximumf %scan3A_858, %get3A_877 : vector<16x128xf32>
      %min3A_879 = arith.minimumf %scan3A_858, %get3A_877 : vector<16x128xf32>
      %max3A_880 = arith.maximumf %scan3A_859, %min3A_879 : vector<16x128xf32>
      %mul3A_881 = arith.constant 8 : i32
      %mul3A_882 = arith.muli %scan3A_855, %mul3A_881 : i32
      %add3A_883 = arith.constant 2 : i32
      %add3A_884 = arith.addi %mul3A_882, %add3A_883 : i32
      %get3A_885 = arith.index_cast %add3A_884 : i32 to index
      %get3A_886 = arith.constant 0 : index
      %get3A_887 = arith.constant 0 : index
      %get3A_888 = vector.load %arg2[%get3A_885, %get3A_886, %get3A_887] : memref<192x16x128xf32, #tpu.memory_space<vmem>>, vector<1x16x128xf32>
      %get3A_889 = vector.shape_cast %get3A_888 : vector<1x16x128xf32> to vector<16x128xf32>
      %max3A_890 = arith.maximumf %max3A_866, %get3A_889 : vector<16x128xf32>
      %min3A_891 = arith.minimumf %max3A_866, %get3A_889 : vector<16x128xf32>
      %max3A_892 = arith.maximumf %max3A_868, %min3A_891 : vector<16x128xf32>
      %mul3A_893 = arith.constant 8 : i32
      %mul3A_894 = arith.muli %scan3A_855, %mul3A_893 : i32
      %add3A_895 = arith.constant 3 : i32
      %add3A_896 = arith.addi %mul3A_894, %add3A_895 : i32
      %get3A_897 = arith.index_cast %add3A_896 : i32 to index
      %get3A_898 = arith.constant 0 : index
      %get3A_899 = arith.constant 0 : index
      %get3A_900 = vector.load %arg2[%get3A_897, %get3A_898, %get3A_899] : memref<192x16x128xf32, #tpu.memory_space<vmem>>, vector<1x16x128xf32>
      %get3A_901 = vector.shape_cast %get3A_900 : vector<1x16x128xf32> to vector<16x128xf32>
      %max3A_902 = arith.maximumf %max3A_878, %get3A_901 : vector<16x128xf32>
      %min3A_903 = arith.minimumf %max3A_878, %get3A_901 : vector<16x128xf32>
      %max3A_904 = arith.maximumf %max3A_880, %min3A_903 : vector<16x128xf32>
      %mul3A_905 = arith.constant 8 : i32
      %mul3A_906 = arith.muli %scan3A_855, %mul3A_905 : i32
      %add3A_907 = arith.constant 4 : i32
      %add3A_908 = arith.addi %mul3A_906, %add3A_907 : i32
      %get3A_909 = arith.index_cast %add3A_908 : i32 to index
      %get3A_910 = arith.constant 0 : index
      %get3A_911 = arith.constant 0 : index
      %get3A_912 = vector.load %arg2[%get3A_909, %get3A_910, %get3A_911] : memref<192x16x128xf32, #tpu.memory_space<vmem>>, vector<1x16x128xf32>
      %get3A_913 = vector.shape_cast %get3A_912 : vector<1x16x128xf32> to vector<16x128xf32>
      %max3A_914 = arith.maximumf %max3A_890, %get3A_913 : vector<16x128xf32>
      %min3A_915 = arith.minimumf %max3A_890, %get3A_913 : vector<16x128xf32>
      %max3A_916 = arith.maximumf %max3A_892, %min3A_915 : vector<16x128xf32>
      %mul3A_917 = arith.constant 8 : i32
      %mul3A_918 = arith.muli %scan3A_855, %mul3A_917 : i32
      %add3A_919 = arith.constant 5 : i32
      %add3A_920 = arith.addi %mul3A_918, %add3A_919 : i32
      %get3A_921 = arith.index_cast %add3A_920 : i32 to index
      %get3A_922 = arith.constant 0 : index
      %get3A_923 = arith.constant 0 : index
      %get3A_924 = vector.load %arg2[%get3A_921, %get3A_922, %get3A_923] : memref<192x16x128xf32, #tpu.memory_space<vmem>>, vector<1x16x128xf32>
      %get3A_925 = vector.shape_cast %get3A_924 : vector<1x16x128xf32> to vector<16x128xf32>
      %max3A_926 = arith.maximumf %max3A_902, %get3A_925 : vector<16x128xf32>
      %min3A_927 = arith.minimumf %max3A_902, %get3A_925 : vector<16x128xf32>
      %max3A_928 = arith.maximumf %max3A_904, %min3A_927 : vector<16x128xf32>
      %mul3A_929 = arith.constant 8 : i32
      %mul3A_930 = arith.muli %scan3A_855, %mul3A_929 : i32
      %add3A_931 = arith.constant 6 : i32
      %add3A_932 = arith.addi %mul3A_930, %add3A_931 : i32
      %get3A_933 = arith.index_cast %add3A_932 : i32 to index
      %get3A_934 = arith.constant 0 : index
      %get3A_935 = arith.constant 0 : index
      %get3A_936 = vector.load %arg2[%get3A_933, %get3A_934, %get3A_935] : memref<192x16x128xf32, #tpu.memory_space<vmem>>, vector<1x16x128xf32>
      %get3A_937 = vector.shape_cast %get3A_936 : vector<1x16x128xf32> to vector<16x128xf32>
      %max3A_938 = arith.maximumf %max3A_914, %get3A_937 : vector<16x128xf32>
      %min3A_939 = arith.minimumf %max3A_914, %get3A_937 : vector<16x128xf32>
      %max3A_940 = arith.maximumf %max3A_916, %min3A_939 : vector<16x128xf32>
      %mul3A_941 = arith.constant 8 : i32
      %mul3A_942 = arith.muli %scan3A_855, %mul3A_941 : i32
      %add3A_943 = arith.constant 7 : i32
      %add3A_944 = arith.addi %mul3A_942, %add3A_943 : i32
      %get3A_945 = arith.index_cast %add3A_944 : i32 to index
      %get3A_946 = arith.constant 0 : index
      %get3A_947 = arith.constant 0 : index
      %get3A_948 = vector.load %arg2[%get3A_945, %get3A_946, %get3A_947] : memref<192x16x128xf32, #tpu.memory_space<vmem>>, vector<1x16x128xf32>
      %get3A_949 = vector.shape_cast %get3A_948 : vector<1x16x128xf32> to vector<16x128xf32>
      %max3A_950 = arith.maximumf %max3A_926, %get3A_949 : vector<16x128xf32>
      %min3A_951 = arith.minimumf %max3A_926, %get3A_949 : vector<16x128xf32>
      %max3A_952 = arith.maximumf %max3A_928, %min3A_951 : vector<16x128xf32>
      scf.yield %max3A_938, %max3A_940, %max3A_950, %max3A_952 : vector<16x128xf32>, vector<16x128xf32>, vector<16x128xf32>, vector<16x128xf32>
    }
    %scan3A_748 = arith.constant 24 : i32
    %max3A_749 = arith.maximumf %scan3A_747#0, %scan3A_747#2 : vector<16x128xf32>
    %min3A_750 = arith.minimumf %scan3A_747#0, %scan3A_747#2 : vector<16x128xf32>
    %max3A_751 = arith.maximumf %scan3A_747#1, %scan3A_747#3 : vector<16x128xf32>
    %max3A_752 = arith.maximumf %min3A_750, %max3A_751 : vector<16x128xf32>
    %sub3A_753 = arith.subf %max3A_749, %max3A_752 : vector<16x128xf32>
    %exp3A_754 = math.exp %sub3A_753 : vector<16x128xf32>
    %sub3A_755 = arith.constant 1.000000e+00 : f32
    %sub3A_756 = vector.broadcast %sub3A_755 : f32 to vector<16x128xf32>
    %sub3A_757 = arith.subf %sub3A_756, %exp3A_754 : vector<16x128xf32>
    %exp3A_758 = math.exp %sub3A_757 : vector<16x128xf32>
    %swap3A_759 = arith.constant 3 : index
    %swap3A_760 = arith.constant 32 : index
    %swap3A_761 = arith.constant 0 : index
    %swap3A_762 = vector.load %arg6[%swap3A_759, %swap3A_760, %swap3A_761] : memref<4x96x128xf32, #tpu.memory_space<vmem>>, vector<1x16x128xf32>
    %swap3A_763 = vector.shape_cast %swap3A_762 : vector<1x16x128xf32> to vector<16x128xf32>
    %swap3A_764 = vector.shape_cast %exp3A_758 : vector<16x128xf32> to vector<1x16x128xf32>
    tpu.vector_store %arg6[%swap3A_759, %swap3A_760, %swap3A_761], %swap3A_764 {strides = array<i32>} : memref<4x96x128xf32, #tpu.memory_space<vmem>>, vector<1x16x128xf32>,
    %dma_wait3A_765 = arith.constant 3 : i32
    %dma_wait3A_766 = arith.constant 0 : i32
    %dma_wait3A_767 = arith.constant 48 : i32
    %dma_wait3A_768 = arith.constant 0 : i32
    %dma_wait3A_769 = tpu.memref_slice %arg0[%dma_wait3A_765, %dma_wait3A_766, %dma_wait3A_767, %dma_wait3A_768] : memref<4x192x128x128xf32, #tpu.memory_space<any>> -> memref<1x192x16x128xf32, #tpu.memory_space<any>>
    %dma_wait3A_770 = tpu.memref_squeeze %dma_wait3A_769 : memref<1x192x16x128xf32, #tpu.memory_space<any>> -> memref<192x16x128xf32, #tpu.memory_space<any>>
    tpu.wait_dma2 semaphore(%arg8 : memref<!tpu.dma_semaphore, #tpu.memory_space<semaphore_mem>>) src(%dma_wait3A_770 : memref<192x16x128xf32, #tpu.memory_space<any>>) dst(%arg3 : memref<192x16x128xf32, #tpu.memory_space<vmem>>)
    %broadcast_in_dim3A_771 = arith.constant 0xFF800000 : f32
    %broadcast_in_dim3A_772 = vector.broadcast %broadcast_in_dim3A_771 : f32 to vector<16x128xf32>
    %scan3A_773 = arith.constant 0 : i32
    %scan3A_774 = arith.constant 24 : i32
    %scan3A_775 = arith.addi %scan3A_773, %scan3A_774 : i32
    %scan3A_776 = arith.constant 1 : i32
    %scan3A_777:4 = scf.for %scan3A_855 = %scan3A_773 to %scan3A_775 step %scan3A_776 iter_args(%scan3A_856 = %broadcast_in_dim3A_772, %scan3A_857 = %broadcast_in_dim3A_772, %scan3A_858 = %broadcast_in_dim3A_772, %scan3A_859 = %broadcast_in_dim3A_772) -> (vector<16x128xf32>, vector<16x128xf32>, vector<16x128xf32>, vector<16x128xf32>)  : i32 {
      %mul3A = arith.constant 8 : i32
      %mul3A_860 = arith.muli %scan3A_855, %mul3A : i32
      %add3A = arith.constant 0 : i32
      %add3A_861 = arith.addi %mul3A_860, %add3A : i32
      %get3A = arith.index_cast %add3A_861 : i32 to index
      %get3A_862 = arith.constant 0 : index
      %get3A_863 = arith.constant 0 : index
      %get3A_864 = vector.load %arg3[%get3A, %get3A_862, %get3A_863] : memref<192x16x128xf32, #tpu.memory_space<vmem>>, vector<1x16x128xf32>
      %get3A_865 = vector.shape_cast %get3A_864 : vector<1x16x128xf32> to vector<16x128xf32>
      %max3A_866 = arith.maximumf %scan3A_856, %get3A_865 : vector<16x128xf32>
      %min3A_867 = arith.minimumf %scan3A_856, %get3A_865 : vector<16x128xf32>
      %max3A_868 = arith.maximumf %scan3A_857, %min3A_867 : vector<16x128xf32>
      %mul3A_869 = arith.constant 8 : i32
      %mul3A_870 = arith.muli %scan3A_855, %mul3A_869 : i32
      %add3A_871 = arith.constant 1 : i32
      %add3A_872 = arith.addi %mul3A_870, %add3A_871 : i32
      %get3A_873 = arith.index_cast %add3A_872 : i32 to index
      %get3A_874 = arith.constant 0 : index
      %get3A_875 = arith.constant 0 : index
      %get3A_876 = vector.load %arg3[%get3A_873, %get3A_874, %get3A_875] : memref<192x16x128xf32, #tpu.memory_space<vmem>>, vector<1x16x128xf32>
      %get3A_877 = vector.shape_cast %get3A_876 : vector<1x16x128xf32> to vector<16x128xf32>
      %max3A_878 = arith.maximumf %scan3A_858, %get3A_877 : vector<16x128xf32>
      %min3A_879 = arith.minimumf %scan3A_858, %get3A_877 : vector<16x128xf32>
      %max3A_880 = arith.maximumf %scan3A_859, %min3A_879 : vector<16x128xf32>
      %mul3A_881 = arith.constant 8 : i32
      %mul3A_882 = arith.muli %scan3A_855, %mul3A_881 : i32
      %add3A_883 = arith.constant 2 : i32
      %add3A_884 = arith.addi %mul3A_882, %add3A_883 : i32
      %get3A_885 = arith.index_cast %add3A_884 : i32 to index
      %get3A_886 = arith.constant 0 : index
      %get3A_887 = arith.constant 0 : index
      %get3A_888 = vector.load %arg3[%get3A_885, %get3A_886, %get3A_887] : memref<192x16x128xf32, #tpu.memory_space<vmem>>, vector<1x16x128xf32>
      %get3A_889 = vector.shape_cast %get3A_888 : vector<1x16x128xf32> to vector<16x128xf32>
      %max3A_890 = arith.maximumf %max3A_866, %get3A_889 : vector<16x128xf32>
      %min3A_891 = arith.minimumf %max3A_866, %get3A_889 : vector<16x128xf32>
      %max3A_892 = arith.maximumf %max3A_868, %min3A_891 : vector<16x128xf32>
      %mul3A_893 = arith.constant 8 : i32
      %mul3A_894 = arith.muli %scan3A_855, %mul3A_893 : i32
      %add3A_895 = arith.constant 3 : i32
      %add3A_896 = arith.addi %mul3A_894, %add3A_895 : i32
      %get3A_897 = arith.index_cast %add3A_896 : i32 to index
      %get3A_898 = arith.constant 0 : index
      %get3A_899 = arith.constant 0 : index
      %get3A_900 = vector.load %arg3[%get3A_897, %get3A_898, %get3A_899] : memref<192x16x128xf32, #tpu.memory_space<vmem>>, vector<1x16x128xf32>
      %get3A_901 = vector.shape_cast %get3A_900 : vector<1x16x128xf32> to vector<16x128xf32>
      %max3A_902 = arith.maximumf %max3A_878, %get3A_901 : vector<16x128xf32>
      %min3A_903 = arith.minimumf %max3A_878, %get3A_901 : vector<16x128xf32>
      %max3A_904 = arith.maximumf %max3A_880, %min3A_903 : vector<16x128xf32>
      %mul3A_905 = arith.constant 8 : i32
      %mul3A_906 = arith.muli %scan3A_855, %mul3A_905 : i32
      %add3A_907 = arith.constant 4 : i32
      %add3A_908 = arith.addi %mul3A_906, %add3A_907 : i32
      %get3A_909 = arith.index_cast %add3A_908 : i32 to index
      %get3A_910 = arith.constant 0 : index
      %get3A_911 = arith.constant 0 : index
      %get3A_912 = vector.load %arg3[%get3A_909, %get3A_910, %get3A_911] : memref<192x16x128xf32, #tpu.memory_space<vmem>>, vector<1x16x128xf32>
      %get3A_913 = vector.shape_cast %get3A_912 : vector<1x16x128xf32> to vector<16x128xf32>
      %max3A_914 = arith.maximumf %max3A_890, %get3A_913 : vector<16x128xf32>
      %min3A_915 = arith.minimumf %max3A_890, %get3A_913 : vector<16x128xf32>
      %max3A_916 = arith.maximumf %max3A_892, %min3A_915 : vector<16x128xf32>
      %mul3A_917 = arith.constant 8 : i32
      %mul3A_918 = arith.muli %scan3A_855, %mul3A_917 : i32
      %add3A_919 = arith.constant 5 : i32
      %add3A_920 = arith.addi %mul3A_918, %add3A_919 : i32
      %get3A_921 = arith.index_cast %add3A_920 : i32 to index
      %get3A_922 = arith.constant 0 : index
      %get3A_923 = arith.constant 0 : index
      %get3A_924 = vector.load %arg3[%get3A_921, %get3A_922, %get3A_923] : memref<192x16x128xf32, #tpu.memory_space<vmem>>, vector<1x16x128xf32>
      %get3A_925 = vector.shape_cast %get3A_924 : vector<1x16x128xf32> to vector<16x128xf32>
      %max3A_926 = arith.maximumf %max3A_902, %get3A_925 : vector<16x128xf32>
      %min3A_927 = arith.minimumf %max3A_902, %get3A_925 : vector<16x128xf32>
      %max3A_928 = arith.maximumf %max3A_904, %min3A_927 : vector<16x128xf32>
      %mul3A_929 = arith.constant 8 : i32
      %mul3A_930 = arith.muli %scan3A_855, %mul3A_929 : i32
      %add3A_931 = arith.constant 6 : i32
      %add3A_932 = arith.addi %mul3A_930, %add3A_931 : i32
      %get3A_933 = arith.index_cast %add3A_932 : i32 to index
      %get3A_934 = arith.constant 0 : index
      %get3A_935 = arith.constant 0 : index
      %get3A_936 = vector.load %arg3[%get3A_933, %get3A_934, %get3A_935] : memref<192x16x128xf32, #tpu.memory_space<vmem>>, vector<1x16x128xf32>
      %get3A_937 = vector.shape_cast %get3A_936 : vector<1x16x128xf32> to vector<16x128xf32>
      %max3A_938 = arith.maximumf %max3A_914, %get3A_937 : vector<16x128xf32>
      %min3A_939 = arith.minimumf %max3A_914, %get3A_937 : vector<16x128xf32>
      %max3A_940 = arith.maximumf %max3A_916, %min3A_939 : vector<16x128xf32>
      %mul3A_941 = arith.constant 8 : i32
      %mul3A_942 = arith.muli %scan3A_855, %mul3A_941 : i32
      %add3A_943 = arith.constant 7 : i32
      %add3A_944 = arith.addi %mul3A_942, %add3A_943 : i32
      %get3A_945 = arith.index_cast %add3A_944 : i32 to index
      %get3A_946 = arith.constant 0 : index
      %get3A_947 = arith.constant 0 : index
      %get3A_948 = vector.load %arg3[%get3A_945, %get3A_946, %get3A_947] : memref<192x16x128xf32, #tpu.memory_space<vmem>>, vector<1x16x128xf32>
      %get3A_949 = vector.shape_cast %get3A_948 : vector<1x16x128xf32> to vector<16x128xf32>
      %max3A_950 = arith.maximumf %max3A_926, %get3A_949 : vector<16x128xf32>
      %min3A_951 = arith.minimumf %max3A_926, %get3A_949 : vector<16x128xf32>
      %max3A_952 = arith.maximumf %max3A_928, %min3A_951 : vector<16x128xf32>
      scf.yield %max3A_938, %max3A_940, %max3A_950, %max3A_952 : vector<16x128xf32>, vector<16x128xf32>, vector<16x128xf32>, vector<16x128xf32>
    }
    %scan3A_778 = arith.constant 24 : i32
    %max3A_779 = arith.maximumf %scan3A_777#0, %scan3A_777#2 : vector<16x128xf32>
    %min3A_780 = arith.minimumf %scan3A_777#0, %scan3A_777#2 : vector<16x128xf32>
    %max3A_781 = arith.maximumf %scan3A_777#1, %scan3A_777#3 : vector<16x128xf32>
    %max3A_782 = arith.maximumf %min3A_780, %max3A_781 : vector<16x128xf32>
    %sub3A_783 = arith.subf %max3A_779, %max3A_782 : vector<16x128xf32>
    %exp3A_784 = math.exp %sub3A_783 : vector<16x128xf32>
    %sub3A_785 = arith.constant 1.000000e+00 : f32
    %sub3A_786 = vector.broadcast %sub3A_785 : f32 to vector<16x128xf32>
    %sub3A_787 = arith.subf %sub3A_786, %exp3A_784 : vector<16x128xf32>
    %exp3A_788 = math.exp %sub3A_787 : vector<16x128xf32>
    %swap3A_789 = arith.constant 3 : index
    %swap3A_790 = arith.constant 48 : index
    %swap3A_791 = arith.constant 0 : index
    %swap3A_792 = vector.load %arg6[%swap3A_789, %swap3A_790, %swap3A_791] : memref<4x96x128xf32, #tpu.memory_space<vmem>>, vector<1x16x128xf32>
    %swap3A_793 = vector.shape_cast %swap3A_792 : vector<1x16x128xf32> to vector<16x128xf32>
    %swap3A_794 = vector.shape_cast %exp3A_788 : vector<16x128xf32> to vector<1x16x128xf32>
    tpu.vector_store %arg6[%swap3A_789, %swap3A_790, %swap3A_791], %swap3A_794 {strides = array<i32>} : memref<4x96x128xf32, #tpu.memory_space<vmem>>, vector<1x16x128xf32>,
    %dma_wait3A_795 = arith.constant 3 : i32
    %dma_wait3A_796 = arith.constant 0 : i32
    %dma_wait3A_797 = arith.constant 64 : i32
    %dma_wait3A_798 = arith.constant 0 : i32
    %dma_wait3A_799 = tpu.memref_slice %arg0[%dma_wait3A_795, %dma_wait3A_796, %dma_wait3A_797, %dma_wait3A_798] : memref<4x192x128x128xf32, #tpu.memory_space<any>> -> memref<1x192x16x128xf32, #tpu.memory_space<any>>
    %dma_wait3A_800 = tpu.memref_squeeze %dma_wait3A_799 : memref<1x192x16x128xf32, #tpu.memory_space<any>> -> memref<192x16x128xf32, #tpu.memory_space<any>>
    tpu.wait_dma2 semaphore(%arg9 : memref<!tpu.dma_semaphore, #tpu.memory_space<semaphore_mem>>) src(%dma_wait3A_800 : memref<192x16x128xf32, #tpu.memory_space<any>>) dst(%arg4 : memref<192x16x128xf32, #tpu.memory_space<vmem>>)
    %broadcast_in_dim3A_801 = arith.constant 0xFF800000 : f32
    %broadcast_in_dim3A_802 = vector.broadcast %broadcast_in_dim3A_801 : f32 to vector<16x128xf32>
    %scan3A_803 = arith.constant 0 : i32
    %scan3A_804 = arith.constant 24 : i32
    %scan3A_805 = arith.addi %scan3A_803, %scan3A_804 : i32
    %scan3A_806 = arith.constant 1 : i32
    %scan3A_807:4 = scf.for %scan3A_855 = %scan3A_803 to %scan3A_805 step %scan3A_806 iter_args(%scan3A_856 = %broadcast_in_dim3A_802, %scan3A_857 = %broadcast_in_dim3A_802, %scan3A_858 = %broadcast_in_dim3A_802, %scan3A_859 = %broadcast_in_dim3A_802) -> (vector<16x128xf32>, vector<16x128xf32>, vector<16x128xf32>, vector<16x128xf32>)  : i32 {
      %mul3A = arith.constant 8 : i32
      %mul3A_860 = arith.muli %scan3A_855, %mul3A : i32
      %add3A = arith.constant 0 : i32
      %add3A_861 = arith.addi %mul3A_860, %add3A : i32
      %get3A = arith.index_cast %add3A_861 : i32 to index
      %get3A_862 = arith.constant 0 : index
      %get3A_863 = arith.constant 0 : index
      %get3A_864 = vector.load %arg4[%get3A, %get3A_862, %get3A_863] : memref<192x16x128xf32, #tpu.memory_space<vmem>>, vector<1x16x128xf32>
      %get3A_865 = vector.shape_cast %get3A_864 : vector<1x16x128xf32> to vector<16x128xf32>
      %max3A_866 = arith.maximumf %scan3A_856, %get3A_865 : vector<16x128xf32>
      %min3A_867 = arith.minimumf %scan3A_856, %get3A_865 : vector<16x128xf32>
      %max3A_868 = arith.maximumf %scan3A_857, %min3A_867 : vector<16x128xf32>
      %mul3A_869 = arith.constant 8 : i32
      %mul3A_870 = arith.muli %scan3A_855, %mul3A_869 : i32
      %add3A_871 = arith.constant 1 : i32
      %add3A_872 = arith.addi %mul3A_870, %add3A_871 : i32
      %get3A_873 = arith.index_cast %add3A_872 : i32 to index
      %get3A_874 = arith.constant 0 : index
      %get3A_875 = arith.constant 0 : index
      %get3A_876 = vector.load %arg4[%get3A_873, %get3A_874, %get3A_875] : memref<192x16x128xf32, #tpu.memory_space<vmem>>, vector<1x16x128xf32>
      %get3A_877 = vector.shape_cast %get3A_876 : vector<1x16x128xf32> to vector<16x128xf32>
      %max3A_878 = arith.maximumf %scan3A_858, %get3A_877 : vector<16x128xf32>
      %min3A_879 = arith.minimumf %scan3A_858, %get3A_877 : vector<16x128xf32>
      %max3A_880 = arith.maximumf %scan3A_859, %min3A_879 : vector<16x128xf32>
      %mul3A_881 = arith.constant 8 : i32
      %mul3A_882 = arith.muli %scan3A_855, %mul3A_881 : i32
      %add3A_883 = arith.constant 2 : i32
      %add3A_884 = arith.addi %mul3A_882, %add3A_883 : i32
      %get3A_885 = arith.index_cast %add3A_884 : i32 to index
      %get3A_886 = arith.constant 0 : index
      %get3A_887 = arith.constant 0 : index
      %get3A_888 = vector.load %arg4[%get3A_885, %get3A_886, %get3A_887] : memref<192x16x128xf32, #tpu.memory_space<vmem>>, vector<1x16x128xf32>
      %get3A_889 = vector.shape_cast %get3A_888 : vector<1x16x128xf32> to vector<16x128xf32>
      %max3A_890 = arith.maximumf %max3A_866, %get3A_889 : vector<16x128xf32>
      %min3A_891 = arith.minimumf %max3A_866, %get3A_889 : vector<16x128xf32>
      %max3A_892 = arith.maximumf %max3A_868, %min3A_891 : vector<16x128xf32>
      %mul3A_893 = arith.constant 8 : i32
      %mul3A_894 = arith.muli %scan3A_855, %mul3A_893 : i32
      %add3A_895 = arith.constant 3 : i32
      %add3A_896 = arith.addi %mul3A_894, %add3A_895 : i32
      %get3A_897 = arith.index_cast %add3A_896 : i32 to index
      %get3A_898 = arith.constant 0 : index
      %get3A_899 = arith.constant 0 : index
      %get3A_900 = vector.load %arg4[%get3A_897, %get3A_898, %get3A_899] : memref<192x16x128xf32, #tpu.memory_space<vmem>>, vector<1x16x128xf32>
      %get3A_901 = vector.shape_cast %get3A_900 : vector<1x16x128xf32> to vector<16x128xf32>
      %max3A_902 = arith.maximumf %max3A_878, %get3A_901 : vector<16x128xf32>
      %min3A_903 = arith.minimumf %max3A_878, %get3A_901 : vector<16x128xf32>
      %max3A_904 = arith.maximumf %max3A_880, %min3A_903 : vector<16x128xf32>
      %mul3A_905 = arith.constant 8 : i32
      %mul3A_906 = arith.muli %scan3A_855, %mul3A_905 : i32
      %add3A_907 = arith.constant 4 : i32
      %add3A_908 = arith.addi %mul3A_906, %add3A_907 : i32
      %get3A_909 = arith.index_cast %add3A_908 : i32 to index
      %get3A_910 = arith.constant 0 : index
      %get3A_911 = arith.constant 0 : index
      %get3A_912 = vector.load %arg4[%get3A_909, %get3A_910, %get3A_911] : memref<192x16x128xf32, #tpu.memory_space<vmem>>, vector<1x16x128xf32>
      %get3A_913 = vector.shape_cast %get3A_912 : vector<1x16x128xf32> to vector<16x128xf32>
      %max3A_914 = arith.maximumf %max3A_890, %get3A_913 : vector<16x128xf32>
      %min3A_915 = arith.minimumf %max3A_890, %get3A_913 : vector<16x128xf32>
      %max3A_916 = arith.maximumf %max3A_892, %min3A_915 : vector<16x128xf32>
      %mul3A_917 = arith.constant 8 : i32
      %mul3A_918 = arith.muli %scan3A_855, %mul3A_917 : i32
      %add3A_919 = arith.constant 5 : i32
      %add3A_920 = arith.addi %mul3A_918, %add3A_919 : i32
      %get3A_921 = arith.index_cast %add3A_920 : i32 to index
      %get3A_922 = arith.constant 0 : index
      %get3A_923 = arith.constant 0 : index
      %get3A_924 = vector.load %arg4[%get3A_921, %get3A_922, %get3A_923] : memref<192x16x128xf32, #tpu.memory_space<vmem>>, vector<1x16x128xf32>
      %get3A_925 = vector.shape_cast %get3A_924 : vector<1x16x128xf32> to vector<16x128xf32>
      %max3A_926 = arith.maximumf %max3A_902, %get3A_925 : vector<16x128xf32>
      %min3A_927 = arith.minimumf %max3A_902, %get3A_925 : vector<16x128xf32>
      %max3A_928 = arith.maximumf %max3A_904, %min3A_927 : vector<16x128xf32>
      %mul3A_929 = arith.constant 8 : i32
      %mul3A_930 = arith.muli %scan3A_855, %mul3A_929 : i32
      %add3A_931 = arith.constant 6 : i32
      %add3A_932 = arith.addi %mul3A_930, %add3A_931 : i32
      %get3A_933 = arith.index_cast %add3A_932 : i32 to index
      %get3A_934 = arith.constant 0 : index
      %get3A_935 = arith.constant 0 : index
      %get3A_936 = vector.load %arg4[%get3A_933, %get3A_934, %get3A_935] : memref<192x16x128xf32, #tpu.memory_space<vmem>>, vector<1x16x128xf32>
      %get3A_937 = vector.shape_cast %get3A_936 : vector<1x16x128xf32> to vector<16x128xf32>
      %max3A_938 = arith.maximumf %max3A_914, %get3A_937 : vector<16x128xf32>
      %min3A_939 = arith.minimumf %max3A_914, %get3A_937 : vector<16x128xf32>
      %max3A_940 = arith.maximumf %max3A_916, %min3A_939 : vector<16x128xf32>
      %mul3A_941 = arith.constant 8 : i32
      %mul3A_942 = arith.muli %scan3A_855, %mul3A_941 : i32
      %add3A_943 = arith.constant 7 : i32
      %add3A_944 = arith.addi %mul3A_942, %add3A_943 : i32
      %get3A_945 = arith.index_cast %add3A_944 : i32 to index
      %get3A_946 = arith.constant 0 : index
      %get3A_947 = arith.constant 0 : index
      %get3A_948 = vector.load %arg4[%get3A_945, %get3A_946, %get3A_947] : memref<192x16x128xf32, #tpu.memory_space<vmem>>, vector<1x16x128xf32>
      %get3A_949 = vector.shape_cast %get3A_948 : vector<1x16x128xf32> to vector<16x128xf32>
      %max3A_950 = arith.maximumf %max3A_926, %get3A_949 : vector<16x128xf32>
      %min3A_951 = arith.minimumf %max3A_926, %get3A_949 : vector<16x128xf32>
      %max3A_952 = arith.maximumf %max3A_928, %min3A_951 : vector<16x128xf32>
      scf.yield %max3A_938, %max3A_940, %max3A_950, %max3A_952 : vector<16x128xf32>, vector<16x128xf32>, vector<16x128xf32>, vector<16x128xf32>
    }
    %scan3A_808 = arith.constant 24 : i32
    %max3A_809 = arith.maximumf %scan3A_807#0, %scan3A_807#2 : vector<16x128xf32>
    %min3A_810 = arith.minimumf %scan3A_807#0, %scan3A_807#2 : vector<16x128xf32>
    %max3A_811 = arith.maximumf %scan3A_807#1, %scan3A_807#3 : vector<16x128xf32>
    %max3A_812 = arith.maximumf %min3A_810, %max3A_811 : vector<16x128xf32>
    %sub3A_813 = arith.subf %max3A_809, %max3A_812 : vector<16x128xf32>
    %exp3A_814 = math.exp %sub3A_813 : vector<16x128xf32>
    %sub3A_815 = arith.constant 1.000000e+00 : f32
    %sub3A_816 = vector.broadcast %sub3A_815 : f32 to vector<16x128xf32>
    %sub3A_817 = arith.subf %sub3A_816, %exp3A_814 : vector<16x128xf32>
    %exp3A_818 = math.exp %sub3A_817 : vector<16x128xf32>
    %swap3A_819 = arith.constant 3 : index
    %swap3A_820 = arith.constant 64 : index
    %swap3A_821 = arith.constant 0 : index
    %swap3A_822 = vector.load %arg6[%swap3A_819, %swap3A_820, %swap3A_821] : memref<4x96x128xf32, #tpu.memory_space<vmem>>, vector<1x16x128xf32>
    %swap3A_823 = vector.shape_cast %swap3A_822 : vector<1x16x128xf32> to vector<16x128xf32>
    %swap3A_824 = vector.shape_cast %exp3A_818 : vector<16x128xf32> to vector<1x16x128xf32>
    tpu.vector_store %arg6[%swap3A_819, %swap3A_820, %swap3A_821], %swap3A_824 {strides = array<i32>} : memref<4x96x128xf32, #tpu.memory_space<vmem>>, vector<1x16x128xf32>,
    %dma_wait3A_825 = arith.constant 3 : i32
    %dma_wait3A_826 = arith.constant 0 : i32
    %dma_wait3A_827 = arith.constant 80 : i32
    %dma_wait3A_828 = arith.constant 0 : i32
    %dma_wait3A_829 = tpu.memref_slice %arg0[%dma_wait3A_825, %dma_wait3A_826, %dma_wait3A_827, %dma_wait3A_828] : memref<4x192x128x128xf32, #tpu.memory_space<any>> -> memref<1x192x16x128xf32, #tpu.memory_space<any>>
    %dma_wait3A_830 = tpu.memref_squeeze %dma_wait3A_829 : memref<1x192x16x128xf32, #tpu.memory_space<any>> -> memref<192x16x128xf32, #tpu.memory_space<any>>
    tpu.wait_dma2 semaphore(%arg10 : memref<!tpu.dma_semaphore, #tpu.memory_space<semaphore_mem>>) src(%dma_wait3A_830 : memref<192x16x128xf32, #tpu.memory_space<any>>) dst(%arg5 : memref<192x16x128xf32, #tpu.memory_space<vmem>>)
    %broadcast_in_dim3A_831 = arith.constant 0xFF800000 : f32
    %broadcast_in_dim3A_832 = vector.broadcast %broadcast_in_dim3A_831 : f32 to vector<16x128xf32>
    %scan3A_833 = arith.constant 0 : i32
    %scan3A_834 = arith.constant 24 : i32
    %scan3A_835 = arith.addi %scan3A_833, %scan3A_834 : i32
    %scan3A_836 = arith.constant 1 : i32
    %scan3A_837:4 = scf.for %scan3A_855 = %scan3A_833 to %scan3A_835 step %scan3A_836 iter_args(%scan3A_856 = %broadcast_in_dim3A_832, %scan3A_857 = %broadcast_in_dim3A_832, %scan3A_858 = %broadcast_in_dim3A_832, %scan3A_859 = %broadcast_in_dim3A_832) -> (vector<16x128xf32>, vector<16x128xf32>, vector<16x128xf32>, vector<16x128xf32>)  : i32 {
      %mul3A = arith.constant 8 : i32
      %mul3A_860 = arith.muli %scan3A_855, %mul3A : i32
      %add3A = arith.constant 0 : i32
      %add3A_861 = arith.addi %mul3A_860, %add3A : i32
      %get3A = arith.index_cast %add3A_861 : i32 to index
      %get3A_862 = arith.constant 0 : index
      %get3A_863 = arith.constant 0 : index
      %get3A_864 = vector.load %arg5[%get3A, %get3A_862, %get3A_863] : memref<192x16x128xf32, #tpu.memory_space<vmem>>, vector<1x16x128xf32>
      %get3A_865 = vector.shape_cast %get3A_864 : vector<1x16x128xf32> to vector<16x128xf32>
      %max3A_866 = arith.maximumf %scan3A_856, %get3A_865 : vector<16x128xf32>
      %min3A_867 = arith.minimumf %scan3A_856, %get3A_865 : vector<16x128xf32>
      %max3A_868 = arith.maximumf %scan3A_857, %min3A_867 : vector<16x128xf32>
      %mul3A_869 = arith.constant 8 : i32
      %mul3A_870 = arith.muli %scan3A_855, %mul3A_869 : i32
      %add3A_871 = arith.constant 1 : i32
      %add3A_872 = arith.addi %mul3A_870, %add3A_871 : i32
      %get3A_873 = arith.index_cast %add3A_872 : i32 to index
      %get3A_874 = arith.constant 0 : index
      %get3A_875 = arith.constant 0 : index
      %get3A_876 = vector.load %arg5[%get3A_873, %get3A_874, %get3A_875] : memref<192x16x128xf32, #tpu.memory_space<vmem>>, vector<1x16x128xf32>
      %get3A_877 = vector.shape_cast %get3A_876 : vector<1x16x128xf32> to vector<16x128xf32>
      %max3A_878 = arith.maximumf %scan3A_858, %get3A_877 : vector<16x128xf32>
      %min3A_879 = arith.minimumf %scan3A_858, %get3A_877 : vector<16x128xf32>
      %max3A_880 = arith.maximumf %scan3A_859, %min3A_879 : vector<16x128xf32>
      %mul3A_881 = arith.constant 8 : i32
      %mul3A_882 = arith.muli %scan3A_855, %mul3A_881 : i32
      %add3A_883 = arith.constant 2 : i32
      %add3A_884 = arith.addi %mul3A_882, %add3A_883 : i32
      %get3A_885 = arith.index_cast %add3A_884 : i32 to index
      %get3A_886 = arith.constant 0 : index
      %get3A_887 = arith.constant 0 : index
      %get3A_888 = vector.load %arg5[%get3A_885, %get3A_886, %get3A_887] : memref<192x16x128xf32, #tpu.memory_space<vmem>>, vector<1x16x128xf32>
      %get3A_889 = vector.shape_cast %get3A_888 : vector<1x16x128xf32> to vector<16x128xf32>
      %max3A_890 = arith.maximumf %max3A_866, %get3A_889 : vector<16x128xf32>
      %min3A_891 = arith.minimumf %max3A_866, %get3A_889 : vector<16x128xf32>
      %max3A_892 = arith.maximumf %max3A_868, %min3A_891 : vector<16x128xf32>
      %mul3A_893 = arith.constant 8 : i32
      %mul3A_894 = arith.muli %scan3A_855, %mul3A_893 : i32
      %add3A_895 = arith.constant 3 : i32
      %add3A_896 = arith.addi %mul3A_894, %add3A_895 : i32
      %get3A_897 = arith.index_cast %add3A_896 : i32 to index
      %get3A_898 = arith.constant 0 : index
      %get3A_899 = arith.constant 0 : index
      %get3A_900 = vector.load %arg5[%get3A_897, %get3A_898, %get3A_899] : memref<192x16x128xf32, #tpu.memory_space<vmem>>, vector<1x16x128xf32>
      %get3A_901 = vector.shape_cast %get3A_900 : vector<1x16x128xf32> to vector<16x128xf32>
      %max3A_902 = arith.maximumf %max3A_878, %get3A_901 : vector<16x128xf32>
      %min3A_903 = arith.minimumf %max3A_878, %get3A_901 : vector<16x128xf32>
      %max3A_904 = arith.maximumf %max3A_880, %min3A_903 : vector<16x128xf32>
      %mul3A_905 = arith.constant 8 : i32
      %mul3A_906 = arith.muli %scan3A_855, %mul3A_905 : i32
      %add3A_907 = arith.constant 4 : i32
      %add3A_908 = arith.addi %mul3A_906, %add3A_907 : i32
      %get3A_909 = arith.index_cast %add3A_908 : i32 to index
      %get3A_910 = arith.constant 0 : index
      %get3A_911 = arith.constant 0 : index
      %get3A_912 = vector.load %arg5[%get3A_909, %get3A_910, %get3A_911] : memref<192x16x128xf32, #tpu.memory_space<vmem>>, vector<1x16x128xf32>
      %get3A_913 = vector.shape_cast %get3A_912 : vector<1x16x128xf32> to vector<16x128xf32>
      %max3A_914 = arith.maximumf %max3A_890, %get3A_913 : vector<16x128xf32>
      %min3A_915 = arith.minimumf %max3A_890, %get3A_913 : vector<16x128xf32>
      %max3A_916 = arith.maximumf %max3A_892, %min3A_915 : vector<16x128xf32>
      %mul3A_917 = arith.constant 8 : i32
      %mul3A_918 = arith.muli %scan3A_855, %mul3A_917 : i32
      %add3A_919 = arith.constant 5 : i32
      %add3A_920 = arith.addi %mul3A_918, %add3A_919 : i32
      %get3A_921 = arith.index_cast %add3A_920 : i32 to index
      %get3A_922 = arith.constant 0 : index
      %get3A_923 = arith.constant 0 : index
      %get3A_924 = vector.load %arg5[%get3A_921, %get3A_922, %get3A_923] : memref<192x16x128xf32, #tpu.memory_space<vmem>>, vector<1x16x128xf32>
      %get3A_925 = vector.shape_cast %get3A_924 : vector<1x16x128xf32> to vector<16x128xf32>
      %max3A_926 = arith.maximumf %max3A_902, %get3A_925 : vector<16x128xf32>
      %min3A_927 = arith.minimumf %max3A_902, %get3A_925 : vector<16x128xf32>
      %max3A_928 = arith.maximumf %max3A_904, %min3A_927 : vector<16x128xf32>
      %mul3A_929 = arith.constant 8 : i32
      %mul3A_930 = arith.muli %scan3A_855, %mul3A_929 : i32
      %add3A_931 = arith.constant 6 : i32
      %add3A_932 = arith.addi %mul3A_930, %add3A_931 : i32
      %get3A_933 = arith.index_cast %add3A_932 : i32 to index
      %get3A_934 = arith.constant 0 : index
      %get3A_935 = arith.constant 0 : index
      %get3A_936 = vector.load %arg5[%get3A_933, %get3A_934, %get3A_935] : memref<192x16x128xf32, #tpu.memory_space<vmem>>, vector<1x16x128xf32>
      %get3A_937 = vector.shape_cast %get3A_936 : vector<1x16x128xf32> to vector<16x128xf32>
      %max3A_938 = arith.maximumf %max3A_914, %get3A_937 : vector<16x128xf32>
      %min3A_939 = arith.minimumf %max3A_914, %get3A_937 : vector<16x128xf32>
      %max3A_940 = arith.maximumf %max3A_916, %min3A_939 : vector<16x128xf32>
      %mul3A_941 = arith.constant 8 : i32
      %mul3A_942 = arith.muli %scan3A_855, %mul3A_941 : i32
      %add3A_943 = arith.constant 7 : i32
      %add3A_944 = arith.addi %mul3A_942, %add3A_943 : i32
      %get3A_945 = arith.index_cast %add3A_944 : i32 to index
      %get3A_946 = arith.constant 0 : index
      %get3A_947 = arith.constant 0 : index
      %get3A_948 = vector.load %arg5[%get3A_945, %get3A_946, %get3A_947] : memref<192x16x128xf32, #tpu.memory_space<vmem>>, vector<1x16x128xf32>
      %get3A_949 = vector.shape_cast %get3A_948 : vector<1x16x128xf32> to vector<16x128xf32>
      %max3A_950 = arith.maximumf %max3A_926, %get3A_949 : vector<16x128xf32>
      %min3A_951 = arith.minimumf %max3A_926, %get3A_949 : vector<16x128xf32>
      %max3A_952 = arith.maximumf %max3A_928, %min3A_951 : vector<16x128xf32>
      scf.yield %max3A_938, %max3A_940, %max3A_950, %max3A_952 : vector<16x128xf32>, vector<16x128xf32>, vector<16x128xf32>, vector<16x128xf32>
    }
    %scan3A_838 = arith.constant 24 : i32
    %max3A_839 = arith.maximumf %scan3A_837#0, %scan3A_837#2 : vector<16x128xf32>
    %min3A_840 = arith.minimumf %scan3A_837#0, %scan3A_837#2 : vector<16x128xf32>
    %max3A_841 = arith.maximumf %scan3A_837#1, %scan3A_837#3 : vector<16x128xf32>
    %max3A_842 = arith.maximumf %min3A_840, %max3A_841 : vector<16x128xf32>
    %sub3A_843 = arith.subf %max3A_839, %max3A_842 : vector<16x128xf32>
    %exp3A_844 = math.exp %sub3A_843 : vector<16x128xf32>
    %sub3A_845 = arith.constant 1.000000e+00 : f32
    %sub3A_846 = vector.broadcast %sub3A_845 : f32 to vector<16x128xf32>
    %sub3A_847 = arith.subf %sub3A_846, %exp3A_844 : vector<16x128xf32>
    %exp3A_848 = math.exp %sub3A_847 : vector<16x128xf32>
    %swap3A_849 = arith.constant 3 : index
    %swap3A_850 = arith.constant 80 : index
    %swap3A_851 = arith.constant 0 : index
    %swap3A_852 = vector.load %arg6[%swap3A_849, %swap3A_850, %swap3A_851] : memref<4x96x128xf32, #tpu.memory_space<vmem>>, vector<1x16x128xf32>
    %swap3A_853 = vector.shape_cast %swap3A_852 : vector<1x16x128xf32> to vector<16x128xf32>
    %swap3A_854 = vector.shape_cast %exp3A_848 : vector<16x128xf32> to vector<1x16x128xf32>
    tpu.vector_store %arg6[%swap3A_849, %swap3A_850, %swap3A_851], %swap3A_854 {strides = array<i32>} : memref<4x96x128xf32, #tpu.memory_space<vmem>>, vector<1x16x128xf32>,
    tpu.enqueue_dma source(%arg6 : memref<4x96x128xf32, #tpu.memory_space<vmem>>) target(%arg1 : memref<4x96x128xf32, #tpu.memory_space<any>>) target_semaphore(%arg11 : memref<!tpu.dma_semaphore, #tpu.memory_space<semaphore_mem>>)
    tpu.wait_dma2 semaphore(%arg11 : memref<!tpu.dma_semaphore, #tpu.memory_space<semaphore_mem>>) src(%arg6 : memref<4x96x128xf32, #tpu.memory_space<vmem>>) dst(%arg1 : memref<4x96x128xf32, #tpu.memory_space<any>>)
    return
  }
}

</mosaic_0001>

<sc_bundles>
// kernel: _run.4.cloned.1.call-start
scs
__scs_entry_jumppad:
0x0: {  	(pc) =	sbr.rel $0x88, $3  }
0x1: {  	(tag) =	ssettag $0x0;
	lr =	simm.s32 $0x1  }
0x2: {  	[smem:$0x3FA0] =	sst lr;
	_ =	strace $0xD0000000  }
0x3: {  	_ = 	snop  }
0x4: {  	_ = 	snop  }
0x5: {  	_ = 	snop  }
0x6: {  	_ = 	snop  }
0x7: {  	_ = 	snop  }
__scs_overlays_trampoline_lowered:
0x8: {  	[smem:$0x3FAF] =	sst s0  }
0x9: {  	[smem:$0x3FB0] =	sst s1  }
0xa: {  	[smem:$0x3FB1] =	sst s2  }
0xb: {  	[smem:$0x3FB2] =	sst s3  }
0xc: {  	[smem:$0x3FB3] =	sst s4  }
0xd: {  	[smem:$0x3FB4] =	sst s5  }
0xe: {  	[smem:$0x3FB5] =	sst s6  }
0xf: {  	[smem:$0x3FB6] =	sst s7  }
0x10: {  	[smem:$0x3FB7] =	sst s8  }
0x11: {  	[smem:$0x3FB8] =	sst s9;
	s0 =	simm.s32 @!p0 $0x0  }
0x12: {  	s1 =	sld [smem:$0x3F9E];
	s0 =	simm.s32 @p0 $0x1  }
0x13: {  	[smem:$0x3FB9] =	sst s0;
	s0 =	simm.s32 @!p1 $0x0  }
0x14: {  	s2 =	sld [smem:$0x3F9D];
	s0 =	simm.s32 @p1 $0x1  }
0x15: {  	[smem:$0x3FBA] =	sst s0;
	s0 =	simm.s32 @!p2 $0x0  }
0x16: {  	s3 =	sld [smem:$0x3FDB];
	s0 =	simm.s32 @p2 $0x1  }
0x17: {  	s4 =	simm.s32 $0x1BF5;
	[smem:$0x3FBC] =	sst s0  }
0x18: {  	s0 =	sld [smem:$0x3F9F];
	_ =	swait.ge [sflag:s4], $0x0  }
0x19: {  	s7 =	sld [smem:$0x3FA0]  }
0x1a: {  	s8 =	sadd.s32 $0xFFFFE003, lr  }
0x1b: {  	s9 =	sadd.s32 $0xFFFFFEF7, lr;
	s5 =	simm.s32 $0xFFFFFFFF;
	p2 =	slt.u32 s8, $0xFFFFF086  }
0x1c: {  	p1 =	slt.u32 s9, $0xF7A;
	s5 =	simm.s32 @!p2 $0x0  }
0x1d: {  	s5 =	simm.s32 @p1 $0x1;
	p0 =	seq.s32 s7, s2  }
0x1e: {  	s7 =	smul.u32 @!p0 $0xF7A, s2;
	p2 =	seq.s32 @!p0 s5, $0x0  }
0x1f: {  	s9 =	smul.u32 $0xF7A, s1;
	s8 =	simm.s32 @!p0 $0x1BF5;
	p2 =	por !p2, p0  }
0x20: {  	[sflag:s8] =	ssyncset.s32 @!p0 $0xFFFFF086;
	s6 =	sadd.s32 @!p0 s3, s7;
	s7 =	simm.s32 @!p0 $0x108  }
0x21: {  	s3 =	sadd.s32 s3, s9;
	s6 =	sadd.s32 @!p0 $0x88, s6;
	s7 =	simm.s32 @p2 $0x1082  }
0x22: {  	[simem:s7], [sflag:s8] =	dma.local @!p0 [hbm:s6], $0xF7A  }
0x23: {  	s9 =	sor.u32 $0xD0000000, s2;
	s6 =	simm.s32 $0x108;
	_ =	swait.ge @!p0 [sflag:s8], $0x0  }
0x24: {  	s3 =	sadd.s32 $0x88, s3;
	s6 =	simm.s32 @!p1 $0x1082;
	[sflag:s4] =	ssyncset.s32 $0xFFFFF086  }
0x25: {  	[simem:s6], [sflag:s4] =	dma.local [hbm:s3], $0xF7A  }
0x26: {  	[smem:$0x3FA0] =	sst s1;
	(tag) =	ssettag s2;
	_ =	strace s9  }
0x27: {  	s1 =	sld [smem:$0x3FB0]  }
0x28: {  	s2 =	sld [smem:$0x3FB1]  }
0x29: {  	s4 =	sld [smem:$0x3FB3]  }
0x2a: {  	p0 =	seq.s32 s5, $0x0;
	s5 =	sld [smem:$0x3FB4]  }
0x2b: {  	s6 =	sld [smem:$0x3FB5]  }
0x2c: {  	s7 =	sld [smem:$0x3FB6]  }
0x2d: {  	s3 =	simm.s32 $0x108;
	s8 =	sld [smem:$0x3FB7]  }
0x2e: {  	s3 =	simm.s32 @!p0 $0x1082;
	s9 =	sld [smem:$0x3FB8]  }
0x2f: {  	lr =	sadd.s32 s0, s3;
	s0 =	sld [smem:$0x3FAF]  }
0x30: {  	s3 =	sld [smem:$0x3FB2]  }
0x31: {  	[smem:$0x3FBB] =	sst s10  }
0x32: {  	s10 =	sld [smem:$0x3FB9];
	_ =	sdelay $0x3  }
0x33: {  	p0 =	seq.s32 s10, $0x1;
	s10 =	sld [smem:$0x3FBB];
	_ =	sdelay $0x3  }
0x34: {  	[smem:$0x3FBB] =	sst s10  }
0x35: {  	s10 =	sld [smem:$0x3FBA];
	_ =	sdelay $0x3  }
0x36: {  	p1 =	seq.s32 s10, $0x1;
	s10 =	sld [smem:$0x3FBB];
	_ =	sdelay $0x3  }
0x37: {  	[smem:$0x3FBB] =	sst s10  }
0x38: {  	s10 =	sld [smem:$0x3FBC]  }
0x39: {  	_ = 	snop;
	(pc) =	sbr.ind lr, $3  }
0x3a: {  	_ = 	snop  }
0x3b: {  	_ = 	snop  }
0x3c: {  	p2 =	seq.s32 s10, $0x1;
	s10 =	sld [smem:$0x3FBB]  }
0x3d: {  	_ =	shalt  }
0x3e: {  	_ =	shalt  }
0x3f: {  	_ =	shalt  }
0x40: {  	_ =	shalt  }
0x41: {  	_ =	shalt  }
0x42: {  	_ =	shalt  }
0x43: {  	_ =	shalt  }
0x44: {  	_ =	shalt  }
0x45: {  	_ =	shalt  }
0x46: {  	_ =	shalt  }
0x47: {  	_ =	shalt  }
0x48: {  	_ =	shalt  }
0x49: {  	_ =	shalt  }
0x4a: {  	_ =	shalt  }
0x4b: {  	_ =	shalt  }
0x4c: {  	_ =	shalt  }
0x4d: {  	_ =	shalt  }
0x4e: {  	_ =	shalt  }
0x4f: {  	_ =	shalt  }
0x50: {  	_ =	shalt  }
0x51: {  	_ =	shalt  }
0x52: {  	_ =	shalt  }
0x53: {  	_ =	shalt  }
0x54: {  	_ =	shalt  }
0x55: {  	_ =	shalt  }
0x56: {  	_ =	shalt  }
0x57: {  	_ =	shalt  }
0x58: {  	_ =	shalt  }
0x59: {  	_ =	shalt  }
0x5a: {  	_ =	shalt  }
0x5b: {  	_ =	shalt  }
0x5c: {  	_ =	shalt  }
0x5d: {  	_ =	shalt  }
0x5e: {  	_ =	shalt  }
0x5f: {  	_ =	shalt  }
0x60: {  	_ =	shalt  }
0x61: {  	_ =	shalt  }
0x62: {  	_ =	shalt  }
0x63: {  	_ =	shalt  }
0x64: {  	_ =	shalt  }
0x65: {  	_ =	shalt  }
0x66: {  	_ =	shalt  }
0x67: {  	_ =	shalt  }
0x68: {  	_ =	shalt  }
0x69: {  	_ =	shalt  }
0x6a: {  	_ =	shalt  }
0x6b: {  	_ =	shalt  }
0x6c: {  	_ =	shalt  }
0x6d: {  	_ =	shalt  }
0x6e: {  	_ =	shalt  }
0x6f: {  	_ =	shalt  }
0x70: {  	_ =	shalt  }
0x71: {  	_ =	shalt  }
0x72: {  	_ =	shalt  }
0x73: {  	_ =	shalt  }
0x74: {  	_ =	shalt  }
0x75: {  	_ =	shalt  }
0x76: {  	_ =	shalt  }
0x77: {  	_ =	shalt  }
0x78: {  	_ =	shalt  }
0x79: {  	_ =	shalt  }
0x7a: {  	_ =	shalt  }
0x7b: {  	_ =	shalt  }
0x7c: {  	_ =	shalt  }
0x7d: {  	_ =	shalt  }
0x7e: {  	_ =	shalt  }
0x7f: {  	_ =	shalt  }
0x80: {  	_ =	shalt  }
0x81: {  	_ =	shalt  }
0x82: {  	_ =	shalt  }
0x83: {  	_ =	shalt  }
0x84: {  	_ =	shalt  }
0x85: {  	_ =	shalt  }
0x86: {  	_ =	shalt  }
0x87: {  	_ =	shalt  }
.Lfunc_end0:
.L_simem_size_0:
called_computation_lowered:
.L_overlay_start_0:
0x88: {  	s2 =	sld [smem:$0x3FD9]  }
0x89: {  	s3 =	sld [smem:$0x3FFE];
	_ =	sdelay $0x1  }
0x8a: {  	s1 =	srdreg.scid  }
0x8b: {  	s0 =	sand.u32 $0x1, s1  }
0x8c: {  	s17 =	sshll.u32 s0, $0xA;
	s2 =	sadd.s32 s3, s2  }
0x8d: {  	s2 =	sadd.s32 s2, s17  }
0x8e: {  	[smem:$0x3FC7] =	sst s2  }
0x8f: {  	_ = 	snop  }
0x90: {  	s2 =	sld [smem:$0x3FC9];
	(tm) =	ssettm $0x1  }
0x91: {  	s18 =	sld [smem:$0x3FFB];
	_ =	sdelay $0x3  }
0x92: {  	_ =	strace s18  }
0x93: {  	s3 =	sld [smem:$0x3FFC];
	_ =	sdelay $0x3  }
0x94: {  	_ =	strace s3  }
0x95: {  	s3 =	sld [smem:$0x3FFD];
	_ =	sdelay $0x3  }
0x96: {  	_ =	strace s3  }
0x97: {  	_ =	strace $0x8FFFFFFF  }
0x98: {  	s19 =	sld [smem:$0x3FDB];
	_ =	sdelay $0x1  }
0x99: {  	s4 =	simm.s32 $_scs_section_size  }
0x9a: {  	s5 =	simm.s32 $_size__tile_overlayer_lowered;
	s6 =	simm.s32 $_tile_overlayer_lowered  }
0x9b: {  	s22 =	simm.s32 $0x1BFF;
	s21 =	sshll.u32 s6, $0x1;
	s3 =	sadd.s32 s4, s19  }
0x9c: {  	s7 =	simm.s32 $0x0;
	s20 =	sshll.u32 s5, $0x1;
	s5 =	sadd.s32 s21, s3  }
0x9d: {  	[timem:s7], [sflag:s22] =	dma.local [hbm:s5], s20  }
0x9e: {  	_ =	swait.ge [sflag:s22], s20  }
0x9f: {  	s4 =	ssub.s32 $0x0, s20;
	[sflag:s22] =	ssyncset.done $0x0  }
0xa0: {  	[sflag:s22] =	ssyncadd.s32 s4;
	_ =	sdelay $0x1  }
0xa1: {  	s23 =	simm.s32 $0x1B8B  }
0xa2: {  	_ =	swait.ge [sflag:s23], $0x1  }
0xa3: {  	[sflag:s23] =	ssyncset.done $0x0  }
0xa4: {  	s25 =	simm.s32 $0x1B8E;
	s24 =	sld [smem:$0x3FFE];
	[sflag:s23] =	ssyncadd.s32 $0xFFFFFFFF  }
0xa5: {  	s26 =	simm.s32 $execute0_lowered;
	[smem:$0x3FD2] =	sst s25  }
0xa6: {  	s5 =	sshll.u32 s26, $0x1;
	_ =	strace $0x80000046;
	[dreg:$0x1] =	wrdreg $0xFFFFFFFF  }
0xa7: {  	s28 =	simm.s32 $_size_execute0_lowered;
	s3 =	sadd.s32 s3, s5;
	[dreg:$0x0] =	wrdreg $0x0  }
0xa8: {  	s5 =	sshll.u32 s28, $0x1;
	[dreg:$0x2] =	wrdreg s3  }
0xa9: {  	[dreg:$0x3] =	wrdreg s5  }
0xaa: {  	[dreg:$0x4] =	wrdreg $0xC0  }
0xab: {  	_ =	task [dreg:s7], $0x5FFFF  }
0xac: {  	[dreg:$0x1] =	wrdreg $0xFFFFFFFF  }
0xad: {  	[dreg:$0x0] =	wrdreg $0x60  }
0xae: {  	[dreg:$0x2] =	wrdreg s2  }
0xaf: {  	[dreg:$0x3] =	wrdreg s24  }
0xb0: {  	[dreg:$0x4] =	wrdreg $0x9  }
0xb1: {  	_ =	task.clear_ibuf [dreg:s7], $0x5FFFF;
	_ =	strace $0x90000046  }
0xb2: {  	s29 =	simm.s32 $0x9;
	_ =	strace $0x80000048  }
0xb3: {  	_ =	swait.ge [sflag:s29], $0x1  }
0xb4: {  	[sflag:s29] =	ssyncadd.s32 $0xFFFFFFFF  }
0xb5: {  	_ =	strace $0x90000048  }
0xb6: {  	_ =	sfence  }
0xb7: {  	s30 =	sld [smem:$0x0];
	_ =	sdelay $0x2  }
0xb8: {  	s31 =	sshll.u32 s1, $0xD;
	s1 =	sshrl.u32 s1, $0x2  }
0xb9: {  	s3 =	sand.u32 $0x4000, s31;
	s1 =	sadd.s32 s1, s30  }
0xba: {  	s0 =	sor.u32 s3, s0;
	s1 =	sshll.u32 s1, $0x11  }
0xbb: {  	s0 =	sor.u32 s1, s0  }
0xbc: {  	s0 =	sadd.s32 $0x8F2B, s0  }
0xbd: {  	[sflag:s0] =	ssyncadd.remote.s32 $0x1  }
0xbe: {  	_ =	sfence.sel $0xFFFF  }
0xbf: {  	[dreg:$0x0] =	wrdreg $0xFFFFFFFF;
	(pc) =	sbr.abs _section_cstart, $3  }
0xc0: {  	[dreg:$0x1] =	wrdreg $0xFFFFFFFF  }
0xc1: {  	_ =	task.clear_ibuf [dreg:s7], $0x2FFFF;
	_ =	strace $0x9FFFFFFF  }
0xc2: {  	(tm) =	ssettm $0x7FFFFFFF  }
0xc3: {  	_ =	shalt  }
tec
execute0_lowered:
.L_overlay_start_1:
0x0: {  	(tag) =	ssettag $0x1  }
0x1: {  	s4 =	rddreg [dreg:$0x0]  }
0x2: {  	s3 =	rddreg [dreg:$0x1]  }
0x3: {  	s0 =	rddreg [dreg:$0x2];
	s1 =	simm.s32 $0x0;
	s2 =	srdreg.scid  }
0x4: {  	s13 =	simm.s32 $0x3;
	s14 =	simm.s32 $0x0;
	[smem:$0x7FF] =	sst s1  }
0x5: {  	s5 =	sand.u32 $0x1, s2;
	s2 =	stileid.u32;
	_ =	strace $0x80000047  }
0x6: {  	s6 =	sshll.u32 s5, $0x6;
	s7 =	ssub.s32 $0x2, s5;
	s9 =	sshrl.u32 s2, $0x2  }
0x7: {  	s10 =	sshll.u32 s2, $0xA;
	s5 =	sshll.u32 s5, $0x9;
	s31 =	sshll.u32 s2, $0x7  }
0x8: {  	s8 =	sshrl.u32 s7, $0x1;
	s11 =	sand.u32 $0xC00, s10;
	s12 =	smul.u32 $0x300000, s9  }
0x9: {  	s3 =	sadd.s32 s6, s3;
	s9 =	sshll.u32 s9, $0x9;
	s29 =	ssub.s32 s7, s8  }
0xa: {  	s30 =	sor.u32 s5, s11;
	s5 =	sor.u32 s5, s10;
	s8 =	sand.u32 $0x180, s31  }
0xb: {  	s10 =	simm.s32 $0x1;
	s11 =	simm.s32 $0x2;
	s7 =	sor.u32 s12, s30  }
0xc: {  	s5 =	sor.u32 s12, s5;
	s3 =	sadd.s32 s8, s3;
	s6 =	smax.u32 s29, $0x1  }
0xd: {  	s12 =	simm.s32 $0x18000;
	s7 =	sshrl.u32 s7, $0x3;
	s5 =	sshrl.u32 s5, $0x3  }
0xe: {  	s8 =	sadd.s32 s9, s3;
	s7 =	sadd.s32 s7, s4;
	s5 =	sor.u32 $0x620, s5  }
0xf: {  	s9 =	simm.s32 $0xC000;
	s3 =	sadd.s32 $0x600, s7;
	s4 =	sadd.s32 s4, s5  }
0x10: {  	s5 =	sadd.s32 $0x400, s8;
	s7 =	simm.s32 $0x100;
	s8 =	simm.s32 $0x4000  }
.LBB2_1:
0x11: {  	[tilespmem:s1], [sflag:$0x1] =	stream.strided.gather [hbm4b:s3+s7], $0xC000, s8, s7, $0x38;
	[tilespmem:$0x18200] =	vst v63  }
0x12: {  	_ = 	snop  }
0x13: {  	[tilespmem:s9], [sflag:$0x2] =	stream.strided.gather [hbm4b:s4+s7], $0xC000, s8, s7, $0x38;
	[tilespmem:$0x18200] =	vst v63  }
0x14: {  	_ =	swait.ge [sflag:s10], $0xC000  }
0x15: {  	[sflag:s10] =	ssyncset.done $0x0  }
0x16: {  	s15 =	simm.s32 $0x800;
	s16 =	simm.s32 $0x0;
	[sflag:s10] =	ssyncadd.s32 $0xFFFF4000  }
.LBB2_2:
0x17: {  	v0 =	vmov s15;
	_ =	sdelay $0x3  }
0x18: {  	s17 =	simm.s32 $0x0  }
0x19: {  	v7 =	vld.idx.msk [tilespmem:v0+s17+$0xFFFFFD10 ss:$0x1], $0xffff  }
0x1a: {  	v2 =	vld.idx.msk [tilespmem:v0+s17+$0xFFFFFC10 ss:$0x1], $0xffff  }
0x1b: {  	v4 =	vld.idx.msk [tilespmem:v0+s17+$0xFFFFFB10 ss:$0x1], $0xffff  }
0x1c: {  	v1 =	vld.idx.msk [tilespmem:v0+s17+$0xFFFFFA10 ss:$0x1], $0xffff  }
0x1d: {  	v6 =	vld.idx.msk [tilespmem:v0+s17+$0xFFFFF910 ss:$0x1], $0xffff  }
0x1e: {  	v8 =	vld.idx.msk [tilespmem:v0+s17+$0xFFFFF900 ss:$0x1], $0xffff  }
0x1f: {  	v9 =	vld.idx.msk [tilespmem:v0+s17+$0xFFFFFA00 ss:$0x1], $0xffff  }
0x20: {  	v10 =	vld.idx.msk [tilespmem:v0+s17+$0xFFFFF810 ss:$0x1], $0xffff  }
0x21: {  	v11 =	vld.idx.msk [tilespmem:v0+s17+$0xFFFFF800 ss:$0x1], $0xffff  }
0x22: {  	v14 =	vld.idx.msk [tilespmem:v0+s17+$0xFFFFFF10 ss:$0x1], $0xffff  }
0x23: {  	v15 =	vld.idx.msk [tilespmem:v0+s17+$0xFFFFFC00 ss:$0x1], $0xffff  }
0x24: {  	v16 =	vld.idx.msk [tilespmem:v0+s17+$0x10 ss:$0x1], $0xffff  }
0x25: {  	v5 =	vld.idx.msk [tilespmem:v0+s17+$0xFFFFFE00 ss:$0x1], $0xffff  }
0x26: {  	v12 =	vimm.f32 $-Inf;
	v13 =	vld.idx.msk [tilespmem:v0+s17+$0x110 ss:$0x1], $0xffff  }
0x27: {  	v3 =	vld.idx.msk [tilespmem:v0+s17+$0x210 ss:$0x1], $0xffff;
	v17 =	vmax.f32 v12, v10  }
0x28: {  	v26 =	vld.idx.msk [tilespmem:v0+s17+$0x310 ss:$0x1], $0xffff;
	v10 =	vmin.f32 v12, v10;
	v18 =	vmax.f32 v17, v6  }
0x29: {  	v20 =	vld.idx.msk [tilespmem:v0+s17+$0xFFFFFE10 ss:$0x1], $0xffff;
	v6 =	vmin.f32 v17, v6;
	v17 =	vmin.f32 v12, v11;
	v11 =	vmax.f32 v12, v11  }
0x2a: {  	v23 =	vld.idx.msk [tilespmem:v0+s17+$0xFFFFFB00 ss:$0x1], $0xffff;
	v10 =	vmax.f32 v12, v10;
	v19 =	vmax.f32 v18, v1;
	v18 =	vmin.f32 v18, v1  }
0x2b: {  	v25 =	vld.idx.msk [tilespmem:v0+s17+$0xFFFFFD00 ss:$0x1], $0xffff;
	v22 =	vmin.f32 v11, v8;
	v12 =	vmax.f32 v12, v17;
	v8 =	vmax.f32 v11, v8  }
0x2c: {  	v1 =	vld.idx.msk [tilespmem:v0+s17+$0x700 ss:$0x1], $0xffff;
	v21 =	vmax.f32 v19, v4;
	v19 =	vmin.f32 v19, v4;
	v4 =	vmax.f32 v10, v6  }
0x2d: {  	v11 =	vmin.f32 v8, v9;
	v10 =	vmax.f32 v21, v2;
	v21 =	vmin.f32 v21, v2;
	v2 =	vld.idx.msk [tilespmem:v0+s17+$0x710 ss:$0x1], $0xffff  }
0x2e: {  	v12 =	vmax.f32 v12, v22;
	v8 =	vmax.f32 v8, v9;
	v6 =	vmax.f32 v4, v18;
	v4 =	vld.idx.msk [tilespmem:v0+s17+$0x600 ss:$0x1], $0xffff  }
0x2f: {  	v12 =	vmax.f32 v12, v11;
	v11 =	vld.idx.msk [tilespmem:v0+s17+$0x410 ss:$0x1], $0xffff;
	v24 =	vmax.f32 v8, v23;
	v8 =	vmin.f32 v8, v23  }
0x30: {  	v17 =	vmax.f32 v6, v19;
	v18 =	vmax.f32 v10, v7;
	v6 =	vld.idx.msk [tilespmem:v0+s17+$0x400 ss:$0x1], $0xffff;
	v10 =	vmin.f32 v10, v7  }
0x31: {  	v7 =	vld.idx.msk [tilespmem:v0+s17+$0x500 ss:$0x1], $0xffff;
	v12 =	vmax.f32 v12, v8;
	v23 =	vmin.f32 v24, v15;
	v19 =	vmax.f32 v18, v20  }
0x32: {  	v8 =	vld.idx.msk [tilespmem:v0+s17+$0x610 ss:$0x1], $0xffff;
	v9 =	vmax.f32 v17, v21;
	v23 =	vmax.f32 v12, v23;
	v22 =	vmax.f32 v19, v14  }
0x33: {  	v12 =	vld.idx.msk [tilespmem:v0+s17+$0x510 ss:$0x1], $0xffff;
	v21 =	vmax.f32 v9, v10;
	v19 =	vmin.f32 v19, v14;
	v17 =	vmax.f32 v22, v16  }
0x34: {  	v9 =	vld.idx.msk [tilespmem:v0+s17+$0x300 ss:$0x1], $0xffff;
	v16 =	vmin.f32 v22, v16;
	v10 =	vmin.f32 v17, v13;
	v13 =	vmax.f32 v17, v13  }
0x35: {  	v22 =	vmax.f32 v24, v15;
	v17 =	vmin.f32 v18, v20;
	v20 =	vld.idx.msk [tilespmem:v0+s17+$0x0 ss:$0x1], $0xffff;
	v27 =	vmax.f32 v13, v3  }
0x36: {  	v24 =	vmax.f32 v22, v25;
	v18 =	vmax.f32 v21, v17;
	v21 =	vld.idx.msk [tilespmem:v0+s17+$0xFFFFFF00 ss:$0x1], $0xffff;
	v17 =	vmax.f32 v27, v26  }
0x37: {  	s18 =	sshll.u32 s16, $0x5;
	s19 =	simm.s32 $0x4000;
	v25 =	vmin.f32 v22, v25;
	v22 =	vld.idx.msk [tilespmem:v0+s17+$0x100 ss:$0x1], $0xffff;
	v14 =	vmin.f32 v27, v26;
	v15 =	vmax.f32 v17, v11  }
.LBB2_3:
0x38: {  	p0 =	sne.s32 s19, $0x2C000;
	v18 =	vmax.f32 v18, v19;
	v19 =	vld.idx.msk [tilespmem:v0+s17+$0x200 ss:$0x1], $0xffff;
	s17 =	sshra.s32 s19, $0x2;
	s19 =	sadd.s32 $0x4000, s19;
	v3 =	vmin.f32 v13, v3;
	v11 =	vmin.f32 v17, v11  }
0x39: {  	v17 =	vmax.f32 v23, v25;
	v23 =	vmin.f32 v24, v5;
	v13 =	vld.idx.msk [tilespmem:v0+s17+$0xFFFFFD10 ss:$0x1], $0xffff;
	v16 =	vmax.f32 v18, v16  }
0x3a: {  	v5 =	vmax.f32 v24, v5;
	v17 =	vmax.f32 v17, v23;
	v23 =	vmin.f32 v15, v12;
	v18 =	vld.idx.msk [tilespmem:v0+s17+$0xFFFFFC10 ss:$0x1], $0xffff  }
0x3b: {  	v12 =	vmax.f32 v15, v12;
	v25 =	vmax.f32 v5, v21;
	v5 =	vmin.f32 v5, v21;
	v24 =	vld.idx.msk [tilespmem:v0+s17+$0xFFFFFB10 ss:$0x1], $0xffff  }
0x3c: {  	v10 =	vmax.f32 v16, v10;
	v5 =	vmax.f32 v17, v5;
	v17 =	vmax.f32 v25, v20;
	v15 =	vld.idx.msk [tilespmem:v0+s17+$0xFFFFFA10 ss:$0x1], $0xffff  }
0x3d: {  	v20 =	vmin.f32 v25, v20;
	v3 =	vmax.f32 v10, v3;
	v21 =	vmin.f32 v17, v22;
	v16 =	vld.idx.msk [tilespmem:v0+s17+$0xFFFFF910 ss:$0x1], $0xffff  }
0x3e: {  	v5 =	vmax.f32 v5, v20;
	v17 =	vmax.f32 v17, v22;
	v3 =	vmax.f32 v3, v14;
	v10 =	vld.idx.msk [tilespmem:v0+s17+$0xFFFFF900 ss:$0x1], $0xffff  }
0x3f: {  	v5 =	vmax.f32 v5, v21;
	v20 =	vmin.f32 v17, v19;
	v3 =	vmax.f32 v3, v11;
	v14 =	vld.idx.msk [tilespmem:v0+s17+$0xFFFFFA00 ss:$0x1], $0xffff  }
0x40: {  	v17 =	vmax.f32 v17, v19;
	v19 =	vmax.f32 v5, v20;
	v5 =	vmax.f32 v12, v8;
	v11 =	vld.idx.msk [tilespmem:v0+s17+$0xFFFFF810 ss:$0x1], $0xffff  }
0x41: {  	v21 =	vmax.f32 v17, v9;
	v3 =	vmax.f32 v3, v23;
	v8 =	vmin.f32 v12, v8;
	v20 =	vld.idx.msk [tilespmem:v0+s17+$0xFFFFF800 ss:$0x1], $0xffff  }
0x42: {  	v9 =	vmin.f32 v17, v9;
	v12 =	vmax.f32 v21, v6;
	v17 =	vmax.f32 v5, v2;
	v22 =	vld.idx.msk [tilespmem:v0+s17+$0xFFFFFF10 ss:$0x1], $0xffff  }
0x43: {  	v2 =	vmin.f32 v5, v2;
	v23 =	vmax.f32 v12, v7;
	v7 =	vmin.f32 v12, v7;
	v25 =	vld.idx.msk [tilespmem:v0+s17+$0xFFFFFC00 ss:$0x1], $0xffff  }
0x44: {  	v6 =	vmin.f32 v21, v6;
	v12 =	vmax.f32 v23, v4;
	v4 =	vmin.f32 v23, v4;
	v26 =	vld.idx.msk [tilespmem:v0+s17+$0x10 ss:$0x1], $0xffff  }
0x45: {  	v9 =	vmax.f32 v19, v9;
	v8 =	vmax.f32 v3, v8;
	v19 =	vmin.f32 v12, v1;
	v5 =	vld.idx.msk [tilespmem:v0+s17+$0xFFFFFE00 ss:$0x1], $0xffff  }
0x46: {  	v6 =	vmax.f32 v9, v6;
	v21 =	vmax.f32 v17, v11;
	v11 =	vmin.f32 v17, v11;
	v17 =	vld.idx.msk [tilespmem:v0+s17+$0x110 ss:$0x1], $0xffff  }
0x47: {  	v6 =	vmax.f32 v6, v7;
	v1 =	vmax.f32 v12, v1;
	v9 =	vmin.f32 v21, v16;
	v3 =	vld.idx.msk [tilespmem:v0+s17+$0x210 ss:$0x1], $0xffff  }
0x48: {  	v2 =	vmax.f32 v8, v2;
	v7 =	vmin.f32 v1, v20;
	v12 =	vmax.f32 v21, v16;
	v27 =	vld.idx.msk [tilespmem:v0+s17+$0x310 ss:$0x1], $0xffff  }
0x49: {  	v4 =	vmax.f32 v6, v4;
	v8 =	vmax.f32 v12, v15;
	v12 =	vmin.f32 v12, v15;
	v15 =	vld.idx.msk [tilespmem:v0+s17+$0xFFFFFE10 ss:$0x1], $0xffff  }
0x4a: {  	v4 =	vmax.f32 v4, v19;
	v6 =	vmax.f32 v1, v20;
	v16 =	vmax.f32 v8, v24;
	v1 =	vld.idx.msk [tilespmem:v0+s17+$0x700 ss:$0x1], $0xffff  }
0x4b: {  	v2 =	vmax.f32 v2, v11;
	v11 =	vmin.f32 v6, v10;
	v8 =	vmin.f32 v8, v24;
	v19 =	vld.idx.msk [tilespmem:v0+s17+$0xFFFFFB00 ss:$0x1], $0xffff  }
0x4c: {  	v9 =	vmax.f32 v2, v9;
	v20 =	vmax.f32 v16, v18;
	v16 =	vmin.f32 v16, v18;
	v2 =	vld.idx.msk [tilespmem:v0+s17+$0x710 ss:$0x1], $0xffff  }
0x4d: {  	v7 =	vmax.f32 v4, v7;
	v10 =	vmax.f32 v6, v10;
	v6 =	vmax.f32 v9, v12;
	v4 =	vld.idx.msk [tilespmem:v0+s17+$0x600 ss:$0x1], $0xffff  }
0x4e: {  	v9 =	vmin.f32 v10, v14;
	v8 =	vmax.f32 v6, v8;
	v12 =	vmax.f32 v20, v13;
	v6 =	vld.idx.msk [tilespmem:v0+s17+$0x400 ss:$0x1], $0xffff  }
0x4f: {  	v11 =	vmax.f32 v7, v11;
	v13 =	vmin.f32 v20, v13;
	v20 =	vmax.f32 v12, v15;
	v7 =	vld.idx.msk [tilespmem:v0+s17+$0x500 ss:$0x1], $0xffff  }
0x50: {  	v10 =	vmax.f32 v10, v14;
	v14 =	vmax.f32 v11, v9;
	v24 =	vmax.f32 v20, v22;
	v11 =	vld.idx.msk [tilespmem:v0+s17+$0x410 ss:$0x1], $0xffff  }
0x51: {  	v8 =	vmax.f32 v8, v16;
	v28 =	vmax.f32 v10, v19;
	v16 =	vmax.f32 v24, v26;
	v29 =	vld.idx.msk [tilespmem:v0+s17+$0xFFFFFD00 ss:$0x1], $0xffff  }
0x52: {  	v18 =	vmin.f32 v10, v19;
	v19 =	vmax.f32 v8, v13;
	v10 =	vmin.f32 v16, v17;
	v9 =	vld.idx.msk [tilespmem:v0+s17+$0x300 ss:$0x1], $0xffff  }
.Ltmp0:
0x53: {  	v14 =	vmax.f32 v14, v18;
	v18 =	vmin.f32 v28, v25;
	v13 =	vmax.f32 v16, v17;
	v8 =	vld.idx.msk [tilespmem:v0+s17+$0x610 ss:$0x1], $0xffff;
	(pc) =	sbr.rel @p0 .LBB2_3-.Ltmp0, $4  }
0x54: {  	v23 =	vmax.f32 v14, v18;
	v14 =	vmin.f32 v12, v15;
	v30 =	vmax.f32 v13, v3;
	v12 =	vld.idx.msk [tilespmem:v0+s17+$0x510 ss:$0x1], $0xffff  }
0x55: {  	v16 =	vmin.f32 v24, v26;
	v18 =	vmax.f32 v19, v14;
	v17 =	vmax.f32 v30, v27;
	v21 =	vld.idx.msk [tilespmem:v0+s17+$0xFFFFFF00 ss:$0x1], $0xffff  }
0x56: {  	v14 =	vmax.f32 v28, v25;
	v19 =	vmin.f32 v20, v22;
	v15 =	vmax.f32 v17, v11;
	v20 =	vld.idx.msk [tilespmem:v0+s17+$0x0 ss:$0x1], $0xffff  }
0x57: {  	v24 =	vmax.f32 v14, v29;
	v25 =	vmin.f32 v14, v29;
	v14 =	vmin.f32 v30, v27;
	v22 =	vld.idx.msk [tilespmem:v0+s17+$0x100 ss:$0x1], $0xffff  }
0x58: {  	_ =	sdelay $0x3  }
0x59: {  	v0 =	vld.idx.msk [tilespmem:v0+s17+$0x200 ss:$0x1], $0xffff  }
0x5a: {  	v23 =	vmax.f32 v23, v25;
	v36 =	vmin.f32 v24, v5;
	v37 =	vmax.f32 v24, v5  }
0x5b: {  	v23 =	vmax.f32 v23, v36;
	v24 =	vmax.f32 v37, v21;
	v5 =	vmin.f32 v37, v21  }
0x5c: {  	v5 =	vmax.f32 v23, v5;
	v38 =	vmax.f32 v24, v20;
	v39 =	vmin.f32 v24, v20  }
0x5d: {  	v40 =	vmin.f32 v38, v22;
	v5 =	vmax.f32 v5, v39;
	v41 =	vmax.f32 v38, v22  }
0x5e: {  	v5 =	vmax.f32 v5, v40;
	v21 =	vmin.f32 v41, v0;
	v0 =	vmax.f32 v41, v0  }
0x5f: {  	v5 =	vmax.f32 v5, v21;
	v20 =	vmax.f32 v0, v9;
	v0 =	vmin.f32 v0, v9  }
0x60: {  	v42 =	vmax.f32 v20, v6;
	v43 =	vmin.f32 v20, v6;
	v0 =	vmax.f32 v5, v0  }
0x61: {  	v44 =	vmax.f32 v42, v7;
	v45 =	vmin.f32 v42, v7;
	v0 =	vmax.f32 v0, v43  }
0x62: {  	v46 =	vmax.f32 v44, v4;
	v47 =	vmin.f32 v44, v4;
	v0 =	vmax.f32 v0, v45  }
0x63: {  	v48 =	vmin.f32 v46, v1;
	v0 =	vmax.f32 v0, v47  }
0x64: {  	v49 =	vmax.f32 v46, v1;
	v0 =	vmax.f32 v0, v48  }
0x65: {  	v0 =	vsub.f32 v49, v0;
	_ =	sdelay $0x1  }
0x66: {  	v0 =	vmul.f32 $1.442695020e+00, v0;
	_ =	sdelay $0x1  }
0x67: {  	(erf) = vpow2.f32 v0;
	_ =	sdelay $0x1  }
0x68: {  	v50 =	vmax.f32 v18, v19  }
0x69: {  	v0 =	vmax.f32 v50, v16  }
0x6a: {  	v51 =	vmin.f32 v13, v3;
	v0 =	vmax.f32 v0, v10  }
0x6b: {  	v0 =	vmax.f32 v0, v51  }
0x6c: {  	v52 =	vmin.f32 v17, v11;
	v0 =	vmax.f32 v0, v14  }
0x6d: {  	v53 =	vmin.f32 v15, v12;
	v54 =	vmax.f32 v15, v12;
	v0 =	vmax.f32 v0, v52  }
0x6e: {  	v55 =	vmax.f32 v54, v8;
	v56 =	vmin.f32 v54, v8;
	v0 =	vmax.f32 v0, v53  }
0x6f: {  	v57 =	vmin.f32 v55, v2;
	v0 =	vmax.f32 v0, v56;
	v58 =	vpop (erf)  }
0x70: {  	v1 =	vmax.f32 v55, v2;
	v0 =	vmax.f32 v0, v57;
	v59 =	vsub.f32 $1.000000000e+00, v58  }
0x71: {  	v0 =	vsub.f32 v1, v0  }
0x72: {  	v60 =	vmul.f32 $1.442695020e+00, v59  }
0x73: {  	v0 =	vmul.f32 $1.442695020e+00, v0  }
0x74: {  	(erf) = vpow2.f32 v60  }
0x75: {  	(erf) = vpow2.f32 v0;
	_ =	sdelay $0x7  }
0x76: {  	v61 =	vpop (erf)  }
0x77: {  	v62 =	vpop (erf)  }
0x78: {  	v1 =	vsub.f32 $1.000000000e+00, v62;
	_ =	sdelay $0x1  }
0x79: {  	v1 =	vmul.f32 $1.442695020e+00, v1;
	_ =	sdelay $0x1  }
0x7a: {  	(erf) = vpow2.f32 v1;
	_ =	sdelay $0x3  }
0x7b: {  	s16 =	sadd.s32 $0x1, s16  }
0x7c: {  	p0 =	sne.s32 s16, $0x4  }
.Ltmp1:
0x7d: {  	_ = 	snop;
	(pc) =	sbr.rel @p0 .LBB2_2-.Ltmp1, $3  }
0x7e: {  	_ =	sdelay $0x1  }
0x7f: {  	[tilespmem:s18+$0x18000] =	vst v61;
	v63 =	vpop (erf)  }
0x80: {  	s15 =	sadd.s32 $0x20, s15;
	[tilespmem:s18+$0x18010] =	vst v63  }
0x81: {  	s15 =	simm.s32 $0x0;
	s16 =	simm.s32 $0x880  }
.LBB2_6:
0x82: {  	v0 =	vmov s16;
	_ =	sdelay $0x3  }
0x83: {  	s17 =	simm.s32 $0x0  }
0x84: {  	v7 =	vld.idx.msk [tilespmem:v0+s17+$0xFFFFFD10 ss:$0x1], $0xffff  }
0x85: {  	v2 =	vld.idx.msk [tilespmem:v0+s17+$0xFFFFFC10 ss:$0x1], $0xffff  }
0x86: {  	v4 =	vld.idx.msk [tilespmem:v0+s17+$0xFFFFFB10 ss:$0x1], $0xffff  }
0x87: {  	v1 =	vld.idx.msk [tilespmem:v0+s17+$0xFFFFFA10 ss:$0x1], $0xffff  }
0x88: {  	v6 =	vld.idx.msk [tilespmem:v0+s17+$0xFFFFF910 ss:$0x1], $0xffff  }
0x89: {  	v8 =	vld.idx.msk [tilespmem:v0+s17+$0xFFFFF900 ss:$0x1], $0xffff  }
0x8a: {  	v9 =	vld.idx.msk [tilespmem:v0+s17+$0xFFFFFA00 ss:$0x1], $0xffff  }
0x8b: {  	v10 =	vld.idx.msk [tilespmem:v0+s17+$0xFFFFF810 ss:$0x1], $0xffff  }
0x8c: {  	v11 =	vld.idx.msk [tilespmem:v0+s17+$0xFFFFF800 ss:$0x1], $0xffff  }
0x8d: {  	v14 =	vld.idx.msk [tilespmem:v0+s17+$0xFFFFFF10 ss:$0x1], $0xffff  }
0x8e: {  	v15 =	vld.idx.msk [tilespmem:v0+s17+$0xFFFFFC00 ss:$0x1], $0xffff  }
0x8f: {  	v16 =	vld.idx.msk [tilespmem:v0+s17+$0x10 ss:$0x1], $0xffff  }
0x90: {  	v5 =	vld.idx.msk [tilespmem:v0+s17+$0xFFFFFE00 ss:$0x1], $0xffff  }
0x91: {  	v12 =	vimm.f32 $-Inf;
	v13 =	vld.idx.msk [tilespmem:v0+s17+$0x110 ss:$0x1], $0xffff  }
0x92: {  	v3 =	vld.idx.msk [tilespmem:v0+s17+$0x210 ss:$0x1], $0xffff;
	v17 =	vmax.f32 v12, v10  }
0x93: {  	v26 =	vld.idx.msk [tilespmem:v0+s17+$0x310 ss:$0x1], $0xffff;
	v10 =	vmin.f32 v12, v10;
	v18 =	vmax.f32 v17, v6  }
0x94: {  	v20 =	vld.idx.msk [tilespmem:v0+s17+$0xFFFFFE10 ss:$0x1], $0xffff;
	v6 =	vmin.f32 v17, v6;
	v17 =	vmin.f32 v12, v11;
	v11 =	vmax.f32 v12, v11  }
0x95: {  	v23 =	vld.idx.msk [tilespmem:v0+s17+$0xFFFFFB00 ss:$0x1], $0xffff;
	v10 =	vmax.f32 v12, v10;
	v19 =	vmax.f32 v18, v1;
	v18 =	vmin.f32 v18, v1  }
0x96: {  	v25 =	vld.idx.msk [tilespmem:v0+s17+$0xFFFFFD00 ss:$0x1], $0xffff;
	v22 =	vmin.f32 v11, v8;
	v12 =	vmax.f32 v12, v17;
	v8 =	vmax.f32 v11, v8  }
0x97: {  	v1 =	vld.idx.msk [tilespmem:v0+s17+$0x700 ss:$0x1], $0xffff;
	v21 =	vmax.f32 v19, v4;
	v19 =	vmin.f32 v19, v4;
	v4 =	vmax.f32 v10, v6  }
0x98: {  	v11 =	vmin.f32 v8, v9;
	v10 =	vmax.f32 v21, v2;
	v21 =	vmin.f32 v21, v2;
	v2 =	vld.idx.msk [tilespmem:v0+s17+$0x710 ss:$0x1], $0xffff  }
0x99: {  	v12 =	vmax.f32 v12, v22;
	v8 =	vmax.f32 v8, v9;
	v6 =	vmax.f32 v4, v18;
	v4 =	vld.idx.msk [tilespmem:v0+s17+$0x600 ss:$0x1], $0xffff  }
0x9a: {  	v12 =	vmax.f32 v12, v11;
	v11 =	vld.idx.msk [tilespmem:v0+s17+$0x410 ss:$0x1], $0xffff;
	v24 =	vmax.f32 v8, v23;
	v8 =	vmin.f32 v8, v23  }
0x9b: {  	v17 =	vmax.f32 v6, v19;
	v18 =	vmax.f32 v10, v7;
	v6 =	vld.idx.msk [tilespmem:v0+s17+$0x400 ss:$0x1], $0xffff;
	v10 =	vmin.f32 v10, v7  }
0x9c: {  	v7 =	vld.idx.msk [tilespmem:v0+s17+$0x500 ss:$0x1], $0xffff;
	v12 =	vmax.f32 v12, v8;
	v23 =	vmin.f32 v24, v15;
	v19 =	vmax.f32 v18, v20  }
0x9d: {  	v8 =	vld.idx.msk [tilespmem:v0+s17+$0x610 ss:$0x1], $0xffff;
	v9 =	vmax.f32 v17, v21;
	v23 =	vmax.f32 v12, v23;
	v22 =	vmax.f32 v19, v14  }
0x9e: {  	v12 =	vld.idx.msk [tilespmem:v0+s17+$0x510 ss:$0x1], $0xffff;
	v21 =	vmax.f32 v9, v10;
	v19 =	vmin.f32 v19, v14;
	v17 =	vmax.f32 v22, v16  }
0x9f: {  	v9 =	vld.idx.msk [tilespmem:v0+s17+$0x300 ss:$0x1], $0xffff;
	v16 =	vmin.f32 v22, v16;
	v10 =	vmin.f32 v17, v13;
	v13 =	vmax.f32 v17, v13  }
0xa0: {  	v22 =	vmax.f32 v24, v15;
	v17 =	vmin.f32 v18, v20;
	v20 =	vld.idx.msk [tilespmem:v0+s17+$0x0 ss:$0x1], $0xffff;
	v27 =	vmax.f32 v13, v3  }
0xa1: {  	v24 =	vmax.f32 v22, v25;
	v18 =	vmax.f32 v21, v17;
	v21 =	vld.idx.msk [tilespmem:v0+s17+$0xFFFFFF00 ss:$0x1], $0xffff;
	v17 =	vmax.f32 v27, v26  }
0xa2: {  	s18 =	sshll.u32 s15, $0x5;
	s19 =	simm.s32 $0x4000;
	v25 =	vmin.f32 v22, v25;
	v22 =	vld.idx.msk [tilespmem:v0+s17+$0x100 ss:$0x1], $0xffff;
	v14 =	vmin.f32 v27, v26;
	v15 =	vmax.f32 v17, v11  }
.LBB2_7:
0xa3: {  	p0 =	sne.s32 s19, $0x2C000;
	v18 =	vmax.f32 v18, v19;
	v19 =	vld.idx.msk [tilespmem:v0+s17+$0x200 ss:$0x1], $0xffff;
	s17 =	sshra.s32 s19, $0x2;
	s19 =	sadd.s32 $0x4000, s19;
	v3 =	vmin.f32 v13, v3;
	v11 =	vmin.f32 v17, v11  }
0xa4: {  	v17 =	vmax.f32 v23, v25;
	v23 =	vmin.f32 v24, v5;
	v13 =	vld.idx.msk [tilespmem:v0+s17+$0xFFFFFD10 ss:$0x1], $0xffff;
	v16 =	vmax.f32 v18, v16  }
0xa5: {  	v5 =	vmax.f32 v24, v5;
	v17 =	vmax.f32 v17, v23;
	v23 =	vmin.f32 v15, v12;
	v18 =	vld.idx.msk [tilespmem:v0+s17+$0xFFFFFC10 ss:$0x1], $0xffff  }
0xa6: {  	v12 =	vmax.f32 v15, v12;
	v25 =	vmax.f32 v5, v21;
	v5 =	vmin.f32 v5, v21;
	v24 =	vld.idx.msk [tilespmem:v0+s17+$0xFFFFFB10 ss:$0x1], $0xffff  }
0xa7: {  	v10 =	vmax.f32 v16, v10;
	v5 =	vmax.f32 v17, v5;
	v17 =	vmax.f32 v25, v20;
	v15 =	vld.idx.msk [tilespmem:v0+s17+$0xFFFFFA10 ss:$0x1], $0xffff  }
0xa8: {  	v20 =	vmin.f32 v25, v20;
	v3 =	vmax.f32 v10, v3;
	v21 =	vmin.f32 v17, v22;
	v16 =	vld.idx.msk [tilespmem:v0+s17+$0xFFFFF910 ss:$0x1], $0xffff  }
0xa9: {  	v5 =	vmax.f32 v5, v20;
	v17 =	vmax.f32 v17, v22;
	v3 =	vmax.f32 v3, v14;
	v10 =	vld.idx.msk [tilespmem:v0+s17+$0xFFFFF900 ss:$0x1], $0xffff  }
0xaa: {  	v5 =	vmax.f32 v5, v21;
	v20 =	vmin.f32 v17, v19;
	v3 =	vmax.f32 v3, v11;
	v14 =	vld.idx.msk [tilespmem:v0+s17+$0xFFFFFA00 ss:$0x1], $0xffff  }
0xab: {  	v17 =	vmax.f32 v17, v19;
	v19 =	vmax.f32 v5, v20;
	v5 =	vmax.f32 v12, v8;
	v11 =	vld.idx.msk [tilespmem:v0+s17+$0xFFFFF810 ss:$0x1], $0xffff  }
0xac: {  	v21 =	vmax.f32 v17, v9;
	v3 =	vmax.f32 v3, v23;
	v8 =	vmin.f32 v12, v8;
	v20 =	vld.idx.msk [tilespmem:v0+s17+$0xFFFFF800 ss:$0x1], $0xffff  }
0xad: {  	v9 =	vmin.f32 v17, v9;
	v12 =	vmax.f32 v21, v6;
	v17 =	vmax.f32 v5, v2;
	v22 =	vld.idx.msk [tilespmem:v0+s17+$0xFFFFFF10 ss:$0x1], $0xffff  }
0xae: {  	v2 =	vmin.f32 v5, v2;
	v23 =	vmax.f32 v12, v7;
	v7 =	vmin.f32 v12, v7;
	v25 =	vld.idx.msk [tilespmem:v0+s17+$0xFFFFFC00 ss:$0x1], $0xffff  }
0xaf: {  	v6 =	vmin.f32 v21, v6;
	v12 =	vmax.f32 v23, v4;
	v4 =	vmin.f32 v23, v4;
	v26 =	vld.idx.msk [tilespmem:v0+s17+$0x10 ss:$0x1], $0xffff  }
0xb0: {  	v9 =	vmax.f32 v19, v9;
	v8 =	vmax.f32 v3, v8;
	v19 =	vmin.f32 v12, v1;
	v5 =	vld.idx.msk [tilespmem:v0+s17+$0xFFFFFE00 ss:$0x1], $0xffff  }
0xb1: {  	v6 =	vmax.f32 v9, v6;
	v21 =	vmax.f32 v17, v11;
	v11 =	vmin.f32 v17, v11;
	v17 =	vld.idx.msk [tilespmem:v0+s17+$0x110 ss:$0x1], $0xffff  }
0xb2: {  	v6 =	vmax.f32 v6, v7;
	v1 =	vmax.f32 v12, v1;
	v9 =	vmin.f32 v21, v16;
	v3 =	vld.idx.msk [tilespmem:v0+s17+$0x210 ss:$0x1], $0xffff  }
0xb3: {  	v2 =	vmax.f32 v8, v2;
	v7 =	vmin.f32 v1, v20;
	v12 =	vmax.f32 v21, v16;
	v27 =	vld.idx.msk [tilespmem:v0+s17+$0x310 ss:$0x1], $0xffff  }
0xb4: {  	v4 =	vmax.f32 v6, v4;
	v8 =	vmax.f32 v12, v15;
	v12 =	vmin.f32 v12, v15;
	v15 =	vld.idx.msk [tilespmem:v0+s17+$0xFFFFFE10 ss:$0x1], $0xffff  }
0xb5: {  	v4 =	vmax.f32 v4, v19;
	v6 =	vmax.f32 v1, v20;
	v16 =	vmax.f32 v8, v24;
	v1 =	vld.idx.msk [tilespmem:v0+s17+$0x700 ss:$0x1], $0xffff  }
0xb6: {  	v2 =	vmax.f32 v2, v11;
	v11 =	vmin.f32 v6, v10;
	v8 =	vmin.f32 v8, v24;
	v19 =	vld.idx.msk [tilespmem:v0+s17+$0xFFFFFB00 ss:$0x1], $0xffff  }
0xb7: {  	v9 =	vmax.f32 v2, v9;
	v20 =	vmax.f32 v16, v18;
	v16 =	vmin.f32 v16, v18;
	v2 =	vld.idx.msk [tilespmem:v0+s17+$0x710 ss:$0x1], $0xffff  }
0xb8: {  	v7 =	vmax.f32 v4, v7;
	v10 =	vmax.f32 v6, v10;
	v6 =	vmax.f32 v9, v12;
	v4 =	vld.idx.msk [tilespmem:v0+s17+$0x600 ss:$0x1], $0xffff  }
0xb9: {  	v9 =	vmin.f32 v10, v14;
	v8 =	vmax.f32 v6, v8;
	v12 =	vmax.f32 v20, v13;
	v6 =	vld.idx.msk [tilespmem:v0+s17+$0x400 ss:$0x1], $0xffff  }
0xba: {  	v11 =	vmax.f32 v7, v11;
	v13 =	vmin.f32 v20, v13;
	v20 =	vmax.f32 v12, v15;
	v7 =	vld.idx.msk [tilespmem:v0+s17+$0x500 ss:$0x1], $0xffff  }
0xbb: {  	v10 =	vmax.f32 v10, v14;
	v14 =	vmax.f32 v11, v9;
	v24 =	vmax.f32 v20, v22;
	v11 =	vld.idx.msk [tilespmem:v0+s17+$0x410 ss:$0x1], $0xffff  }
0xbc: {  	v8 =	vmax.f32 v8, v16;
	v28 =	vmax.f32 v10, v19;
	v16 =	vmax.f32 v24, v26;
	v29 =	vld.idx.msk [tilespmem:v0+s17+$0xFFFFFD00 ss:$0x1], $0xffff  }
0xbd: {  	v18 =	vmin.f32 v10, v19;
	v19 =	vmax.f32 v8, v13;
	v10 =	vmin.f32 v16, v17;
	v9 =	vld.idx.msk [tilespmem:v0+s17+$0x300 ss:$0x1], $0xffff  }
.Ltmp2:
0xbe: {  	v14 =	vmax.f32 v14, v18;
	v18 =	vmin.f32 v28, v25;
	v13 =	vmax.f32 v16, v17;
	v8 =	vld.idx.msk [tilespmem:v0+s17+$0x610 ss:$0x1], $0xffff;
	(pc) =	sbr.rel @p0 .LBB2_7-.Ltmp2, $4  }
0xbf: {  	v23 =	vmax.f32 v14, v18;
	v14 =	vmin.f32 v12, v15;
	v30 =	vmax.f32 v13, v3;
	v12 =	vld.idx.msk [tilespmem:v0+s17+$0x510 ss:$0x1], $0xffff  }
0xc0: {  	v16 =	vmin.f32 v24, v26;
	v18 =	vmax.f32 v19, v14;
	v17 =	vmax.f32 v30, v27;
	v21 =	vld.idx.msk [tilespmem:v0+s17+$0xFFFFFF00 ss:$0x1], $0xffff  }
0xc1: {  	v14 =	vmax.f32 v28, v25;
	v19 =	vmin.f32 v20, v22;
	v15 =	vmax.f32 v17, v11;
	v20 =	vld.idx.msk [tilespmem:v0+s17+$0x0 ss:$0x1], $0xffff  }
0xc2: {  	v24 =	vmax.f32 v14, v29;
	v25 =	vmin.f32 v14, v29;
	v14 =	vmin.f32 v30, v27;
	v22 =	vld.idx.msk [tilespmem:v0+s17+$0x100 ss:$0x1], $0xffff  }
0xc3: {  	_ =	sdelay $0x3  }
0xc4: {  	v0 =	vld.idx.msk [tilespmem:v0+s17+$0x200 ss:$0x1], $0xffff  }
0xc5: {  	v23 =	vmax.f32 v23, v25;
	v36 =	vmin.f32 v24, v5;
	v37 =	vmax.f32 v24, v5  }
0xc6: {  	v23 =	vmax.f32 v23, v36;
	v24 =	vmax.f32 v37, v21;
	v5 =	vmin.f32 v37, v21  }
0xc7: {  	v5 =	vmax.f32 v23, v5;
	v38 =	vmax.f32 v24, v20;
	v39 =	vmin.f32 v24, v20  }
0xc8: {  	v40 =	vmin.f32 v38, v22;
	v5 =	vmax.f32 v5, v39;
	v41 =	vmax.f32 v38, v22  }
0xc9: {  	v5 =	vmax.f32 v5, v40;
	v21 =	vmin.f32 v41, v0;
	v0 =	vmax.f32 v41, v0  }
0xca: {  	v5 =	vmax.f32 v5, v21;
	v20 =	vmax.f32 v0, v9;
	v0 =	vmin.f32 v0, v9  }
0xcb: {  	v42 =	vmax.f32 v20, v6;
	v43 =	vmin.f32 v20, v6;
	v0 =	vmax.f32 v5, v0  }
0xcc: {  	v44 =	vmax.f32 v42, v7;
	v45 =	vmin.f32 v42, v7;
	v0 =	vmax.f32 v0, v43  }
0xcd: {  	v46 =	vmax.f32 v44, v4;
	v47 =	vmin.f32 v44, v4;
	v0 =	vmax.f32 v0, v45  }
0xce: {  	v48 =	vmin.f32 v46, v1;
	v0 =	vmax.f32 v0, v47  }
0xcf: {  	v49 =	vmax.f32 v46, v1;
	v0 =	vmax.f32 v0, v48  }
0xd0: {  	v0 =	vsub.f32 v49, v0;
	_ =	sdelay $0x1  }
0xd1: {  	v0 =	vmul.f32 $1.442695020e+00, v0;
	_ =	sdelay $0x1  }
0xd2: {  	(erf) = vpow2.f32 v0;
	_ =	sdelay $0x1  }
0xd3: {  	v50 =	vmax.f32 v18, v19  }
0xd4: {  	v0 =	vmax.f32 v50, v16  }
0xd5: {  	v51 =	vmin.f32 v13, v3;
	v0 =	vmax.f32 v0, v10  }
0xd6: {  	v0 =	vmax.f32 v0, v51  }
0xd7: {  	v52 =	vmin.f32 v17, v11;
	v0 =	vmax.f32 v0, v14  }
0xd8: {  	v53 =	vmin.f32 v15, v12;
	v54 =	vmax.f32 v15, v12;
	v0 =	vmax.f32 v0, v52  }
0xd9: {  	v55 =	vmax.f32 v54, v8;
	v56 =	vmin.f32 v54, v8;
	v0 =	vmax.f32 v0, v53  }
0xda: {  	v57 =	vmin.f32 v55, v2;
	v0 =	vmax.f32 v0, v56;
	v58 =	vpop (erf)  }
0xdb: {  	v1 =	vmax.f32 v55, v2;
	v0 =	vmax.f32 v0, v57;
	v59 =	vsub.f32 $1.000000000e+00, v58  }
0xdc: {  	v0 =	vsub.f32 v1, v0  }
0xdd: {  	v60 =	vmul.f32 $1.442695020e+00, v59  }
0xde: {  	v0 =	vmul.f32 $1.442695020e+00, v0  }
0xdf: {  	(erf) = vpow2.f32 v60  }
0xe0: {  	(erf) = vpow2.f32 v0;
	_ =	sdelay $0x7  }
0xe1: {  	v61 =	vpop (erf)  }
0xe2: {  	v62 =	vpop (erf)  }
0xe3: {  	v1 =	vsub.f32 $1.000000000e+00, v62;
	_ =	sdelay $0x1  }
0xe4: {  	v1 =	vmul.f32 $1.442695020e+00, v1;
	_ =	sdelay $0x1  }
0xe5: {  	(erf) = vpow2.f32 v1;
	_ =	sdelay $0x3  }
0xe6: {  	s15 =	sadd.s32 $0x1, s15  }
0xe7: {  	p0 =	sne.s32 s15, $0x4  }
.Ltmp3:
0xe8: {  	_ = 	snop;
	(pc) =	sbr.rel @p0 .LBB2_6-.Ltmp3, $3  }
0xe9: {  	_ =	sdelay $0x1  }
0xea: {  	[tilespmem:s18+$0x18080] =	vst v61;
	v63 =	vpop (erf)  }
0xeb: {  	s16 =	sadd.s32 $0x20, s16;
	[tilespmem:s18+$0x18090] =	vst v63  }
0xec: {  	_ =	swait.ge [sflag:s11], $0xC000  }
0xed: {  	[sflag:s11] =	ssyncset.done $0x0  }
0xee: {  	s15 =	simm.s32 $0x0;
	s16 =	simm.s32 $0xC800;
	[sflag:s11] =	ssyncadd.s32 $0xFFFF4000  }
.LBB2_10:
0xef: {  	v0 =	vmov s16;
	_ =	sdelay $0x3  }
0xf0: {  	s17 =	simm.s32 $0x0  }
0xf1: {  	v7 =	vld.idx.msk [tilespmem:v0+s17+$0xFFFFFD10 ss:$0x1], $0xffff  }
0xf2: {  	v2 =	vld.idx.msk [tilespmem:v0+s17+$0xFFFFFC10 ss:$0x1], $0xffff  }
0xf3: {  	v4 =	vld.idx.msk [tilespmem:v0+s17+$0xFFFFFB10 ss:$0x1], $0xffff  }
0xf4: {  	v1 =	vld.idx.msk [tilespmem:v0+s17+$0xFFFFFA10 ss:$0x1], $0xffff  }
0xf5: {  	v6 =	vld.idx.msk [tilespmem:v0+s17+$0xFFFFF910 ss:$0x1], $0xffff  }
0xf6: {  	v8 =	vld.idx.msk [tilespmem:v0+s17+$0xFFFFF900 ss:$0x1], $0xffff  }
0xf7: {  	v9 =	vld.idx.msk [tilespmem:v0+s17+$0xFFFFFA00 ss:$0x1], $0xffff  }
0xf8: {  	v10 =	vld.idx.msk [tilespmem:v0+s17+$0xFFFFF810 ss:$0x1], $0xffff  }
0xf9: {  	v11 =	vld.idx.msk [tilespmem:v0+s17+$0xFFFFF800 ss:$0x1], $0xffff  }
0xfa: {  	v14 =	vld.idx.msk [tilespmem:v0+s17+$0xFFFFFF10 ss:$0x1], $0xffff  }
0xfb: {  	v15 =	vld.idx.msk [tilespmem:v0+s17+$0xFFFFFC00 ss:$0x1], $0xffff  }
0xfc: {  	v16 =	vld.idx.msk [tilespmem:v0+s17+$0x10 ss:$0x1], $0xffff  }
0xfd: {  	v5 =	vld.idx.msk [tilespmem:v0+s17+$0xFFFFFE00 ss:$0x1], $0xffff  }
0xfe: {  	v12 =	vimm.f32 $-Inf;
	v13 =	vld.idx.msk [tilespmem:v0+s17+$0x110 ss:$0x1], $0xffff  }
0xff: {  	v3 =	vld.idx.msk [tilespmem:v0+s17+$0x210 ss:$0x1], $0xffff;
	v17 =	vmax.f32 v12, v10  }
0x100: {  	v26 =	vld.idx.msk [tilespmem:v0+s17+$0x310 ss:$0x1], $0xffff;
	v10 =	vmin.f32 v12, v10;
	v18 =	vmax.f32 v17, v6  }
0x101: {  	v20 =	vld.idx.msk [tilespmem:v0+s17+$0xFFFFFE10 ss:$0x1], $0xffff;
	v6 =	vmin.f32 v17, v6;
	v17 =	vmin.f32 v12, v11;
	v11 =	vmax.f32 v12, v11  }
0x102: {  	v23 =	vld.idx.msk [tilespmem:v0+s17+$0xFFFFFB00 ss:$0x1], $0xffff;
	v10 =	vmax.f32 v12, v10;
	v19 =	vmax.f32 v18, v1;
	v18 =	vmin.f32 v18, v1  }
0x103: {  	v25 =	vld.idx.msk [tilespmem:v0+s17+$0xFFFFFD00 ss:$0x1], $0xffff;
	v22 =	vmin.f32 v11, v8;
	v12 =	vmax.f32 v12, v17;
	v8 =	vmax.f32 v11, v8  }
0x104: {  	v1 =	vld.idx.msk [tilespmem:v0+s17+$0x700 ss:$0x1], $0xffff;
	v21 =	vmax.f32 v19, v4;
	v19 =	vmin.f32 v19, v4;
	v4 =	vmax.f32 v10, v6  }
0x105: {  	v11 =	vmin.f32 v8, v9;
	v10 =	vmax.f32 v21, v2;
	v21 =	vmin.f32 v21, v2;
	v2 =	vld.idx.msk [tilespmem:v0+s17+$0x710 ss:$0x1], $0xffff  }
0x106: {  	v12 =	vmax.f32 v12, v22;
	v8 =	vmax.f32 v8, v9;
	v6 =	vmax.f32 v4, v18;
	v4 =	vld.idx.msk [tilespmem:v0+s17+$0x600 ss:$0x1], $0xffff  }
0x107: {  	v12 =	vmax.f32 v12, v11;
	v11 =	vld.idx.msk [tilespmem:v0+s17+$0x410 ss:$0x1], $0xffff;
	v24 =	vmax.f32 v8, v23;
	v8 =	vmin.f32 v8, v23  }
0x108: {  	v17 =	vmax.f32 v6, v19;
	v18 =	vmax.f32 v10, v7;
	v6 =	vld.idx.msk [tilespmem:v0+s17+$0x400 ss:$0x1], $0xffff;
	v10 =	vmin.f32 v10, v7  }
0x109: {  	v7 =	vld.idx.msk [tilespmem:v0+s17+$0x500 ss:$0x1], $0xffff;
	v12 =	vmax.f32 v12, v8;
	v23 =	vmin.f32 v24, v15;
	v19 =	vmax.f32 v18, v20  }
0x10a: {  	v8 =	vld.idx.msk [tilespmem:v0+s17+$0x610 ss:$0x1], $0xffff;
	v9 =	vmax.f32 v17, v21;
	v23 =	vmax.f32 v12, v23;
	v22 =	vmax.f32 v19, v14  }
0x10b: {  	v12 =	vld.idx.msk [tilespmem:v0+s17+$0x510 ss:$0x1], $0xffff;
	v21 =	vmax.f32 v9, v10;
	v19 =	vmin.f32 v19, v14;
	v17 =	vmax.f32 v22, v16  }
0x10c: {  	v9 =	vld.idx.msk [tilespmem:v0+s17+$0x300 ss:$0x1], $0xffff;
	v16 =	vmin.f32 v22, v16;
	v10 =	vmin.f32 v17, v13;
	v13 =	vmax.f32 v17, v13  }
0x10d: {  	v22 =	vmax.f32 v24, v15;
	v17 =	vmin.f32 v18, v20;
	v20 =	vld.idx.msk [tilespmem:v0+s17+$0x0 ss:$0x1], $0xffff;
	v27 =	vmax.f32 v13, v3  }
0x10e: {  	v24 =	vmax.f32 v22, v25;
	v18 =	vmax.f32 v21, v17;
	v21 =	vld.idx.msk [tilespmem:v0+s17+$0xFFFFFF00 ss:$0x1], $0xffff;
	v17 =	vmax.f32 v27, v26  }
0x10f: {  	s18 =	sshll.u32 s15, $0x5;
	s19 =	simm.s32 $0x4000;
	v25 =	vmin.f32 v22, v25;
	v22 =	vld.idx.msk [tilespmem:v0+s17+$0x100 ss:$0x1], $0xffff;
	v14 =	vmin.f32 v27, v26;
	v15 =	vmax.f32 v17, v11  }
.LBB2_11:
0x110: {  	p0 =	sne.s32 s19, $0x2C000;
	v18 =	vmax.f32 v18, v19;
	v19 =	vld.idx.msk [tilespmem:v0+s17+$0x200 ss:$0x1], $0xffff;
	s17 =	sshra.s32 s19, $0x2;
	s19 =	sadd.s32 $0x4000, s19;
	v3 =	vmin.f32 v13, v3;
	v11 =	vmin.f32 v17, v11  }
0x111: {  	v17 =	vmax.f32 v23, v25;
	v23 =	vmin.f32 v24, v5;
	v13 =	vld.idx.msk [tilespmem:v0+s17+$0xFFFFFD10 ss:$0x1], $0xffff;
	v16 =	vmax.f32 v18, v16  }
0x112: {  	v5 =	vmax.f32 v24, v5;
	v17 =	vmax.f32 v17, v23;
	v23 =	vmin.f32 v15, v12;
	v18 =	vld.idx.msk [tilespmem:v0+s17+$0xFFFFFC10 ss:$0x1], $0xffff  }
0x113: {  	v12 =	vmax.f32 v15, v12;
	v25 =	vmax.f32 v5, v21;
	v5 =	vmin.f32 v5, v21;
	v24 =	vld.idx.msk [tilespmem:v0+s17+$0xFFFFFB10 ss:$0x1], $0xffff  }
0x114: {  	v10 =	vmax.f32 v16, v10;
	v5 =	vmax.f32 v17, v5;
	v17 =	vmax.f32 v25, v20;
	v15 =	vld.idx.msk [tilespmem:v0+s17+$0xFFFFFA10 ss:$0x1], $0xffff  }
0x115: {  	v20 =	vmin.f32 v25, v20;
	v3 =	vmax.f32 v10, v3;
	v21 =	vmin.f32 v17, v22;
	v16 =	vld.idx.msk [tilespmem:v0+s17+$0xFFFFF910 ss:$0x1], $0xffff  }
0x116: {  	v5 =	vmax.f32 v5, v20;
	v17 =	vmax.f32 v17, v22;
	v3 =	vmax.f32 v3, v14;
	v10 =	vld.idx.msk [tilespmem:v0+s17+$0xFFFFF900 ss:$0x1], $0xffff  }
0x117: {  	v5 =	vmax.f32 v5, v21;
	v20 =	vmin.f32 v17, v19;
	v3 =	vmax.f32 v3, v11;
	v14 =	vld.idx.msk [tilespmem:v0+s17+$0xFFFFFA00 ss:$0x1], $0xffff  }
0x118: {  	v17 =	vmax.f32 v17, v19;
	v19 =	vmax.f32 v5, v20;
	v5 =	vmax.f32 v12, v8;
	v11 =	vld.idx.msk [tilespmem:v0+s17+$0xFFFFF810 ss:$0x1], $0xffff  }
0x119: {  	v21 =	vmax.f32 v17, v9;
	v3 =	vmax.f32 v3, v23;
	v8 =	vmin.f32 v12, v8;
	v20 =	vld.idx.msk [tilespmem:v0+s17+$0xFFFFF800 ss:$0x1], $0xffff  }
0x11a: {  	v9 =	vmin.f32 v17, v9;
	v12 =	vmax.f32 v21, v6;
	v17 =	vmax.f32 v5, v2;
	v22 =	vld.idx.msk [tilespmem:v0+s17+$0xFFFFFF10 ss:$0x1], $0xffff  }
0x11b: {  	v2 =	vmin.f32 v5, v2;
	v23 =	vmax.f32 v12, v7;
	v7 =	vmin.f32 v12, v7;
	v25 =	vld.idx.msk [tilespmem:v0+s17+$0xFFFFFC00 ss:$0x1], $0xffff  }
0x11c: {  	v6 =	vmin.f32 v21, v6;
	v12 =	vmax.f32 v23, v4;
	v4 =	vmin.f32 v23, v4;
	v26 =	vld.idx.msk [tilespmem:v0+s17+$0x10 ss:$0x1], $0xffff  }
0x11d: {  	v9 =	vmax.f32 v19, v9;
	v8 =	vmax.f32 v3, v8;
	v19 =	vmin.f32 v12, v1;
	v5 =	vld.idx.msk [tilespmem:v0+s17+$0xFFFFFE00 ss:$0x1], $0xffff  }
0x11e: {  	v6 =	vmax.f32 v9, v6;
	v21 =	vmax.f32 v17, v11;
	v11 =	vmin.f32 v17, v11;
	v17 =	vld.idx.msk [tilespmem:v0+s17+$0x110 ss:$0x1], $0xffff  }
0x11f: {  	v6 =	vmax.f32 v6, v7;
	v1 =	vmax.f32 v12, v1;
	v9 =	vmin.f32 v21, v16;
	v3 =	vld.idx.msk [tilespmem:v0+s17+$0x210 ss:$0x1], $0xffff  }
0x120: {  	v2 =	vmax.f32 v8, v2;
	v7 =	vmin.f32 v1, v20;
	v12 =	vmax.f32 v21, v16;
	v27 =	vld.idx.msk [tilespmem:v0+s17+$0x310 ss:$0x1], $0xffff  }
0x121: {  	v4 =	vmax.f32 v6, v4;
	v8 =	vmax.f32 v12, v15;
	v12 =	vmin.f32 v12, v15;
	v15 =	vld.idx.msk [tilespmem:v0+s17+$0xFFFFFE10 ss:$0x1], $0xffff  }
0x122: {  	v4 =	vmax.f32 v4, v19;
	v6 =	vmax.f32 v1, v20;
	v16 =	vmax.f32 v8, v24;
	v1 =	vld.idx.msk [tilespmem:v0+s17+$0x700 ss:$0x1], $0xffff  }
0x123: {  	v2 =	vmax.f32 v2, v11;
	v11 =	vmin.f32 v6, v10;
	v8 =	vmin.f32 v8, v24;
	v19 =	vld.idx.msk [tilespmem:v0+s17+$0xFFFFFB00 ss:$0x1], $0xffff  }
0x124: {  	v9 =	vmax.f32 v2, v9;
	v20 =	vmax.f32 v16, v18;
	v16 =	vmin.f32 v16, v18;
	v2 =	vld.idx.msk [tilespmem:v0+s17+$0x710 ss:$0x1], $0xffff  }
0x125: {  	v7 =	vmax.f32 v4, v7;
	v10 =	vmax.f32 v6, v10;
	v6 =	vmax.f32 v9, v12;
	v4 =	vld.idx.msk [tilespmem:v0+s17+$0x600 ss:$0x1], $0xffff  }
0x126: {  	v9 =	vmin.f32 v10, v14;
	v8 =	vmax.f32 v6, v8;
	v12 =	vmax.f32 v20, v13;
	v6 =	vld.idx.msk [tilespmem:v0+s17+$0x400 ss:$0x1], $0xffff  }
0x127: {  	v11 =	vmax.f32 v7, v11;
	v13 =	vmin.f32 v20, v13;
	v20 =	vmax.f32 v12, v15;
	v7 =	vld.idx.msk [tilespmem:v0+s17+$0x500 ss:$0x1], $0xffff  }
0x128: {  	v10 =	vmax.f32 v10, v14;
	v14 =	vmax.f32 v11, v9;
	v24 =	vmax.f32 v20, v22;
	v11 =	vld.idx.msk [tilespmem:v0+s17+$0x410 ss:$0x1], $0xffff  }
0x129: {  	v8 =	vmax.f32 v8, v16;
	v28 =	vmax.f32 v10, v19;
	v16 =	vmax.f32 v24, v26;
	v29 =	vld.idx.msk [tilespmem:v0+s17+$0xFFFFFD00 ss:$0x1], $0xffff  }
0x12a: {  	v18 =	vmin.f32 v10, v19;
	v19 =	vmax.f32 v8, v13;
	v10 =	vmin.f32 v16, v17;
	v9 =	vld.idx.msk [tilespmem:v0+s17+$0x300 ss:$0x1], $0xffff  }
.Ltmp4:
0x12b: {  	v14 =	vmax.f32 v14, v18;
	v18 =	vmin.f32 v28, v25;
	v13 =	vmax.f32 v16, v17;
	v8 =	vld.idx.msk [tilespmem:v0+s17+$0x610 ss:$0x1], $0xffff;
	(pc) =	sbr.rel @p0 .LBB2_11-.Ltmp4, $4  }
0x12c: {  	v23 =	vmax.f32 v14, v18;
	v14 =	vmin.f32 v12, v15;
	v30 =	vmax.f32 v13, v3;
	v12 =	vld.idx.msk [tilespmem:v0+s17+$0x510 ss:$0x1], $0xffff  }
0x12d: {  	v16 =	vmin.f32 v24, v26;
	v18 =	vmax.f32 v19, v14;
	v17 =	vmax.f32 v30, v27;
	v21 =	vld.idx.msk [tilespmem:v0+s17+$0xFFFFFF00 ss:$0x1], $0xffff  }
0x12e: {  	v14 =	vmax.f32 v28, v25;
	v19 =	vmin.f32 v20, v22;
	v15 =	vmax.f32 v17, v11;
	v20 =	vld.idx.msk [tilespmem:v0+s17+$0x0 ss:$0x1], $0xffff  }
0x12f: {  	v24 =	vmax.f32 v14, v29;
	v25 =	vmin.f32 v14, v29;
	v14 =	vmin.f32 v30, v27;
	v22 =	vld.idx.msk [tilespmem:v0+s17+$0x100 ss:$0x1], $0xffff  }
0x130: {  	_ =	sdelay $0x3  }
0x131: {  	v0 =	vld.idx.msk [tilespmem:v0+s17+$0x200 ss:$0x1], $0xffff  }
0x132: {  	v23 =	vmax.f32 v23, v25;
	v36 =	vmin.f32 v24, v5;
	v37 =	vmax.f32 v24, v5  }
0x133: {  	v23 =	vmax.f32 v23, v36;
	v24 =	vmax.f32 v37, v21;
	v5 =	vmin.f32 v37, v21  }
0x134: {  	v5 =	vmax.f32 v23, v5;
	v38 =	vmax.f32 v24, v20;
	v39 =	vmin.f32 v24, v20  }
0x135: {  	v40 =	vmin.f32 v38, v22;
	v5 =	vmax.f32 v5, v39;
	v41 =	vmax.f32 v38, v22  }
0x136: {  	v5 =	vmax.f32 v5, v40;
	v21 =	vmin.f32 v41, v0;
	v0 =	vmax.f32 v41, v0  }
0x137: {  	v5 =	vmax.f32 v5, v21;
	v20 =	vmax.f32 v0, v9;
	v0 =	vmin.f32 v0, v9  }
0x138: {  	v42 =	vmax.f32 v20, v6;
	v43 =	vmin.f32 v20, v6;
	v0 =	vmax.f32 v5, v0  }
0x139: {  	v44 =	vmax.f32 v42, v7;
	v45 =	vmin.f32 v42, v7;
	v0 =	vmax.f32 v0, v43  }
0x13a: {  	v46 =	vmax.f32 v44, v4;
	v47 =	vmin.f32 v44, v4;
	v0 =	vmax.f32 v0, v45  }
0x13b: {  	v48 =	vmin.f32 v46, v1;
	v0 =	vmax.f32 v0, v47  }
0x13c: {  	v49 =	vmax.f32 v46, v1;
	v0 =	vmax.f32 v0, v48  }
0x13d: {  	v0 =	vsub.f32 v49, v0;
	_ =	sdelay $0x1  }
0x13e: {  	v0 =	vmul.f32 $1.442695020e+00, v0;
	_ =	sdelay $0x1  }
0x13f: {  	(erf) = vpow2.f32 v0;
	_ =	sdelay $0x1  }
0x140: {  	v50 =	vmax.f32 v18, v19  }
0x141: {  	v0 =	vmax.f32 v50, v16  }
0x142: {  	v51 =	vmin.f32 v13, v3;
	v0 =	vmax.f32 v0, v10  }
0x143: {  	v0 =	vmax.f32 v0, v51  }
0x144: {  	v52 =	vmin.f32 v17, v11;
	v0 =	vmax.f32 v0, v14  }
0x145: {  	v53 =	vmin.f32 v15, v12;
	v54 =	vmax.f32 v15, v12;
	v0 =	vmax.f32 v0, v52  }
0x146: {  	v55 =	vmax.f32 v54, v8;
	v56 =	vmin.f32 v54, v8;
	v0 =	vmax.f32 v0, v53  }
0x147: {  	v57 =	vmin.f32 v55, v2;
	v0 =	vmax.f32 v0, v56;
	v58 =	vpop (erf)  }
0x148: {  	v1 =	vmax.f32 v55, v2;
	v0 =	vmax.f32 v0, v57;
	v59 =	vsub.f32 $1.000000000e+00, v58  }
0x149: {  	v0 =	vsub.f32 v1, v0  }
0x14a: {  	v60 =	vmul.f32 $1.442695020e+00, v59  }
0x14b: {  	v0 =	vmul.f32 $1.442695020e+00, v0  }
0x14c: {  	(erf) = vpow2.f32 v60  }
0x14d: {  	(erf) = vpow2.f32 v0;
	_ =	sdelay $0x7  }
0x14e: {  	v61 =	vpop (erf)  }
0x14f: {  	v62 =	vpop (erf)  }
0x150: {  	v1 =	vsub.f32 $1.000000000e+00, v62;
	_ =	sdelay $0x1  }
0x151: {  	v1 =	vmul.f32 $1.442695020e+00, v1;
	_ =	sdelay $0x1  }
0x152: {  	(erf) = vpow2.f32 v1;
	_ =	sdelay $0x3  }
0x153: {  	s15 =	sadd.s32 $0x1, s15  }
0x154: {  	p0 =	sne.s32 s15, $0x4  }
.Ltmp5:
0x155: {  	_ = 	snop;
	(pc) =	sbr.rel @p0 .LBB2_10-.Ltmp5, $3  }
0x156: {  	_ =	sdelay $0x1  }
0x157: {  	[tilespmem:s18+$0x18100] =	vst v61;
	v63 =	vpop (erf)  }
0x158: {  	s16 =	sadd.s32 $0x20, s16;
	[tilespmem:s18+$0x18110] =	vst v63  }
0x159: {  	s15 =	simm.s32 $0x0;
	s16 =	simm.s32 $0xC880  }
.LBB2_14:
0x15a: {  	v0 =	vmov s16;
	_ =	sdelay $0x3  }
0x15b: {  	s17 =	simm.s32 $0x0  }
0x15c: {  	v7 =	vld.idx.msk [tilespmem:v0+s17+$0xFFFFFD10 ss:$0x1], $0xffff  }
0x15d: {  	v2 =	vld.idx.msk [tilespmem:v0+s17+$0xFFFFFC10 ss:$0x1], $0xffff  }
0x15e: {  	v4 =	vld.idx.msk [tilespmem:v0+s17+$0xFFFFFB10 ss:$0x1], $0xffff  }
0x15f: {  	v1 =	vld.idx.msk [tilespmem:v0+s17+$0xFFFFFA10 ss:$0x1], $0xffff  }
0x160: {  	v6 =	vld.idx.msk [tilespmem:v0+s17+$0xFFFFF910 ss:$0x1], $0xffff  }
0x161: {  	v8 =	vld.idx.msk [tilespmem:v0+s17+$0xFFFFF900 ss:$0x1], $0xffff  }
0x162: {  	v9 =	vld.idx.msk [tilespmem:v0+s17+$0xFFFFFA00 ss:$0x1], $0xffff  }
0x163: {  	v10 =	vld.idx.msk [tilespmem:v0+s17+$0xFFFFF810 ss:$0x1], $0xffff  }
0x164: {  	v11 =	vld.idx.msk [tilespmem:v0+s17+$0xFFFFF800 ss:$0x1], $0xffff  }
0x165: {  	v14 =	vld.idx.msk [tilespmem:v0+s17+$0xFFFFFF10 ss:$0x1], $0xffff  }
0x166: {  	v15 =	vld.idx.msk [tilespmem:v0+s17+$0xFFFFFC00 ss:$0x1], $0xffff  }
0x167: {  	v16 =	vld.idx.msk [tilespmem:v0+s17+$0x10 ss:$0x1], $0xffff  }
0x168: {  	v5 =	vld.idx.msk [tilespmem:v0+s17+$0xFFFFFE00 ss:$0x1], $0xffff  }
0x169: {  	v12 =	vimm.f32 $-Inf;
	v13 =	vld.idx.msk [tilespmem:v0+s17+$0x110 ss:$0x1], $0xffff  }
0x16a: {  	v3 =	vld.idx.msk [tilespmem:v0+s17+$0x210 ss:$0x1], $0xffff;
	v17 =	vmax.f32 v12, v10  }
0x16b: {  	v26 =	vld.idx.msk [tilespmem:v0+s17+$0x310 ss:$0x1], $0xffff;
	v10 =	vmin.f32 v12, v10;
	v18 =	vmax.f32 v17, v6  }
0x16c: {  	v20 =	vld.idx.msk [tilespmem:v0+s17+$0xFFFFFE10 ss:$0x1], $0xffff;
	v6 =	vmin.f32 v17, v6;
	v17 =	vmin.f32 v12, v11;
	v11 =	vmax.f32 v12, v11  }
0x16d: {  	v23 =	vld.idx.msk [tilespmem:v0+s17+$0xFFFFFB00 ss:$0x1], $0xffff;
	v10 =	vmax.f32 v12, v10;
	v19 =	vmax.f32 v18, v1;
	v18 =	vmin.f32 v18, v1  }
0x16e: {  	v25 =	vld.idx.msk [tilespmem:v0+s17+$0xFFFFFD00 ss:$0x1], $0xffff;
	v22 =	vmin.f32 v11, v8;
	v12 =	vmax.f32 v12, v17;
	v8 =	vmax.f32 v11, v8  }
0x16f: {  	v1 =	vld.idx.msk [tilespmem:v0+s17+$0x700 ss:$0x1], $0xffff;
	v21 =	vmax.f32 v19, v4;
	v19 =	vmin.f32 v19, v4;
	v4 =	vmax.f32 v10, v6  }
0x170: {  	v11 =	vmin.f32 v8, v9;
	v10 =	vmax.f32 v21, v2;
	v21 =	vmin.f32 v21, v2;
	v2 =	vld.idx.msk [tilespmem:v0+s17+$0x710 ss:$0x1], $0xffff  }
0x171: {  	v12 =	vmax.f32 v12, v22;
	v8 =	vmax.f32 v8, v9;
	v6 =	vmax.f32 v4, v18;
	v4 =	vld.idx.msk [tilespmem:v0+s17+$0x600 ss:$0x1], $0xffff  }
0x172: {  	v12 =	vmax.f32 v12, v11;
	v11 =	vld.idx.msk [tilespmem:v0+s17+$0x410 ss:$0x1], $0xffff;
	v24 =	vmax.f32 v8, v23;
	v8 =	vmin.f32 v8, v23  }
0x173: {  	v17 =	vmax.f32 v6, v19;
	v18 =	vmax.f32 v10, v7;
	v6 =	vld.idx.msk [tilespmem:v0+s17+$0x400 ss:$0x1], $0xffff;
	v10 =	vmin.f32 v10, v7  }
0x174: {  	v7 =	vld.idx.msk [tilespmem:v0+s17+$0x500 ss:$0x1], $0xffff;
	v12 =	vmax.f32 v12, v8;
	v23 =	vmin.f32 v24, v15;
	v19 =	vmax.f32 v18, v20  }
0x175: {  	v8 =	vld.idx.msk [tilespmem:v0+s17+$0x610 ss:$0x1], $0xffff;
	v9 =	vmax.f32 v17, v21;
	v23 =	vmax.f32 v12, v23;
	v22 =	vmax.f32 v19, v14  }
0x176: {  	v12 =	vld.idx.msk [tilespmem:v0+s17+$0x510 ss:$0x1], $0xffff;
	v21 =	vmax.f32 v9, v10;
	v19 =	vmin.f32 v19, v14;
	v17 =	vmax.f32 v22, v16  }
0x177: {  	v9 =	vld.idx.msk [tilespmem:v0+s17+$0x300 ss:$0x1], $0xffff;
	v16 =	vmin.f32 v22, v16;
	v10 =	vmin.f32 v17, v13;
	v13 =	vmax.f32 v17, v13  }
0x178: {  	v22 =	vmax.f32 v24, v15;
	v17 =	vmin.f32 v18, v20;
	v20 =	vld.idx.msk [tilespmem:v0+s17+$0x0 ss:$0x1], $0xffff;
	v27 =	vmax.f32 v13, v3  }
0x179: {  	v24 =	vmax.f32 v22, v25;
	v18 =	vmax.f32 v21, v17;
	v21 =	vld.idx.msk [tilespmem:v0+s17+$0xFFFFFF00 ss:$0x1], $0xffff;
	v17 =	vmax.f32 v27, v26  }
0x17a: {  	s18 =	sshll.u32 s15, $0x5;
	s19 =	simm.s32 $0x4000;
	v25 =	vmin.f32 v22, v25;
	v22 =	vld.idx.msk [tilespmem:v0+s17+$0x100 ss:$0x1], $0xffff;
	v14 =	vmin.f32 v27, v26;
	v15 =	vmax.f32 v17, v11  }
.LBB2_15:
0x17b: {  	p0 =	sne.s32 s19, $0x2C000;
	v18 =	vmax.f32 v18, v19;
	v19 =	vld.idx.msk [tilespmem:v0+s17+$0x200 ss:$0x1], $0xffff;
	s17 =	sshra.s32 s19, $0x2;
	s19 =	sadd.s32 $0x4000, s19;
	v3 =	vmin.f32 v13, v3;
	v11 =	vmin.f32 v17, v11  }
0x17c: {  	v17 =	vmax.f32 v23, v25;
	v23 =	vmin.f32 v24, v5;
	v13 =	vld.idx.msk [tilespmem:v0+s17+$0xFFFFFD10 ss:$0x1], $0xffff;
	v16 =	vmax.f32 v18, v16  }
0x17d: {  	v5 =	vmax.f32 v24, v5;
	v17 =	vmax.f32 v17, v23;
	v23 =	vmin.f32 v15, v12;
	v18 =	vld.idx.msk [tilespmem:v0+s17+$0xFFFFFC10 ss:$0x1], $0xffff  }
0x17e: {  	v12 =	vmax.f32 v15, v12;
	v25 =	vmax.f32 v5, v21;
	v5 =	vmin.f32 v5, v21;
	v24 =	vld.idx.msk [tilespmem:v0+s17+$0xFFFFFB10 ss:$0x1], $0xffff  }
0x17f: {  	v10 =	vmax.f32 v16, v10;
	v5 =	vmax.f32 v17, v5;
	v17 =	vmax.f32 v25, v20;
	v15 =	vld.idx.msk [tilespmem:v0+s17+$0xFFFFFA10 ss:$0x1], $0xffff  }
0x180: {  	v20 =	vmin.f32 v25, v20;
	v3 =	vmax.f32 v10, v3;
	v21 =	vmin.f32 v17, v22;
	v16 =	vld.idx.msk [tilespmem:v0+s17+$0xFFFFF910 ss:$0x1], $0xffff  }
0x181: {  	v5 =	vmax.f32 v5, v20;
	v17 =	vmax.f32 v17, v22;
	v3 =	vmax.f32 v3, v14;
	v10 =	vld.idx.msk [tilespmem:v0+s17+$0xFFFFF900 ss:$0x1], $0xffff  }
0x182: {  	v5 =	vmax.f32 v5, v21;
	v20 =	vmin.f32 v17, v19;
	v3 =	vmax.f32 v3, v11;
	v14 =	vld.idx.msk [tilespmem:v0+s17+$0xFFFFFA00 ss:$0x1], $0xffff  }
0x183: {  	v17 =	vmax.f32 v17, v19;
	v19 =	vmax.f32 v5, v20;
	v5 =	vmax.f32 v12, v8;
	v11 =	vld.idx.msk [tilespmem:v0+s17+$0xFFFFF810 ss:$0x1], $0xffff  }
0x184: {  	v21 =	vmax.f32 v17, v9;
	v3 =	vmax.f32 v3, v23;
	v8 =	vmin.f32 v12, v8;
	v20 =	vld.idx.msk [tilespmem:v0+s17+$0xFFFFF800 ss:$0x1], $0xffff  }
0x185: {  	v9 =	vmin.f32 v17, v9;
	v12 =	vmax.f32 v21, v6;
	v17 =	vmax.f32 v5, v2;
	v22 =	vld.idx.msk [tilespmem:v0+s17+$0xFFFFFF10 ss:$0x1], $0xffff  }
0x186: {  	v2 =	vmin.f32 v5, v2;
	v23 =	vmax.f32 v12, v7;
	v7 =	vmin.f32 v12, v7;
	v25 =	vld.idx.msk [tilespmem:v0+s17+$0xFFFFFC00 ss:$0x1], $0xffff  }
0x187: {  	v6 =	vmin.f32 v21, v6;
	v12 =	vmax.f32 v23, v4;
	v4 =	vmin.f32 v23, v4;
	v26 =	vld.idx.msk [tilespmem:v0+s17+$0x10 ss:$0x1], $0xffff  }
0x188: {  	v9 =	vmax.f32 v19, v9;
	v8 =	vmax.f32 v3, v8;
	v19 =	vmin.f32 v12, v1;
	v5 =	vld.idx.msk [tilespmem:v0+s17+$0xFFFFFE00 ss:$0x1], $0xffff  }
0x189: {  	v6 =	vmax.f32 v9, v6;
	v21 =	vmax.f32 v17, v11;
	v11 =	vmin.f32 v17, v11;
	v17 =	vld.idx.msk [tilespmem:v0+s17+$0x110 ss:$0x1], $0xffff  }
0x18a: {  	v6 =	vmax.f32 v6, v7;
	v1 =	vmax.f32 v12, v1;
	v9 =	vmin.f32 v21, v16;
	v3 =	vld.idx.msk [tilespmem:v0+s17+$0x210 ss:$0x1], $0xffff  }
0x18b: {  	v2 =	vmax.f32 v8, v2;
	v7 =	vmin.f32 v1, v20;
	v12 =	vmax.f32 v21, v16;
	v27 =	vld.idx.msk [tilespmem:v0+s17+$0x310 ss:$0x1], $0xffff  }
0x18c: {  	v4 =	vmax.f32 v6, v4;
	v8 =	vmax.f32 v12, v15;
	v12 =	vmin.f32 v12, v15;
	v15 =	vld.idx.msk [tilespmem:v0+s17+$0xFFFFFE10 ss:$0x1], $0xffff  }
0x18d: {  	v4 =	vmax.f32 v4, v19;
	v6 =	vmax.f32 v1, v20;
	v16 =	vmax.f32 v8, v24;
	v1 =	vld.idx.msk [tilespmem:v0+s17+$0x700 ss:$0x1], $0xffff  }
0x18e: {  	v2 =	vmax.f32 v2, v11;
	v11 =	vmin.f32 v6, v10;
	v8 =	vmin.f32 v8, v24;
	v19 =	vld.idx.msk [tilespmem:v0+s17+$0xFFFFFB00 ss:$0x1], $0xffff  }
0x18f: {  	v9 =	vmax.f32 v2, v9;
	v20 =	vmax.f32 v16, v18;
	v16 =	vmin.f32 v16, v18;
	v2 =	vld.idx.msk [tilespmem:v0+s17+$0x710 ss:$0x1], $0xffff  }
0x190: {  	v7 =	vmax.f32 v4, v7;
	v10 =	vmax.f32 v6, v10;
	v6 =	vmax.f32 v9, v12;
	v4 =	vld.idx.msk [tilespmem:v0+s17+$0x600 ss:$0x1], $0xffff  }
0x191: {  	v9 =	vmin.f32 v10, v14;
	v8 =	vmax.f32 v6, v8;
	v12 =	vmax.f32 v20, v13;
	v6 =	vld.idx.msk [tilespmem:v0+s17+$0x400 ss:$0x1], $0xffff  }
0x192: {  	v11 =	vmax.f32 v7, v11;
	v13 =	vmin.f32 v20, v13;
	v20 =	vmax.f32 v12, v15;
	v7 =	vld.idx.msk [tilespmem:v0+s17+$0x500 ss:$0x1], $0xffff  }
0x193: {  	v10 =	vmax.f32 v10, v14;
	v14 =	vmax.f32 v11, v9;
	v24 =	vmax.f32 v20, v22;
	v11 =	vld.idx.msk [tilespmem:v0+s17+$0x410 ss:$0x1], $0xffff  }
0x194: {  	v8 =	vmax.f32 v8, v16;
	v28 =	vmax.f32 v10, v19;
	v16 =	vmax.f32 v24, v26;
	v29 =	vld.idx.msk [tilespmem:v0+s17+$0xFFFFFD00 ss:$0x1], $0xffff  }
0x195: {  	v18 =	vmin.f32 v10, v19;
	v19 =	vmax.f32 v8, v13;
	v10 =	vmin.f32 v16, v17;
	v9 =	vld.idx.msk [tilespmem:v0+s17+$0x300 ss:$0x1], $0xffff  }
.Ltmp6:
0x196: {  	v14 =	vmax.f32 v14, v18;
	v18 =	vmin.f32 v28, v25;
	v13 =	vmax.f32 v16, v17;
	v8 =	vld.idx.msk [tilespmem:v0+s17+$0x610 ss:$0x1], $0xffff;
	(pc) =	sbr.rel @p0 .LBB2_15-.Ltmp6, $4  }
0x197: {  	v23 =	vmax.f32 v14, v18;
	v14 =	vmin.f32 v12, v15;
	v30 =	vmax.f32 v13, v3;
	v12 =	vld.idx.msk [tilespmem:v0+s17+$0x510 ss:$0x1], $0xffff  }
0x198: {  	v16 =	vmin.f32 v24, v26;
	v18 =	vmax.f32 v19, v14;
	v17 =	vmax.f32 v30, v27;
	v21 =	vld.idx.msk [tilespmem:v0+s17+$0xFFFFFF00 ss:$0x1], $0xffff  }
0x199: {  	v14 =	vmax.f32 v28, v25;
	v19 =	vmin.f32 v20, v22;
	v15 =	vmax.f32 v17, v11;
	v20 =	vld.idx.msk [tilespmem:v0+s17+$0x0 ss:$0x1], $0xffff  }
0x19a: {  	v24 =	vmax.f32 v14, v29;
	v25 =	vmin.f32 v14, v29;
	v14 =	vmin.f32 v30, v27;
	v22 =	vld.idx.msk [tilespmem:v0+s17+$0x100 ss:$0x1], $0xffff  }
0x19b: {  	_ =	sdelay $0x3  }
0x19c: {  	v0 =	vld.idx.msk [tilespmem:v0+s17+$0x200 ss:$0x1], $0xffff  }
0x19d: {  	v23 =	vmax.f32 v23, v25;
	v36 =	vmin.f32 v24, v5;
	v37 =	vmax.f32 v24, v5  }
0x19e: {  	v23 =	vmax.f32 v23, v36;
	v24 =	vmax.f32 v37, v21;
	v5 =	vmin.f32 v37, v21  }
0x19f: {  	v5 =	vmax.f32 v23, v5;
	v38 =	vmax.f32 v24, v20;
	v39 =	vmin.f32 v24, v20  }
0x1a0: {  	v40 =	vmin.f32 v38, v22;
	v5 =	vmax.f32 v5, v39;
	v41 =	vmax.f32 v38, v22  }
0x1a1: {  	v5 =	vmax.f32 v5, v40;
	v21 =	vmin.f32 v41, v0;
	v0 =	vmax.f32 v41, v0  }
0x1a2: {  	v5 =	vmax.f32 v5, v21;
	v20 =	vmax.f32 v0, v9;
	v0 =	vmin.f32 v0, v9  }
0x1a3: {  	v42 =	vmax.f32 v20, v6;
	v43 =	vmin.f32 v20, v6;
	v0 =	vmax.f32 v5, v0  }
0x1a4: {  	v44 =	vmax.f32 v42, v7;
	v45 =	vmin.f32 v42, v7;
	v0 =	vmax.f32 v0, v43  }
0x1a5: {  	v46 =	vmax.f32 v44, v4;
	v47 =	vmin.f32 v44, v4;
	v0 =	vmax.f32 v0, v45  }
0x1a6: {  	v48 =	vmin.f32 v46, v1;
	v0 =	vmax.f32 v0, v47  }
0x1a7: {  	v49 =	vmax.f32 v46, v1;
	v0 =	vmax.f32 v0, v48  }
0x1a8: {  	v0 =	vsub.f32 v49, v0;
	_ =	sdelay $0x1  }
0x1a9: {  	v0 =	vmul.f32 $1.442695020e+00, v0;
	_ =	sdelay $0x1  }
0x1aa: {  	(erf) = vpow2.f32 v0;
	_ =	sdelay $0x1  }
0x1ab: {  	v50 =	vmax.f32 v18, v19  }
0x1ac: {  	v0 =	vmax.f32 v50, v16  }
0x1ad: {  	v51 =	vmin.f32 v13, v3;
	v0 =	vmax.f32 v0, v10  }
0x1ae: {  	v0 =	vmax.f32 v0, v51  }
0x1af: {  	v52 =	vmin.f32 v17, v11;
	v0 =	vmax.f32 v0, v14  }
0x1b0: {  	v53 =	vmin.f32 v15, v12;
	v54 =	vmax.f32 v15, v12;
	v0 =	vmax.f32 v0, v52  }
0x1b1: {  	v55 =	vmax.f32 v54, v8;
	v56 =	vmin.f32 v54, v8;
	v0 =	vmax.f32 v0, v53  }
0x1b2: {  	v57 =	vmin.f32 v55, v2;
	v0 =	vmax.f32 v0, v56;
	v58 =	vpop (erf)  }
0x1b3: {  	v1 =	vmax.f32 v55, v2;
	v0 =	vmax.f32 v0, v57;
	v59 =	vsub.f32 $1.000000000e+00, v58  }
0x1b4: {  	v0 =	vsub.f32 v1, v0  }
0x1b5: {  	v60 =	vmul.f32 $1.442695020e+00, v59  }
0x1b6: {  	v0 =	vmul.f32 $1.442695020e+00, v0  }
0x1b7: {  	(erf) = vpow2.f32 v60  }
0x1b8: {  	(erf) = vpow2.f32 v0;
	_ =	sdelay $0x7  }
0x1b9: {  	v61 =	vpop (erf)  }
0x1ba: {  	v62 =	vpop (erf)  }
0x1bb: {  	v1 =	vsub.f32 $1.000000000e+00, v62;
	_ =	sdelay $0x1  }
0x1bc: {  	v1 =	vmul.f32 $1.442695020e+00, v1;
	_ =	sdelay $0x1  }
0x1bd: {  	(erf) = vpow2.f32 v1;
	_ =	sdelay $0x3  }
0x1be: {  	s15 =	sadd.s32 $0x1, s15  }
0x1bf: {  	p0 =	sne.s32 s15, $0x4  }
.Ltmp7:
0x1c0: {  	_ = 	snop;
	(pc) =	sbr.rel @p0 .LBB2_14-.Ltmp7, $3  }
0x1c1: {  	_ =	sdelay $0x1  }
0x1c2: {  	[tilespmem:s18+$0x18180] =	vst v61;
	v63 =	vpop (erf)  }
0x1c3: {  	s16 =	sadd.s32 $0x20, s16;
	[tilespmem:s18+$0x18190] =	vst v63  }
0x1c4: {  	s14 =	sadd.s32 $0x1, s14  }
0x1c5: {  	p0 =	sne.s32 s14, s6  }
.Ltmp8:
0x1c6: {  	_ = 	snop;
	(pc) =	sbr.rel @p0 .LBB2_1-.Ltmp8, $4  }
0x1c7: {  	[hbm4b:s5+s1] =	stream.linear.scatter [tilespmem:s12], [sflag:$0x3], $0x200, $0x38;
	[tilespmem:$0x18200] =	vst v63  }
0x1c8: {  	_ =	swait.ge [sflag:s13], $0x200  }
0x1c9: {  	[sflag:s13] =	ssyncset.done $0x0  }
0x1ca: {  	[sflag:s13] =	ssyncadd.s32 $0xFFFFFE00  }
0x1cb: {  	_ =	sfence.sel $0x180000  }
0x1cc: {  	[bflag:$0x0] =	sbarrier.arrive $0xFFFF  }
0x1cd: {  	p0 =	sne.s32 s2, $0x0;
	_ =	strace $0x90000047  }
0x1ce: {  	s0 =	sadd.s32 @!p0 $0x100000, s0;
	[bflag:$0x2] =	sbarrier.arrive $0xFFFF  }
0x1cf: {  	[sflag:s0] =	ssyncadd.tile.s32 @!p0 $0x1;
	_ =	shalt  }
.Lfunc_end2:
_tile_overlayer_lowered:
.L_overlay_start_2:
0x1d0: {  	(tag) =	ssettag $0x2  }
0x1d1: {  	s0 =	rddreg [dreg:$0x0];
	s2 =	stileid.u32  }
0x1d2: {  	s1 =	rddreg [dreg:$0x1];
	p0 =	sne.s32 s2, $0x0  }
0x1d3: {  	s3 =	rddreg [dreg:$0x2];
	[bflag:$0x3] =	sbarrier.arrive $0xFFFF;
	s2 =	simm.s32 @!p0 $0x1C03  }
0x1d4: {  	[timem:s3], [sflag:s2] =	dma.local @!p0 [hbm:s0], s1  }
0x1d5: {  	s0 =	simm.s32 @!p0 $0x3  }
0x1d6: {  	_ =	swait.ge @!p0 [sflag:s0], s1  }
0x1d7: {  	s1 =	ssub.s32 @!p0 $0x0, s1;
	[sflag:s0] =	ssyncset.done @!p0 $0x0  }
0x1d8: {  	[sflag:s0] =	ssyncadd.s32 @!p0 s1  }
0x1d9: {  	[bflag:$0x3] =	sbarrier.arrive $0xFFFF  }
0x1da: {  	_ =	shalt  }

</sc_bundles>
